<compile_context>
chip_gen: v7x
topology: tpu7x:2x2x1
jax: 0.10.2.dev20260603
libtpu: 0.0.44.dev20260713+nightly
codegen_flags: <defaults>
</compile_context>

<pallas_src>
import jax
import jax.numpy as jnp
from jax import lax
from jax.experimental import pallas as pl
from jax.experimental.pallas import tpu as pltpu
from jax.experimental.pallas import tpu_sc as plsc

N = 10000
NP = 10240
E = 320000
H = 128
L = 4

NC = 2
NS = 16
NW = NC * NS
EPT = E // NW
KB = 80
NB = EPT // KB
SEG = NP // NS
GB = NP // (KB * NW)

_F32 = jnp.float32


def _sc_mesh():
  return plsc.VectorSubcoreMesh(core_axis_name="c", subcore_axis_name="s",
                                num_cores=NC, num_subcores=NS)


def _sc_deg_emb_body(src_h, dst_h, hpad_h, emb_h, zv_h, deg_h, x0_h,
                     dego_sh, degi_sh, ones_v, sidx_v, didx_v, hidx_v,
                     er0, er1, dsem, g0, g1):
  c = lax.axis_index("c")
  s = lax.axis_index("s")
  wid = c * NS + s
  eb = wid * EPT

  pltpu.sync_copy(zv_h, dego_sh.at[pl.ds(s * SEG, SEG)])
  pltpu.sync_copy(zv_h, degi_sh.at[pl.ds(s * SEG, SEG)])

  def fill_ones(i, carry):
    ones_v[pl.ds(i * 16, 16)] = jnp.ones((16,), _F32)
    return carry
  lax.fori_loop(0, KB // 16, fill_ones, 0)

  pltpu.sync_copy(src_h.at[pl.ds(eb, EPT)], sidx_v)
  pltpu.sync_copy(dst_h.at[pl.ds(eb, EPT)], didx_v)
  pltpu.sync_copy(hpad_h.at[pl.ds(wid * GB * KB, GB * KB)], hidx_v)
  plsc.subcore_barrier()

  ebufs = (er0, er1)
  esems = (g0, g1)
  xb = wid * GB * KB
  for t in range(GB):
    pltpu.async_copy(emb_h.at[hidx_v.at[pl.ds(t * KB, KB)]],
                     ebufs[t % 2], esems[t % 2])
    if t >= 1:
      pltpu.make_async_copy(emb_h.at[pl.ds(0, KB)], ebufs[(t - 1) % 2],
                            esems[(t - 1) % 2]).wait()
      pltpu.sync_copy(ebufs[(t - 1) % 2],
                      x0_h.at[pl.ds(xb + (t - 1) * KB, KB)])
  pltpu.make_async_copy(emb_h.at[pl.ds(0, KB)], ebufs[(GB - 1) % 2],
                        esems[(GB - 1) % 2]).wait()
  pltpu.sync_copy(ebufs[(GB - 1) % 2],
                  x0_h.at[pl.ds(xb + (GB - 1) * KB, KB)])

  GRP = 8

  def drain_deg(n):
    def w(i, carry):
      pltpu.make_async_copy(zv_h.at[pl.ds(0, KB)], ones_v, dsem).wait()
      return carry
    lax.fori_loop(0, n, w, 0)

  def dgroup(g, carry):
    for b in range(GRP):
      j = g * GRP + b
      pltpu.async_copy(ones_v, dego_sh.at[sidx_v.at[pl.ds(j * KB, KB)]],
                       dsem, add=True)
      pltpu.async_copy(ones_v, degi_sh.at[didx_v.at[pl.ds(j * KB, KB)]],
                       dsem, add=True)
    drain_deg(2 * GRP)
    return carry
  lax.fori_loop(0, NB // GRP, dgroup, 0)
  for j in range((NB // GRP) * GRP, NB):
    pltpu.async_copy(ones_v, dego_sh.at[sidx_v.at[pl.ds(j * KB, KB)]],
                     dsem, add=True)
    pltpu.async_copy(ones_v, degi_sh.at[didx_v.at[pl.ds(j * KB, KB)]],
                     dsem, add=True)
  drain_deg(2 * (NB - (NB // GRP) * GRP))

  plsc.subcore_barrier()
  pltpu.sync_copy(dego_sh.at[pl.ds(s * SEG, SEG)],
                  deg_h.at[c, 0, pl.ds(s * SEG, SEG)])
  pltpu.sync_copy(degi_sh.at[pl.ds(s * SEG, SEG)],
                  deg_h.at[c, 1, pl.ds(s * SEG, SEG)])


def _sc_deg_emb(src, dst, hpad, emb, zv):
  fn = pl.kernel(
      _sc_deg_emb_body,
      out_type=[
          jax.ShapeDtypeStruct((NC, 2, NP), _F32),
          jax.ShapeDtypeStruct((NP, H), _F32),
      ],
      mesh=_sc_mesh(),
      scratch_types=[
          pltpu.VMEM_SHARED((NP,), _F32),
          pltpu.VMEM_SHARED((NP,), _F32),
          pltpu.VMEM((KB,), _F32),
          pltpu.VMEM((EPT,), jnp.int32),
          pltpu.VMEM((EPT,), jnp.int32),
          pltpu.VMEM((GB * KB,), jnp.int32),
          pltpu.VMEM((KB, H), _F32),
          pltpu.VMEM((KB, H), _F32),
          pltpu.SemaphoreType.DMA,
          pltpu.SemaphoreType.DMA,
          pltpu.SemaphoreType.DMA,
      ],
  )
  return fn(src, dst, hpad, emb, zv)


_NBUF = 3
_CH = 60


def _sc_scatter_body(xs_h, src_h, dst_h, zz_h, out_h,
                     agg_sh, sidx_v, didx_v, r0, r1, r2,
                     g0, g1, g2, s0, s1, s2):
  c = lax.axis_index("c")
  s = lax.axis_index("s")
  wid = c * NS + s
  eb = wid * EPT
  rows = (r0, r1, r2)
  gs = (g0, g1, g2)
  ss = (s0, s1, s2)

  pltpu.sync_copy(zz_h, agg_sh.at[pl.ds(s * SEG, SEG)])
  plsc.subcore_barrier()

  def start_gather(jl, b):
    pltpu.async_copy(xs_h.at[sidx_v.at[pl.ds(jl * KB, KB)]], rows[b], gs[b])

  def start_scatter(jl, b):
    pltpu.async_copy(rows[b], agg_sh.at[didx_v.at[pl.ds(jl * KB, KB)]],
                     ss[b], add=True)

  def wait_gather(b):
    pltpu.make_async_copy(xs_h.at[pl.ds(0, KB)], rows[b], gs[b]).wait()

  def wait_scatter(b):
    pltpu.make_async_copy(rows[b], agg_sh.at[pl.ds(0, KB)], ss[b]).wait()

  for cbase, cnt in ((0, _CH), (_CH, _CH), (2 * _CH, NB - 2 * _CH)):
    base = eb + cbase * KB
    pltpu.sync_copy(src_h.at[pl.ds(base, cnt * KB)],
                    sidx_v.at[pl.ds(0, cnt * KB)])
    pltpu.sync_copy(dst_h.at[pl.ds(base, cnt * KB)],
                    didx_v.at[pl.ds(0, cnt * KB)])

    for b in range(_NBUF):
      start_gather(b, b)

    def pipe(g, carry, cnt=cnt):
      for b in range(_NBUF):
        jl = _NBUF * g + b
        wait_gather(b)

        @pl.when(jl + _NBUF < cnt)
        def _():
          start_gather(jl + _NBUF, b)
      return carry
    lax.fori_loop(0, cnt // _NBUF, pipe, 0)

    for jl in range((cnt // _NBUF) * _NBUF, cnt):
      b = jl % _NBUF
      wait_gather(b)

  plsc.subcore_barrier()
  pltpu.sync_copy(agg_sh.at[pl.ds(s * SEG, SEG)],
                  out_h.at[c, pl.ds(s * SEG, SEG)])


def _sc_scatter(xs, src, dst, zz):
  fn = pl.kernel(
      _sc_scatter_body,
      out_type=jax.ShapeDtypeStruct((NC, NP, H), _F32),
      mesh=_sc_mesh(),
      scratch_types=[
          pltpu.VMEM_SHARED((NP, H), _F32),
          pltpu.VMEM((_CH * KB,), jnp.int32),
          pltpu.VMEM((_CH * KB,), jnp.int32),
          pltpu.VMEM((KB, H), _F32),
          pltpu.VMEM((KB, H), _F32),
          pltpu.VMEM((KB, H), _F32),
          pltpu.SemaphoreType.DMA,
          pltpu.SemaphoreType.DMA,
          pltpu.SemaphoreType.DMA,
          pltpu.SemaphoreType.DMA,
          pltpu.SemaphoreType.DMA,
          pltpu.SemaphoreType.DMA,
      ],
  )
  return fn(xs, src, dst, zz)


def _prep_body(dpt_ref, x0_ref, norms_ref, xs_ref):
  d = jnp.sum(dpt_ref[...], axis=-1)
  nrm = jnp.where(d > 0, lax.rsqrt(jnp.maximum(d, 1.0)), 0.0)
  norms_ref[...] = nrm
  xs_ref[...] = x0_ref[...] * nrm[:, 0:1]


def _prep(dpt, x0):
  bm = 2048
  return pl.pallas_call(
      _prep_body,
      grid=(NP // bm,),
      in_specs=[
          pl.BlockSpec((bm, 2, NC), lambda i: (i, 0, 0)),
          pl.BlockSpec((bm, H), lambda i: (i, 0)),
      ],
      out_specs=[
          pl.BlockSpec((bm, 2), lambda i: (i, 0)),
          pl.BlockSpec((bm, H), lambda i: (i, 0)),
      ],
      out_shape=[
          jax.ShapeDtypeStruct((NP, 2), _F32),
          jax.ShapeDtypeStruct((NP, H), _F32),
      ],
  )(dpt, x0)


def _layer_body(agg0_ref, agg1_ref, norms_ref, x_ref, w_ref, b_ref,
                g_ref, be_ref, xo_ref, xso_ref):
  agg = (agg0_ref[...] + agg1_ref[...]) * norms_ref[:, 1:2]
  y = jnp.dot(agg, w_ref[...], preferred_element_type=_F32) + b_ref[...]
  xo = x_ref[...] + jnp.maximum(g_ref[...] * y + be_ref[...], 0.0)
  xo_ref[...] = xo
  xso_ref[...] = xo * norms_ref[:, 0:1]


def _layer(agg0, agg1, norms, x, w, b, g, be):
  bm = 1024
  return pl.pallas_call(
      _layer_body,
      grid=(NP // bm,),
      in_specs=[
          pl.BlockSpec((bm, H), lambda i: (i, 0)),
          pl.BlockSpec((bm, H), lambda i: (i, 0)),
          pl.BlockSpec((bm, 2), lambda i: (i, 0)),
          pl.BlockSpec((bm, H), lambda i: (i, 0)),
          pl.BlockSpec((H, H), lambda i: (0, 0)),
          pl.BlockSpec((1, H), lambda i: (0, 0)),
          pl.BlockSpec((1, H), lambda i: (0, 0)),
          pl.BlockSpec((1, H), lambda i: (0, 0)),
      ],
      out_specs=[
          pl.BlockSpec((bm, H), lambda i: (i, 0)),
          pl.BlockSpec((bm, H), lambda i: (i, 0)),
      ],
      out_shape=[
          jax.ShapeDtypeStruct((NP, H), _F32),
          jax.ShapeDtypeStruct((NP, H), _F32),
      ],
  )(agg0, agg1, norms, x, w, b, g, be)


_BM = 1024


def _layer_last_body(agg0_ref, agg1_ref, norms_ref, x_ref, w_ref, b_ref,
                     g_ref, be_ref, w1_ref, b1_ref, w2_ref, b2_ref,
                     w3_ref, b3_ref, out_ref, acc_ref):
  i = pl.program_id(0)

  @pl.when(i == 0)
  def _():
    acc_ref[...] = jnp.zeros_like(acc_ref)

  agg = (agg0_ref[...] + agg1_ref[...]) * norms_ref[:, 1:2]
  y = jnp.dot(agg, w_ref[...], preferred_element_type=_F32) + b_ref[...]
  xo = x_ref[...] + jnp.maximum(g_ref[...] * y + be_ref[...], 0.0)
  rowid = i * _BM + lax.broadcasted_iota(jnp.int32, (_BM, 1), 0)
  xo = jnp.where(rowid < N, xo, 0.0)
  acc_ref[...] += jnp.sum(xo, axis=0, keepdims=True)

  @pl.when(i == pl.num_programs(0) - 1)
  def _():
    hg = acc_ref[...] * (1.0 / N)
    z = jnp.dot(hg, w1_ref[...], preferred_element_type=_F32) + b1_ref[...]
    z = jnp.maximum(z, 0.0)
    z = jnp.dot(z, w2_ref[...], preferred_element_type=_F32) + b2_ref[...]
    z = jnp.maximum(z, 0.0)
    out_ref[...] = (jnp.dot(z, w3_ref[...], preferred_element_type=_F32)
                    + b3_ref[...])


def _layer_last(agg0, agg1, norms, x, w, b, g, be, w1, b1, w2, b2, w3, b3):
  bm = _BM
  return pl.pallas_call(
      _layer_last_body,
      grid=(NP // bm,),
      in_specs=[
          pl.BlockSpec((bm, H), lambda i: (i, 0)),
          pl.BlockSpec((bm, H), lambda i: (i, 0)),
          pl.BlockSpec((bm, 2), lambda i: (i, 0)),
          pl.BlockSpec((bm, H), lambda i: (i, 0)),
          pl.BlockSpec((H, H), lambda i: (0, 0)),
          pl.BlockSpec((1, H), lambda i: (0, 0)),
          pl.BlockSpec((1, H), lambda i: (0, 0)),
          pl.BlockSpec((1, H), lambda i: (0, 0)),
          pl.BlockSpec((H, H // 2), lambda i: (0, 0)),
          pl.BlockSpec((1, H // 2), lambda i: (0, 0)),
          pl.BlockSpec((H // 2, H // 4), lambda i: (0, 0)),
          pl.BlockSpec((1, H // 4), lambda i: (0, 0)),
          pl.BlockSpec((H // 4, 1), lambda i: (0, 0)),
          pl.BlockSpec((1, 1), lambda i: (0, 0)),
      ],
      out_specs=pl.BlockSpec((1, 1), lambda i: (0, 0)),
      out_shape=jax.ShapeDtypeStruct((1, 1), _F32),
      scratch_shapes=[pltpu.VMEM((1, H), _F32)],
  )(agg0, agg1, norms, x, w, b, g, be, w1, b1, w2, b2, w3, b3)


def kernel(h, edge_index, e, emb, Ws, bs, gammas, betas,
           mlpW1, mlpb1, mlpW2, mlpb2, mlpW3, mlpb3):
  src = edge_index[0]
  dst = edge_index[1]
  hpad = jnp.concatenate([h, jnp.zeros((NP - N,), jnp.int32)])
  zz = jnp.zeros((SEG, H), _F32)
  zv = jnp.zeros((SEG,), _F32)

  deg_part, x0 = _sc_deg_emb(src, dst, hpad, emb, zv)
  dpt = jnp.transpose(deg_part, (2, 1, 0))
  norms, xs = _prep(dpt, x0)

  x = x0
  for i in range(L - 1):
    aggs = _sc_scatter(xs, src, dst, zz)
    x, xs = _layer(aggs[0], aggs[1], norms, x,
                   Ws[i], bs[i].reshape(1, H),
                   gammas[i].reshape(1, H), betas[i].reshape(1, H))

  aggs = _sc_scatter(xs, src, dst, zz)
  return _layer_last(aggs[0], aggs[1], norms, x,
                     Ws[L - 1], bs[L - 1].reshape(1, H),
                     gammas[L - 1].reshape(1, H), betas[L - 1].reshape(1, H),
                     mlpW1, mlpb1.reshape(1, H // 2),
                     mlpW2, mlpb2.reshape(1, H // 4),
                     mlpW3, mlpb3.reshape(1, 1))

# --- scband reference (transcript-rebuilt; emitter-appended) ---
"""Pipeline reference for scband-gcnnet-63307817943431 (READ-ONLY COPY).

The authoritative reference and input builder live on the scoring server;
editing this copy changes nothing except your own understanding.
"""

import jax, jax.numpy as jnp
import numpy as np

N = 10000
E = 320000
NUM_ATOM = 100
NUM_BOND = 10
H = 128
L = 4


def setup_inputs(seed: int = 0) -> dict:
    key = jax.random.key(seed)
    ks = jax.random.split(key, 12)
    h = jax.random.randint(ks[0], (N,), 0, NUM_ATOM, dtype=jnp.int32)
    edge_index = jax.random.randint(ks[1], (2, E), 0, N, dtype=jnp.int32)
    e = jax.random.randint(ks[2], (E,), 0, NUM_BOND, dtype=jnp.int32)
    s = 1.0 / np.sqrt(H)
    emb = jax.random.normal(ks[3], (NUM_ATOM, H), dtype=jnp.float32) * s
    Ws = jax.random.normal(ks[4], (L, H, H), dtype=jnp.float32) * s
    bs = jnp.zeros((L, H), dtype=jnp.float32)
    gammas = jnp.ones((L, H), dtype=jnp.float32)
    betas = jnp.zeros((L, H), dtype=jnp.float32)
    mlpW1 = jax.random.normal(ks[5], (H, H // 2), dtype=jnp.float32) * s
    mlpb1 = jnp.zeros((H // 2,), dtype=jnp.float32)
    mlpW2 = jax.random.normal(ks[6], (H // 2, H // 4), dtype=jnp.float32) * (1.0 / np.sqrt(H // 2))
    mlpb2 = jnp.zeros((H // 4,), dtype=jnp.float32)
    mlpW3 = jax.random.normal(ks[7], (H // 4, 1), dtype=jnp.float32) * (1.0 / np.sqrt(H // 4))
    mlpb3 = jnp.zeros((1,), dtype=jnp.float32)
    return {"h": h, "edge_index": edge_index, "e": e, "emb": emb, "Ws": Ws, "bs": bs,
            "gammas": gammas, "betas": betas, "mlpW1": mlpW1, "mlpb1": mlpb1,
            "mlpW2": mlpW2, "mlpb2": mlpb2, "mlpW3": mlpW3, "mlpb3": mlpb3}


def _gcn_forward(h, edge_index, emb, Ws, bs, gammas, betas,
                 mlpW1, mlpb1, mlpW2, mlpb2, mlpW3, mlpb3):
    src = edge_index[0]
    dst = edge_index[1]
    ones = jnp.ones((E,), dtype=jnp.float32)
    deg_out = jax.ops.segment_sum(ones, src, num_segments=N)
    deg_in = jax.ops.segment_sum(ones, dst, num_segments=N)
    norm_src = jnp.where(deg_out > 0, jax.lax.rsqrt(jnp.maximum(deg_out, 1.0)), 0.0)
    norm_dst = jnp.where(deg_in > 0, jax.lax.rsqrt(jnp.maximum(deg_in, 1.0)), 0.0)
    # embedding_h lookup (in_feat_dropout is identity in eval / p=0)
    x = emb[h]
    for i in range(L):
        h_in = x
        # DGL GraphConv with norm='both': D_out^{-1/2} A D_in^{-1/2} x W + b
        xs = x * norm_src[:, None]
        agg = jax.ops.segment_sum(xs[src], dst, num_segments=N)
        agg = agg * norm_dst[:, None]
        x = agg @ Ws[i] + bs[i]
        # batch_norm in eval mode with running stats (mean=0, var=1)
        x = gammas[i] * x + betas[i]
        x = jax.nn.relu(x)
        # residual (in_dim == out_dim for all layers)
        x = h_in + x
    # mean readout over the single graph's nodes
    hg = jnp.mean(x, axis=0, keepdims=True)
    # MLPReadout with L=2 halving layers
    y = jax.nn.relu(hg @ mlpW1 + mlpb1)
    y = jax.nn.relu(y @ mlpW2 + mlpb2)
    return y @ mlpW3 + mlpb3


def reference(h, edge_index, e, emb, Ws, bs, gammas, betas,
              mlpW1, mlpb1, mlpW2, mlpb2, mlpW3, mlpb3):
    # e (bond types) is accepted by the torch forward but unused by GCN layers
    return _gcn_forward(h, edge_index, emb, Ws, bs, gammas, betas,
                        mlpW1, mlpb1, mlpW2, mlpb2, mlpW3, mlpb3)

if __name__ == "__main__":
    import jax
    _d = setup_inputs()
    print(jax.jit(kernel)(*tuple(_d.values())))

</pallas_src>

<mosaic_0001>
#map = affine_map<(d0, d1) -> (0, 0)>
#map1 = affine_map<(d0, d1) -> (0)>
#map2 = affine_map<(d0, d1) -> (0, 0, 0)>
module attributes {stable_mosaic.version = 14 : i64} {
  func.func @_sc_scatter_body(%arg0: i32, %arg1: i32, %arg2: memref<10240x128xf32, #tpu.memory_space<hbm>>, %arg3: memref<320000xi32, #tpu.memory_space<hbm>>, %arg4: memref<320000xi32, #tpu.memory_space<hbm>>, %arg5: memref<640x128xf32, #tpu.memory_space<hbm>>, %arg6: memref<2x10240x128xf32, #tpu.memory_space<hbm>>, %arg7: memref<10240x128xf32, #tpu.memory_space<vmem_shared>>, %arg8: memref<4800xi32, #tpu.memory_space<vmem>>, %arg9: memref<4800xi32, #tpu.memory_space<vmem>>, %arg10: memref<80x128xf32, #tpu.memory_space<vmem>>, %arg11: memref<80x128xf32, #tpu.memory_space<vmem>>, %arg12: memref<80x128xf32, #tpu.memory_space<vmem>>, %arg13: memref<!tpu.dma_semaphore, #tpu.memory_space<semaphore_mem>>, %arg14: memref<!tpu.dma_semaphore, #tpu.memory_space<semaphore_mem>>, %arg15: memref<!tpu.dma_semaphore, #tpu.memory_space<semaphore_mem>>, %arg16: memref<!tpu.dma_semaphore, #tpu.memory_space<semaphore_mem>>, %arg17: memref<!tpu.dma_semaphore, #tpu.memory_space<semaphore_mem>>, %arg18: memref<!tpu.dma_semaphore, #tpu.memory_space<semaphore_mem>>) attributes {dimension_semantics = [#tpu.dimension_semantics<core_parallel>, #tpu.dimension_semantics<subcore_parallel>], iteration_bounds = array<i64: 2, 16>, scalar_prefetch = 0 : i64, scratch_operands = 12 : i64, tpu.core_type = #tpu.core_type<sc_vector_subcore>, window_params = [{transform_indices = #map}, {transform_indices = #map1}, {transform_indices = #map1}, {transform_indices = #map}, {transform_indices = #map2}]} {
    %mul3A = arith.constant 16 : i32
    %mul3A_0 = arith.muli %arg0, %mul3A : i32
    %add3A = arith.addi %mul3A_0, %arg1 : i32
    %mul3A_1 = arith.constant 10000 : i32
    %mul3A_2 = arith.muli %add3A, %mul3A_1 : i32
    %mul3A_3 = arith.constant 640 : i32
    %mul3A_4 = arith.muli %arg1, %mul3A_3 : i32
    "tpu.region"() ({
      %run_scoped3A = tpu.sem_alloc : memref<!tpu.dma_semaphore, #tpu.memory_space<semaphore_mem>>
      %dma_start3A_133 = arith.constant 0 : i32
      %dma_start3A_134 = tpu.memref_slice %arg7[%mul3A_4, %dma_start3A_133] : memref<10240x128xf32, #tpu.memory_space<vmem_shared>> -> memref<640x128xf32, #tpu.memory_space<vmem_shared>>
      tpu.enqueue_dma source(%arg5 : memref<640x128xf32, #tpu.memory_space<hbm>>) target(%dma_start3A_134 : memref<640x128xf32, #tpu.memory_space<vmem_shared>>) target_semaphore(%run_scoped3A : memref<!tpu.dma_semaphore, #tpu.memory_space<semaphore_mem>>)
      %dma_wait3A_135 = arith.constant 0 : i32
      %dma_wait3A_136 = tpu.memref_slice %arg7[%mul3A_4, %dma_wait3A_135] : memref<10240x128xf32, #tpu.memory_space<vmem_shared>> -> memref<640x128xf32, #tpu.memory_space<vmem_shared>>
      tpu.wait_dma2 semaphore(%run_scoped3A : memref<!tpu.dma_semaphore, #tpu.memory_space<semaphore_mem>>) src(%arg5 : memref<640x128xf32, #tpu.memory_space<hbm>>) dst(%dma_wait3A_136 : memref<640x128xf32, #tpu.memory_space<vmem_shared>>)
      tpu.yield
    }) : () -> ()
    %barrier3A = arith.constant 0 : index
    tpu.barrier barrier_id(%barrier3A)
    %add3A_5 = arith.constant 0 : i32
    %add3A_6 = arith.addi %mul3A_2, %add3A_5 : i32
    "tpu.region"() ({
      %run_scoped3A = tpu.sem_alloc : memref<!tpu.dma_semaphore, #tpu.memory_space<semaphore_mem>>
      %dma_start3A_133 = arith.constant 0 : i32
      %dma_start3A_134 = tpu.memref_slice %arg8[%dma_start3A_133] : memref<4800xi32, #tpu.memory_space<vmem>> -> memref<4800xi32, #tpu.memory_space<vmem>>
      %dma_start3A_135 = tpu.memref_slice %arg3[%add3A_6] : memref<320000xi32, #tpu.memory_space<hbm>> -> memref<4800xi32, #tpu.memory_space<hbm>>
      %dma_start3A_136 = arith.constant 0 : i32
      %dma_start3A_137 = tpu.memref_slice %arg8[%dma_start3A_136] : memref<4800xi32, #tpu.memory_space<vmem>> -> memref<4800xi32, #tpu.memory_space<vmem>>
      %dma_start3A_138 = tpu.memref_slice %arg3[%add3A_6] : memref<320000xi32, #tpu.memory_space<hbm>> -> memref<4800xi32, #tpu.memory_space<hbm>>
      tpu.enqueue_dma source(%dma_start3A_138 : memref<4800xi32, #tpu.memory_space<hbm>>) target(%dma_start3A_137 : memref<4800xi32, #tpu.memory_space<vmem>>) target_semaphore(%run_scoped3A : memref<!tpu.dma_semaphore, #tpu.memory_space<semaphore_mem>>)
      %dma_wait3A_139 = arith.constant 0 : i32
      %dma_wait3A_140 = tpu.memref_slice %arg8[%dma_wait3A_139] : memref<4800xi32, #tpu.memory_space<vmem>> -> memref<4800xi32, #tpu.memory_space<vmem>>
      %dma_wait3A_141 = tpu.memref_slice %arg3[%add3A_6] : memref<320000xi32, #tpu.memory_space<hbm>> -> memref<4800xi32, #tpu.memory_space<hbm>>
      %dma_wait3A_142 = arith.constant 0 : i32
      %dma_wait3A_143 = tpu.memref_slice %arg8[%dma_wait3A_142] : memref<4800xi32, #tpu.memory_space<vmem>> -> memref<4800xi32, #tpu.memory_space<vmem>>
      %dma_wait3A_144 = tpu.memref_slice %arg3[%add3A_6] : memref<320000xi32, #tpu.memory_space<hbm>> -> memref<4800xi32, #tpu.memory_space<hbm>>
      tpu.wait_dma2 semaphore(%run_scoped3A : memref<!tpu.dma_semaphore, #tpu.memory_space<semaphore_mem>>) src(%dma_wait3A_144 : memref<4800xi32, #tpu.memory_space<hbm>>) dst(%dma_wait3A_143 : memref<4800xi32, #tpu.memory_space<vmem>>)
      tpu.yield
    }) : () -> ()
    "tpu.region"() ({
      %run_scoped3A = tpu.sem_alloc : memref<!tpu.dma_semaphore, #tpu.memory_space<semaphore_mem>>
      %dma_start3A_133 = arith.constant 0 : i32
      %dma_start3A_134 = tpu.memref_slice %arg9[%dma_start3A_133] : memref<4800xi32, #tpu.memory_space<vmem>> -> memref<4800xi32, #tpu.memory_space<vmem>>
      %dma_start3A_135 = tpu.memref_slice %arg4[%add3A_6] : memref<320000xi32, #tpu.memory_space<hbm>> -> memref<4800xi32, #tpu.memory_space<hbm>>
      %dma_start3A_136 = arith.constant 0 : i32
      %dma_start3A_137 = tpu.memref_slice %arg9[%dma_start3A_136] : memref<4800xi32, #tpu.memory_space<vmem>> -> memref<4800xi32, #tpu.memory_space<vmem>>
      %dma_start3A_138 = tpu.memref_slice %arg4[%add3A_6] : memref<320000xi32, #tpu.memory_space<hbm>> -> memref<4800xi32, #tpu.memory_space<hbm>>
      tpu.enqueue_dma source(%dma_start3A_138 : memref<4800xi32, #tpu.memory_space<hbm>>) target(%dma_start3A_137 : memref<4800xi32, #tpu.memory_space<vmem>>) target_semaphore(%run_scoped3A : memref<!tpu.dma_semaphore, #tpu.memory_space<semaphore_mem>>)
      %dma_wait3A_139 = arith.constant 0 : i32
      %dma_wait3A_140 = tpu.memref_slice %arg9[%dma_wait3A_139] : memref<4800xi32, #tpu.memory_space<vmem>> -> memref<4800xi32, #tpu.memory_space<vmem>>
      %dma_wait3A_141 = tpu.memref_slice %arg4[%add3A_6] : memref<320000xi32, #tpu.memory_space<hbm>> -> memref<4800xi32, #tpu.memory_space<hbm>>
      %dma_wait3A_142 = arith.constant 0 : i32
      %dma_wait3A_143 = tpu.memref_slice %arg9[%dma_wait3A_142] : memref<4800xi32, #tpu.memory_space<vmem>> -> memref<4800xi32, #tpu.memory_space<vmem>>
      %dma_wait3A_144 = tpu.memref_slice %arg4[%add3A_6] : memref<320000xi32, #tpu.memory_space<hbm>> -> memref<4800xi32, #tpu.memory_space<hbm>>
      tpu.wait_dma2 semaphore(%run_scoped3A : memref<!tpu.dma_semaphore, #tpu.memory_space<semaphore_mem>>) src(%dma_wait3A_144 : memref<4800xi32, #tpu.memory_space<hbm>>) dst(%dma_wait3A_143 : memref<4800xi32, #tpu.memory_space<vmem>>)
      tpu.yield
    }) : () -> ()
    %dma_start3A = arith.constant 0 : i32
    %dma_start3A_7 = tpu.memref_slice %arg8[%dma_start3A] : memref<4800xi32, #tpu.memory_space<vmem>> -> memref<80xi32, #tpu.memory_space<vmem>>
    %dma_start3A_8 = arith.constant 0 : i32
    %dma_start3A_9 = arith.constant 0 : i32
    %dma_start3A_10 = tpu.memref_slice %arg2[%dma_start3A_8, %dma_start3A_9] : memref<10240x128xf32, #tpu.memory_space<hbm>> -> memref<10240x128xf32, #tpu.memory_space<hbm>>
    tpu.enqueue_indirect_dma source(%dma_start3A_10 : memref<10240x128xf32, #tpu.memory_space<hbm>>) target(%arg10 : memref<80x128xf32, #tpu.memory_space<vmem>>) offsets(%dma_start3A_7 : memref<80xi32, #tpu.memory_space<vmem>>) semaphore(%arg13 : memref<!tpu.dma_semaphore, #tpu.memory_space<semaphore_mem>>)
    %dma_start3A_11 = arith.constant 80 : i32
    %dma_start3A_12 = tpu.memref_slice %arg8[%dma_start3A_11] : memref<4800xi32, #tpu.memory_space<vmem>> -> memref<80xi32, #tpu.memory_space<vmem>>
    %dma_start3A_13 = arith.constant 0 : i32
    %dma_start3A_14 = arith.constant 0 : i32
    %dma_start3A_15 = tpu.memref_slice %arg2[%dma_start3A_13, %dma_start3A_14] : memref<10240x128xf32, #tpu.memory_space<hbm>> -> memref<10240x128xf32, #tpu.memory_space<hbm>>
    tpu.enqueue_indirect_dma source(%dma_start3A_15 : memref<10240x128xf32, #tpu.memory_space<hbm>>) target(%arg11 : memref<80x128xf32, #tpu.memory_space<vmem>>) offsets(%dma_start3A_12 : memref<80xi32, #tpu.memory_space<vmem>>) semaphore(%arg14 : memref<!tpu.dma_semaphore, #tpu.memory_space<semaphore_mem>>)
    %dma_start3A_16 = arith.constant 160 : i32
    %dma_start3A_17 = tpu.memref_slice %arg8[%dma_start3A_16] : memref<4800xi32, #tpu.memory_space<vmem>> -> memref<80xi32, #tpu.memory_space<vmem>>
    %dma_start3A_18 = arith.constant 0 : i32
    %dma_start3A_19 = arith.constant 0 : i32
    %dma_start3A_20 = tpu.memref_slice %arg2[%dma_start3A_18, %dma_start3A_19] : memref<10240x128xf32, #tpu.memory_space<hbm>> -> memref<10240x128xf32, #tpu.memory_space<hbm>>
    tpu.enqueue_indirect_dma source(%dma_start3A_20 : memref<10240x128xf32, #tpu.memory_space<hbm>>) target(%arg12 : memref<80x128xf32, #tpu.memory_space<vmem>>) offsets(%dma_start3A_17 : memref<80xi32, #tpu.memory_space<vmem>>) semaphore(%arg15 : memref<!tpu.dma_semaphore, #tpu.memory_space<semaphore_mem>>)
    %scan3A = arith.constant 0 : i32
    %scan3A_21 = arith.constant 0 : i32
    %scan3A_22 = arith.constant 20 : i32
    %scan3A_23 = arith.addi %scan3A_21, %scan3A_22 : i32
    %scan3A_24 = arith.constant 1 : i32
    scf.for %scan3A_133 = %scan3A_21 to %scan3A_23 step %scan3A_24  : i32 {
      %mul3A_134 = arith.constant 3 : i32
      %mul3A_135 = arith.muli %mul3A_134, %scan3A_133 : i32
      %add3A_136 = arith.constant 0 : i32
      %add3A_137 = arith.addi %mul3A_135, %add3A_136 : i32
      %dma_wait3A_138 = arith.constant 0 : i32
      %dma_wait3A_139 = arith.constant 0 : i32
      %dma_wait3A_140 = tpu.memref_slice %arg2[%dma_wait3A_138, %dma_wait3A_139] : memref<10240x128xf32, #tpu.memory_space<hbm>> -> memref<80x128xf32, #tpu.memory_space<hbm>>
      %dma_wait3A_141 = arith.constant 0 : i32
      %dma_wait3A_142 = arith.constant 0 : i32
      %dma_wait3A_143 = tpu.memref_slice %arg2[%dma_wait3A_141, %dma_wait3A_142] : memref<10240x128xf32, #tpu.memory_space<hbm>> -> memref<80x128xf32, #tpu.memory_space<hbm>>
      tpu.wait_dma2 semaphore(%arg13 : memref<!tpu.dma_semaphore, #tpu.memory_space<semaphore_mem>>) src(%dma_wait3A_143 : memref<80x128xf32, #tpu.memory_space<hbm>>) dst(%arg10 : memref<80x128xf32, #tpu.memory_space<vmem>>)
      %add3A_144 = arith.constant 3 : i32
      %add3A_145 = arith.addi %add3A_137, %add3A_144 : i32
      %lt3A_146 = arith.constant 60 : i32
      %lt3A_147 = arith.cmpi slt, %add3A_145, %lt3A_146 : i32
      %convert_element_type3A_148 = arith.extui %lt3A_147 : i1 to i32
      %cond3A_149 = arith.constant 0 : i32
      %cond3A_150 = arith.cmpi ne, %convert_element_type3A_148, %cond3A_149 : i32
      scf.if %cond3A_150 {
        %add3A_185 = arith.constant 3 : i32
        %add3A_186 = arith.addi %add3A_137, %add3A_185 : i32
        %mul3A_187 = arith.constant 80 : i32
        %mul3A_188 = arith.muli %add3A_186, %mul3A_187 : i32
        %dma_start3A_189 = tpu.memref_slice %arg8[%mul3A_188] : memref<4800xi32, #tpu.memory_space<vmem>> -> memref<80xi32, #tpu.memory_space<vmem>>
        %dma_start3A_190 = arith.constant 0 : i32
        %dma_start3A_191 = arith.constant 0 : i32
        %dma_start3A_192 = tpu.memref_slice %arg2[%dma_start3A_190, %dma_start3A_191] : memref<10240x128xf32, #tpu.memory_space<hbm>> -> memref<10240x128xf32, #tpu.memory_space<hbm>>
        tpu.enqueue_indirect_dma source(%dma_start3A_192 : memref<10240x128xf32, #tpu.memory_space<hbm>>) target(%arg10 : memref<80x128xf32, #tpu.memory_space<vmem>>) offsets(%dma_start3A_189 : memref<80xi32, #tpu.memory_space<vmem>>) semaphore(%arg13 : memref<!tpu.dma_semaphore, #tpu.memory_space<semaphore_mem>>)
      } else {
      }
      %mul3A_151 = arith.constant 3 : i32
      %mul3A_152 = arith.muli %mul3A_151, %scan3A_133 : i32
      %add3A_153 = arith.constant 1 : i32
      %add3A_154 = arith.addi %mul3A_152, %add3A_153 : i32
      %dma_wait3A_155 = arith.constant 0 : i32
      %dma_wait3A_156 = arith.constant 0 : i32
      %dma_wait3A_157 = tpu.memref_slice %arg2[%dma_wait3A_155, %dma_wait3A_156] : memref<10240x128xf32, #tpu.memory_space<hbm>> -> memref<80x128xf32, #tpu.memory_space<hbm>>
      %dma_wait3A_158 = arith.constant 0 : i32
      %dma_wait3A_159 = arith.constant 0 : i32
      %dma_wait3A_160 = tpu.memref_slice %arg2[%dma_wait3A_158, %dma_wait3A_159] : memref<10240x128xf32, #tpu.memory_space<hbm>> -> memref<80x128xf32, #tpu.memory_space<hbm>>
      tpu.wait_dma2 semaphore(%arg14 : memref<!tpu.dma_semaphore, #tpu.memory_space<semaphore_mem>>) src(%dma_wait3A_160 : memref<80x128xf32, #tpu.memory_space<hbm>>) dst(%arg11 : memref<80x128xf32, #tpu.memory_space<vmem>>)
      %add3A_161 = arith.constant 3 : i32
      %add3A_162 = arith.addi %add3A_154, %add3A_161 : i32
      %lt3A_163 = arith.constant 60 : i32
      %lt3A_164 = arith.cmpi slt, %add3A_162, %lt3A_163 : i32
      %convert_element_type3A_165 = arith.extui %lt3A_164 : i1 to i32
      %cond3A_166 = arith.constant 0 : i32
      %cond3A_167 = arith.cmpi ne, %convert_element_type3A_165, %cond3A_166 : i32
      scf.if %cond3A_167 {
        %add3A_185 = arith.constant 3 : i32
        %add3A_186 = arith.addi %add3A_154, %add3A_185 : i32
        %mul3A_187 = arith.constant 80 : i32
        %mul3A_188 = arith.muli %add3A_186, %mul3A_187 : i32
        %dma_start3A_189 = tpu.memref_slice %arg8[%mul3A_188] : memref<4800xi32, #tpu.memory_space<vmem>> -> memref<80xi32, #tpu.memory_space<vmem>>
        %dma_start3A_190 = arith.constant 0 : i32
        %dma_start3A_191 = arith.constant 0 : i32
        %dma_start3A_192 = tpu.memref_slice %arg2[%dma_start3A_190, %dma_start3A_191] : memref<10240x128xf32, #tpu.memory_space<hbm>> -> memref<10240x128xf32, #tpu.memory_space<hbm>>
        tpu.enqueue_indirect_dma source(%dma_start3A_192 : memref<10240x128xf32, #tpu.memory_space<hbm>>) target(%arg11 : memref<80x128xf32, #tpu.memory_space<vmem>>) offsets(%dma_start3A_189 : memref<80xi32, #tpu.memory_space<vmem>>) semaphore(%arg14 : memref<!tpu.dma_semaphore, #tpu.memory_space<semaphore_mem>>)
      } else {
      }
      %mul3A_168 = arith.constant 3 : i32
      %mul3A_169 = arith.muli %mul3A_168, %scan3A_133 : i32
      %add3A_170 = arith.constant 2 : i32
      %add3A_171 = arith.addi %mul3A_169, %add3A_170 : i32
      %dma_wait3A_172 = arith.constant 0 : i32
      %dma_wait3A_173 = arith.constant 0 : i32
      %dma_wait3A_174 = tpu.memref_slice %arg2[%dma_wait3A_172, %dma_wait3A_173] : memref<10240x128xf32, #tpu.memory_space<hbm>> -> memref<80x128xf32, #tpu.memory_space<hbm>>
      %dma_wait3A_175 = arith.constant 0 : i32
      %dma_wait3A_176 = arith.constant 0 : i32
      %dma_wait3A_177 = tpu.memref_slice %arg2[%dma_wait3A_175, %dma_wait3A_176] : memref<10240x128xf32, #tpu.memory_space<hbm>> -> memref<80x128xf32, #tpu.memory_space<hbm>>
      tpu.wait_dma2 semaphore(%arg15 : memref<!tpu.dma_semaphore, #tpu.memory_space<semaphore_mem>>) src(%dma_wait3A_177 : memref<80x128xf32, #tpu.memory_space<hbm>>) dst(%arg12 : memref<80x128xf32, #tpu.memory_space<vmem>>)
      %add3A_178 = arith.constant 3 : i32
      %add3A_179 = arith.addi %add3A_171, %add3A_178 : i32
      %lt3A_180 = arith.constant 60 : i32
      %lt3A_181 = arith.cmpi slt, %add3A_179, %lt3A_180 : i32
      %convert_element_type3A_182 = arith.extui %lt3A_181 : i1 to i32
      %cond3A_183 = arith.constant 0 : i32
      %cond3A_184 = arith.cmpi ne, %convert_element_type3A_182, %cond3A_183 : i32
      scf.if %cond3A_184 {
        %add3A_185 = arith.constant 3 : i32
        %add3A_186 = arith.addi %add3A_171, %add3A_185 : i32
        %mul3A_187 = arith.constant 80 : i32
        %mul3A_188 = arith.muli %add3A_186, %mul3A_187 : i32
        %dma_start3A_189 = tpu.memref_slice %arg8[%mul3A_188] : memref<4800xi32, #tpu.memory_space<vmem>> -> memref<80xi32, #tpu.memory_space<vmem>>
        %dma_start3A_190 = arith.constant 0 : i32
        %dma_start3A_191 = arith.constant 0 : i32
        %dma_start3A_192 = tpu.memref_slice %arg2[%dma_start3A_190, %dma_start3A_191] : memref<10240x128xf32, #tpu.memory_space<hbm>> -> memref<10240x128xf32, #tpu.memory_space<hbm>>
        tpu.enqueue_indirect_dma source(%dma_start3A_192 : memref<10240x128xf32, #tpu.memory_space<hbm>>) target(%arg12 : memref<80x128xf32, #tpu.memory_space<vmem>>) offsets(%dma_start3A_189 : memref<80xi32, #tpu.memory_space<vmem>>) semaphore(%arg15 : memref<!tpu.dma_semaphore, #tpu.memory_space<semaphore_mem>>)
      } else {
      }
    }
    %scan3A_25 = arith.constant 20 : i32
    %add3A_26 = arith.constant 4800 : i32
    %add3A_27 = arith.addi %mul3A_2, %add3A_26 : i32
    "tpu.region"() ({
      %run_scoped3A = tpu.sem_alloc : memref<!tpu.dma_semaphore, #tpu.memory_space<semaphore_mem>>
      %dma_start3A_133 = arith.constant 0 : i32
      %dma_start3A_134 = tpu.memref_slice %arg8[%dma_start3A_133] : memref<4800xi32, #tpu.memory_space<vmem>> -> memref<4800xi32, #tpu.memory_space<vmem>>
      %dma_start3A_135 = tpu.memref_slice %arg3[%add3A_27] : memref<320000xi32, #tpu.memory_space<hbm>> -> memref<4800xi32, #tpu.memory_space<hbm>>
      %dma_start3A_136 = arith.constant 0 : i32
      %dma_start3A_137 = tpu.memref_slice %arg8[%dma_start3A_136] : memref<4800xi32, #tpu.memory_space<vmem>> -> memref<4800xi32, #tpu.memory_space<vmem>>
      %dma_start3A_138 = tpu.memref_slice %arg3[%add3A_27] : memref<320000xi32, #tpu.memory_space<hbm>> -> memref<4800xi32, #tpu.memory_space<hbm>>
      tpu.enqueue_dma source(%dma_start3A_138 : memref<4800xi32, #tpu.memory_space<hbm>>) target(%dma_start3A_137 : memref<4800xi32, #tpu.memory_space<vmem>>) target_semaphore(%run_scoped3A : memref<!tpu.dma_semaphore, #tpu.memory_space<semaphore_mem>>)
      %dma_wait3A_139 = arith.constant 0 : i32
      %dma_wait3A_140 = tpu.memref_slice %arg8[%dma_wait3A_139] : memref<4800xi32, #tpu.memory_space<vmem>> -> memref<4800xi32, #tpu.memory_space<vmem>>
      %dma_wait3A_141 = tpu.memref_slice %arg3[%add3A_27] : memref<320000xi32, #tpu.memory_space<hbm>> -> memref<4800xi32, #tpu.memory_space<hbm>>
      %dma_wait3A_142 = arith.constant 0 : i32
      %dma_wait3A_143 = tpu.memref_slice %arg8[%dma_wait3A_142] : memref<4800xi32, #tpu.memory_space<vmem>> -> memref<4800xi32, #tpu.memory_space<vmem>>
      %dma_wait3A_144 = tpu.memref_slice %arg3[%add3A_27] : memref<320000xi32, #tpu.memory_space<hbm>> -> memref<4800xi32, #tpu.memory_space<hbm>>
      tpu.wait_dma2 semaphore(%run_scoped3A : memref<!tpu.dma_semaphore, #tpu.memory_space<semaphore_mem>>) src(%dma_wait3A_144 : memref<4800xi32, #tpu.memory_space<hbm>>) dst(%dma_wait3A_143 : memref<4800xi32, #tpu.memory_space<vmem>>)
      tpu.yield
    }) : () -> ()
    "tpu.region"() ({
      %run_scoped3A = tpu.sem_alloc : memref<!tpu.dma_semaphore, #tpu.memory_space<semaphore_mem>>
      %dma_start3A_133 = arith.constant 0 : i32
      %dma_start3A_134 = tpu.memref_slice %arg9[%dma_start3A_133] : memref<4800xi32, #tpu.memory_space<vmem>> -> memref<4800xi32, #tpu.memory_space<vmem>>
      %dma_start3A_135 = tpu.memref_slice %arg4[%add3A_27] : memref<320000xi32, #tpu.memory_space<hbm>> -> memref<4800xi32, #tpu.memory_space<hbm>>
      %dma_start3A_136 = arith.constant 0 : i32
      %dma_start3A_137 = tpu.memref_slice %arg9[%dma_start3A_136] : memref<4800xi32, #tpu.memory_space<vmem>> -> memref<4800xi32, #tpu.memory_space<vmem>>
      %dma_start3A_138 = tpu.memref_slice %arg4[%add3A_27] : memref<320000xi32, #tpu.memory_space<hbm>> -> memref<4800xi32, #tpu.memory_space<hbm>>
      tpu.enqueue_dma source(%dma_start3A_138 : memref<4800xi32, #tpu.memory_space<hbm>>) target(%dma_start3A_137 : memref<4800xi32, #tpu.memory_space<vmem>>) target_semaphore(%run_scoped3A : memref<!tpu.dma_semaphore, #tpu.memory_space<semaphore_mem>>)
      %dma_wait3A_139 = arith.constant 0 : i32
      %dma_wait3A_140 = tpu.memref_slice %arg9[%dma_wait3A_139] : memref<4800xi32, #tpu.memory_space<vmem>> -> memref<4800xi32, #tpu.memory_space<vmem>>
      %dma_wait3A_141 = tpu.memref_slice %arg4[%add3A_27] : memref<320000xi32, #tpu.memory_space<hbm>> -> memref<4800xi32, #tpu.memory_space<hbm>>
      %dma_wait3A_142 = arith.constant 0 : i32
      %dma_wait3A_143 = tpu.memref_slice %arg9[%dma_wait3A_142] : memref<4800xi32, #tpu.memory_space<vmem>> -> memref<4800xi32, #tpu.memory_space<vmem>>
      %dma_wait3A_144 = tpu.memref_slice %arg4[%add3A_27] : memref<320000xi32, #tpu.memory_space<hbm>> -> memref<4800xi32, #tpu.memory_space<hbm>>
      tpu.wait_dma2 semaphore(%run_scoped3A : memref<!tpu.dma_semaphore, #tpu.memory_space<semaphore_mem>>) src(%dma_wait3A_144 : memref<4800xi32, #tpu.memory_space<hbm>>) dst(%dma_wait3A_143 : memref<4800xi32, #tpu.memory_space<vmem>>)
      tpu.yield
    }) : () -> ()
    %dma_start3A_28 = arith.constant 0 : i32
    %dma_start3A_29 = tpu.memref_slice %arg8[%dma_start3A_28] : memref<4800xi32, #tpu.memory_space<vmem>> -> memref<80xi32, #tpu.memory_space<vmem>>
    %dma_start3A_30 = arith.constant 0 : i32
    %dma_start3A_31 = arith.constant 0 : i32
    %dma_start3A_32 = tpu.memref_slice %arg2[%dma_start3A_30, %dma_start3A_31] : memref<10240x128xf32, #tpu.memory_space<hbm>> -> memref<10240x128xf32, #tpu.memory_space<hbm>>
    tpu.enqueue_indirect_dma source(%dma_start3A_32 : memref<10240x128xf32, #tpu.memory_space<hbm>>) target(%arg10 : memref<80x128xf32, #tpu.memory_space<vmem>>) offsets(%dma_start3A_29 : memref<80xi32, #tpu.memory_space<vmem>>) semaphore(%arg13 : memref<!tpu.dma_semaphore, #tpu.memory_space<semaphore_mem>>)
    %dma_start3A_33 = arith.constant 80 : i32
    %dma_start3A_34 = tpu.memref_slice %arg8[%dma_start3A_33] : memref<4800xi32, #tpu.memory_space<vmem>> -> memref<80xi32, #tpu.memory_space<vmem>>
    %dma_start3A_35 = arith.constant 0 : i32
    %dma_start3A_36 = arith.constant 0 : i32
    %dma_start3A_37 = tpu.memref_slice %arg2[%dma_start3A_35, %dma_start3A_36] : memref<10240x128xf32, #tpu.memory_space<hbm>> -> memref<10240x128xf32, #tpu.memory_space<hbm>>
    tpu.enqueue_indirect_dma source(%dma_start3A_37 : memref<10240x128xf32, #tpu.memory_space<hbm>>) target(%arg11 : memref<80x128xf32, #tpu.memory_space<vmem>>) offsets(%dma_start3A_34 : memref<80xi32, #tpu.memory_space<vmem>>) semaphore(%arg14 : memref<!tpu.dma_semaphore, #tpu.memory_space<semaphore_mem>>)
    %dma_start3A_38 = arith.constant 160 : i32
    %dma_start3A_39 = tpu.memref_slice %arg8[%dma_start3A_38] : memref<4800xi32, #tpu.memory_space<vmem>> -> memref<80xi32, #tpu.memory_space<vmem>>
    %dma_start3A_40 = arith.constant 0 : i32
    %dma_start3A_41 = arith.constant 0 : i32
    %dma_start3A_42 = tpu.memref_slice %arg2[%dma_start3A_40, %dma_start3A_41] : memref<10240x128xf32, #tpu.memory_space<hbm>> -> memref<10240x128xf32, #tpu.memory_space<hbm>>
    tpu.enqueue_indirect_dma source(%dma_start3A_42 : memref<10240x128xf32, #tpu.memory_space<hbm>>) target(%arg12 : memref<80x128xf32, #tpu.memory_space<vmem>>) offsets(%dma_start3A_39 : memref<80xi32, #tpu.memory_space<vmem>>) semaphore(%arg15 : memref<!tpu.dma_semaphore, #tpu.memory_space<semaphore_mem>>)
    %scan3A_43 = arith.constant 0 : i32
    %scan3A_44 = arith.constant 0 : i32
    %scan3A_45 = arith.constant 20 : i32
    %scan3A_46 = arith.addi %scan3A_44, %scan3A_45 : i32
    %scan3A_47 = arith.constant 1 : i32
    scf.for %scan3A_133 = %scan3A_44 to %scan3A_46 step %scan3A_47  : i32 {
      %mul3A_134 = arith.constant 3 : i32
      %mul3A_135 = arith.muli %mul3A_134, %scan3A_133 : i32
      %add3A_136 = arith.constant 0 : i32
      %add3A_137 = arith.addi %mul3A_135, %add3A_136 : i32
      %dma_wait3A_138 = arith.constant 0 : i32
      %dma_wait3A_139 = arith.constant 0 : i32
      %dma_wait3A_140 = tpu.memref_slice %arg2[%dma_wait3A_138, %dma_wait3A_139] : memref<10240x128xf32, #tpu.memory_space<hbm>> -> memref<80x128xf32, #tpu.memory_space<hbm>>
      %dma_wait3A_141 = arith.constant 0 : i32
      %dma_wait3A_142 = arith.constant 0 : i32
      %dma_wait3A_143 = tpu.memref_slice %arg2[%dma_wait3A_141, %dma_wait3A_142] : memref<10240x128xf32, #tpu.memory_space<hbm>> -> memref<80x128xf32, #tpu.memory_space<hbm>>
      tpu.wait_dma2 semaphore(%arg13 : memref<!tpu.dma_semaphore, #tpu.memory_space<semaphore_mem>>) src(%dma_wait3A_143 : memref<80x128xf32, #tpu.memory_space<hbm>>) dst(%arg10 : memref<80x128xf32, #tpu.memory_space<vmem>>)
      %add3A_144 = arith.constant 3 : i32
      %add3A_145 = arith.addi %add3A_137, %add3A_144 : i32
      %lt3A_146 = arith.constant 60 : i32
      %lt3A_147 = arith.cmpi slt, %add3A_145, %lt3A_146 : i32
      %convert_element_type3A_148 = arith.extui %lt3A_147 : i1 to i32
      %cond3A_149 = arith.constant 0 : i32
      %cond3A_150 = arith.cmpi ne, %convert_element_type3A_148, %cond3A_149 : i32
      scf.if %cond3A_150 {
        %add3A_185 = arith.constant 3 : i32
        %add3A_186 = arith.addi %add3A_137, %add3A_185 : i32
        %mul3A_187 = arith.constant 80 : i32
        %mul3A_188 = arith.muli %add3A_186, %mul3A_187 : i32
        %dma_start3A_189 = tpu.memref_slice %arg8[%mul3A_188] : memref<4800xi32, #tpu.memory_space<vmem>> -> memref<80xi32, #tpu.memory_space<vmem>>
        %dma_start3A_190 = arith.constant 0 : i32
        %dma_start3A_191 = arith.constant 0 : i32
        %dma_start3A_192 = tpu.memref_slice %arg2[%dma_start3A_190, %dma_start3A_191] : memref<10240x128xf32, #tpu.memory_space<hbm>> -> memref<10240x128xf32, #tpu.memory_space<hbm>>
        tpu.enqueue_indirect_dma source(%dma_start3A_192 : memref<10240x128xf32, #tpu.memory_space<hbm>>) target(%arg10 : memref<80x128xf32, #tpu.memory_space<vmem>>) offsets(%dma_start3A_189 : memref<80xi32, #tpu.memory_space<vmem>>) semaphore(%arg13 : memref<!tpu.dma_semaphore, #tpu.memory_space<semaphore_mem>>)
      } else {
      }
      %mul3A_151 = arith.constant 3 : i32
      %mul3A_152 = arith.muli %mul3A_151, %scan3A_133 : i32
      %add3A_153 = arith.constant 1 : i32
      %add3A_154 = arith.addi %mul3A_152, %add3A_153 : i32
      %dma_wait3A_155 = arith.constant 0 : i32
      %dma_wait3A_156 = arith.constant 0 : i32
      %dma_wait3A_157 = tpu.memref_slice %arg2[%dma_wait3A_155, %dma_wait3A_156] : memref<10240x128xf32, #tpu.memory_space<hbm>> -> memref<80x128xf32, #tpu.memory_space<hbm>>
      %dma_wait3A_158 = arith.constant 0 : i32
      %dma_wait3A_159 = arith.constant 0 : i32
      %dma_wait3A_160 = tpu.memref_slice %arg2[%dma_wait3A_158, %dma_wait3A_159] : memref<10240x128xf32, #tpu.memory_space<hbm>> -> memref<80x128xf32, #tpu.memory_space<hbm>>
      tpu.wait_dma2 semaphore(%arg14 : memref<!tpu.dma_semaphore, #tpu.memory_space<semaphore_mem>>) src(%dma_wait3A_160 : memref<80x128xf32, #tpu.memory_space<hbm>>) dst(%arg11 : memref<80x128xf32, #tpu.memory_space<vmem>>)
      %add3A_161 = arith.constant 3 : i32
      %add3A_162 = arith.addi %add3A_154, %add3A_161 : i32
      %lt3A_163 = arith.constant 60 : i32
      %lt3A_164 = arith.cmpi slt, %add3A_162, %lt3A_163 : i32
      %convert_element_type3A_165 = arith.extui %lt3A_164 : i1 to i32
      %cond3A_166 = arith.constant 0 : i32
      %cond3A_167 = arith.cmpi ne, %convert_element_type3A_165, %cond3A_166 : i32
      scf.if %cond3A_167 {
        %add3A_185 = arith.constant 3 : i32
        %add3A_186 = arith.addi %add3A_154, %add3A_185 : i32
        %mul3A_187 = arith.constant 80 : i32
        %mul3A_188 = arith.muli %add3A_186, %mul3A_187 : i32
        %dma_start3A_189 = tpu.memref_slice %arg8[%mul3A_188] : memref<4800xi32, #tpu.memory_space<vmem>> -> memref<80xi32, #tpu.memory_space<vmem>>
        %dma_start3A_190 = arith.constant 0 : i32
        %dma_start3A_191 = arith.constant 0 : i32
        %dma_start3A_192 = tpu.memref_slice %arg2[%dma_start3A_190, %dma_start3A_191] : memref<10240x128xf32, #tpu.memory_space<hbm>> -> memref<10240x128xf32, #tpu.memory_space<hbm>>
        tpu.enqueue_indirect_dma source(%dma_start3A_192 : memref<10240x128xf32, #tpu.memory_space<hbm>>) target(%arg11 : memref<80x128xf32, #tpu.memory_space<vmem>>) offsets(%dma_start3A_189 : memref<80xi32, #tpu.memory_space<vmem>>) semaphore(%arg14 : memref<!tpu.dma_semaphore, #tpu.memory_space<semaphore_mem>>)
      } else {
      }
      %mul3A_168 = arith.constant 3 : i32
      %mul3A_169 = arith.muli %mul3A_168, %scan3A_133 : i32
      %add3A_170 = arith.constant 2 : i32
      %add3A_171 = arith.addi %mul3A_169, %add3A_170 : i32
      %dma_wait3A_172 = arith.constant 0 : i32
      %dma_wait3A_173 = arith.constant 0 : i32
      %dma_wait3A_174 = tpu.memref_slice %arg2[%dma_wait3A_172, %dma_wait3A_173] : memref<10240x128xf32, #tpu.memory_space<hbm>> -> memref<80x128xf32, #tpu.memory_space<hbm>>
      %dma_wait3A_175 = arith.constant 0 : i32
      %dma_wait3A_176 = arith.constant 0 : i32
      %dma_wait3A_177 = tpu.memref_slice %arg2[%dma_wait3A_175, %dma_wait3A_176] : memref<10240x128xf32, #tpu.memory_space<hbm>> -> memref<80x128xf32, #tpu.memory_space<hbm>>
      tpu.wait_dma2 semaphore(%arg15 : memref<!tpu.dma_semaphore, #tpu.memory_space<semaphore_mem>>) src(%dma_wait3A_177 : memref<80x128xf32, #tpu.memory_space<hbm>>) dst(%arg12 : memref<80x128xf32, #tpu.memory_space<vmem>>)
      %add3A_178 = arith.constant 3 : i32
      %add3A_179 = arith.addi %add3A_171, %add3A_178 : i32
      %lt3A_180 = arith.constant 60 : i32
      %lt3A_181 = arith.cmpi slt, %add3A_179, %lt3A_180 : i32
      %convert_element_type3A_182 = arith.extui %lt3A_181 : i1 to i32
      %cond3A_183 = arith.constant 0 : i32
      %cond3A_184 = arith.cmpi ne, %convert_element_type3A_182, %cond3A_183 : i32
      scf.if %cond3A_184 {
        %add3A_185 = arith.constant 3 : i32
        %add3A_186 = arith.addi %add3A_171, %add3A_185 : i32
        %mul3A_187 = arith.constant 80 : i32
        %mul3A_188 = arith.muli %add3A_186, %mul3A_187 : i32
        %dma_start3A_189 = tpu.memref_slice %arg8[%mul3A_188] : memref<4800xi32, #tpu.memory_space<vmem>> -> memref<80xi32, #tpu.memory_space<vmem>>
        %dma_start3A_190 = arith.constant 0 : i32
        %dma_start3A_191 = arith.constant 0 : i32
        %dma_start3A_192 = tpu.memref_slice %arg2[%dma_start3A_190, %dma_start3A_191] : memref<10240x128xf32, #tpu.memory_space<hbm>> -> memref<10240x128xf32, #tpu.memory_space<hbm>>
        tpu.enqueue_indirect_dma source(%dma_start3A_192 : memref<10240x128xf32, #tpu.memory_space<hbm>>) target(%arg12 : memref<80x128xf32, #tpu.memory_space<vmem>>) offsets(%dma_start3A_189 : memref<80xi32, #tpu.memory_space<vmem>>) semaphore(%arg15 : memref<!tpu.dma_semaphore, #tpu.memory_space<semaphore_mem>>)
      } else {
      }
    }
    %scan3A_48 = arith.constant 20 : i32
    %add3A_49 = arith.constant 9600 : i32
    %add3A_50 = arith.addi %mul3A_2, %add3A_49 : i32
    "tpu.region"() ({
      %run_scoped3A = tpu.sem_alloc : memref<!tpu.dma_semaphore, #tpu.memory_space<semaphore_mem>>
      %dma_start3A_133 = arith.constant 0 : i32
      %dma_start3A_134 = tpu.memref_slice %arg8[%dma_start3A_133] : memref<4800xi32, #tpu.memory_space<vmem>> -> memref<400xi32, #tpu.memory_space<vmem>>
      %dma_start3A_135 = tpu.memref_slice %arg3[%add3A_50] : memref<320000xi32, #tpu.memory_space<hbm>> -> memref<400xi32, #tpu.memory_space<hbm>>
      %dma_start3A_136 = arith.constant 0 : i32
      %dma_start3A_137 = tpu.memref_slice %arg8[%dma_start3A_136] : memref<4800xi32, #tpu.memory_space<vmem>> -> memref<400xi32, #tpu.memory_space<vmem>>
      %dma_start3A_138 = tpu.memref_slice %arg3[%add3A_50] : memref<320000xi32, #tpu.memory_space<hbm>> -> memref<400xi32, #tpu.memory_space<hbm>>
      tpu.enqueue_dma source(%dma_start3A_138 : memref<400xi32, #tpu.memory_space<hbm>>) target(%dma_start3A_137 : memref<400xi32, #tpu.memory_space<vmem>>) target_semaphore(%run_scoped3A : memref<!tpu.dma_semaphore, #tpu.memory_space<semaphore_mem>>)
      %dma_wait3A_139 = arith.constant 0 : i32
      %dma_wait3A_140 = tpu.memref_slice %arg8[%dma_wait3A_139] : memref<4800xi32, #tpu.memory_space<vmem>> -> memref<400xi32, #tpu.memory_space<vmem>>
      %dma_wait3A_141 = tpu.memref_slice %arg3[%add3A_50] : memref<320000xi32, #tpu.memory_space<hbm>> -> memref<400xi32, #tpu.memory_space<hbm>>
      %dma_wait3A_142 = arith.constant 0 : i32
      %dma_wait3A_143 = tpu.memref_slice %arg8[%dma_wait3A_142] : memref<4800xi32, #tpu.memory_space<vmem>> -> memref<400xi32, #tpu.memory_space<vmem>>
      %dma_wait3A_144 = tpu.memref_slice %arg3[%add3A_50] : memref<320000xi32, #tpu.memory_space<hbm>> -> memref<400xi32, #tpu.memory_space<hbm>>
      tpu.wait_dma2 semaphore(%run_scoped3A : memref<!tpu.dma_semaphore, #tpu.memory_space<semaphore_mem>>) src(%dma_wait3A_144 : memref<400xi32, #tpu.memory_space<hbm>>) dst(%dma_wait3A_143 : memref<400xi32, #tpu.memory_space<vmem>>)
      tpu.yield
    }) : () -> ()
    "tpu.region"() ({
      %run_scoped3A = tpu.sem_alloc : memref<!tpu.dma_semaphore, #tpu.memory_space<semaphore_mem>>
      %dma_start3A_133 = arith.constant 0 : i32
      %dma_start3A_134 = tpu.memref_slice %arg9[%dma_start3A_133] : memref<4800xi32, #tpu.memory_space<vmem>> -> memref<400xi32, #tpu.memory_space<vmem>>
      %dma_start3A_135 = tpu.memref_slice %arg4[%add3A_50] : memref<320000xi32, #tpu.memory_space<hbm>> -> memref<400xi32, #tpu.memory_space<hbm>>
      %dma_start3A_136 = arith.constant 0 : i32
      %dma_start3A_137 = tpu.memref_slice %arg9[%dma_start3A_136] : memref<4800xi32, #tpu.memory_space<vmem>> -> memref<400xi32, #tpu.memory_space<vmem>>
      %dma_start3A_138 = tpu.memref_slice %arg4[%add3A_50] : memref<320000xi32, #tpu.memory_space<hbm>> -> memref<400xi32, #tpu.memory_space<hbm>>
      tpu.enqueue_dma source(%dma_start3A_138 : memref<400xi32, #tpu.memory_space<hbm>>) target(%dma_start3A_137 : memref<400xi32, #tpu.memory_space<vmem>>) target_semaphore(%run_scoped3A : memref<!tpu.dma_semaphore, #tpu.memory_space<semaphore_mem>>)
      %dma_wait3A_139 = arith.constant 0 : i32
      %dma_wait3A_140 = tpu.memref_slice %arg9[%dma_wait3A_139] : memref<4800xi32, #tpu.memory_space<vmem>> -> memref<400xi32, #tpu.memory_space<vmem>>
      %dma_wait3A_141 = tpu.memref_slice %arg4[%add3A_50] : memref<320000xi32, #tpu.memory_space<hbm>> -> memref<400xi32, #tpu.memory_space<hbm>>
      %dma_wait3A_142 = arith.constant 0 : i32
      %dma_wait3A_143 = tpu.memref_slice %arg9[%dma_wait3A_142] : memref<4800xi32, #tpu.memory_space<vmem>> -> memref<400xi32, #tpu.memory_space<vmem>>
      %dma_wait3A_144 = tpu.memref_slice %arg4[%add3A_50] : memref<320000xi32, #tpu.memory_space<hbm>> -> memref<400xi32, #tpu.memory_space<hbm>>
      tpu.wait_dma2 semaphore(%run_scoped3A : memref<!tpu.dma_semaphore, #tpu.memory_space<semaphore_mem>>) src(%dma_wait3A_144 : memref<400xi32, #tpu.memory_space<hbm>>) dst(%dma_wait3A_143 : memref<400xi32, #tpu.memory_space<vmem>>)
      tpu.yield
    }) : () -> ()
    %dma_start3A_51 = arith.constant 0 : i32
    %dma_start3A_52 = tpu.memref_slice %arg8[%dma_start3A_51] : memref<4800xi32, #tpu.memory_space<vmem>> -> memref<80xi32, #tpu.memory_space<vmem>>
    %dma_start3A_53 = arith.constant 0 : i32
    %dma_start3A_54 = arith.constant 0 : i32
    %dma_start3A_55 = tpu.memref_slice %arg2[%dma_start3A_53, %dma_start3A_54] : memref<10240x128xf32, #tpu.memory_space<hbm>> -> memref<10240x128xf32, #tpu.memory_space<hbm>>
    tpu.enqueue_indirect_dma source(%dma_start3A_55 : memref<10240x128xf32, #tpu.memory_space<hbm>>) target(%arg10 : memref<80x128xf32, #tpu.memory_space<vmem>>) offsets(%dma_start3A_52 : memref<80xi32, #tpu.memory_space<vmem>>) semaphore(%arg13 : memref<!tpu.dma_semaphore, #tpu.memory_space<semaphore_mem>>)
    %dma_start3A_56 = arith.constant 80 : i32
    %dma_start3A_57 = tpu.memref_slice %arg8[%dma_start3A_56] : memref<4800xi32, #tpu.memory_space<vmem>> -> memref<80xi32, #tpu.memory_space<vmem>>
    %dma_start3A_58 = arith.constant 0 : i32
    %dma_start3A_59 = arith.constant 0 : i32
    %dma_start3A_60 = tpu.memref_slice %arg2[%dma_start3A_58, %dma_start3A_59] : memref<10240x128xf32, #tpu.memory_space<hbm>> -> memref<10240x128xf32, #tpu.memory_space<hbm>>
    tpu.enqueue_indirect_dma source(%dma_start3A_60 : memref<10240x128xf32, #tpu.memory_space<hbm>>) target(%arg11 : memref<80x128xf32, #tpu.memory_space<vmem>>) offsets(%dma_start3A_57 : memref<80xi32, #tpu.memory_space<vmem>>) semaphore(%arg14 : memref<!tpu.dma_semaphore, #tpu.memory_space<semaphore_mem>>)
    %dma_start3A_61 = arith.constant 160 : i32
    %dma_start3A_62 = tpu.memref_slice %arg8[%dma_start3A_61] : memref<4800xi32, #tpu.memory_space<vmem>> -> memref<80xi32, #tpu.memory_space<vmem>>
    %dma_start3A_63 = arith.constant 0 : i32
    %dma_start3A_64 = arith.constant 0 : i32
    %dma_start3A_65 = tpu.memref_slice %arg2[%dma_start3A_63, %dma_start3A_64] : memref<10240x128xf32, #tpu.memory_space<hbm>> -> memref<10240x128xf32, #tpu.memory_space<hbm>>
    tpu.enqueue_indirect_dma source(%dma_start3A_65 : memref<10240x128xf32, #tpu.memory_space<hbm>>) target(%arg12 : memref<80x128xf32, #tpu.memory_space<vmem>>) offsets(%dma_start3A_62 : memref<80xi32, #tpu.memory_space<vmem>>) semaphore(%arg15 : memref<!tpu.dma_semaphore, #tpu.memory_space<semaphore_mem>>)
    %scan3A_66 = arith.constant 0 : i32
    %scan3A_67 = arith.constant 0 : i32
    %mul3A_68 = arith.constant 3 : i32
    %mul3A_69 = arith.muli %mul3A_68, %scan3A_67 : i32
    %add3A_70 = arith.constant 0 : i32
    %add3A_71 = arith.addi %mul3A_69, %add3A_70 : i32
    %dma_wait3A = arith.constant 0 : i32
    %dma_wait3A_72 = arith.constant 0 : i32
    %dma_wait3A_73 = tpu.memref_slice %arg2[%dma_wait3A, %dma_wait3A_72] : memref<10240x128xf32, #tpu.memory_space<hbm>> -> memref<80x128xf32, #tpu.memory_space<hbm>>
    %dma_wait3A_74 = arith.constant 0 : i32
    %dma_wait3A_75 = arith.constant 0 : i32
    %dma_wait3A_76 = tpu.memref_slice %arg2[%dma_wait3A_74, %dma_wait3A_75] : memref<10240x128xf32, #tpu.memory_space<hbm>> -> memref<80x128xf32, #tpu.memory_space<hbm>>
    tpu.wait_dma2 semaphore(%arg13 : memref<!tpu.dma_semaphore, #tpu.memory_space<semaphore_mem>>) src(%dma_wait3A_76 : memref<80x128xf32, #tpu.memory_space<hbm>>) dst(%arg10 : memref<80x128xf32, #tpu.memory_space<vmem>>)
    %add3A_77 = arith.constant 3 : i32
    %add3A_78 = arith.addi %add3A_71, %add3A_77 : i32
    %lt3A = arith.constant 5 : i32
    %lt3A_79 = arith.cmpi slt, %add3A_78, %lt3A : i32
    %convert_element_type3A = arith.extui %lt3A_79 : i1 to i32
    %cond3A = arith.constant 0 : i32
    %cond3A_80 = arith.cmpi ne, %convert_element_type3A, %cond3A : i32
    scf.if %cond3A_80 {
      %add3A_133 = arith.constant 3 : i32
      %add3A_134 = arith.addi %add3A_71, %add3A_133 : i32
      %mul3A_135 = arith.constant 80 : i32
      %mul3A_136 = arith.muli %add3A_134, %mul3A_135 : i32
      %dma_start3A_137 = tpu.memref_slice %arg8[%mul3A_136] : memref<4800xi32, #tpu.memory_space<vmem>> -> memref<80xi32, #tpu.memory_space<vmem>>
      %dma_start3A_138 = arith.constant 0 : i32
      %dma_start3A_139 = arith.constant 0 : i32
      %dma_start3A_140 = tpu.memref_slice %arg2[%dma_start3A_138, %dma_start3A_139] : memref<10240x128xf32, #tpu.memory_space<hbm>> -> memref<10240x128xf32, #tpu.memory_space<hbm>>
      tpu.enqueue_indirect_dma source(%dma_start3A_140 : memref<10240x128xf32, #tpu.memory_space<hbm>>) target(%arg10 : memref<80x128xf32, #tpu.memory_space<vmem>>) offsets(%dma_start3A_137 : memref<80xi32, #tpu.memory_space<vmem>>) semaphore(%arg13 : memref<!tpu.dma_semaphore, #tpu.memory_space<semaphore_mem>>)
    } else {
    }
    %mul3A_81 = arith.constant 3 : i32
    %mul3A_82 = arith.muli %mul3A_81, %scan3A_67 : i32
    %add3A_83 = arith.constant 1 : i32
    %add3A_84 = arith.addi %mul3A_82, %add3A_83 : i32
    %dma_wait3A_85 = arith.constant 0 : i32
    %dma_wait3A_86 = arith.constant 0 : i32
    %dma_wait3A_87 = tpu.memref_slice %arg2[%dma_wait3A_85, %dma_wait3A_86] : memref<10240x128xf32, #tpu.memory_space<hbm>> -> memref<80x128xf32, #tpu.memory_space<hbm>>
    %dma_wait3A_88 = arith.constant 0 : i32
    %dma_wait3A_89 = arith.constant 0 : i32
    %dma_wait3A_90 = tpu.memref_slice %arg2[%dma_wait3A_88, %dma_wait3A_89] : memref<10240x128xf32, #tpu.memory_space<hbm>> -> memref<80x128xf32, #tpu.memory_space<hbm>>
    tpu.wait_dma2 semaphore(%arg14 : memref<!tpu.dma_semaphore, #tpu.memory_space<semaphore_mem>>) src(%dma_wait3A_90 : memref<80x128xf32, #tpu.memory_space<hbm>>) dst(%arg11 : memref<80x128xf32, #tpu.memory_space<vmem>>)
    %add3A_91 = arith.constant 3 : i32
    %add3A_92 = arith.addi %add3A_84, %add3A_91 : i32
    %lt3A_93 = arith.constant 5 : i32
    %lt3A_94 = arith.cmpi slt, %add3A_92, %lt3A_93 : i32
    %convert_element_type3A_95 = arith.extui %lt3A_94 : i1 to i32
    %cond3A_96 = arith.constant 0 : i32
    %cond3A_97 = arith.cmpi ne, %convert_element_type3A_95, %cond3A_96 : i32
    scf.if %cond3A_97 {
      %add3A_133 = arith.constant 3 : i32
      %add3A_134 = arith.addi %add3A_84, %add3A_133 : i32
      %mul3A_135 = arith.constant 80 : i32
      %mul3A_136 = arith.muli %add3A_134, %mul3A_135 : i32
      %dma_start3A_137 = tpu.memref_slice %arg8[%mul3A_136] : memref<4800xi32, #tpu.memory_space<vmem>> -> memref<80xi32, #tpu.memory_space<vmem>>
      %dma_start3A_138 = arith.constant 0 : i32
      %dma_start3A_139 = arith.constant 0 : i32
      %dma_start3A_140 = tpu.memref_slice %arg2[%dma_start3A_138, %dma_start3A_139] : memref<10240x128xf32, #tpu.memory_space<hbm>> -> memref<10240x128xf32, #tpu.memory_space<hbm>>
      tpu.enqueue_indirect_dma source(%dma_start3A_140 : memref<10240x128xf32, #tpu.memory_space<hbm>>) target(%arg11 : memref<80x128xf32, #tpu.memory_space<vmem>>) offsets(%dma_start3A_137 : memref<80xi32, #tpu.memory_space<vmem>>) semaphore(%arg14 : memref<!tpu.dma_semaphore, #tpu.memory_space<semaphore_mem>>)
    } else {
    }
    %mul3A_98 = arith.constant 3 : i32
    %mul3A_99 = arith.muli %mul3A_98, %scan3A_67 : i32
    %add3A_100 = arith.constant 2 : i32
    %add3A_101 = arith.addi %mul3A_99, %add3A_100 : i32
    %dma_wait3A_102 = arith.constant 0 : i32
    %dma_wait3A_103 = arith.constant 0 : i32
    %dma_wait3A_104 = tpu.memref_slice %arg2[%dma_wait3A_102, %dma_wait3A_103] : memref<10240x128xf32, #tpu.memory_space<hbm>> -> memref<80x128xf32, #tpu.memory_space<hbm>>
    %dma_wait3A_105 = arith.constant 0 : i32
    %dma_wait3A_106 = arith.constant 0 : i32
    %dma_wait3A_107 = tpu.memref_slice %arg2[%dma_wait3A_105, %dma_wait3A_106] : memref<10240x128xf32, #tpu.memory_space<hbm>> -> memref<80x128xf32, #tpu.memory_space<hbm>>
    tpu.wait_dma2 semaphore(%arg15 : memref<!tpu.dma_semaphore, #tpu.memory_space<semaphore_mem>>) src(%dma_wait3A_107 : memref<80x128xf32, #tpu.memory_space<hbm>>) dst(%arg12 : memref<80x128xf32, #tpu.memory_space<vmem>>)
    %add3A_108 = arith.constant 3 : i32
    %add3A_109 = arith.addi %add3A_101, %add3A_108 : i32
    %lt3A_110 = arith.constant 5 : i32
    %lt3A_111 = arith.cmpi slt, %add3A_109, %lt3A_110 : i32
    %convert_element_type3A_112 = arith.extui %lt3A_111 : i1 to i32
    %cond3A_113 = arith.constant 0 : i32
    %cond3A_114 = arith.cmpi ne, %convert_element_type3A_112, %cond3A_113 : i32
    scf.if %cond3A_114 {
      %add3A_133 = arith.constant 3 : i32
      %add3A_134 = arith.addi %add3A_101, %add3A_133 : i32
      %mul3A_135 = arith.constant 80 : i32
      %mul3A_136 = arith.muli %add3A_134, %mul3A_135 : i32
      %dma_start3A_137 = tpu.memref_slice %arg8[%mul3A_136] : memref<4800xi32, #tpu.memory_space<vmem>> -> memref<80xi32, #tpu.memory_space<vmem>>
      %dma_start3A_138 = arith.constant 0 : i32
      %dma_start3A_139 = arith.constant 0 : i32
      %dma_start3A_140 = tpu.memref_slice %arg2[%dma_start3A_138, %dma_start3A_139] : memref<10240x128xf32, #tpu.memory_space<hbm>> -> memref<10240x128xf32, #tpu.memory_space<hbm>>
      tpu.enqueue_indirect_dma source(%dma_start3A_140 : memref<10240x128xf32, #tpu.memory_space<hbm>>) target(%arg12 : memref<80x128xf32, #tpu.memory_space<vmem>>) offsets(%dma_start3A_137 : memref<80xi32, #tpu.memory_space<vmem>>) semaphore(%arg15 : memref<!tpu.dma_semaphore, #tpu.memory_space<semaphore_mem>>)
    } else {
    }
    %scan3A_115 = arith.constant 1 : i32
    %dma_wait3A_116 = arith.constant 0 : i32
    %dma_wait3A_117 = arith.constant 0 : i32
    %dma_wait3A_118 = tpu.memref_slice %arg2[%dma_wait3A_116, %dma_wait3A_117] : memref<10240x128xf32, #tpu.memory_space<hbm>> -> memref<80x128xf32, #tpu.memory_space<hbm>>
    %dma_wait3A_119 = arith.constant 0 : i32
    %dma_wait3A_120 = arith.constant 0 : i32
    %dma_wait3A_121 = tpu.memref_slice %arg2[%dma_wait3A_119, %dma_wait3A_120] : memref<10240x128xf32, #tpu.memory_space<hbm>> -> memref<80x128xf32, #tpu.memory_space<hbm>>
    tpu.wait_dma2 semaphore(%arg13 : memref<!tpu.dma_semaphore, #tpu.memory_space<semaphore_mem>>) src(%dma_wait3A_121 : memref<80x128xf32, #tpu.memory_space<hbm>>) dst(%arg10 : memref<80x128xf32, #tpu.memory_space<vmem>>)
    %dma_wait3A_122 = arith.constant 0 : i32
    %dma_wait3A_123 = arith.constant 0 : i32
    %dma_wait3A_124 = tpu.memref_slice %arg2[%dma_wait3A_122, %dma_wait3A_123] : memref<10240x128xf32, #tpu.memory_space<hbm>> -> memref<80x128xf32, #tpu.memory_space<hbm>>
    %dma_wait3A_125 = arith.constant 0 : i32
    %dma_wait3A_126 = arith.constant 0 : i32
    %dma_wait3A_127 = tpu.memref_slice %arg2[%dma_wait3A_125, %dma_wait3A_126] : memref<10240x128xf32, #tpu.memory_space<hbm>> -> memref<80x128xf32, #tpu.memory_space<hbm>>
    tpu.wait_dma2 semaphore(%arg14 : memref<!tpu.dma_semaphore, #tpu.memory_space<semaphore_mem>>) src(%dma_wait3A_127 : memref<80x128xf32, #tpu.memory_space<hbm>>) dst(%arg11 : memref<80x128xf32, #tpu.memory_space<vmem>>)
    %barrier3A_128 = arith.constant 0 : index
    tpu.barrier barrier_id(%barrier3A_128)
    %mul3A_129 = arith.constant 640 : i32
    %mul3A_130 = arith.muli %arg1, %mul3A_129 : i32
    %mul3A_131 = arith.constant 640 : i32
    %mul3A_132 = arith.muli %arg1, %mul3A_131 : i32
    "tpu.region"() ({
      %run_scoped3A = tpu.sem_alloc : memref<!tpu.dma_semaphore, #tpu.memory_space<semaphore_mem>>
      %dma_start3A_133 = arith.constant 0 : i32
      %dma_start3A_134 = tpu.memref_slice %arg6[%arg0, %mul3A_132, %dma_start3A_133] : memref<2x10240x128xf32, #tpu.memory_space<hbm>> -> memref<1x640x128xf32, #tpu.memory_space<hbm>>
      %dma_start3A_135 = tpu.memref_squeeze %dma_start3A_134 : memref<1x640x128xf32, #tpu.memory_space<hbm>> -> memref<640x128xf32, #tpu.memory_space<hbm>>
      %dma_start3A_136 = arith.constant 0 : i32
      %dma_start3A_137 = tpu.memref_slice %arg7[%mul3A_130, %dma_start3A_136] : memref<10240x128xf32, #tpu.memory_space<vmem_shared>> -> memref<640x128xf32, #tpu.memory_space<vmem_shared>>
      tpu.enqueue_dma source(%dma_start3A_137 : memref<640x128xf32, #tpu.memory_space<vmem_shared>>) target(%dma_start3A_135 : memref<640x128xf32, #tpu.memory_space<hbm>>) target_semaphore(%run_scoped3A : memref<!tpu.dma_semaphore, #tpu.memory_space<semaphore_mem>>)
      %dma_wait3A_138 = arith.constant 0 : i32
      %dma_wait3A_139 = tpu.memref_slice %arg6[%arg0, %mul3A_132, %dma_wait3A_138] : memref<2x10240x128xf32, #tpu.memory_space<hbm>> -> memref<1x640x128xf32, #tpu.memory_space<hbm>>
      %dma_wait3A_140 = tpu.memref_squeeze %dma_wait3A_139 : memref<1x640x128xf32, #tpu.memory_space<hbm>> -> memref<640x128xf32, #tpu.memory_space<hbm>>
      %dma_wait3A_141 = arith.constant 0 : i32
      %dma_wait3A_142 = tpu.memref_slice %arg7[%mul3A_130, %dma_wait3A_141] : memref<10240x128xf32, #tpu.memory_space<vmem_shared>> -> memref<640x128xf32, #tpu.memory_space<vmem_shared>>
      tpu.wait_dma2 semaphore(%run_scoped3A : memref<!tpu.dma_semaphore, #tpu.memory_space<semaphore_mem>>) src(%dma_wait3A_142 : memref<640x128xf32, #tpu.memory_space<vmem_shared>>) dst(%dma_wait3A_140 : memref<640x128xf32, #tpu.memory_space<hbm>>)
      tpu.yield
    }) : () -> ()
    return
  }
}

#map = affine_map<(d0, d1) -> (0)>
#map1 = affine_map<(d0, d1) -> (0, 0)>
#map2 = affine_map<(d0, d1) -> (0, 0, 0)>
module attributes {stable_mosaic.version = 14 : i64} {
  func.func @_sc_deg_emb_body(%arg0: i32, %arg1: i32, %arg2: memref<320000xi32, #tpu.memory_space<hbm>>, %arg3: memref<320000xi32, #tpu.memory_space<hbm>>, %arg4: memref<10240xi32, #tpu.memory_space<hbm>>, %arg5: memref<100x128xf32, #tpu.memory_space<hbm>>, %arg6: memref<640xf32, #tpu.memory_space<hbm>>, %arg7: memref<2x2x10240xf32, #tpu.memory_space<hbm>>, %arg8: memref<10240x128xf32, #tpu.memory_space<hbm>>, %arg9: memref<10240xf32, #tpu.memory_space<vmem_shared>>, %arg10: memref<10240xf32, #tpu.memory_space<vmem_shared>>, %arg11: memref<80xf32, #tpu.memory_space<vmem>>, %arg12: memref<10000xi32, #tpu.memory_space<vmem>>, %arg13: memref<10000xi32, #tpu.memory_space<vmem>>, %arg14: memref<320xi32, #tpu.memory_space<vmem>>, %arg15: memref<80x128xf32, #tpu.memory_space<vmem>>, %arg16: memref<80x128xf32, #tpu.memory_space<vmem>>, %arg17: memref<!tpu.dma_semaphore, #tpu.memory_space<semaphore_mem>>, %arg18: memref<!tpu.dma_semaphore, #tpu.memory_space<semaphore_mem>>, %arg19: memref<!tpu.dma_semaphore, #tpu.memory_space<semaphore_mem>>) attributes {dimension_semantics = [#tpu.dimension_semantics<core_parallel>, #tpu.dimension_semantics<subcore_parallel>], iteration_bounds = array<i64: 2, 16>, scalar_prefetch = 0 : i64, scratch_operands = 11 : i64, tpu.core_type = #tpu.core_type<sc_vector_subcore>, window_params = [{transform_indices = #map}, {transform_indices = #map}, {transform_indices = #map}, {transform_indices = #map1}, {transform_indices = #map}, {transform_indices = #map2}, {transform_indices = #map1}]} {
    %mul3A = arith.constant 16 : i32
    %mul3A_0 = arith.muli %arg0, %mul3A : i32
    %add3A = arith.addi %mul3A_0, %arg1 : i32
    %mul3A_1 = arith.constant 10000 : i32
    %mul3A_2 = arith.muli %add3A, %mul3A_1 : i32
    %mul3A_3 = arith.constant 640 : i32
    %mul3A_4 = arith.muli %arg1, %mul3A_3 : i32
    "tpu.region"() ({
      %run_scoped3A_132 = tpu.sem_alloc : memref<!tpu.dma_semaphore, #tpu.memory_space<semaphore_mem>>
      %dma_start3A_133 = tpu.memref_slice %arg9[%mul3A_4] : memref<10240xf32, #tpu.memory_space<vmem_shared>> -> memref<640xf32, #tpu.memory_space<vmem_shared>>
      tpu.enqueue_dma source(%arg6 : memref<640xf32, #tpu.memory_space<hbm>>) target(%dma_start3A_133 : memref<640xf32, #tpu.memory_space<vmem_shared>>) target_semaphore(%run_scoped3A_132 : memref<!tpu.dma_semaphore, #tpu.memory_space<semaphore_mem>>)
      %dma_wait3A_134 = tpu.memref_slice %arg9[%mul3A_4] : memref<10240xf32, #tpu.memory_space<vmem_shared>> -> memref<640xf32, #tpu.memory_space<vmem_shared>>
      tpu.wait_dma2 semaphore(%run_scoped3A_132 : memref<!tpu.dma_semaphore, #tpu.memory_space<semaphore_mem>>) src(%arg6 : memref<640xf32, #tpu.memory_space<hbm>>) dst(%dma_wait3A_134 : memref<640xf32, #tpu.memory_space<vmem_shared>>)
      tpu.yield
    }) : () -> ()
    %mul3A_5 = arith.constant 640 : i32
    %mul3A_6 = arith.muli %arg1, %mul3A_5 : i32
    "tpu.region"() ({
      %run_scoped3A_132 = tpu.sem_alloc : memref<!tpu.dma_semaphore, #tpu.memory_space<semaphore_mem>>
      %dma_start3A_133 = tpu.memref_slice %arg10[%mul3A_6] : memref<10240xf32, #tpu.memory_space<vmem_shared>> -> memref<640xf32, #tpu.memory_space<vmem_shared>>
      tpu.enqueue_dma source(%arg6 : memref<640xf32, #tpu.memory_space<hbm>>) target(%dma_start3A_133 : memref<640xf32, #tpu.memory_space<vmem_shared>>) target_semaphore(%run_scoped3A_132 : memref<!tpu.dma_semaphore, #tpu.memory_space<semaphore_mem>>)
      %dma_wait3A_134 = tpu.memref_slice %arg10[%mul3A_6] : memref<10240xf32, #tpu.memory_space<vmem_shared>> -> memref<640xf32, #tpu.memory_space<vmem_shared>>
      tpu.wait_dma2 semaphore(%run_scoped3A_132 : memref<!tpu.dma_semaphore, #tpu.memory_space<semaphore_mem>>) src(%arg6 : memref<640xf32, #tpu.memory_space<hbm>>) dst(%dma_wait3A_134 : memref<640xf32, #tpu.memory_space<vmem_shared>>)
      tpu.yield
    }) : () -> ()
    %scan3A = arith.constant 0 : i32
    %scan3A_7 = arith.constant 0 : i32
    %scan3A_8 = arith.constant 5 : i32
    %scan3A_9 = arith.addi %scan3A_7, %scan3A_8 : i32
    %scan3A_10 = arith.constant 1 : i32
    scf.for %scan3A_132 = %scan3A_7 to %scan3A_9 step %scan3A_10  : i32 {
      %broadcast_in_dim3A = arith.constant 1.000000e+00 : f32
      %broadcast_in_dim3A_133 = vector.broadcast %broadcast_in_dim3A : f32 to vector<16xf32>
      %mul3A_134 = arith.constant 16 : i32
      %mul3A_135 = arith.muli %scan3A_132, %mul3A_134 : i32
      %swap3A = arith.index_cast %mul3A_135 : i32 to index
      %swap3A_136 = tpu.vector_load %arg11[%swap3A] {strides = array<i32>} : memref<80xf32, #tpu.memory_space<vmem>>, vector<16xf32>,
      %swap3A_137 = vector.shape_cast %swap3A_136 : vector<16xf32> to vector<16xf32>
      %swap3A_138 = vector.shape_cast %broadcast_in_dim3A_133 : vector<16xf32> to vector<16xf32>
      tpu.vector_store %arg11[%swap3A], %swap3A_138 {strides = array<i32>} : memref<80xf32, #tpu.memory_space<vmem>>, vector<16xf32>,
    }
    %scan3A_11 = arith.constant 5 : i32
    "tpu.region"() ({
      %run_scoped3A_132 = tpu.sem_alloc : memref<!tpu.dma_semaphore, #tpu.memory_space<semaphore_mem>>
      %dma_start3A_133 = tpu.memref_slice %arg2[%mul3A_2] : memref<320000xi32, #tpu.memory_space<hbm>> -> memref<10000xi32, #tpu.memory_space<hbm>>
      %dma_start3A_134 = tpu.memref_slice %arg2[%mul3A_2] : memref<320000xi32, #tpu.memory_space<hbm>> -> memref<10000xi32, #tpu.memory_space<hbm>>
      tpu.enqueue_dma source(%dma_start3A_134 : memref<10000xi32, #tpu.memory_space<hbm>>) target(%arg12 : memref<10000xi32, #tpu.memory_space<vmem>>) target_semaphore(%run_scoped3A_132 : memref<!tpu.dma_semaphore, #tpu.memory_space<semaphore_mem>>)
      %dma_wait3A_135 = tpu.memref_slice %arg2[%mul3A_2] : memref<320000xi32, #tpu.memory_space<hbm>> -> memref<10000xi32, #tpu.memory_space<hbm>>
      %dma_wait3A_136 = tpu.memref_slice %arg2[%mul3A_2] : memref<320000xi32, #tpu.memory_space<hbm>> -> memref<10000xi32, #tpu.memory_space<hbm>>
      tpu.wait_dma2 semaphore(%run_scoped3A_132 : memref<!tpu.dma_semaphore, #tpu.memory_space<semaphore_mem>>) src(%dma_wait3A_136 : memref<10000xi32, #tpu.memory_space<hbm>>) dst(%arg12 : memref<10000xi32, #tpu.memory_space<vmem>>)
      tpu.yield
    }) : () -> ()
    "tpu.region"() ({
      %run_scoped3A_132 = tpu.sem_alloc : memref<!tpu.dma_semaphore, #tpu.memory_space<semaphore_mem>>
      %dma_start3A_133 = tpu.memref_slice %arg3[%mul3A_2] : memref<320000xi32, #tpu.memory_space<hbm>> -> memref<10000xi32, #tpu.memory_space<hbm>>
      %dma_start3A_134 = tpu.memref_slice %arg3[%mul3A_2] : memref<320000xi32, #tpu.memory_space<hbm>> -> memref<10000xi32, #tpu.memory_space<hbm>>
      tpu.enqueue_dma source(%dma_start3A_134 : memref<10000xi32, #tpu.memory_space<hbm>>) target(%arg13 : memref<10000xi32, #tpu.memory_space<vmem>>) target_semaphore(%run_scoped3A_132 : memref<!tpu.dma_semaphore, #tpu.memory_space<semaphore_mem>>)
      %dma_wait3A_135 = tpu.memref_slice %arg3[%mul3A_2] : memref<320000xi32, #tpu.memory_space<hbm>> -> memref<10000xi32, #tpu.memory_space<hbm>>
      %dma_wait3A_136 = tpu.memref_slice %arg3[%mul3A_2] : memref<320000xi32, #tpu.memory_space<hbm>> -> memref<10000xi32, #tpu.memory_space<hbm>>
      tpu.wait_dma2 semaphore(%run_scoped3A_132 : memref<!tpu.dma_semaphore, #tpu.memory_space<semaphore_mem>>) src(%dma_wait3A_136 : memref<10000xi32, #tpu.memory_space<hbm>>) dst(%arg13 : memref<10000xi32, #tpu.memory_space<vmem>>)
      tpu.yield
    }) : () -> ()
    %mul3A_12 = arith.constant 4 : i32
    %mul3A_13 = arith.muli %add3A, %mul3A_12 : i32
    %mul3A_14 = arith.constant 80 : i32
    %mul3A_15 = arith.muli %mul3A_13, %mul3A_14 : i32
    "tpu.region"() ({
      %run_scoped3A_132 = tpu.sem_alloc : memref<!tpu.dma_semaphore, #tpu.memory_space<semaphore_mem>>
      %dma_start3A_133 = tpu.memref_slice %arg4[%mul3A_15] : memref<10240xi32, #tpu.memory_space<hbm>> -> memref<320xi32, #tpu.memory_space<hbm>>
      %dma_start3A_134 = tpu.memref_slice %arg4[%mul3A_15] : memref<10240xi32, #tpu.memory_space<hbm>> -> memref<320xi32, #tpu.memory_space<hbm>>
      tpu.enqueue_dma source(%dma_start3A_134 : memref<320xi32, #tpu.memory_space<hbm>>) target(%arg14 : memref<320xi32, #tpu.memory_space<vmem>>) target_semaphore(%run_scoped3A_132 : memref<!tpu.dma_semaphore, #tpu.memory_space<semaphore_mem>>)
      %dma_wait3A_135 = tpu.memref_slice %arg4[%mul3A_15] : memref<10240xi32, #tpu.memory_space<hbm>> -> memref<320xi32, #tpu.memory_space<hbm>>
      %dma_wait3A_136 = tpu.memref_slice %arg4[%mul3A_15] : memref<10240xi32, #tpu.memory_space<hbm>> -> memref<320xi32, #tpu.memory_space<hbm>>
      tpu.wait_dma2 semaphore(%run_scoped3A_132 : memref<!tpu.dma_semaphore, #tpu.memory_space<semaphore_mem>>) src(%dma_wait3A_136 : memref<320xi32, #tpu.memory_space<hbm>>) dst(%arg14 : memref<320xi32, #tpu.memory_space<vmem>>)
      tpu.yield
    }) : () -> ()
    %barrier3A = arith.constant 0 : index
    tpu.barrier barrier_id(%barrier3A)
    %mul3A_16 = arith.constant 4 : i32
    %mul3A_17 = arith.muli %add3A, %mul3A_16 : i32
    %mul3A_18 = arith.constant 80 : i32
    %mul3A_19 = arith.muli %mul3A_17, %mul3A_18 : i32
    %dma_start3A = arith.constant 0 : i32
    %dma_start3A_20 = tpu.memref_slice %arg14[%dma_start3A] : memref<320xi32, #tpu.memory_space<vmem>> -> memref<80xi32, #tpu.memory_space<vmem>>
    %dma_start3A_21 = arith.constant 0 : i32
    %dma_start3A_22 = arith.constant 0 : i32
    %dma_start3A_23 = tpu.memref_slice %arg5[%dma_start3A_21, %dma_start3A_22] : memref<100x128xf32, #tpu.memory_space<hbm>> -> memref<100x128xf32, #tpu.memory_space<hbm>>
    tpu.enqueue_indirect_dma source(%dma_start3A_23 : memref<100x128xf32, #tpu.memory_space<hbm>>) target(%arg15 : memref<80x128xf32, #tpu.memory_space<vmem>>) offsets(%dma_start3A_20 : memref<80xi32, #tpu.memory_space<vmem>>) semaphore(%arg18 : memref<!tpu.dma_semaphore, #tpu.memory_space<semaphore_mem>>)
    %dma_start3A_24 = arith.constant 80 : i32
    %dma_start3A_25 = tpu.memref_slice %arg14[%dma_start3A_24] : memref<320xi32, #tpu.memory_space<vmem>> -> memref<80xi32, #tpu.memory_space<vmem>>
    %dma_start3A_26 = arith.constant 0 : i32
    %dma_start3A_27 = arith.constant 0 : i32
    %dma_start3A_28 = tpu.memref_slice %arg5[%dma_start3A_26, %dma_start3A_27] : memref<100x128xf32, #tpu.memory_space<hbm>> -> memref<100x128xf32, #tpu.memory_space<hbm>>
    tpu.enqueue_indirect_dma source(%dma_start3A_28 : memref<100x128xf32, #tpu.memory_space<hbm>>) target(%arg16 : memref<80x128xf32, #tpu.memory_space<vmem>>) offsets(%dma_start3A_25 : memref<80xi32, #tpu.memory_space<vmem>>) semaphore(%arg19 : memref<!tpu.dma_semaphore, #tpu.memory_space<semaphore_mem>>)
    %dma_wait3A = arith.constant 0 : i32
    %dma_wait3A_29 = arith.constant 0 : i32
    %dma_wait3A_30 = tpu.memref_slice %arg5[%dma_wait3A, %dma_wait3A_29] : memref<100x128xf32, #tpu.memory_space<hbm>> -> memref<80x128xf32, #tpu.memory_space<hbm>>
    %dma_wait3A_31 = arith.constant 0 : i32
    %dma_wait3A_32 = arith.constant 0 : i32
    %dma_wait3A_33 = tpu.memref_slice %arg5[%dma_wait3A_31, %dma_wait3A_32] : memref<100x128xf32, #tpu.memory_space<hbm>> -> memref<80x128xf32, #tpu.memory_space<hbm>>
    tpu.wait_dma2 semaphore(%arg18 : memref<!tpu.dma_semaphore, #tpu.memory_space<semaphore_mem>>) src(%dma_wait3A_33 : memref<80x128xf32, #tpu.memory_space<hbm>>) dst(%arg15 : memref<80x128xf32, #tpu.memory_space<vmem>>)
    %add3A_34 = arith.constant 0 : i32
    %add3A_35 = arith.addi %mul3A_19, %add3A_34 : i32
    "tpu.region"() ({
      %run_scoped3A_132 = tpu.sem_alloc : memref<!tpu.dma_semaphore, #tpu.memory_space<semaphore_mem>>
      %dma_start3A_133 = arith.constant 0 : i32
      %dma_start3A_134 = tpu.memref_slice %arg8[%add3A_35, %dma_start3A_133] : memref<10240x128xf32, #tpu.memory_space<hbm>> -> memref<80x128xf32, #tpu.memory_space<hbm>>
      %dma_start3A_135 = arith.constant 0 : i32
      %dma_start3A_136 = tpu.memref_slice %arg8[%add3A_35, %dma_start3A_135] : memref<10240x128xf32, #tpu.memory_space<hbm>> -> memref<80x128xf32, #tpu.memory_space<hbm>>
      tpu.enqueue_dma source(%arg15 : memref<80x128xf32, #tpu.memory_space<vmem>>) target(%dma_start3A_136 : memref<80x128xf32, #tpu.memory_space<hbm>>) target_semaphore(%run_scoped3A_132 : memref<!tpu.dma_semaphore, #tpu.memory_space<semaphore_mem>>)
      %dma_wait3A_137 = arith.constant 0 : i32
      %dma_wait3A_138 = tpu.memref_slice %arg8[%add3A_35, %dma_wait3A_137] : memref<10240x128xf32, #tpu.memory_space<hbm>> -> memref<80x128xf32, #tpu.memory_space<hbm>>
      %dma_wait3A_139 = arith.constant 0 : i32
      %dma_wait3A_140 = tpu.memref_slice %arg8[%add3A_35, %dma_wait3A_139] : memref<10240x128xf32, #tpu.memory_space<hbm>> -> memref<80x128xf32, #tpu.memory_space<hbm>>
      tpu.wait_dma2 semaphore(%run_scoped3A_132 : memref<!tpu.dma_semaphore, #tpu.memory_space<semaphore_mem>>) src(%arg15 : memref<80x128xf32, #tpu.memory_space<vmem>>) dst(%dma_wait3A_140 : memref<80x128xf32, #tpu.memory_space<hbm>>)
      tpu.yield
    }) : () -> ()
    %dma_start3A_36 = arith.constant 160 : i32
    %dma_start3A_37 = tpu.memref_slice %arg14[%dma_start3A_36] : memref<320xi32, #tpu.memory_space<vmem>> -> memref<80xi32, #tpu.memory_space<vmem>>
    %dma_start3A_38 = arith.constant 0 : i32
    %dma_start3A_39 = arith.constant 0 : i32
    %dma_start3A_40 = tpu.memref_slice %arg5[%dma_start3A_38, %dma_start3A_39] : memref<100x128xf32, #tpu.memory_space<hbm>> -> memref<100x128xf32, #tpu.memory_space<hbm>>
    tpu.enqueue_indirect_dma source(%dma_start3A_40 : memref<100x128xf32, #tpu.memory_space<hbm>>) target(%arg15 : memref<80x128xf32, #tpu.memory_space<vmem>>) offsets(%dma_start3A_37 : memref<80xi32, #tpu.memory_space<vmem>>) semaphore(%arg18 : memref<!tpu.dma_semaphore, #tpu.memory_space<semaphore_mem>>)
    %dma_wait3A_41 = arith.constant 0 : i32
    %dma_wait3A_42 = arith.constant 0 : i32
    %dma_wait3A_43 = tpu.memref_slice %arg5[%dma_wait3A_41, %dma_wait3A_42] : memref<100x128xf32, #tpu.memory_space<hbm>> -> memref<80x128xf32, #tpu.memory_space<hbm>>
    %dma_wait3A_44 = arith.constant 0 : i32
    %dma_wait3A_45 = arith.constant 0 : i32
    %dma_wait3A_46 = tpu.memref_slice %arg5[%dma_wait3A_44, %dma_wait3A_45] : memref<100x128xf32, #tpu.memory_space<hbm>> -> memref<80x128xf32, #tpu.memory_space<hbm>>
    tpu.wait_dma2 semaphore(%arg19 : memref<!tpu.dma_semaphore, #tpu.memory_space<semaphore_mem>>) src(%dma_wait3A_46 : memref<80x128xf32, #tpu.memory_space<hbm>>) dst(%arg16 : memref<80x128xf32, #tpu.memory_space<vmem>>)
    %add3A_47 = arith.constant 80 : i32
    %add3A_48 = arith.addi %mul3A_19, %add3A_47 : i32
    "tpu.region"() ({
      %run_scoped3A_132 = tpu.sem_alloc : memref<!tpu.dma_semaphore, #tpu.memory_space<semaphore_mem>>
      %dma_start3A_133 = arith.constant 0 : i32
      %dma_start3A_134 = tpu.memref_slice %arg8[%add3A_48, %dma_start3A_133] : memref<10240x128xf32, #tpu.memory_space<hbm>> -> memref<80x128xf32, #tpu.memory_space<hbm>>
      %dma_start3A_135 = arith.constant 0 : i32
      %dma_start3A_136 = tpu.memref_slice %arg8[%add3A_48, %dma_start3A_135] : memref<10240x128xf32, #tpu.memory_space<hbm>> -> memref<80x128xf32, #tpu.memory_space<hbm>>
      tpu.enqueue_dma source(%arg16 : memref<80x128xf32, #tpu.memory_space<vmem>>) target(%dma_start3A_136 : memref<80x128xf32, #tpu.memory_space<hbm>>) target_semaphore(%run_scoped3A_132 : memref<!tpu.dma_semaphore, #tpu.memory_space<semaphore_mem>>)
      %dma_wait3A_137 = arith.constant 0 : i32
      %dma_wait3A_138 = tpu.memref_slice %arg8[%add3A_48, %dma_wait3A_137] : memref<10240x128xf32, #tpu.memory_space<hbm>> -> memref<80x128xf32, #tpu.memory_space<hbm>>
      %dma_wait3A_139 = arith.constant 0 : i32
      %dma_wait3A_140 = tpu.memref_slice %arg8[%add3A_48, %dma_wait3A_139] : memref<10240x128xf32, #tpu.memory_space<hbm>> -> memref<80x128xf32, #tpu.memory_space<hbm>>
      tpu.wait_dma2 semaphore(%run_scoped3A_132 : memref<!tpu.dma_semaphore, #tpu.memory_space<semaphore_mem>>) src(%arg16 : memref<80x128xf32, #tpu.memory_space<vmem>>) dst(%dma_wait3A_140 : memref<80x128xf32, #tpu.memory_space<hbm>>)
      tpu.yield
    }) : () -> ()
    %dma_start3A_49 = arith.constant 240 : i32
    %dma_start3A_50 = tpu.memref_slice %arg14[%dma_start3A_49] : memref<320xi32, #tpu.memory_space<vmem>> -> memref<80xi32, #tpu.memory_space<vmem>>
    %dma_start3A_51 = arith.constant 0 : i32
    %dma_start3A_52 = arith.constant 0 : i32
    %dma_start3A_53 = tpu.memref_slice %arg5[%dma_start3A_51, %dma_start3A_52] : memref<100x128xf32, #tpu.memory_space<hbm>> -> memref<100x128xf32, #tpu.memory_space<hbm>>
    tpu.enqueue_indirect_dma source(%dma_start3A_53 : memref<100x128xf32, #tpu.memory_space<hbm>>) target(%arg16 : memref<80x128xf32, #tpu.memory_space<vmem>>) offsets(%dma_start3A_50 : memref<80xi32, #tpu.memory_space<vmem>>) semaphore(%arg19 : memref<!tpu.dma_semaphore, #tpu.memory_space<semaphore_mem>>)
    %dma_wait3A_54 = arith.constant 0 : i32
    %dma_wait3A_55 = arith.constant 0 : i32
    %dma_wait3A_56 = tpu.memref_slice %arg5[%dma_wait3A_54, %dma_wait3A_55] : memref<100x128xf32, #tpu.memory_space<hbm>> -> memref<80x128xf32, #tpu.memory_space<hbm>>
    %dma_wait3A_57 = arith.constant 0 : i32
    %dma_wait3A_58 = arith.constant 0 : i32
    %dma_wait3A_59 = tpu.memref_slice %arg5[%dma_wait3A_57, %dma_wait3A_58] : memref<100x128xf32, #tpu.memory_space<hbm>> -> memref<80x128xf32, #tpu.memory_space<hbm>>
    tpu.wait_dma2 semaphore(%arg18 : memref<!tpu.dma_semaphore, #tpu.memory_space<semaphore_mem>>) src(%dma_wait3A_59 : memref<80x128xf32, #tpu.memory_space<hbm>>) dst(%arg15 : memref<80x128xf32, #tpu.memory_space<vmem>>)
    %add3A_60 = arith.constant 160 : i32
    %add3A_61 = arith.addi %mul3A_19, %add3A_60 : i32
    "tpu.region"() ({
      %run_scoped3A_132 = tpu.sem_alloc : memref<!tpu.dma_semaphore, #tpu.memory_space<semaphore_mem>>
      %dma_start3A_133 = arith.constant 0 : i32
      %dma_start3A_134 = tpu.memref_slice %arg8[%add3A_61, %dma_start3A_133] : memref<10240x128xf32, #tpu.memory_space<hbm>> -> memref<80x128xf32, #tpu.memory_space<hbm>>
      %dma_start3A_135 = arith.constant 0 : i32
      %dma_start3A_136 = tpu.memref_slice %arg8[%add3A_61, %dma_start3A_135] : memref<10240x128xf32, #tpu.memory_space<hbm>> -> memref<80x128xf32, #tpu.memory_space<hbm>>
      tpu.enqueue_dma source(%arg15 : memref<80x128xf32, #tpu.memory_space<vmem>>) target(%dma_start3A_136 : memref<80x128xf32, #tpu.memory_space<hbm>>) target_semaphore(%run_scoped3A_132 : memref<!tpu.dma_semaphore, #tpu.memory_space<semaphore_mem>>)
      %dma_wait3A_137 = arith.constant 0 : i32
      %dma_wait3A_138 = tpu.memref_slice %arg8[%add3A_61, %dma_wait3A_137] : memref<10240x128xf32, #tpu.memory_space<hbm>> -> memref<80x128xf32, #tpu.memory_space<hbm>>
      %dma_wait3A_139 = arith.constant 0 : i32
      %dma_wait3A_140 = tpu.memref_slice %arg8[%add3A_61, %dma_wait3A_139] : memref<10240x128xf32, #tpu.memory_space<hbm>> -> memref<80x128xf32, #tpu.memory_space<hbm>>
      tpu.wait_dma2 semaphore(%run_scoped3A_132 : memref<!tpu.dma_semaphore, #tpu.memory_space<semaphore_mem>>) src(%arg15 : memref<80x128xf32, #tpu.memory_space<vmem>>) dst(%dma_wait3A_140 : memref<80x128xf32, #tpu.memory_space<hbm>>)
      tpu.yield
    }) : () -> ()
    %dma_wait3A_62 = arith.constant 0 : i32
    %dma_wait3A_63 = arith.constant 0 : i32
    %dma_wait3A_64 = tpu.memref_slice %arg5[%dma_wait3A_62, %dma_wait3A_63] : memref<100x128xf32, #tpu.memory_space<hbm>> -> memref<80x128xf32, #tpu.memory_space<hbm>>
    %dma_wait3A_65 = arith.constant 0 : i32
    %dma_wait3A_66 = arith.constant 0 : i32
    %dma_wait3A_67 = tpu.memref_slice %arg5[%dma_wait3A_65, %dma_wait3A_66] : memref<100x128xf32, #tpu.memory_space<hbm>> -> memref<80x128xf32, #tpu.memory_space<hbm>>
    tpu.wait_dma2 semaphore(%arg19 : memref<!tpu.dma_semaphore, #tpu.memory_space<semaphore_mem>>) src(%dma_wait3A_67 : memref<80x128xf32, #tpu.memory_space<hbm>>) dst(%arg16 : memref<80x128xf32, #tpu.memory_space<vmem>>)
    %add3A_68 = arith.constant 240 : i32
    %add3A_69 = arith.addi %mul3A_19, %add3A_68 : i32
    "tpu.region"() ({
      %run_scoped3A_132 = tpu.sem_alloc : memref<!tpu.dma_semaphore, #tpu.memory_space<semaphore_mem>>
      %dma_start3A_133 = arith.constant 0 : i32
      %dma_start3A_134 = tpu.memref_slice %arg8[%add3A_69, %dma_start3A_133] : memref<10240x128xf32, #tpu.memory_space<hbm>> -> memref<80x128xf32, #tpu.memory_space<hbm>>
      %dma_start3A_135 = arith.constant 0 : i32
      %dma_start3A_136 = tpu.memref_slice %arg8[%add3A_69, %dma_start3A_135] : memref<10240x128xf32, #tpu.memory_space<hbm>> -> memref<80x128xf32, #tpu.memory_space<hbm>>
      tpu.enqueue_dma source(%arg16 : memref<80x128xf32, #tpu.memory_space<vmem>>) target(%dma_start3A_136 : memref<80x128xf32, #tpu.memory_space<hbm>>) target_semaphore(%run_scoped3A_132 : memref<!tpu.dma_semaphore, #tpu.memory_space<semaphore_mem>>)
      %dma_wait3A_137 = arith.constant 0 : i32
      %dma_wait3A_138 = tpu.memref_slice %arg8[%add3A_69, %dma_wait3A_137] : memref<10240x128xf32, #tpu.memory_space<hbm>> -> memref<80x128xf32, #tpu.memory_space<hbm>>
      %dma_wait3A_139 = arith.constant 0 : i32
      %dma_wait3A_140 = tpu.memref_slice %arg8[%add3A_69, %dma_wait3A_139] : memref<10240x128xf32, #tpu.memory_space<hbm>> -> memref<80x128xf32, #tpu.memory_space<hbm>>
      tpu.wait_dma2 semaphore(%run_scoped3A_132 : memref<!tpu.dma_semaphore, #tpu.memory_space<semaphore_mem>>) src(%arg16 : memref<80x128xf32, #tpu.memory_space<vmem>>) dst(%dma_wait3A_140 : memref<80x128xf32, #tpu.memory_space<hbm>>)
      tpu.yield
    }) : () -> ()
    %scan3A_70 = arith.constant 0 : i32
    %scan3A_71 = arith.constant 0 : i32
    %scan3A_72 = arith.constant 15 : i32
    %scan3A_73 = arith.addi %scan3A_71, %scan3A_72 : i32
    %scan3A_74 = arith.constant 1 : i32
    scf.for %scan3A_132 = %scan3A_71 to %scan3A_73 step %scan3A_74  : i32 {
      %mul3A_133 = arith.constant 8 : i32
      %mul3A_134 = arith.muli %scan3A_132, %mul3A_133 : i32
      %add3A_135 = arith.constant 0 : i32
      %add3A_136 = arith.addi %mul3A_134, %add3A_135 : i32
      %mul3A_137 = arith.constant 80 : i32
      %mul3A_138 = arith.muli %add3A_136, %mul3A_137 : i32
      %dma_start3A_139 = tpu.memref_slice %arg12[%mul3A_138] : memref<10000xi32, #tpu.memory_space<vmem>> -> memref<80xi32, #tpu.memory_space<vmem>>
      %dma_start3A_140 = arith.constant 0 : i32
      %dma_start3A_141 = tpu.memref_slice %arg9[%dma_start3A_140] : memref<10240xf32, #tpu.memory_space<vmem_shared>> -> memref<10240xf32, #tpu.memory_space<vmem_shared>>
      tpu.enqueue_indirect_dma source(%arg11 : memref<80xf32, #tpu.memory_space<vmem>>) target(%dma_start3A_141 : memref<10240xf32, #tpu.memory_space<vmem_shared>>) offsets(%dma_start3A_139 : memref<80xi32, #tpu.memory_space<vmem>>) semaphore(%arg17 : memref<!tpu.dma_semaphore, #tpu.memory_space<semaphore_mem>>) {add = true}
      %mul3A_142 = arith.constant 80 : i32
      %mul3A_143 = arith.muli %add3A_136, %mul3A_142 : i32
      %dma_start3A_144 = tpu.memref_slice %arg13[%mul3A_143] : memref<10000xi32, #tpu.memory_space<vmem>> -> memref<80xi32, #tpu.memory_space<vmem>>
      %dma_start3A_145 = arith.constant 0 : i32
      %dma_start3A_146 = tpu.memref_slice %arg10[%dma_start3A_145] : memref<10240xf32, #tpu.memory_space<vmem_shared>> -> memref<10240xf32, #tpu.memory_space<vmem_shared>>
      tpu.enqueue_indirect_dma source(%arg11 : memref<80xf32, #tpu.memory_space<vmem>>) target(%dma_start3A_146 : memref<10240xf32, #tpu.memory_space<vmem_shared>>) offsets(%dma_start3A_144 : memref<80xi32, #tpu.memory_space<vmem>>) semaphore(%arg17 : memref<!tpu.dma_semaphore, #tpu.memory_space<semaphore_mem>>) {add = true}
      %mul3A_147 = arith.constant 8 : i32
      %mul3A_148 = arith.muli %scan3A_132, %mul3A_147 : i32
      %add3A_149 = arith.constant 1 : i32
      %add3A_150 = arith.addi %mul3A_148, %add3A_149 : i32
      %mul3A_151 = arith.constant 80 : i32
      %mul3A_152 = arith.muli %add3A_150, %mul3A_151 : i32
      %dma_start3A_153 = tpu.memref_slice %arg12[%mul3A_152] : memref<10000xi32, #tpu.memory_space<vmem>> -> memref<80xi32, #tpu.memory_space<vmem>>
      %dma_start3A_154 = arith.constant 0 : i32
      %dma_start3A_155 = tpu.memref_slice %arg9[%dma_start3A_154] : memref<10240xf32, #tpu.memory_space<vmem_shared>> -> memref<10240xf32, #tpu.memory_space<vmem_shared>>
      tpu.enqueue_indirect_dma source(%arg11 : memref<80xf32, #tpu.memory_space<vmem>>) target(%dma_start3A_155 : memref<10240xf32, #tpu.memory_space<vmem_shared>>) offsets(%dma_start3A_153 : memref<80xi32, #tpu.memory_space<vmem>>) semaphore(%arg17 : memref<!tpu.dma_semaphore, #tpu.memory_space<semaphore_mem>>) {add = true}
      %mul3A_156 = arith.constant 80 : i32
      %mul3A_157 = arith.muli %add3A_150, %mul3A_156 : i32
      %dma_start3A_158 = tpu.memref_slice %arg13[%mul3A_157] : memref<10000xi32, #tpu.memory_space<vmem>> -> memref<80xi32, #tpu.memory_space<vmem>>
      %dma_start3A_159 = arith.constant 0 : i32
      %dma_start3A_160 = tpu.memref_slice %arg10[%dma_start3A_159] : memref<10240xf32, #tpu.memory_space<vmem_shared>> -> memref<10240xf32, #tpu.memory_space<vmem_shared>>
      tpu.enqueue_indirect_dma source(%arg11 : memref<80xf32, #tpu.memory_space<vmem>>) target(%dma_start3A_160 : memref<10240xf32, #tpu.memory_space<vmem_shared>>) offsets(%dma_start3A_158 : memref<80xi32, #tpu.memory_space<vmem>>) semaphore(%arg17 : memref<!tpu.dma_semaphore, #tpu.memory_space<semaphore_mem>>) {add = true}
      %mul3A_161 = arith.constant 8 : i32
      %mul3A_162 = arith.muli %scan3A_132, %mul3A_161 : i32
      %add3A_163 = arith.constant 2 : i32
      %add3A_164 = arith.addi %mul3A_162, %add3A_163 : i32
      %mul3A_165 = arith.constant 80 : i32
      %mul3A_166 = arith.muli %add3A_164, %mul3A_165 : i32
      %dma_start3A_167 = tpu.memref_slice %arg12[%mul3A_166] : memref<10000xi32, #tpu.memory_space<vmem>> -> memref<80xi32, #tpu.memory_space<vmem>>
      %dma_start3A_168 = arith.constant 0 : i32
      %dma_start3A_169 = tpu.memref_slice %arg9[%dma_start3A_168] : memref<10240xf32, #tpu.memory_space<vmem_shared>> -> memref<10240xf32, #tpu.memory_space<vmem_shared>>
      tpu.enqueue_indirect_dma source(%arg11 : memref<80xf32, #tpu.memory_space<vmem>>) target(%dma_start3A_169 : memref<10240xf32, #tpu.memory_space<vmem_shared>>) offsets(%dma_start3A_167 : memref<80xi32, #tpu.memory_space<vmem>>) semaphore(%arg17 : memref<!tpu.dma_semaphore, #tpu.memory_space<semaphore_mem>>) {add = true}
      %mul3A_170 = arith.constant 80 : i32
      %mul3A_171 = arith.muli %add3A_164, %mul3A_170 : i32
      %dma_start3A_172 = tpu.memref_slice %arg13[%mul3A_171] : memref<10000xi32, #tpu.memory_space<vmem>> -> memref<80xi32, #tpu.memory_space<vmem>>
      %dma_start3A_173 = arith.constant 0 : i32
      %dma_start3A_174 = tpu.memref_slice %arg10[%dma_start3A_173] : memref<10240xf32, #tpu.memory_space<vmem_shared>> -> memref<10240xf32, #tpu.memory_space<vmem_shared>>
      tpu.enqueue_indirect_dma source(%arg11 : memref<80xf32, #tpu.memory_space<vmem>>) target(%dma_start3A_174 : memref<10240xf32, #tpu.memory_space<vmem_shared>>) offsets(%dma_start3A_172 : memref<80xi32, #tpu.memory_space<vmem>>) semaphore(%arg17 : memref<!tpu.dma_semaphore, #tpu.memory_space<semaphore_mem>>) {add = true}
      %mul3A_175 = arith.constant 8 : i32
      %mul3A_176 = arith.muli %scan3A_132, %mul3A_175 : i32
      %add3A_177 = arith.constant 3 : i32
      %add3A_178 = arith.addi %mul3A_176, %add3A_177 : i32
      %mul3A_179 = arith.constant 80 : i32
      %mul3A_180 = arith.muli %add3A_178, %mul3A_179 : i32
      %dma_start3A_181 = tpu.memref_slice %arg12[%mul3A_180] : memref<10000xi32, #tpu.memory_space<vmem>> -> memref<80xi32, #tpu.memory_space<vmem>>
      %dma_start3A_182 = arith.constant 0 : i32
      %dma_start3A_183 = tpu.memref_slice %arg9[%dma_start3A_182] : memref<10240xf32, #tpu.memory_space<vmem_shared>> -> memref<10240xf32, #tpu.memory_space<vmem_shared>>
      tpu.enqueue_indirect_dma source(%arg11 : memref<80xf32, #tpu.memory_space<vmem>>) target(%dma_start3A_183 : memref<10240xf32, #tpu.memory_space<vmem_shared>>) offsets(%dma_start3A_181 : memref<80xi32, #tpu.memory_space<vmem>>) semaphore(%arg17 : memref<!tpu.dma_semaphore, #tpu.memory_space<semaphore_mem>>) {add = true}
      %mul3A_184 = arith.constant 80 : i32
      %mul3A_185 = arith.muli %add3A_178, %mul3A_184 : i32
      %dma_start3A_186 = tpu.memref_slice %arg13[%mul3A_185] : memref<10000xi32, #tpu.memory_space<vmem>> -> memref<80xi32, #tpu.memory_space<vmem>>
      %dma_start3A_187 = arith.constant 0 : i32
      %dma_start3A_188 = tpu.memref_slice %arg10[%dma_start3A_187] : memref<10240xf32, #tpu.memory_space<vmem_shared>> -> memref<10240xf32, #tpu.memory_space<vmem_shared>>
      tpu.enqueue_indirect_dma source(%arg11 : memref<80xf32, #tpu.memory_space<vmem>>) target(%dma_start3A_188 : memref<10240xf32, #tpu.memory_space<vmem_shared>>) offsets(%dma_start3A_186 : memref<80xi32, #tpu.memory_space<vmem>>) semaphore(%arg17 : memref<!tpu.dma_semaphore, #tpu.memory_space<semaphore_mem>>) {add = true}
      %mul3A_189 = arith.constant 8 : i32
      %mul3A_190 = arith.muli %scan3A_132, %mul3A_189 : i32
      %add3A_191 = arith.constant 4 : i32
      %add3A_192 = arith.addi %mul3A_190, %add3A_191 : i32
      %mul3A_193 = arith.constant 80 : i32
      %mul3A_194 = arith.muli %add3A_192, %mul3A_193 : i32
      %dma_start3A_195 = tpu.memref_slice %arg12[%mul3A_194] : memref<10000xi32, #tpu.memory_space<vmem>> -> memref<80xi32, #tpu.memory_space<vmem>>
      %dma_start3A_196 = arith.constant 0 : i32
      %dma_start3A_197 = tpu.memref_slice %arg9[%dma_start3A_196] : memref<10240xf32, #tpu.memory_space<vmem_shared>> -> memref<10240xf32, #tpu.memory_space<vmem_shared>>
      tpu.enqueue_indirect_dma source(%arg11 : memref<80xf32, #tpu.memory_space<vmem>>) target(%dma_start3A_197 : memref<10240xf32, #tpu.memory_space<vmem_shared>>) offsets(%dma_start3A_195 : memref<80xi32, #tpu.memory_space<vmem>>) semaphore(%arg17 : memref<!tpu.dma_semaphore, #tpu.memory_space<semaphore_mem>>) {add = true}
      %mul3A_198 = arith.constant 80 : i32
      %mul3A_199 = arith.muli %add3A_192, %mul3A_198 : i32
      %dma_start3A_200 = tpu.memref_slice %arg13[%mul3A_199] : memref<10000xi32, #tpu.memory_space<vmem>> -> memref<80xi32, #tpu.memory_space<vmem>>
      %dma_start3A_201 = arith.constant 0 : i32
      %dma_start3A_202 = tpu.memref_slice %arg10[%dma_start3A_201] : memref<10240xf32, #tpu.memory_space<vmem_shared>> -> memref<10240xf32, #tpu.memory_space<vmem_shared>>
      tpu.enqueue_indirect_dma source(%arg11 : memref<80xf32, #tpu.memory_space<vmem>>) target(%dma_start3A_202 : memref<10240xf32, #tpu.memory_space<vmem_shared>>) offsets(%dma_start3A_200 : memref<80xi32, #tpu.memory_space<vmem>>) semaphore(%arg17 : memref<!tpu.dma_semaphore, #tpu.memory_space<semaphore_mem>>) {add = true}
      %mul3A_203 = arith.constant 8 : i32
      %mul3A_204 = arith.muli %scan3A_132, %mul3A_203 : i32
      %add3A_205 = arith.constant 5 : i32
      %add3A_206 = arith.addi %mul3A_204, %add3A_205 : i32
      %mul3A_207 = arith.constant 80 : i32
      %mul3A_208 = arith.muli %add3A_206, %mul3A_207 : i32
      %dma_start3A_209 = tpu.memref_slice %arg12[%mul3A_208] : memref<10000xi32, #tpu.memory_space<vmem>> -> memref<80xi32, #tpu.memory_space<vmem>>
      %dma_start3A_210 = arith.constant 0 : i32
      %dma_start3A_211 = tpu.memref_slice %arg9[%dma_start3A_210] : memref<10240xf32, #tpu.memory_space<vmem_shared>> -> memref<10240xf32, #tpu.memory_space<vmem_shared>>
      tpu.enqueue_indirect_dma source(%arg11 : memref<80xf32, #tpu.memory_space<vmem>>) target(%dma_start3A_211 : memref<10240xf32, #tpu.memory_space<vmem_shared>>) offsets(%dma_start3A_209 : memref<80xi32, #tpu.memory_space<vmem>>) semaphore(%arg17 : memref<!tpu.dma_semaphore, #tpu.memory_space<semaphore_mem>>) {add = true}
      %mul3A_212 = arith.constant 80 : i32
      %mul3A_213 = arith.muli %add3A_206, %mul3A_212 : i32
      %dma_start3A_214 = tpu.memref_slice %arg13[%mul3A_213] : memref<10000xi32, #tpu.memory_space<vmem>> -> memref<80xi32, #tpu.memory_space<vmem>>
      %dma_start3A_215 = arith.constant 0 : i32
      %dma_start3A_216 = tpu.memref_slice %arg10[%dma_start3A_215] : memref<10240xf32, #tpu.memory_space<vmem_shared>> -> memref<10240xf32, #tpu.memory_space<vmem_shared>>
      tpu.enqueue_indirect_dma source(%arg11 : memref<80xf32, #tpu.memory_space<vmem>>) target(%dma_start3A_216 : memref<10240xf32, #tpu.memory_space<vmem_shared>>) offsets(%dma_start3A_214 : memref<80xi32, #tpu.memory_space<vmem>>) semaphore(%arg17 : memref<!tpu.dma_semaphore, #tpu.memory_space<semaphore_mem>>) {add = true}
      %mul3A_217 = arith.constant 8 : i32
      %mul3A_218 = arith.muli %scan3A_132, %mul3A_217 : i32
      %add3A_219 = arith.constant 6 : i32
      %add3A_220 = arith.addi %mul3A_218, %add3A_219 : i32
      %mul3A_221 = arith.constant 80 : i32
      %mul3A_222 = arith.muli %add3A_220, %mul3A_221 : i32
      %dma_start3A_223 = tpu.memref_slice %arg12[%mul3A_222] : memref<10000xi32, #tpu.memory_space<vmem>> -> memref<80xi32, #tpu.memory_space<vmem>>
      %dma_start3A_224 = arith.constant 0 : i32
      %dma_start3A_225 = tpu.memref_slice %arg9[%dma_start3A_224] : memref<10240xf32, #tpu.memory_space<vmem_shared>> -> memref<10240xf32, #tpu.memory_space<vmem_shared>>
      tpu.enqueue_indirect_dma source(%arg11 : memref<80xf32, #tpu.memory_space<vmem>>) target(%dma_start3A_225 : memref<10240xf32, #tpu.memory_space<vmem_shared>>) offsets(%dma_start3A_223 : memref<80xi32, #tpu.memory_space<vmem>>) semaphore(%arg17 : memref<!tpu.dma_semaphore, #tpu.memory_space<semaphore_mem>>) {add = true}
      %mul3A_226 = arith.constant 80 : i32
      %mul3A_227 = arith.muli %add3A_220, %mul3A_226 : i32
      %dma_start3A_228 = tpu.memref_slice %arg13[%mul3A_227] : memref<10000xi32, #tpu.memory_space<vmem>> -> memref<80xi32, #tpu.memory_space<vmem>>
      %dma_start3A_229 = arith.constant 0 : i32
      %dma_start3A_230 = tpu.memref_slice %arg10[%dma_start3A_229] : memref<10240xf32, #tpu.memory_space<vmem_shared>> -> memref<10240xf32, #tpu.memory_space<vmem_shared>>
      tpu.enqueue_indirect_dma source(%arg11 : memref<80xf32, #tpu.memory_space<vmem>>) target(%dma_start3A_230 : memref<10240xf32, #tpu.memory_space<vmem_shared>>) offsets(%dma_start3A_228 : memref<80xi32, #tpu.memory_space<vmem>>) semaphore(%arg17 : memref<!tpu.dma_semaphore, #tpu.memory_space<semaphore_mem>>) {add = true}
      %mul3A_231 = arith.constant 8 : i32
      %mul3A_232 = arith.muli %scan3A_132, %mul3A_231 : i32
      %add3A_233 = arith.constant 7 : i32
      %add3A_234 = arith.addi %mul3A_232, %add3A_233 : i32
      %mul3A_235 = arith.constant 80 : i32
      %mul3A_236 = arith.muli %add3A_234, %mul3A_235 : i32
      %dma_start3A_237 = tpu.memref_slice %arg12[%mul3A_236] : memref<10000xi32, #tpu.memory_space<vmem>> -> memref<80xi32, #tpu.memory_space<vmem>>
      %dma_start3A_238 = arith.constant 0 : i32
      %dma_start3A_239 = tpu.memref_slice %arg9[%dma_start3A_238] : memref<10240xf32, #tpu.memory_space<vmem_shared>> -> memref<10240xf32, #tpu.memory_space<vmem_shared>>
      tpu.enqueue_indirect_dma source(%arg11 : memref<80xf32, #tpu.memory_space<vmem>>) target(%dma_start3A_239 : memref<10240xf32, #tpu.memory_space<vmem_shared>>) offsets(%dma_start3A_237 : memref<80xi32, #tpu.memory_space<vmem>>) semaphore(%arg17 : memref<!tpu.dma_semaphore, #tpu.memory_space<semaphore_mem>>) {add = true}
      %mul3A_240 = arith.constant 80 : i32
      %mul3A_241 = arith.muli %add3A_234, %mul3A_240 : i32
      %dma_start3A_242 = tpu.memref_slice %arg13[%mul3A_241] : memref<10000xi32, #tpu.memory_space<vmem>> -> memref<80xi32, #tpu.memory_space<vmem>>
      %dma_start3A_243 = arith.constant 0 : i32
      %dma_start3A_244 = tpu.memref_slice %arg10[%dma_start3A_243] : memref<10240xf32, #tpu.memory_space<vmem_shared>> -> memref<10240xf32, #tpu.memory_space<vmem_shared>>
      tpu.enqueue_indirect_dma source(%arg11 : memref<80xf32, #tpu.memory_space<vmem>>) target(%dma_start3A_244 : memref<10240xf32, #tpu.memory_space<vmem_shared>>) offsets(%dma_start3A_242 : memref<80xi32, #tpu.memory_space<vmem>>) semaphore(%arg17 : memref<!tpu.dma_semaphore, #tpu.memory_space<semaphore_mem>>) {add = true}
      %scan3A_245 = arith.constant 0 : i32
      %scan3A_246 = arith.constant 0 : i32
      %scan3A_247 = arith.constant 16 : i32
      %scan3A_248 = arith.addi %scan3A_246, %scan3A_247 : i32
      %scan3A_249 = arith.constant 1 : i32
      scf.for %scan3A_251 = %scan3A_246 to %scan3A_248 step %scan3A_249  : i32 {
        %dma_wait3A_252 = arith.constant 0 : i32
        %dma_wait3A_253 = tpu.memref_slice %arg6[%dma_wait3A_252] : memref<640xf32, #tpu.memory_space<hbm>> -> memref<80xf32, #tpu.memory_space<hbm>>
        %dma_wait3A_254 = arith.constant 0 : i32
        %dma_wait3A_255 = tpu.memref_slice %arg6[%dma_wait3A_254] : memref<640xf32, #tpu.memory_space<hbm>> -> memref<80xf32, #tpu.memory_space<hbm>>
        tpu.wait_dma2 semaphore(%arg17 : memref<!tpu.dma_semaphore, #tpu.memory_space<semaphore_mem>>) src(%dma_wait3A_255 : memref<80xf32, #tpu.memory_space<hbm>>) dst(%arg11 : memref<80xf32, #tpu.memory_space<vmem>>)
      }
      %scan3A_250 = arith.constant 16 : i32
    }
    %scan3A_75 = arith.constant 15 : i32
    %dma_start3A_76 = arith.constant 9600 : i32
    %dma_start3A_77 = tpu.memref_slice %arg12[%dma_start3A_76] : memref<10000xi32, #tpu.memory_space<vmem>> -> memref<80xi32, #tpu.memory_space<vmem>>
    %dma_start3A_78 = arith.constant 0 : i32
    %dma_start3A_79 = tpu.memref_slice %arg9[%dma_start3A_78] : memref<10240xf32, #tpu.memory_space<vmem_shared>> -> memref<10240xf32, #tpu.memory_space<vmem_shared>>
    tpu.enqueue_indirect_dma source(%arg11 : memref<80xf32, #tpu.memory_space<vmem>>) target(%dma_start3A_79 : memref<10240xf32, #tpu.memory_space<vmem_shared>>) offsets(%dma_start3A_77 : memref<80xi32, #tpu.memory_space<vmem>>) semaphore(%arg17 : memref<!tpu.dma_semaphore, #tpu.memory_space<semaphore_mem>>) {add = true}
    %dma_start3A_80 = arith.constant 9600 : i32
    %dma_start3A_81 = tpu.memref_slice %arg13[%dma_start3A_80] : memref<10000xi32, #tpu.memory_space<vmem>> -> memref<80xi32, #tpu.memory_space<vmem>>
    %dma_start3A_82 = arith.constant 0 : i32
    %dma_start3A_83 = tpu.memref_slice %arg10[%dma_start3A_82] : memref<10240xf32, #tpu.memory_space<vmem_shared>> -> memref<10240xf32, #tpu.memory_space<vmem_shared>>
    tpu.enqueue_indirect_dma source(%arg11 : memref<80xf32, #tpu.memory_space<vmem>>) target(%dma_start3A_83 : memref<10240xf32, #tpu.memory_space<vmem_shared>>) offsets(%dma_start3A_81 : memref<80xi32, #tpu.memory_space<vmem>>) semaphore(%arg17 : memref<!tpu.dma_semaphore, #tpu.memory_space<semaphore_mem>>) {add = true}
    %dma_start3A_84 = arith.constant 9680 : i32
    %dma_start3A_85 = tpu.memref_slice %arg12[%dma_start3A_84] : memref<10000xi32, #tpu.memory_space<vmem>> -> memref<80xi32, #tpu.memory_space<vmem>>
    %dma_start3A_86 = arith.constant 0 : i32
    %dma_start3A_87 = tpu.memref_slice %arg9[%dma_start3A_86] : memref<10240xf32, #tpu.memory_space<vmem_shared>> -> memref<10240xf32, #tpu.memory_space<vmem_shared>>
    tpu.enqueue_indirect_dma source(%arg11 : memref<80xf32, #tpu.memory_space<vmem>>) target(%dma_start3A_87 : memref<10240xf32, #tpu.memory_space<vmem_shared>>) offsets(%dma_start3A_85 : memref<80xi32, #tpu.memory_space<vmem>>) semaphore(%arg17 : memref<!tpu.dma_semaphore, #tpu.memory_space<semaphore_mem>>) {add = true}
    %dma_start3A_88 = arith.constant 9680 : i32
    %dma_start3A_89 = tpu.memref_slice %arg13[%dma_start3A_88] : memref<10000xi32, #tpu.memory_space<vmem>> -> memref<80xi32, #tpu.memory_space<vmem>>
    %dma_start3A_90 = arith.constant 0 : i32
    %dma_start3A_91 = tpu.memref_slice %arg10[%dma_start3A_90] : memref<10240xf32, #tpu.memory_space<vmem_shared>> -> memref<10240xf32, #tpu.memory_space<vmem_shared>>
    tpu.enqueue_indirect_dma source(%arg11 : memref<80xf32, #tpu.memory_space<vmem>>) target(%dma_start3A_91 : memref<10240xf32, #tpu.memory_space<vmem_shared>>) offsets(%dma_start3A_89 : memref<80xi32, #tpu.memory_space<vmem>>) semaphore(%arg17 : memref<!tpu.dma_semaphore, #tpu.memory_space<semaphore_mem>>) {add = true}
    %dma_start3A_92 = arith.constant 9760 : i32
    %dma_start3A_93 = tpu.memref_slice %arg12[%dma_start3A_92] : memref<10000xi32, #tpu.memory_space<vmem>> -> memref<80xi32, #tpu.memory_space<vmem>>
    %dma_start3A_94 = arith.constant 0 : i32
    %dma_start3A_95 = tpu.memref_slice %arg9[%dma_start3A_94] : memref<10240xf32, #tpu.memory_space<vmem_shared>> -> memref<10240xf32, #tpu.memory_space<vmem_shared>>
    tpu.enqueue_indirect_dma source(%arg11 : memref<80xf32, #tpu.memory_space<vmem>>) target(%dma_start3A_95 : memref<10240xf32, #tpu.memory_space<vmem_shared>>) offsets(%dma_start3A_93 : memref<80xi32, #tpu.memory_space<vmem>>) semaphore(%arg17 : memref<!tpu.dma_semaphore, #tpu.memory_space<semaphore_mem>>) {add = true}
    %dma_start3A_96 = arith.constant 9760 : i32
    %dma_start3A_97 = tpu.memref_slice %arg13[%dma_start3A_96] : memref<10000xi32, #tpu.memory_space<vmem>> -> memref<80xi32, #tpu.memory_space<vmem>>
    %dma_start3A_98 = arith.constant 0 : i32
    %dma_start3A_99 = tpu.memref_slice %arg10[%dma_start3A_98] : memref<10240xf32, #tpu.memory_space<vmem_shared>> -> memref<10240xf32, #tpu.memory_space<vmem_shared>>
    tpu.enqueue_indirect_dma source(%arg11 : memref<80xf32, #tpu.memory_space<vmem>>) target(%dma_start3A_99 : memref<10240xf32, #tpu.memory_space<vmem_shared>>) offsets(%dma_start3A_97 : memref<80xi32, #tpu.memory_space<vmem>>) semaphore(%arg17 : memref<!tpu.dma_semaphore, #tpu.memory_space<semaphore_mem>>) {add = true}
    %dma_start3A_100 = arith.constant 9840 : i32
    %dma_start3A_101 = tpu.memref_slice %arg12[%dma_start3A_100] : memref<10000xi32, #tpu.memory_space<vmem>> -> memref<80xi32, #tpu.memory_space<vmem>>
    %dma_start3A_102 = arith.constant 0 : i32
    %dma_start3A_103 = tpu.memref_slice %arg9[%dma_start3A_102] : memref<10240xf32, #tpu.memory_space<vmem_shared>> -> memref<10240xf32, #tpu.memory_space<vmem_shared>>
    tpu.enqueue_indirect_dma source(%arg11 : memref<80xf32, #tpu.memory_space<vmem>>) target(%dma_start3A_103 : memref<10240xf32, #tpu.memory_space<vmem_shared>>) offsets(%dma_start3A_101 : memref<80xi32, #tpu.memory_space<vmem>>) semaphore(%arg17 : memref<!tpu.dma_semaphore, #tpu.memory_space<semaphore_mem>>) {add = true}
    %dma_start3A_104 = arith.constant 9840 : i32
    %dma_start3A_105 = tpu.memref_slice %arg13[%dma_start3A_104] : memref<10000xi32, #tpu.memory_space<vmem>> -> memref<80xi32, #tpu.memory_space<vmem>>
    %dma_start3A_106 = arith.constant 0 : i32
    %dma_start3A_107 = tpu.memref_slice %arg10[%dma_start3A_106] : memref<10240xf32, #tpu.memory_space<vmem_shared>> -> memref<10240xf32, #tpu.memory_space<vmem_shared>>
    tpu.enqueue_indirect_dma source(%arg11 : memref<80xf32, #tpu.memory_space<vmem>>) target(%dma_start3A_107 : memref<10240xf32, #tpu.memory_space<vmem_shared>>) offsets(%dma_start3A_105 : memref<80xi32, #tpu.memory_space<vmem>>) semaphore(%arg17 : memref<!tpu.dma_semaphore, #tpu.memory_space<semaphore_mem>>) {add = true}
    %dma_start3A_108 = arith.constant 9920 : i32
    %dma_start3A_109 = tpu.memref_slice %arg12[%dma_start3A_108] : memref<10000xi32, #tpu.memory_space<vmem>> -> memref<80xi32, #tpu.memory_space<vmem>>
    %dma_start3A_110 = arith.constant 0 : i32
    %dma_start3A_111 = tpu.memref_slice %arg9[%dma_start3A_110] : memref<10240xf32, #tpu.memory_space<vmem_shared>> -> memref<10240xf32, #tpu.memory_space<vmem_shared>>
    tpu.enqueue_indirect_dma source(%arg11 : memref<80xf32, #tpu.memory_space<vmem>>) target(%dma_start3A_111 : memref<10240xf32, #tpu.memory_space<vmem_shared>>) offsets(%dma_start3A_109 : memref<80xi32, #tpu.memory_space<vmem>>) semaphore(%arg17 : memref<!tpu.dma_semaphore, #tpu.memory_space<semaphore_mem>>) {add = true}
    %dma_start3A_112 = arith.constant 9920 : i32
    %dma_start3A_113 = tpu.memref_slice %arg13[%dma_start3A_112] : memref<10000xi32, #tpu.memory_space<vmem>> -> memref<80xi32, #tpu.memory_space<vmem>>
    %dma_start3A_114 = arith.constant 0 : i32
    %dma_start3A_115 = tpu.memref_slice %arg10[%dma_start3A_114] : memref<10240xf32, #tpu.memory_space<vmem_shared>> -> memref<10240xf32, #tpu.memory_space<vmem_shared>>
    tpu.enqueue_indirect_dma source(%arg11 : memref<80xf32, #tpu.memory_space<vmem>>) target(%dma_start3A_115 : memref<10240xf32, #tpu.memory_space<vmem_shared>>) offsets(%dma_start3A_113 : memref<80xi32, #tpu.memory_space<vmem>>) semaphore(%arg17 : memref<!tpu.dma_semaphore, #tpu.memory_space<semaphore_mem>>) {add = true}
    %scan3A_116 = arith.constant 0 : i32
    %scan3A_117 = arith.constant 0 : i32
    %scan3A_118 = arith.constant 10 : i32
    %scan3A_119 = arith.addi %scan3A_117, %scan3A_118 : i32
    %scan3A_120 = arith.constant 1 : i32
    scf.for %scan3A_132 = %scan3A_117 to %scan3A_119 step %scan3A_120  : i32 {
      %dma_wait3A_133 = arith.constant 0 : i32
      %dma_wait3A_134 = tpu.memref_slice %arg6[%dma_wait3A_133] : memref<640xf32, #tpu.memory_space<hbm>> -> memref<80xf32, #tpu.memory_space<hbm>>
      %dma_wait3A_135 = arith.constant 0 : i32
      %dma_wait3A_136 = tpu.memref_slice %arg6[%dma_wait3A_135] : memref<640xf32, #tpu.memory_space<hbm>> -> memref<80xf32, #tpu.memory_space<hbm>>
      tpu.wait_dma2 semaphore(%arg17 : memref<!tpu.dma_semaphore, #tpu.memory_space<semaphore_mem>>) src(%dma_wait3A_136 : memref<80xf32, #tpu.memory_space<hbm>>) dst(%arg11 : memref<80xf32, #tpu.memory_space<vmem>>)
    }
    %scan3A_121 = arith.constant 10 : i32
    %barrier3A_122 = arith.constant 0 : index
    tpu.barrier barrier_id(%barrier3A_122)
    %mul3A_123 = arith.constant 640 : i32
    %mul3A_124 = arith.muli %arg1, %mul3A_123 : i32
    %mul3A_125 = arith.constant 640 : i32
    %mul3A_126 = arith.muli %arg1, %mul3A_125 : i32
    %run_scoped3A = arith.constant 0 : i32
    "tpu.region"() ({
      %run_scoped3A_132 = tpu.sem_alloc : memref<!tpu.dma_semaphore, #tpu.memory_space<semaphore_mem>>
      %dma_start3A_133 = tpu.memref_slice %arg7[%arg0, %run_scoped3A, %mul3A_126] : memref<2x2x10240xf32, #tpu.memory_space<hbm>> -> memref<1x1x640xf32, #tpu.memory_space<hbm>>
      %dma_start3A_134 = tpu.memref_squeeze %dma_start3A_133 : memref<1x1x640xf32, #tpu.memory_space<hbm>> -> memref<640xf32, #tpu.memory_space<hbm>>
      %dma_start3A_135 = tpu.memref_slice %arg9[%mul3A_124] : memref<10240xf32, #tpu.memory_space<vmem_shared>> -> memref<640xf32, #tpu.memory_space<vmem_shared>>
      tpu.enqueue_dma source(%dma_start3A_135 : memref<640xf32, #tpu.memory_space<vmem_shared>>) target(%dma_start3A_134 : memref<640xf32, #tpu.memory_space<hbm>>) target_semaphore(%run_scoped3A_132 : memref<!tpu.dma_semaphore, #tpu.memory_space<semaphore_mem>>)
      %dma_wait3A_136 = tpu.memref_slice %arg7[%arg0, %run_scoped3A, %mul3A_126] : memref<2x2x10240xf32, #tpu.memory_space<hbm>> -> memref<1x1x640xf32, #tpu.memory_space<hbm>>
      %dma_wait3A_137 = tpu.memref_squeeze %dma_wait3A_136 : memref<1x1x640xf32, #tpu.memory_space<hbm>> -> memref<640xf32, #tpu.memory_space<hbm>>
      %dma_wait3A_138 = tpu.memref_slice %arg9[%mul3A_124] : memref<10240xf32, #tpu.memory_space<vmem_shared>> -> memref<640xf32, #tpu.memory_space<vmem_shared>>
      tpu.wait_dma2 semaphore(%run_scoped3A_132 : memref<!tpu.dma_semaphore, #tpu.memory_space<semaphore_mem>>) src(%dma_wait3A_138 : memref<640xf32, #tpu.memory_space<vmem_shared>>) dst(%dma_wait3A_137 : memref<640xf32, #tpu.memory_space<hbm>>)
      tpu.yield
    }) : () -> ()
    %mul3A_127 = arith.constant 640 : i32
    %mul3A_128 = arith.muli %arg1, %mul3A_127 : i32
    %mul3A_129 = arith.constant 640 : i32
    %mul3A_130 = arith.muli %arg1, %mul3A_129 : i32
    %run_scoped3A_131 = arith.constant 1 : i32
    "tpu.region"() ({
      %run_scoped3A_132 = tpu.sem_alloc : memref<!tpu.dma_semaphore, #tpu.memory_space<semaphore_mem>>
      %dma_start3A_133 = tpu.memref_slice %arg7[%arg0, %run_scoped3A_131, %mul3A_130] : memref<2x2x10240xf32, #tpu.memory_space<hbm>> -> memref<1x1x640xf32, #tpu.memory_space<hbm>>
      %dma_start3A_134 = tpu.memref_squeeze %dma_start3A_133 : memref<1x1x640xf32, #tpu.memory_space<hbm>> -> memref<640xf32, #tpu.memory_space<hbm>>
      %dma_start3A_135 = tpu.memref_slice %arg10[%mul3A_128] : memref<10240xf32, #tpu.memory_space<vmem_shared>> -> memref<640xf32, #tpu.memory_space<vmem_shared>>
      tpu.enqueue_dma source(%dma_start3A_135 : memref<640xf32, #tpu.memory_space<vmem_shared>>) target(%dma_start3A_134 : memref<640xf32, #tpu.memory_space<hbm>>) target_semaphore(%run_scoped3A_132 : memref<!tpu.dma_semaphore, #tpu.memory_space<semaphore_mem>>)
      %dma_wait3A_136 = tpu.memref_slice %arg7[%arg0, %run_scoped3A_131, %mul3A_130] : memref<2x2x10240xf32, #tpu.memory_space<hbm>> -> memref<1x1x640xf32, #tpu.memory_space<hbm>>
      %dma_wait3A_137 = tpu.memref_squeeze %dma_wait3A_136 : memref<1x1x640xf32, #tpu.memory_space<hbm>> -> memref<640xf32, #tpu.memory_space<hbm>>
      %dma_wait3A_138 = tpu.memref_slice %arg10[%mul3A_128] : memref<10240xf32, #tpu.memory_space<vmem_shared>> -> memref<640xf32, #tpu.memory_space<vmem_shared>>
      tpu.wait_dma2 semaphore(%run_scoped3A_132 : memref<!tpu.dma_semaphore, #tpu.memory_space<semaphore_mem>>) src(%dma_wait3A_138 : memref<640xf32, #tpu.memory_space<vmem_shared>>) dst(%dma_wait3A_137 : memref<640xf32, #tpu.memory_space<hbm>>)
      tpu.yield
    }) : () -> ()
    return
  }
}

#map = affine_map<(d0, d1) -> (0, 0)>
#map1 = affine_map<(d0, d1) -> (0)>
#map2 = affine_map<(d0, d1) -> (0, 0, 0)>
module attributes {stable_mosaic.version = 14 : i64} {
  func.func @_sc_scatter_body(%arg0: i32, %arg1: i32, %arg2: memref<10240x128xf32, #tpu.memory_space<hbm>>, %arg3: memref<320000xi32, #tpu.memory_space<hbm>>, %arg4: memref<320000xi32, #tpu.memory_space<hbm>>, %arg5: memref<640x128xf32, #tpu.memory_space<hbm>>, %arg6: memref<2x10240x128xf32, #tpu.memory_space<hbm>>, %arg7: memref<10240x128xf32, #tpu.memory_space<vmem_shared>>, %arg8: memref<4800xi32, #tpu.memory_space<vmem>>, %arg9: memref<4800xi32, #tpu.memory_space<vmem>>, %arg10: memref<80x128xf32, #tpu.memory_space<vmem>>, %arg11: memref<80x128xf32, #tpu.memory_space<vmem>>, %arg12: memref<80x128xf32, #tpu.memory_space<vmem>>, %arg13: memref<!tpu.dma_semaphore, #tpu.memory_space<semaphore_mem>>, %arg14: memref<!tpu.dma_semaphore, #tpu.memory_space<semaphore_mem>>, %arg15: memref<!tpu.dma_semaphore, #tpu.memory_space<semaphore_mem>>, %arg16: memref<!tpu.dma_semaphore, #tpu.memory_space<semaphore_mem>>, %arg17: memref<!tpu.dma_semaphore, #tpu.memory_space<semaphore_mem>>, %arg18: memref<!tpu.dma_semaphore, #tpu.memory_space<semaphore_mem>>) attributes {dimension_semantics = [#tpu.dimension_semantics<core_parallel>, #tpu.dimension_semantics<subcore_parallel>], iteration_bounds = array<i64: 2, 16>, scalar_prefetch = 0 : i64, scratch_operands = 12 : i64, tpu.core_type = #tpu.core_type<sc_vector_subcore>, window_params = [{transform_indices = #map}, {transform_indices = #map1}, {transform_indices = #map1}, {transform_indices = #map}, {transform_indices = #map2}]} {
    %mul3A = arith.constant 16 : i32
    %mul3A_0 = arith.muli %arg0, %mul3A : i32
    %add3A = arith.addi %mul3A_0, %arg1 : i32
    %mul3A_1 = arith.constant 10000 : i32
    %mul3A_2 = arith.muli %add3A, %mul3A_1 : i32
    %mul3A_3 = arith.constant 640 : i32
    %mul3A_4 = arith.muli %arg1, %mul3A_3 : i32
    "tpu.region"() ({
      %run_scoped3A = tpu.sem_alloc : memref<!tpu.dma_semaphore, #tpu.memory_space<semaphore_mem>>
      %dma_start3A_133 = arith.constant 0 : i32
      %dma_start3A_134 = tpu.memref_slice %arg7[%mul3A_4, %dma_start3A_133] : memref<10240x128xf32, #tpu.memory_space<vmem_shared>> -> memref<640x128xf32, #tpu.memory_space<vmem_shared>>
      tpu.enqueue_dma source(%arg5 : memref<640x128xf32, #tpu.memory_space<hbm>>) target(%dma_start3A_134 : memref<640x128xf32, #tpu.memory_space<vmem_shared>>) target_semaphore(%run_scoped3A : memref<!tpu.dma_semaphore, #tpu.memory_space<semaphore_mem>>)
      %dma_wait3A_135 = arith.constant 0 : i32
      %dma_wait3A_136 = tpu.memref_slice %arg7[%mul3A_4, %dma_wait3A_135] : memref<10240x128xf32, #tpu.memory_space<vmem_shared>> -> memref<640x128xf32, #tpu.memory_space<vmem_shared>>
      tpu.wait_dma2 semaphore(%run_scoped3A : memref<!tpu.dma_semaphore, #tpu.memory_space<semaphore_mem>>) src(%arg5 : memref<640x128xf32, #tpu.memory_space<hbm>>) dst(%dma_wait3A_136 : memref<640x128xf32, #tpu.memory_space<vmem_shared>>)
      tpu.yield
    }) : () -> ()
    %barrier3A = arith.constant 0 : index
    tpu.barrier barrier_id(%barrier3A)
    %add3A_5 = arith.constant 0 : i32
    %add3A_6 = arith.addi %mul3A_2, %add3A_5 : i32
    "tpu.region"() ({
      %run_scoped3A = tpu.sem_alloc : memref<!tpu.dma_semaphore, #tpu.memory_space<semaphore_mem>>
      %dma_start3A_133 = arith.constant 0 : i32
      %dma_start3A_134 = tpu.memref_slice %arg8[%dma_start3A_133] : memref<4800xi32, #tpu.memory_space<vmem>> -> memref<4800xi32, #tpu.memory_space<vmem>>
      %dma_start3A_135 = tpu.memref_slice %arg3[%add3A_6] : memref<320000xi32, #tpu.memory_space<hbm>> -> memref<4800xi32, #tpu.memory_space<hbm>>
      %dma_start3A_136 = arith.constant 0 : i32
      %dma_start3A_137 = tpu.memref_slice %arg8[%dma_start3A_136] : memref<4800xi32, #tpu.memory_space<vmem>> -> memref<4800xi32, #tpu.memory_space<vmem>>
      %dma_start3A_138 = tpu.memref_slice %arg3[%add3A_6] : memref<320000xi32, #tpu.memory_space<hbm>> -> memref<4800xi32, #tpu.memory_space<hbm>>
      tpu.enqueue_dma source(%dma_start3A_138 : memref<4800xi32, #tpu.memory_space<hbm>>) target(%dma_start3A_137 : memref<4800xi32, #tpu.memory_space<vmem>>) target_semaphore(%run_scoped3A : memref<!tpu.dma_semaphore, #tpu.memory_space<semaphore_mem>>)
      %dma_wait3A_139 = arith.constant 0 : i32
      %dma_wait3A_140 = tpu.memref_slice %arg8[%dma_wait3A_139] : memref<4800xi32, #tpu.memory_space<vmem>> -> memref<4800xi32, #tpu.memory_space<vmem>>
      %dma_wait3A_141 = tpu.memref_slice %arg3[%add3A_6] : memref<320000xi32, #tpu.memory_space<hbm>> -> memref<4800xi32, #tpu.memory_space<hbm>>
      %dma_wait3A_142 = arith.constant 0 : i32
      %dma_wait3A_143 = tpu.memref_slice %arg8[%dma_wait3A_142] : memref<4800xi32, #tpu.memory_space<vmem>> -> memref<4800xi32, #tpu.memory_space<vmem>>
      %dma_wait3A_144 = tpu.memref_slice %arg3[%add3A_6] : memref<320000xi32, #tpu.memory_space<hbm>> -> memref<4800xi32, #tpu.memory_space<hbm>>
      tpu.wait_dma2 semaphore(%run_scoped3A : memref<!tpu.dma_semaphore, #tpu.memory_space<semaphore_mem>>) src(%dma_wait3A_144 : memref<4800xi32, #tpu.memory_space<hbm>>) dst(%dma_wait3A_143 : memref<4800xi32, #tpu.memory_space<vmem>>)
      tpu.yield
    }) : () -> ()
    "tpu.region"() ({
      %run_scoped3A = tpu.sem_alloc : memref<!tpu.dma_semaphore, #tpu.memory_space<semaphore_mem>>
      %dma_start3A_133 = arith.constant 0 : i32
      %dma_start3A_134 = tpu.memref_slice %arg9[%dma_start3A_133] : memref<4800xi32, #tpu.memory_space<vmem>> -> memref<4800xi32, #tpu.memory_space<vmem>>
      %dma_start3A_135 = tpu.memref_slice %arg4[%add3A_6] : memref<320000xi32, #tpu.memory_space<hbm>> -> memref<4800xi32, #tpu.memory_space<hbm>>
      %dma_start3A_136 = arith.constant 0 : i32
      %dma_start3A_137 = tpu.memref_slice %arg9[%dma_start3A_136] : memref<4800xi32, #tpu.memory_space<vmem>> -> memref<4800xi32, #tpu.memory_space<vmem>>
      %dma_start3A_138 = tpu.memref_slice %arg4[%add3A_6] : memref<320000xi32, #tpu.memory_space<hbm>> -> memref<4800xi32, #tpu.memory_space<hbm>>
      tpu.enqueue_dma source(%dma_start3A_138 : memref<4800xi32, #tpu.memory_space<hbm>>) target(%dma_start3A_137 : memref<4800xi32, #tpu.memory_space<vmem>>) target_semaphore(%run_scoped3A : memref<!tpu.dma_semaphore, #tpu.memory_space<semaphore_mem>>)
      %dma_wait3A_139 = arith.constant 0 : i32
      %dma_wait3A_140 = tpu.memref_slice %arg9[%dma_wait3A_139] : memref<4800xi32, #tpu.memory_space<vmem>> -> memref<4800xi32, #tpu.memory_space<vmem>>
      %dma_wait3A_141 = tpu.memref_slice %arg4[%add3A_6] : memref<320000xi32, #tpu.memory_space<hbm>> -> memref<4800xi32, #tpu.memory_space<hbm>>
      %dma_wait3A_142 = arith.constant 0 : i32
      %dma_wait3A_143 = tpu.memref_slice %arg9[%dma_wait3A_142] : memref<4800xi32, #tpu.memory_space<vmem>> -> memref<4800xi32, #tpu.memory_space<vmem>>
      %dma_wait3A_144 = tpu.memref_slice %arg4[%add3A_6] : memref<320000xi32, #tpu.memory_space<hbm>> -> memref<4800xi32, #tpu.memory_space<hbm>>
      tpu.wait_dma2 semaphore(%run_scoped3A : memref<!tpu.dma_semaphore, #tpu.memory_space<semaphore_mem>>) src(%dma_wait3A_144 : memref<4800xi32, #tpu.memory_space<hbm>>) dst(%dma_wait3A_143 : memref<4800xi32, #tpu.memory_space<vmem>>)
      tpu.yield
    }) : () -> ()
    %dma_start3A = arith.constant 0 : i32
    %dma_start3A_7 = tpu.memref_slice %arg8[%dma_start3A] : memref<4800xi32, #tpu.memory_space<vmem>> -> memref<80xi32, #tpu.memory_space<vmem>>
    %dma_start3A_8 = arith.constant 0 : i32
    %dma_start3A_9 = arith.constant 0 : i32
    %dma_start3A_10 = tpu.memref_slice %arg2[%dma_start3A_8, %dma_start3A_9] : memref<10240x128xf32, #tpu.memory_space<hbm>> -> memref<10240x128xf32, #tpu.memory_space<hbm>>
    tpu.enqueue_indirect_dma source(%dma_start3A_10 : memref<10240x128xf32, #tpu.memory_space<hbm>>) target(%arg10 : memref<80x128xf32, #tpu.memory_space<vmem>>) offsets(%dma_start3A_7 : memref<80xi32, #tpu.memory_space<vmem>>) semaphore(%arg13 : memref<!tpu.dma_semaphore, #tpu.memory_space<semaphore_mem>>)
    %dma_start3A_11 = arith.constant 80 : i32
    %dma_start3A_12 = tpu.memref_slice %arg8[%dma_start3A_11] : memref<4800xi32, #tpu.memory_space<vmem>> -> memref<80xi32, #tpu.memory_space<vmem>>
    %dma_start3A_13 = arith.constant 0 : i32
    %dma_start3A_14 = arith.constant 0 : i32
    %dma_start3A_15 = tpu.memref_slice %arg2[%dma_start3A_13, %dma_start3A_14] : memref<10240x128xf32, #tpu.memory_space<hbm>> -> memref<10240x128xf32, #tpu.memory_space<hbm>>
    tpu.enqueue_indirect_dma source(%dma_start3A_15 : memref<10240x128xf32, #tpu.memory_space<hbm>>) target(%arg11 : memref<80x128xf32, #tpu.memory_space<vmem>>) offsets(%dma_start3A_12 : memref<80xi32, #tpu.memory_space<vmem>>) semaphore(%arg14 : memref<!tpu.dma_semaphore, #tpu.memory_space<semaphore_mem>>)
    %dma_start3A_16 = arith.constant 160 : i32
    %dma_start3A_17 = tpu.memref_slice %arg8[%dma_start3A_16] : memref<4800xi32, #tpu.memory_space<vmem>> -> memref<80xi32, #tpu.memory_space<vmem>>
    %dma_start3A_18 = arith.constant 0 : i32
    %dma_start3A_19 = arith.constant 0 : i32
    %dma_start3A_20 = tpu.memref_slice %arg2[%dma_start3A_18, %dma_start3A_19] : memref<10240x128xf32, #tpu.memory_space<hbm>> -> memref<10240x128xf32, #tpu.memory_space<hbm>>
    tpu.enqueue_indirect_dma source(%dma_start3A_20 : memref<10240x128xf32, #tpu.memory_space<hbm>>) target(%arg12 : memref<80x128xf32, #tpu.memory_space<vmem>>) offsets(%dma_start3A_17 : memref<80xi32, #tpu.memory_space<vmem>>) semaphore(%arg15 : memref<!tpu.dma_semaphore, #tpu.memory_space<semaphore_mem>>)
    %scan3A = arith.constant 0 : i32
    %scan3A_21 = arith.constant 0 : i32
    %scan3A_22 = arith.constant 20 : i32
    %scan3A_23 = arith.addi %scan3A_21, %scan3A_22 : i32
    %scan3A_24 = arith.constant 1 : i32
    scf.for %scan3A_133 = %scan3A_21 to %scan3A_23 step %scan3A_24  : i32 {
      %mul3A_134 = arith.constant 3 : i32
      %mul3A_135 = arith.muli %mul3A_134, %scan3A_133 : i32
      %add3A_136 = arith.constant 0 : i32
      %add3A_137 = arith.addi %mul3A_135, %add3A_136 : i32
      %dma_wait3A_138 = arith.constant 0 : i32
      %dma_wait3A_139 = arith.constant 0 : i32
      %dma_wait3A_140 = tpu.memref_slice %arg2[%dma_wait3A_138, %dma_wait3A_139] : memref<10240x128xf32, #tpu.memory_space<hbm>> -> memref<80x128xf32, #tpu.memory_space<hbm>>
      %dma_wait3A_141 = arith.constant 0 : i32
      %dma_wait3A_142 = arith.constant 0 : i32
      %dma_wait3A_143 = tpu.memref_slice %arg2[%dma_wait3A_141, %dma_wait3A_142] : memref<10240x128xf32, #tpu.memory_space<hbm>> -> memref<80x128xf32, #tpu.memory_space<hbm>>
      tpu.wait_dma2 semaphore(%arg13 : memref<!tpu.dma_semaphore, #tpu.memory_space<semaphore_mem>>) src(%dma_wait3A_143 : memref<80x128xf32, #tpu.memory_space<hbm>>) dst(%arg10 : memref<80x128xf32, #tpu.memory_space<vmem>>)
      %add3A_144 = arith.constant 3 : i32
      %add3A_145 = arith.addi %add3A_137, %add3A_144 : i32
      %lt3A_146 = arith.constant 60 : i32
      %lt3A_147 = arith.cmpi slt, %add3A_145, %lt3A_146 : i32
      %convert_element_type3A_148 = arith.extui %lt3A_147 : i1 to i32
      %cond3A_149 = arith.constant 0 : i32
      %cond3A_150 = arith.cmpi ne, %convert_element_type3A_148, %cond3A_149 : i32
      scf.if %cond3A_150 {
        %add3A_185 = arith.constant 3 : i32
        %add3A_186 = arith.addi %add3A_137, %add3A_185 : i32
        %mul3A_187 = arith.constant 80 : i32
        %mul3A_188 = arith.muli %add3A_186, %mul3A_187 : i32
        %dma_start3A_189 = tpu.memref_slice %arg8[%mul3A_188] : memref<4800xi32, #tpu.memory_space<vmem>> -> memref<80xi32, #tpu.memory_space<vmem>>
        %dma_start3A_190 = arith.constant 0 : i32
        %dma_start3A_191 = arith.constant 0 : i32
        %dma_start3A_192 = tpu.memref_slice %arg2[%dma_start3A_190, %dma_start3A_191] : memref<10240x128xf32, #tpu.memory_space<hbm>> -> memref<10240x128xf32, #tpu.memory_space<hbm>>
        tpu.enqueue_indirect_dma source(%dma_start3A_192 : memref<10240x128xf32, #tpu.memory_space<hbm>>) target(%arg10 : memref<80x128xf32, #tpu.memory_space<vmem>>) offsets(%dma_start3A_189 : memref<80xi32, #tpu.memory_space<vmem>>) semaphore(%arg13 : memref<!tpu.dma_semaphore, #tpu.memory_space<semaphore_mem>>)
      } else {
      }
      %mul3A_151 = arith.constant 3 : i32
      %mul3A_152 = arith.muli %mul3A_151, %scan3A_133 : i32
      %add3A_153 = arith.constant 1 : i32
      %add3A_154 = arith.addi %mul3A_152, %add3A_153 : i32
      %dma_wait3A_155 = arith.constant 0 : i32
      %dma_wait3A_156 = arith.constant 0 : i32
      %dma_wait3A_157 = tpu.memref_slice %arg2[%dma_wait3A_155, %dma_wait3A_156] : memref<10240x128xf32, #tpu.memory_space<hbm>> -> memref<80x128xf32, #tpu.memory_space<hbm>>
      %dma_wait3A_158 = arith.constant 0 : i32
      %dma_wait3A_159 = arith.constant 0 : i32
      %dma_wait3A_160 = tpu.memref_slice %arg2[%dma_wait3A_158, %dma_wait3A_159] : memref<10240x128xf32, #tpu.memory_space<hbm>> -> memref<80x128xf32, #tpu.memory_space<hbm>>
      tpu.wait_dma2 semaphore(%arg14 : memref<!tpu.dma_semaphore, #tpu.memory_space<semaphore_mem>>) src(%dma_wait3A_160 : memref<80x128xf32, #tpu.memory_space<hbm>>) dst(%arg11 : memref<80x128xf32, #tpu.memory_space<vmem>>)
      %add3A_161 = arith.constant 3 : i32
      %add3A_162 = arith.addi %add3A_154, %add3A_161 : i32
      %lt3A_163 = arith.constant 60 : i32
      %lt3A_164 = arith.cmpi slt, %add3A_162, %lt3A_163 : i32
      %convert_element_type3A_165 = arith.extui %lt3A_164 : i1 to i32
      %cond3A_166 = arith.constant 0 : i32
      %cond3A_167 = arith.cmpi ne, %convert_element_type3A_165, %cond3A_166 : i32
      scf.if %cond3A_167 {
        %add3A_185 = arith.constant 3 : i32
        %add3A_186 = arith.addi %add3A_154, %add3A_185 : i32
        %mul3A_187 = arith.constant 80 : i32
        %mul3A_188 = arith.muli %add3A_186, %mul3A_187 : i32
        %dma_start3A_189 = tpu.memref_slice %arg8[%mul3A_188] : memref<4800xi32, #tpu.memory_space<vmem>> -> memref<80xi32, #tpu.memory_space<vmem>>
        %dma_start3A_190 = arith.constant 0 : i32
        %dma_start3A_191 = arith.constant 0 : i32
        %dma_start3A_192 = tpu.memref_slice %arg2[%dma_start3A_190, %dma_start3A_191] : memref<10240x128xf32, #tpu.memory_space<hbm>> -> memref<10240x128xf32, #tpu.memory_space<hbm>>
        tpu.enqueue_indirect_dma source(%dma_start3A_192 : memref<10240x128xf32, #tpu.memory_space<hbm>>) target(%arg11 : memref<80x128xf32, #tpu.memory_space<vmem>>) offsets(%dma_start3A_189 : memref<80xi32, #tpu.memory_space<vmem>>) semaphore(%arg14 : memref<!tpu.dma_semaphore, #tpu.memory_space<semaphore_mem>>)
      } else {
      }
      %mul3A_168 = arith.constant 3 : i32
      %mul3A_169 = arith.muli %mul3A_168, %scan3A_133 : i32
      %add3A_170 = arith.constant 2 : i32
      %add3A_171 = arith.addi %mul3A_169, %add3A_170 : i32
      %dma_wait3A_172 = arith.constant 0 : i32
      %dma_wait3A_173 = arith.constant 0 : i32
      %dma_wait3A_174 = tpu.memref_slice %arg2[%dma_wait3A_172, %dma_wait3A_173] : memref<10240x128xf32, #tpu.memory_space<hbm>> -> memref<80x128xf32, #tpu.memory_space<hbm>>
      %dma_wait3A_175 = arith.constant 0 : i32
      %dma_wait3A_176 = arith.constant 0 : i32
      %dma_wait3A_177 = tpu.memref_slice %arg2[%dma_wait3A_175, %dma_wait3A_176] : memref<10240x128xf32, #tpu.memory_space<hbm>> -> memref<80x128xf32, #tpu.memory_space<hbm>>
      tpu.wait_dma2 semaphore(%arg15 : memref<!tpu.dma_semaphore, #tpu.memory_space<semaphore_mem>>) src(%dma_wait3A_177 : memref<80x128xf32, #tpu.memory_space<hbm>>) dst(%arg12 : memref<80x128xf32, #tpu.memory_space<vmem>>)
      %add3A_178 = arith.constant 3 : i32
      %add3A_179 = arith.addi %add3A_171, %add3A_178 : i32
      %lt3A_180 = arith.constant 60 : i32
      %lt3A_181 = arith.cmpi slt, %add3A_179, %lt3A_180 : i32
      %convert_element_type3A_182 = arith.extui %lt3A_181 : i1 to i32
      %cond3A_183 = arith.constant 0 : i32
      %cond3A_184 = arith.cmpi ne, %convert_element_type3A_182, %cond3A_183 : i32
      scf.if %cond3A_184 {
        %add3A_185 = arith.constant 3 : i32
        %add3A_186 = arith.addi %add3A_171, %add3A_185 : i32
        %mul3A_187 = arith.constant 80 : i32
        %mul3A_188 = arith.muli %add3A_186, %mul3A_187 : i32
        %dma_start3A_189 = tpu.memref_slice %arg8[%mul3A_188] : memref<4800xi32, #tpu.memory_space<vmem>> -> memref<80xi32, #tpu.memory_space<vmem>>
        %dma_start3A_190 = arith.constant 0 : i32
        %dma_start3A_191 = arith.constant 0 : i32
        %dma_start3A_192 = tpu.memref_slice %arg2[%dma_start3A_190, %dma_start3A_191] : memref<10240x128xf32, #tpu.memory_space<hbm>> -> memref<10240x128xf32, #tpu.memory_space<hbm>>
        tpu.enqueue_indirect_dma source(%dma_start3A_192 : memref<10240x128xf32, #tpu.memory_space<hbm>>) target(%arg12 : memref<80x128xf32, #tpu.memory_space<vmem>>) offsets(%dma_start3A_189 : memref<80xi32, #tpu.memory_space<vmem>>) semaphore(%arg15 : memref<!tpu.dma_semaphore, #tpu.memory_space<semaphore_mem>>)
      } else {
      }
    }
    %scan3A_25 = arith.constant 20 : i32
    %add3A_26 = arith.constant 4800 : i32
    %add3A_27 = arith.addi %mul3A_2, %add3A_26 : i32
    "tpu.region"() ({
      %run_scoped3A = tpu.sem_alloc : memref<!tpu.dma_semaphore, #tpu.memory_space<semaphore_mem>>
      %dma_start3A_133 = arith.constant 0 : i32
      %dma_start3A_134 = tpu.memref_slice %arg8[%dma_start3A_133] : memref<4800xi32, #tpu.memory_space<vmem>> -> memref<4800xi32, #tpu.memory_space<vmem>>
      %dma_start3A_135 = tpu.memref_slice %arg3[%add3A_27] : memref<320000xi32, #tpu.memory_space<hbm>> -> memref<4800xi32, #tpu.memory_space<hbm>>
      %dma_start3A_136 = arith.constant 0 : i32
      %dma_start3A_137 = tpu.memref_slice %arg8[%dma_start3A_136] : memref<4800xi32, #tpu.memory_space<vmem>> -> memref<4800xi32, #tpu.memory_space<vmem>>
      %dma_start3A_138 = tpu.memref_slice %arg3[%add3A_27] : memref<320000xi32, #tpu.memory_space<hbm>> -> memref<4800xi32, #tpu.memory_space<hbm>>
      tpu.enqueue_dma source(%dma_start3A_138 : memref<4800xi32, #tpu.memory_space<hbm>>) target(%dma_start3A_137 : memref<4800xi32, #tpu.memory_space<vmem>>) target_semaphore(%run_scoped3A : memref<!tpu.dma_semaphore, #tpu.memory_space<semaphore_mem>>)
      %dma_wait3A_139 = arith.constant 0 : i32
      %dma_wait3A_140 = tpu.memref_slice %arg8[%dma_wait3A_139] : memref<4800xi32, #tpu.memory_space<vmem>> -> memref<4800xi32, #tpu.memory_space<vmem>>
      %dma_wait3A_141 = tpu.memref_slice %arg3[%add3A_27] : memref<320000xi32, #tpu.memory_space<hbm>> -> memref<4800xi32, #tpu.memory_space<hbm>>
      %dma_wait3A_142 = arith.constant 0 : i32
      %dma_wait3A_143 = tpu.memref_slice %arg8[%dma_wait3A_142] : memref<4800xi32, #tpu.memory_space<vmem>> -> memref<4800xi32, #tpu.memory_space<vmem>>
      %dma_wait3A_144 = tpu.memref_slice %arg3[%add3A_27] : memref<320000xi32, #tpu.memory_space<hbm>> -> memref<4800xi32, #tpu.memory_space<hbm>>
      tpu.wait_dma2 semaphore(%run_scoped3A : memref<!tpu.dma_semaphore, #tpu.memory_space<semaphore_mem>>) src(%dma_wait3A_144 : memref<4800xi32, #tpu.memory_space<hbm>>) dst(%dma_wait3A_143 : memref<4800xi32, #tpu.memory_space<vmem>>)
      tpu.yield
    }) : () -> ()
    "tpu.region"() ({
      %run_scoped3A = tpu.sem_alloc : memref<!tpu.dma_semaphore, #tpu.memory_space<semaphore_mem>>
      %dma_start3A_133 = arith.constant 0 : i32
      %dma_start3A_134 = tpu.memref_slice %arg9[%dma_start3A_133] : memref<4800xi32, #tpu.memory_space<vmem>> -> memref<4800xi32, #tpu.memory_space<vmem>>
      %dma_start3A_135 = tpu.memref_slice %arg4[%add3A_27] : memref<320000xi32, #tpu.memory_space<hbm>> -> memref<4800xi32, #tpu.memory_space<hbm>>
      %dma_start3A_136 = arith.constant 0 : i32
      %dma_start3A_137 = tpu.memref_slice %arg9[%dma_start3A_136] : memref<4800xi32, #tpu.memory_space<vmem>> -> memref<4800xi32, #tpu.memory_space<vmem>>
      %dma_start3A_138 = tpu.memref_slice %arg4[%add3A_27] : memref<320000xi32, #tpu.memory_space<hbm>> -> memref<4800xi32, #tpu.memory_space<hbm>>
      tpu.enqueue_dma source(%dma_start3A_138 : memref<4800xi32, #tpu.memory_space<hbm>>) target(%dma_start3A_137 : memref<4800xi32, #tpu.memory_space<vmem>>) target_semaphore(%run_scoped3A : memref<!tpu.dma_semaphore, #tpu.memory_space<semaphore_mem>>)
      %dma_wait3A_139 = arith.constant 0 : i32
      %dma_wait3A_140 = tpu.memref_slice %arg9[%dma_wait3A_139] : memref<4800xi32, #tpu.memory_space<vmem>> -> memref<4800xi32, #tpu.memory_space<vmem>>
      %dma_wait3A_141 = tpu.memref_slice %arg4[%add3A_27] : memref<320000xi32, #tpu.memory_space<hbm>> -> memref<4800xi32, #tpu.memory_space<hbm>>
      %dma_wait3A_142 = arith.constant 0 : i32
      %dma_wait3A_143 = tpu.memref_slice %arg9[%dma_wait3A_142] : memref<4800xi32, #tpu.memory_space<vmem>> -> memref<4800xi32, #tpu.memory_space<vmem>>
      %dma_wait3A_144 = tpu.memref_slice %arg4[%add3A_27] : memref<320000xi32, #tpu.memory_space<hbm>> -> memref<4800xi32, #tpu.memory_space<hbm>>
      tpu.wait_dma2 semaphore(%run_scoped3A : memref<!tpu.dma_semaphore, #tpu.memory_space<semaphore_mem>>) src(%dma_wait3A_144 : memref<4800xi32, #tpu.memory_space<hbm>>) dst(%dma_wait3A_143 : memref<4800xi32, #tpu.memory_space<vmem>>)
      tpu.yield
    }) : () -> ()
    %dma_start3A_28 = arith.constant 0 : i32
    %dma_start3A_29 = tpu.memref_slice %arg8[%dma_start3A_28] : memref<4800xi32, #tpu.memory_space<vmem>> -> memref<80xi32, #tpu.memory_space<vmem>>
    %dma_start3A_30 = arith.constant 0 : i32
    %dma_start3A_31 = arith.constant 0 : i32
    %dma_start3A_32 = tpu.memref_slice %arg2[%dma_start3A_30, %dma_start3A_31] : memref<10240x128xf32, #tpu.memory_space<hbm>> -> memref<10240x128xf32, #tpu.memory_space<hbm>>
    tpu.enqueue_indirect_dma source(%dma_start3A_32 : memref<10240x128xf32, #tpu.memory_space<hbm>>) target(%arg10 : memref<80x128xf32, #tpu.memory_space<vmem>>) offsets(%dma_start3A_29 : memref<80xi32, #tpu.memory_space<vmem>>) semaphore(%arg13 : memref<!tpu.dma_semaphore, #tpu.memory_space<semaphore_mem>>)
    %dma_start3A_33 = arith.constant 80 : i32
    %dma_start3A_34 = tpu.memref_slice %arg8[%dma_start3A_33] : memref<4800xi32, #tpu.memory_space<vmem>> -> memref<80xi32, #tpu.memory_space<vmem>>
    %dma_start3A_35 = arith.constant 0 : i32
    %dma_start3A_36 = arith.constant 0 : i32
    %dma_start3A_37 = tpu.memref_slice %arg2[%dma_start3A_35, %dma_start3A_36] : memref<10240x128xf32, #tpu.memory_space<hbm>> -> memref<10240x128xf32, #tpu.memory_space<hbm>>
    tpu.enqueue_indirect_dma source(%dma_start3A_37 : memref<10240x128xf32, #tpu.memory_space<hbm>>) target(%arg11 : memref<80x128xf32, #tpu.memory_space<vmem>>) offsets(%dma_start3A_34 : memref<80xi32, #tpu.memory_space<vmem>>) semaphore(%arg14 : memref<!tpu.dma_semaphore, #tpu.memory_space<semaphore_mem>>)
    %dma_start3A_38 = arith.constant 160 : i32
    %dma_start3A_39 = tpu.memref_slice %arg8[%dma_start3A_38] : memref<4800xi32, #tpu.memory_space<vmem>> -> memref<80xi32, #tpu.memory_space<vmem>>
    %dma_start3A_40 = arith.constant 0 : i32
    %dma_start3A_41 = arith.constant 0 : i32
    %dma_start3A_42 = tpu.memref_slice %arg2[%dma_start3A_40, %dma_start3A_41] : memref<10240x128xf32, #tpu.memory_space<hbm>> -> memref<10240x128xf32, #tpu.memory_space<hbm>>
    tpu.enqueue_indirect_dma source(%dma_start3A_42 : memref<10240x128xf32, #tpu.memory_space<hbm>>) target(%arg12 : memref<80x128xf32, #tpu.memory_space<vmem>>) offsets(%dma_start3A_39 : memref<80xi32, #tpu.memory_space<vmem>>) semaphore(%arg15 : memref<!tpu.dma_semaphore, #tpu.memory_space<semaphore_mem>>)
    %scan3A_43 = arith.constant 0 : i32
    %scan3A_44 = arith.constant 0 : i32
    %scan3A_45 = arith.constant 20 : i32
    %scan3A_46 = arith.addi %scan3A_44, %scan3A_45 : i32
    %scan3A_47 = arith.constant 1 : i32
    scf.for %scan3A_133 = %scan3A_44 to %scan3A_46 step %scan3A_47  : i32 {
      %mul3A_134 = arith.constant 3 : i32
      %mul3A_135 = arith.muli %mul3A_134, %scan3A_133 : i32
      %add3A_136 = arith.constant 0 : i32
      %add3A_137 = arith.addi %mul3A_135, %add3A_136 : i32
      %dma_wait3A_138 = arith.constant 0 : i32
      %dma_wait3A_139 = arith.constant 0 : i32
      %dma_wait3A_140 = tpu.memref_slice %arg2[%dma_wait3A_138, %dma_wait3A_139] : memref<10240x128xf32, #tpu.memory_space<hbm>> -> memref<80x128xf32, #tpu.memory_space<hbm>>
      %dma_wait3A_141 = arith.constant 0 : i32
      %dma_wait3A_142 = arith.constant 0 : i32
      %dma_wait3A_143 = tpu.memref_slice %arg2[%dma_wait3A_141, %dma_wait3A_142] : memref<10240x128xf32, #tpu.memory_space<hbm>> -> memref<80x128xf32, #tpu.memory_space<hbm>>
      tpu.wait_dma2 semaphore(%arg13 : memref<!tpu.dma_semaphore, #tpu.memory_space<semaphore_mem>>) src(%dma_wait3A_143 : memref<80x128xf32, #tpu.memory_space<hbm>>) dst(%arg10 : memref<80x128xf32, #tpu.memory_space<vmem>>)
      %add3A_144 = arith.constant 3 : i32
      %add3A_145 = arith.addi %add3A_137, %add3A_144 : i32
      %lt3A_146 = arith.constant 60 : i32
      %lt3A_147 = arith.cmpi slt, %add3A_145, %lt3A_146 : i32
      %convert_element_type3A_148 = arith.extui %lt3A_147 : i1 to i32
      %cond3A_149 = arith.constant 0 : i32
      %cond3A_150 = arith.cmpi ne, %convert_element_type3A_148, %cond3A_149 : i32
      scf.if %cond3A_150 {
        %add3A_185 = arith.constant 3 : i32
        %add3A_186 = arith.addi %add3A_137, %add3A_185 : i32
        %mul3A_187 = arith.constant 80 : i32
        %mul3A_188 = arith.muli %add3A_186, %mul3A_187 : i32
        %dma_start3A_189 = tpu.memref_slice %arg8[%mul3A_188] : memref<4800xi32, #tpu.memory_space<vmem>> -> memref<80xi32, #tpu.memory_space<vmem>>
        %dma_start3A_190 = arith.constant 0 : i32
        %dma_start3A_191 = arith.constant 0 : i32
        %dma_start3A_192 = tpu.memref_slice %arg2[%dma_start3A_190, %dma_start3A_191] : memref<10240x128xf32, #tpu.memory_space<hbm>> -> memref<10240x128xf32, #tpu.memory_space<hbm>>
        tpu.enqueue_indirect_dma source(%dma_start3A_192 : memref<10240x128xf32, #tpu.memory_space<hbm>>) target(%arg10 : memref<80x128xf32, #tpu.memory_space<vmem>>) offsets(%dma_start3A_189 : memref<80xi32, #tpu.memory_space<vmem>>) semaphore(%arg13 : memref<!tpu.dma_semaphore, #tpu.memory_space<semaphore_mem>>)
      } else {
      }
      %mul3A_151 = arith.constant 3 : i32
      %mul3A_152 = arith.muli %mul3A_151, %scan3A_133 : i32
      %add3A_153 = arith.constant 1 : i32
      %add3A_154 = arith.addi %mul3A_152, %add3A_153 : i32
      %dma_wait3A_155 = arith.constant 0 : i32
      %dma_wait3A_156 = arith.constant 0 : i32
      %dma_wait3A_157 = tpu.memref_slice %arg2[%dma_wait3A_155, %dma_wait3A_156] : memref<10240x128xf32, #tpu.memory_space<hbm>> -> memref<80x128xf32, #tpu.memory_space<hbm>>
      %dma_wait3A_158 = arith.constant 0 : i32
      %dma_wait3A_159 = arith.constant 0 : i32
      %dma_wait3A_160 = tpu.memref_slice %arg2[%dma_wait3A_158, %dma_wait3A_159] : memref<10240x128xf32, #tpu.memory_space<hbm>> -> memref<80x128xf32, #tpu.memory_space<hbm>>
      tpu.wait_dma2 semaphore(%arg14 : memref<!tpu.dma_semaphore, #tpu.memory_space<semaphore_mem>>) src(%dma_wait3A_160 : memref<80x128xf32, #tpu.memory_space<hbm>>) dst(%arg11 : memref<80x128xf32, #tpu.memory_space<vmem>>)
      %add3A_161 = arith.constant 3 : i32
      %add3A_162 = arith.addi %add3A_154, %add3A_161 : i32
      %lt3A_163 = arith.constant 60 : i32
      %lt3A_164 = arith.cmpi slt, %add3A_162, %lt3A_163 : i32
      %convert_element_type3A_165 = arith.extui %lt3A_164 : i1 to i32
      %cond3A_166 = arith.constant 0 : i32
      %cond3A_167 = arith.cmpi ne, %convert_element_type3A_165, %cond3A_166 : i32
      scf.if %cond3A_167 {
        %add3A_185 = arith.constant 3 : i32
        %add3A_186 = arith.addi %add3A_154, %add3A_185 : i32
        %mul3A_187 = arith.constant 80 : i32
        %mul3A_188 = arith.muli %add3A_186, %mul3A_187 : i32
        %dma_start3A_189 = tpu.memref_slice %arg8[%mul3A_188] : memref<4800xi32, #tpu.memory_space<vmem>> -> memref<80xi32, #tpu.memory_space<vmem>>
        %dma_start3A_190 = arith.constant 0 : i32
        %dma_start3A_191 = arith.constant 0 : i32
        %dma_start3A_192 = tpu.memref_slice %arg2[%dma_start3A_190, %dma_start3A_191] : memref<10240x128xf32, #tpu.memory_space<hbm>> -> memref<10240x128xf32, #tpu.memory_space<hbm>>
        tpu.enqueue_indirect_dma source(%dma_start3A_192 : memref<10240x128xf32, #tpu.memory_space<hbm>>) target(%arg11 : memref<80x128xf32, #tpu.memory_space<vmem>>) offsets(%dma_start3A_189 : memref<80xi32, #tpu.memory_space<vmem>>) semaphore(%arg14 : memref<!tpu.dma_semaphore, #tpu.memory_space<semaphore_mem>>)
      } else {
      }
      %mul3A_168 = arith.constant 3 : i32
      %mul3A_169 = arith.muli %mul3A_168, %scan3A_133 : i32
      %add3A_170 = arith.constant 2 : i32
      %add3A_171 = arith.addi %mul3A_169, %add3A_170 : i32
      %dma_wait3A_172 = arith.constant 0 : i32
      %dma_wait3A_173 = arith.constant 0 : i32
      %dma_wait3A_174 = tpu.memref_slice %arg2[%dma_wait3A_172, %dma_wait3A_173] : memref<10240x128xf32, #tpu.memory_space<hbm>> -> memref<80x128xf32, #tpu.memory_space<hbm>>
      %dma_wait3A_175 = arith.constant 0 : i32
      %dma_wait3A_176 = arith.constant 0 : i32
      %dma_wait3A_177 = tpu.memref_slice %arg2[%dma_wait3A_175, %dma_wait3A_176] : memref<10240x128xf32, #tpu.memory_space<hbm>> -> memref<80x128xf32, #tpu.memory_space<hbm>>
      tpu.wait_dma2 semaphore(%arg15 : memref<!tpu.dma_semaphore, #tpu.memory_space<semaphore_mem>>) src(%dma_wait3A_177 : memref<80x128xf32, #tpu.memory_space<hbm>>) dst(%arg12 : memref<80x128xf32, #tpu.memory_space<vmem>>)
      %add3A_178 = arith.constant 3 : i32
      %add3A_179 = arith.addi %add3A_171, %add3A_178 : i32
      %lt3A_180 = arith.constant 60 : i32
      %lt3A_181 = arith.cmpi slt, %add3A_179, %lt3A_180 : i32
      %convert_element_type3A_182 = arith.extui %lt3A_181 : i1 to i32
      %cond3A_183 = arith.constant 0 : i32
      %cond3A_184 = arith.cmpi ne, %convert_element_type3A_182, %cond3A_183 : i32
      scf.if %cond3A_184 {
        %add3A_185 = arith.constant 3 : i32
        %add3A_186 = arith.addi %add3A_171, %add3A_185 : i32
        %mul3A_187 = arith.constant 80 : i32
        %mul3A_188 = arith.muli %add3A_186, %mul3A_187 : i32
        %dma_start3A_189 = tpu.memref_slice %arg8[%mul3A_188] : memref<4800xi32, #tpu.memory_space<vmem>> -> memref<80xi32, #tpu.memory_space<vmem>>
        %dma_start3A_190 = arith.constant 0 : i32
        %dma_start3A_191 = arith.constant 0 : i32
        %dma_start3A_192 = tpu.memref_slice %arg2[%dma_start3A_190, %dma_start3A_191] : memref<10240x128xf32, #tpu.memory_space<hbm>> -> memref<10240x128xf32, #tpu.memory_space<hbm>>
        tpu.enqueue_indirect_dma source(%dma_start3A_192 : memref<10240x128xf32, #tpu.memory_space<hbm>>) target(%arg12 : memref<80x128xf32, #tpu.memory_space<vmem>>) offsets(%dma_start3A_189 : memref<80xi32, #tpu.memory_space<vmem>>) semaphore(%arg15 : memref<!tpu.dma_semaphore, #tpu.memory_space<semaphore_mem>>)
      } else {
      }
    }
    %scan3A_48 = arith.constant 20 : i32
    %add3A_49 = arith.constant 9600 : i32
    %add3A_50 = arith.addi %mul3A_2, %add3A_49 : i32
    "tpu.region"() ({
      %run_scoped3A = tpu.sem_alloc : memref<!tpu.dma_semaphore, #tpu.memory_space<semaphore_mem>>
      %dma_start3A_133 = arith.constant 0 : i32
      %dma_start3A_134 = tpu.memref_slice %arg8[%dma_start3A_133] : memref<4800xi32, #tpu.memory_space<vmem>> -> memref<400xi32, #tpu.memory_space<vmem>>
      %dma_start3A_135 = tpu.memref_slice %arg3[%add3A_50] : memref<320000xi32, #tpu.memory_space<hbm>> -> memref<400xi32, #tpu.memory_space<hbm>>
      %dma_start3A_136 = arith.constant 0 : i32
      %dma_start3A_137 = tpu.memref_slice %arg8[%dma_start3A_136] : memref<4800xi32, #tpu.memory_space<vmem>> -> memref<400xi32, #tpu.memory_space<vmem>>
      %dma_start3A_138 = tpu.memref_slice %arg3[%add3A_50] : memref<320000xi32, #tpu.memory_space<hbm>> -> memref<400xi32, #tpu.memory_space<hbm>>
      tpu.enqueue_dma source(%dma_start3A_138 : memref<400xi32, #tpu.memory_space<hbm>>) target(%dma_start3A_137 : memref<400xi32, #tpu.memory_space<vmem>>) target_semaphore(%run_scoped3A : memref<!tpu.dma_semaphore, #tpu.memory_space<semaphore_mem>>)
      %dma_wait3A_139 = arith.constant 0 : i32
      %dma_wait3A_140 = tpu.memref_slice %arg8[%dma_wait3A_139] : memref<4800xi32, #tpu.memory_space<vmem>> -> memref<400xi32, #tpu.memory_space<vmem>>
      %dma_wait3A_141 = tpu.memref_slice %arg3[%add3A_50] : memref<320000xi32, #tpu.memory_space<hbm>> -> memref<400xi32, #tpu.memory_space<hbm>>
      %dma_wait3A_142 = arith.constant 0 : i32
      %dma_wait3A_143 = tpu.memref_slice %arg8[%dma_wait3A_142] : memref<4800xi32, #tpu.memory_space<vmem>> -> memref<400xi32, #tpu.memory_space<vmem>>
      %dma_wait3A_144 = tpu.memref_slice %arg3[%add3A_50] : memref<320000xi32, #tpu.memory_space<hbm>> -> memref<400xi32, #tpu.memory_space<hbm>>
      tpu.wait_dma2 semaphore(%run_scoped3A : memref<!tpu.dma_semaphore, #tpu.memory_space<semaphore_mem>>) src(%dma_wait3A_144 : memref<400xi32, #tpu.memory_space<hbm>>) dst(%dma_wait3A_143 : memref<400xi32, #tpu.memory_space<vmem>>)
      tpu.yield
    }) : () -> ()
    "tpu.region"() ({
      %run_scoped3A = tpu.sem_alloc : memref<!tpu.dma_semaphore, #tpu.memory_space<semaphore_mem>>
      %dma_start3A_133 = arith.constant 0 : i32
      %dma_start3A_134 = tpu.memref_slice %arg9[%dma_start3A_133] : memref<4800xi32, #tpu.memory_space<vmem>> -> memref<400xi32, #tpu.memory_space<vmem>>
      %dma_start3A_135 = tpu.memref_slice %arg4[%add3A_50] : memref<320000xi32, #tpu.memory_space<hbm>> -> memref<400xi32, #tpu.memory_space<hbm>>
      %dma_start3A_136 = arith.constant 0 : i32
      %dma_start3A_137 = tpu.memref_slice %arg9[%dma_start3A_136] : memref<4800xi32, #tpu.memory_space<vmem>> -> memref<400xi32, #tpu.memory_space<vmem>>
      %dma_start3A_138 = tpu.memref_slice %arg4[%add3A_50] : memref<320000xi32, #tpu.memory_space<hbm>> -> memref<400xi32, #tpu.memory_space<hbm>>
      tpu.enqueue_dma source(%dma_start3A_138 : memref<400xi32, #tpu.memory_space<hbm>>) target(%dma_start3A_137 : memref<400xi32, #tpu.memory_space<vmem>>) target_semaphore(%run_scoped3A : memref<!tpu.dma_semaphore, #tpu.memory_space<semaphore_mem>>)
      %dma_wait3A_139 = arith.constant 0 : i32
      %dma_wait3A_140 = tpu.memref_slice %arg9[%dma_wait3A_139] : memref<4800xi32, #tpu.memory_space<vmem>> -> memref<400xi32, #tpu.memory_space<vmem>>
      %dma_wait3A_141 = tpu.memref_slice %arg4[%add3A_50] : memref<320000xi32, #tpu.memory_space<hbm>> -> memref<400xi32, #tpu.memory_space<hbm>>
      %dma_wait3A_142 = arith.constant 0 : i32
      %dma_wait3A_143 = tpu.memref_slice %arg9[%dma_wait3A_142] : memref<4800xi32, #tpu.memory_space<vmem>> -> memref<400xi32, #tpu.memory_space<vmem>>
      %dma_wait3A_144 = tpu.memref_slice %arg4[%add3A_50] : memref<320000xi32, #tpu.memory_space<hbm>> -> memref<400xi32, #tpu.memory_space<hbm>>
      tpu.wait_dma2 semaphore(%run_scoped3A : memref<!tpu.dma_semaphore, #tpu.memory_space<semaphore_mem>>) src(%dma_wait3A_144 : memref<400xi32, #tpu.memory_space<hbm>>) dst(%dma_wait3A_143 : memref<400xi32, #tpu.memory_space<vmem>>)
      tpu.yield
    }) : () -> ()
    %dma_start3A_51 = arith.constant 0 : i32
    %dma_start3A_52 = tpu.memref_slice %arg8[%dma_start3A_51] : memref<4800xi32, #tpu.memory_space<vmem>> -> memref<80xi32, #tpu.memory_space<vmem>>
    %dma_start3A_53 = arith.constant 0 : i32
    %dma_start3A_54 = arith.constant 0 : i32
    %dma_start3A_55 = tpu.memref_slice %arg2[%dma_start3A_53, %dma_start3A_54] : memref<10240x128xf32, #tpu.memory_space<hbm>> -> memref<10240x128xf32, #tpu.memory_space<hbm>>
    tpu.enqueue_indirect_dma source(%dma_start3A_55 : memref<10240x128xf32, #tpu.memory_space<hbm>>) target(%arg10 : memref<80x128xf32, #tpu.memory_space<vmem>>) offsets(%dma_start3A_52 : memref<80xi32, #tpu.memory_space<vmem>>) semaphore(%arg13 : memref<!tpu.dma_semaphore, #tpu.memory_space<semaphore_mem>>)
    %dma_start3A_56 = arith.constant 80 : i32
    %dma_start3A_57 = tpu.memref_slice %arg8[%dma_start3A_56] : memref<4800xi32, #tpu.memory_space<vmem>> -> memref<80xi32, #tpu.memory_space<vmem>>
    %dma_start3A_58 = arith.constant 0 : i32
    %dma_start3A_59 = arith.constant 0 : i32
    %dma_start3A_60 = tpu.memref_slice %arg2[%dma_start3A_58, %dma_start3A_59] : memref<10240x128xf32, #tpu.memory_space<hbm>> -> memref<10240x128xf32, #tpu.memory_space<hbm>>
    tpu.enqueue_indirect_dma source(%dma_start3A_60 : memref<10240x128xf32, #tpu.memory_space<hbm>>) target(%arg11 : memref<80x128xf32, #tpu.memory_space<vmem>>) offsets(%dma_start3A_57 : memref<80xi32, #tpu.memory_space<vmem>>) semaphore(%arg14 : memref<!tpu.dma_semaphore, #tpu.memory_space<semaphore_mem>>)
    %dma_start3A_61 = arith.constant 160 : i32
    %dma_start3A_62 = tpu.memref_slice %arg8[%dma_start3A_61] : memref<4800xi32, #tpu.memory_space<vmem>> -> memref<80xi32, #tpu.memory_space<vmem>>
    %dma_start3A_63 = arith.constant 0 : i32
    %dma_start3A_64 = arith.constant 0 : i32
    %dma_start3A_65 = tpu.memref_slice %arg2[%dma_start3A_63, %dma_start3A_64] : memref<10240x128xf32, #tpu.memory_space<hbm>> -> memref<10240x128xf32, #tpu.memory_space<hbm>>
    tpu.enqueue_indirect_dma source(%dma_start3A_65 : memref<10240x128xf32, #tpu.memory_space<hbm>>) target(%arg12 : memref<80x128xf32, #tpu.memory_space<vmem>>) offsets(%dma_start3A_62 : memref<80xi32, #tpu.memory_space<vmem>>) semaphore(%arg15 : memref<!tpu.dma_semaphore, #tpu.memory_space<semaphore_mem>>)
    %scan3A_66 = arith.constant 0 : i32
    %scan3A_67 = arith.constant 0 : i32
    %mul3A_68 = arith.constant 3 : i32
    %mul3A_69 = arith.muli %mul3A_68, %scan3A_67 : i32
    %add3A_70 = arith.constant 0 : i32
    %add3A_71 = arith.addi %mul3A_69, %add3A_70 : i32
    %dma_wait3A = arith.constant 0 : i32
    %dma_wait3A_72 = arith.constant 0 : i32
    %dma_wait3A_73 = tpu.memref_slice %arg2[%dma_wait3A, %dma_wait3A_72] : memref<10240x128xf32, #tpu.memory_space<hbm>> -> memref<80x128xf32, #tpu.memory_space<hbm>>
    %dma_wait3A_74 = arith.constant 0 : i32
    %dma_wait3A_75 = arith.constant 0 : i32
    %dma_wait3A_76 = tpu.memref_slice %arg2[%dma_wait3A_74, %dma_wait3A_75] : memref<10240x128xf32, #tpu.memory_space<hbm>> -> memref<80x128xf32, #tpu.memory_space<hbm>>
    tpu.wait_dma2 semaphore(%arg13 : memref<!tpu.dma_semaphore, #tpu.memory_space<semaphore_mem>>) src(%dma_wait3A_76 : memref<80x128xf32, #tpu.memory_space<hbm>>) dst(%arg10 : memref<80x128xf32, #tpu.memory_space<vmem>>)
    %add3A_77 = arith.constant 3 : i32
    %add3A_78 = arith.addi %add3A_71, %add3A_77 : i32
    %lt3A = arith.constant 5 : i32
    %lt3A_79 = arith.cmpi slt, %add3A_78, %lt3A : i32
    %convert_element_type3A = arith.extui %lt3A_79 : i1 to i32
    %cond3A = arith.constant 0 : i32
    %cond3A_80 = arith.cmpi ne, %convert_element_type3A, %cond3A : i32
    scf.if %cond3A_80 {
      %add3A_133 = arith.constant 3 : i32
      %add3A_134 = arith.addi %add3A_71, %add3A_133 : i32
      %mul3A_135 = arith.constant 80 : i32
      %mul3A_136 = arith.muli %add3A_134, %mul3A_135 : i32
      %dma_start3A_137 = tpu.memref_slice %arg8[%mul3A_136] : memref<4800xi32, #tpu.memory_space<vmem>> -> memref<80xi32, #tpu.memory_space<vmem>>
      %dma_start3A_138 = arith.constant 0 : i32
      %dma_start3A_139 = arith.constant 0 : i32
      %dma_start3A_140 = tpu.memref_slice %arg2[%dma_start3A_138, %dma_start3A_139] : memref<10240x128xf32, #tpu.memory_space<hbm>> -> memref<10240x128xf32, #tpu.memory_space<hbm>>
      tpu.enqueue_indirect_dma source(%dma_start3A_140 : memref<10240x128xf32, #tpu.memory_space<hbm>>) target(%arg10 : memref<80x128xf32, #tpu.memory_space<vmem>>) offsets(%dma_start3A_137 : memref<80xi32, #tpu.memory_space<vmem>>) semaphore(%arg13 : memref<!tpu.dma_semaphore, #tpu.memory_space<semaphore_mem>>)
    } else {
    }
    %mul3A_81 = arith.constant 3 : i32
    %mul3A_82 = arith.muli %mul3A_81, %scan3A_67 : i32
    %add3A_83 = arith.constant 1 : i32
    %add3A_84 = arith.addi %mul3A_82, %add3A_83 : i32
    %dma_wait3A_85 = arith.constant 0 : i32
    %dma_wait3A_86 = arith.constant 0 : i32
    %dma_wait3A_87 = tpu.memref_slice %arg2[%dma_wait3A_85, %dma_wait3A_86] : memref<10240x128xf32, #tpu.memory_space<hbm>> -> memref<80x128xf32, #tpu.memory_space<hbm>>
    %dma_wait3A_88 = arith.constant 0 : i32
    %dma_wait3A_89 = arith.constant 0 : i32
    %dma_wait3A_90 = tpu.memref_slice %arg2[%dma_wait3A_88, %dma_wait3A_89] : memref<10240x128xf32, #tpu.memory_space<hbm>> -> memref<80x128xf32, #tpu.memory_space<hbm>>
    tpu.wait_dma2 semaphore(%arg14 : memref<!tpu.dma_semaphore, #tpu.memory_space<semaphore_mem>>) src(%dma_wait3A_90 : memref<80x128xf32, #tpu.memory_space<hbm>>) dst(%arg11 : memref<80x128xf32, #tpu.memory_space<vmem>>)
    %add3A_91 = arith.constant 3 : i32
    %add3A_92 = arith.addi %add3A_84, %add3A_91 : i32
    %lt3A_93 = arith.constant 5 : i32
    %lt3A_94 = arith.cmpi slt, %add3A_92, %lt3A_93 : i32
    %convert_element_type3A_95 = arith.extui %lt3A_94 : i1 to i32
    %cond3A_96 = arith.constant 0 : i32
    %cond3A_97 = arith.cmpi ne, %convert_element_type3A_95, %cond3A_96 : i32
    scf.if %cond3A_97 {
      %add3A_133 = arith.constant 3 : i32
      %add3A_134 = arith.addi %add3A_84, %add3A_133 : i32
      %mul3A_135 = arith.constant 80 : i32
      %mul3A_136 = arith.muli %add3A_134, %mul3A_135 : i32
      %dma_start3A_137 = tpu.memref_slice %arg8[%mul3A_136] : memref<4800xi32, #tpu.memory_space<vmem>> -> memref<80xi32, #tpu.memory_space<vmem>>
      %dma_start3A_138 = arith.constant 0 : i32
      %dma_start3A_139 = arith.constant 0 : i32
      %dma_start3A_140 = tpu.memref_slice %arg2[%dma_start3A_138, %dma_start3A_139] : memref<10240x128xf32, #tpu.memory_space<hbm>> -> memref<10240x128xf32, #tpu.memory_space<hbm>>
      tpu.enqueue_indirect_dma source(%dma_start3A_140 : memref<10240x128xf32, #tpu.memory_space<hbm>>) target(%arg11 : memref<80x128xf32, #tpu.memory_space<vmem>>) offsets(%dma_start3A_137 : memref<80xi32, #tpu.memory_space<vmem>>) semaphore(%arg14 : memref<!tpu.dma_semaphore, #tpu.memory_space<semaphore_mem>>)
    } else {
    }
    %mul3A_98 = arith.constant 3 : i32
    %mul3A_99 = arith.muli %mul3A_98, %scan3A_67 : i32
    %add3A_100 = arith.constant 2 : i32
    %add3A_101 = arith.addi %mul3A_99, %add3A_100 : i32
    %dma_wait3A_102 = arith.constant 0 : i32
    %dma_wait3A_103 = arith.constant 0 : i32
    %dma_wait3A_104 = tpu.memref_slice %arg2[%dma_wait3A_102, %dma_wait3A_103] : memref<10240x128xf32, #tpu.memory_space<hbm>> -> memref<80x128xf32, #tpu.memory_space<hbm>>
    %dma_wait3A_105 = arith.constant 0 : i32
    %dma_wait3A_106 = arith.constant 0 : i32
    %dma_wait3A_107 = tpu.memref_slice %arg2[%dma_wait3A_105, %dma_wait3A_106] : memref<10240x128xf32, #tpu.memory_space<hbm>> -> memref<80x128xf32, #tpu.memory_space<hbm>>
    tpu.wait_dma2 semaphore(%arg15 : memref<!tpu.dma_semaphore, #tpu.memory_space<semaphore_mem>>) src(%dma_wait3A_107 : memref<80x128xf32, #tpu.memory_space<hbm>>) dst(%arg12 : memref<80x128xf32, #tpu.memory_space<vmem>>)
    %add3A_108 = arith.constant 3 : i32
    %add3A_109 = arith.addi %add3A_101, %add3A_108 : i32
    %lt3A_110 = arith.constant 5 : i32
    %lt3A_111 = arith.cmpi slt, %add3A_109, %lt3A_110 : i32
    %convert_element_type3A_112 = arith.extui %lt3A_111 : i1 to i32
    %cond3A_113 = arith.constant 0 : i32
    %cond3A_114 = arith.cmpi ne, %convert_element_type3A_112, %cond3A_113 : i32
    scf.if %cond3A_114 {
      %add3A_133 = arith.constant 3 : i32
      %add3A_134 = arith.addi %add3A_101, %add3A_133 : i32
      %mul3A_135 = arith.constant 80 : i32
      %mul3A_136 = arith.muli %add3A_134, %mul3A_135 : i32
      %dma_start3A_137 = tpu.memref_slice %arg8[%mul3A_136] : memref<4800xi32, #tpu.memory_space<vmem>> -> memref<80xi32, #tpu.memory_space<vmem>>
      %dma_start3A_138 = arith.constant 0 : i32
      %dma_start3A_139 = arith.constant 0 : i32
      %dma_start3A_140 = tpu.memref_slice %arg2[%dma_start3A_138, %dma_start3A_139] : memref<10240x128xf32, #tpu.memory_space<hbm>> -> memref<10240x128xf32, #tpu.memory_space<hbm>>
      tpu.enqueue_indirect_dma source(%dma_start3A_140 : memref<10240x128xf32, #tpu.memory_space<hbm>>) target(%arg12 : memref<80x128xf32, #tpu.memory_space<vmem>>) offsets(%dma_start3A_137 : memref<80xi32, #tpu.memory_space<vmem>>) semaphore(%arg15 : memref<!tpu.dma_semaphore, #tpu.memory_space<semaphore_mem>>)
    } else {
    }
    %scan3A_115 = arith.constant 1 : i32
    %dma_wait3A_116 = arith.constant 0 : i32
    %dma_wait3A_117 = arith.constant 0 : i32
    %dma_wait3A_118 = tpu.memref_slice %arg2[%dma_wait3A_116, %dma_wait3A_117] : memref<10240x128xf32, #tpu.memory_space<hbm>> -> memref<80x128xf32, #tpu.memory_space<hbm>>
    %dma_wait3A_119 = arith.constant 0 : i32
    %dma_wait3A_120 = arith.constant 0 : i32
    %dma_wait3A_121 = tpu.memref_slice %arg2[%dma_wait3A_119, %dma_wait3A_120] : memref<10240x128xf32, #tpu.memory_space<hbm>> -> memref<80x128xf32, #tpu.memory_space<hbm>>
    tpu.wait_dma2 semaphore(%arg13 : memref<!tpu.dma_semaphore, #tpu.memory_space<semaphore_mem>>) src(%dma_wait3A_121 : memref<80x128xf32, #tpu.memory_space<hbm>>) dst(%arg10 : memref<80x128xf32, #tpu.memory_space<vmem>>)
    %dma_wait3A_122 = arith.constant 0 : i32
    %dma_wait3A_123 = arith.constant 0 : i32
    %dma_wait3A_124 = tpu.memref_slice %arg2[%dma_wait3A_122, %dma_wait3A_123] : memref<10240x128xf32, #tpu.memory_space<hbm>> -> memref<80x128xf32, #tpu.memory_space<hbm>>
    %dma_wait3A_125 = arith.constant 0 : i32
    %dma_wait3A_126 = arith.constant 0 : i32
    %dma_wait3A_127 = tpu.memref_slice %arg2[%dma_wait3A_125, %dma_wait3A_126] : memref<10240x128xf32, #tpu.memory_space<hbm>> -> memref<80x128xf32, #tpu.memory_space<hbm>>
    tpu.wait_dma2 semaphore(%arg14 : memref<!tpu.dma_semaphore, #tpu.memory_space<semaphore_mem>>) src(%dma_wait3A_127 : memref<80x128xf32, #tpu.memory_space<hbm>>) dst(%arg11 : memref<80x128xf32, #tpu.memory_space<vmem>>)
    %barrier3A_128 = arith.constant 0 : index
    tpu.barrier barrier_id(%barrier3A_128)
    %mul3A_129 = arith.constant 640 : i32
    %mul3A_130 = arith.muli %arg1, %mul3A_129 : i32
    %mul3A_131 = arith.constant 640 : i32
    %mul3A_132 = arith.muli %arg1, %mul3A_131 : i32
    "tpu.region"() ({
      %run_scoped3A = tpu.sem_alloc : memref<!tpu.dma_semaphore, #tpu.memory_space<semaphore_mem>>
      %dma_start3A_133 = arith.constant 0 : i32
      %dma_start3A_134 = tpu.memref_slice %arg6[%arg0, %mul3A_132, %dma_start3A_133] : memref<2x10240x128xf32, #tpu.memory_space<hbm>> -> memref<1x640x128xf32, #tpu.memory_space<hbm>>
      %dma_start3A_135 = tpu.memref_squeeze %dma_start3A_134 : memref<1x640x128xf32, #tpu.memory_space<hbm>> -> memref<640x128xf32, #tpu.memory_space<hbm>>
      %dma_start3A_136 = arith.constant 0 : i32
      %dma_start3A_137 = tpu.memref_slice %arg7[%mul3A_130, %dma_start3A_136] : memref<10240x128xf32, #tpu.memory_space<vmem_shared>> -> memref<640x128xf32, #tpu.memory_space<vmem_shared>>
      tpu.enqueue_dma source(%dma_start3A_137 : memref<640x128xf32, #tpu.memory_space<vmem_shared>>) target(%dma_start3A_135 : memref<640x128xf32, #tpu.memory_space<hbm>>) target_semaphore(%run_scoped3A : memref<!tpu.dma_semaphore, #tpu.memory_space<semaphore_mem>>)
      %dma_wait3A_138 = arith.constant 0 : i32
      %dma_wait3A_139 = tpu.memref_slice %arg6[%arg0, %mul3A_132, %dma_wait3A_138] : memref<2x10240x128xf32, #tpu.memory_space<hbm>> -> memref<1x640x128xf32, #tpu.memory_space<hbm>>
      %dma_wait3A_140 = tpu.memref_squeeze %dma_wait3A_139 : memref<1x640x128xf32, #tpu.memory_space<hbm>> -> memref<640x128xf32, #tpu.memory_space<hbm>>
      %dma_wait3A_141 = arith.constant 0 : i32
      %dma_wait3A_142 = tpu.memref_slice %arg7[%mul3A_130, %dma_wait3A_141] : memref<10240x128xf32, #tpu.memory_space<vmem_shared>> -> memref<640x128xf32, #tpu.memory_space<vmem_shared>>
      tpu.wait_dma2 semaphore(%run_scoped3A : memref<!tpu.dma_semaphore, #tpu.memory_space<semaphore_mem>>) src(%dma_wait3A_142 : memref<640x128xf32, #tpu.memory_space<vmem_shared>>) dst(%dma_wait3A_140 : memref<640x128xf32, #tpu.memory_space<hbm>>)
      tpu.yield
    }) : () -> ()
    return
  }
}

#map = affine_map<(d0, d1) -> (0, 0)>
#map1 = affine_map<(d0, d1) -> (0)>
#map2 = affine_map<(d0, d1) -> (0, 0, 0)>
module attributes {stable_mosaic.version = 14 : i64} {
  func.func @_sc_scatter_body(%arg0: i32, %arg1: i32, %arg2: memref<10240x128xf32, #tpu.memory_space<hbm>>, %arg3: memref<320000xi32, #tpu.memory_space<hbm>>, %arg4: memref<320000xi32, #tpu.memory_space<hbm>>, %arg5: memref<640x128xf32, #tpu.memory_space<hbm>>, %arg6: memref<2x10240x128xf32, #tpu.memory_space<hbm>>, %arg7: memref<10240x128xf32, #tpu.memory_space<vmem_shared>>, %arg8: memref<4800xi32, #tpu.memory_space<vmem>>, %arg9: memref<4800xi32, #tpu.memory_space<vmem>>, %arg10: memref<80x128xf32, #tpu.memory_space<vmem>>, %arg11: memref<80x128xf32, #tpu.memory_space<vmem>>, %arg12: memref<80x128xf32, #tpu.memory_space<vmem>>, %arg13: memref<!tpu.dma_semaphore, #tpu.memory_space<semaphore_mem>>, %arg14: memref<!tpu.dma_semaphore, #tpu.memory_space<semaphore_mem>>, %arg15: memref<!tpu.dma_semaphore, #tpu.memory_space<semaphore_mem>>, %arg16: memref<!tpu.dma_semaphore, #tpu.memory_space<semaphore_mem>>, %arg17: memref<!tpu.dma_semaphore, #tpu.memory_space<semaphore_mem>>, %arg18: memref<!tpu.dma_semaphore, #tpu.memory_space<semaphore_mem>>) attributes {dimension_semantics = [#tpu.dimension_semantics<core_parallel>, #tpu.dimension_semantics<subcore_parallel>], iteration_bounds = array<i64: 2, 16>, scalar_prefetch = 0 : i64, scratch_operands = 12 : i64, tpu.core_type = #tpu.core_type<sc_vector_subcore>, window_params = [{transform_indices = #map}, {transform_indices = #map1}, {transform_indices = #map1}, {transform_indices = #map}, {transform_indices = #map2}]} {
    %mul3A = arith.constant 16 : i32
    %mul3A_0 = arith.muli %arg0, %mul3A : i32
    %add3A = arith.addi %mul3A_0, %arg1 : i32
    %mul3A_1 = arith.constant 10000 : i32
    %mul3A_2 = arith.muli %add3A, %mul3A_1 : i32
    %mul3A_3 = arith.constant 640 : i32
    %mul3A_4 = arith.muli %arg1, %mul3A_3 : i32
    "tpu.region"() ({
      %run_scoped3A = tpu.sem_alloc : memref<!tpu.dma_semaphore, #tpu.memory_space<semaphore_mem>>
      %dma_start3A_133 = arith.constant 0 : i32
      %dma_start3A_134 = tpu.memref_slice %arg7[%mul3A_4, %dma_start3A_133] : memref<10240x128xf32, #tpu.memory_space<vmem_shared>> -> memref<640x128xf32, #tpu.memory_space<vmem_shared>>
      tpu.enqueue_dma source(%arg5 : memref<640x128xf32, #tpu.memory_space<hbm>>) target(%dma_start3A_134 : memref<640x128xf32, #tpu.memory_space<vmem_shared>>) target_semaphore(%run_scoped3A : memref<!tpu.dma_semaphore, #tpu.memory_space<semaphore_mem>>)
      %dma_wait3A_135 = arith.constant 0 : i32
      %dma_wait3A_136 = tpu.memref_slice %arg7[%mul3A_4, %dma_wait3A_135] : memref<10240x128xf32, #tpu.memory_space<vmem_shared>> -> memref<640x128xf32, #tpu.memory_space<vmem_shared>>
      tpu.wait_dma2 semaphore(%run_scoped3A : memref<!tpu.dma_semaphore, #tpu.memory_space<semaphore_mem>>) src(%arg5 : memref<640x128xf32, #tpu.memory_space<hbm>>) dst(%dma_wait3A_136 : memref<640x128xf32, #tpu.memory_space<vmem_shared>>)
      tpu.yield
    }) : () -> ()
    %barrier3A = arith.constant 0 : index
    tpu.barrier barrier_id(%barrier3A)
    %add3A_5 = arith.constant 0 : i32
    %add3A_6 = arith.addi %mul3A_2, %add3A_5 : i32
    "tpu.region"() ({
      %run_scoped3A = tpu.sem_alloc : memref<!tpu.dma_semaphore, #tpu.memory_space<semaphore_mem>>
      %dma_start3A_133 = arith.constant 0 : i32
      %dma_start3A_134 = tpu.memref_slice %arg8[%dma_start3A_133] : memref<4800xi32, #tpu.memory_space<vmem>> -> memref<4800xi32, #tpu.memory_space<vmem>>
      %dma_start3A_135 = tpu.memref_slice %arg3[%add3A_6] : memref<320000xi32, #tpu.memory_space<hbm>> -> memref<4800xi32, #tpu.memory_space<hbm>>
      %dma_start3A_136 = arith.constant 0 : i32
      %dma_start3A_137 = tpu.memref_slice %arg8[%dma_start3A_136] : memref<4800xi32, #tpu.memory_space<vmem>> -> memref<4800xi32, #tpu.memory_space<vmem>>
      %dma_start3A_138 = tpu.memref_slice %arg3[%add3A_6] : memref<320000xi32, #tpu.memory_space<hbm>> -> memref<4800xi32, #tpu.memory_space<hbm>>
      tpu.enqueue_dma source(%dma_start3A_138 : memref<4800xi32, #tpu.memory_space<hbm>>) target(%dma_start3A_137 : memref<4800xi32, #tpu.memory_space<vmem>>) target_semaphore(%run_scoped3A : memref<!tpu.dma_semaphore, #tpu.memory_space<semaphore_mem>>)
      %dma_wait3A_139 = arith.constant 0 : i32
      %dma_wait3A_140 = tpu.memref_slice %arg8[%dma_wait3A_139] : memref<4800xi32, #tpu.memory_space<vmem>> -> memref<4800xi32, #tpu.memory_space<vmem>>
      %dma_wait3A_141 = tpu.memref_slice %arg3[%add3A_6] : memref<320000xi32, #tpu.memory_space<hbm>> -> memref<4800xi32, #tpu.memory_space<hbm>>
      %dma_wait3A_142 = arith.constant 0 : i32
      %dma_wait3A_143 = tpu.memref_slice %arg8[%dma_wait3A_142] : memref<4800xi32, #tpu.memory_space<vmem>> -> memref<4800xi32, #tpu.memory_space<vmem>>
      %dma_wait3A_144 = tpu.memref_slice %arg3[%add3A_6] : memref<320000xi32, #tpu.memory_space<hbm>> -> memref<4800xi32, #tpu.memory_space<hbm>>
      tpu.wait_dma2 semaphore(%run_scoped3A : memref<!tpu.dma_semaphore, #tpu.memory_space<semaphore_mem>>) src(%dma_wait3A_144 : memref<4800xi32, #tpu.memory_space<hbm>>) dst(%dma_wait3A_143 : memref<4800xi32, #tpu.memory_space<vmem>>)
      tpu.yield
    }) : () -> ()
    "tpu.region"() ({
      %run_scoped3A = tpu.sem_alloc : memref<!tpu.dma_semaphore, #tpu.memory_space<semaphore_mem>>
      %dma_start3A_133 = arith.constant 0 : i32
      %dma_start3A_134 = tpu.memref_slice %arg9[%dma_start3A_133] : memref<4800xi32, #tpu.memory_space<vmem>> -> memref<4800xi32, #tpu.memory_space<vmem>>
      %dma_start3A_135 = tpu.memref_slice %arg4[%add3A_6] : memref<320000xi32, #tpu.memory_space<hbm>> -> memref<4800xi32, #tpu.memory_space<hbm>>
      %dma_start3A_136 = arith.constant 0 : i32
      %dma_start3A_137 = tpu.memref_slice %arg9[%dma_start3A_136] : memref<4800xi32, #tpu.memory_space<vmem>> -> memref<4800xi32, #tpu.memory_space<vmem>>
      %dma_start3A_138 = tpu.memref_slice %arg4[%add3A_6] : memref<320000xi32, #tpu.memory_space<hbm>> -> memref<4800xi32, #tpu.memory_space<hbm>>
      tpu.enqueue_dma source(%dma_start3A_138 : memref<4800xi32, #tpu.memory_space<hbm>>) target(%dma_start3A_137 : memref<4800xi32, #tpu.memory_space<vmem>>) target_semaphore(%run_scoped3A : memref<!tpu.dma_semaphore, #tpu.memory_space<semaphore_mem>>)
      %dma_wait3A_139 = arith.constant 0 : i32
      %dma_wait3A_140 = tpu.memref_slice %arg9[%dma_wait3A_139] : memref<4800xi32, #tpu.memory_space<vmem>> -> memref<4800xi32, #tpu.memory_space<vmem>>
      %dma_wait3A_141 = tpu.memref_slice %arg4[%add3A_6] : memref<320000xi32, #tpu.memory_space<hbm>> -> memref<4800xi32, #tpu.memory_space<hbm>>
      %dma_wait3A_142 = arith.constant 0 : i32
      %dma_wait3A_143 = tpu.memref_slice %arg9[%dma_wait3A_142] : memref<4800xi32, #tpu.memory_space<vmem>> -> memref<4800xi32, #tpu.memory_space<vmem>>
      %dma_wait3A_144 = tpu.memref_slice %arg4[%add3A_6] : memref<320000xi32, #tpu.memory_space<hbm>> -> memref<4800xi32, #tpu.memory_space<hbm>>
      tpu.wait_dma2 semaphore(%run_scoped3A : memref<!tpu.dma_semaphore, #tpu.memory_space<semaphore_mem>>) src(%dma_wait3A_144 : memref<4800xi32, #tpu.memory_space<hbm>>) dst(%dma_wait3A_143 : memref<4800xi32, #tpu.memory_space<vmem>>)
      tpu.yield
    }) : () -> ()
    %dma_start3A = arith.constant 0 : i32
    %dma_start3A_7 = tpu.memref_slice %arg8[%dma_start3A] : memref<4800xi32, #tpu.memory_space<vmem>> -> memref<80xi32, #tpu.memory_space<vmem>>
    %dma_start3A_8 = arith.constant 0 : i32
    %dma_start3A_9 = arith.constant 0 : i32
    %dma_start3A_10 = tpu.memref_slice %arg2[%dma_start3A_8, %dma_start3A_9] : memref<10240x128xf32, #tpu.memory_space<hbm>> -> memref<10240x128xf32, #tpu.memory_space<hbm>>
    tpu.enqueue_indirect_dma source(%dma_start3A_10 : memref<10240x128xf32, #tpu.memory_space<hbm>>) target(%arg10 : memref<80x128xf32, #tpu.memory_space<vmem>>) offsets(%dma_start3A_7 : memref<80xi32, #tpu.memory_space<vmem>>) semaphore(%arg13 : memref<!tpu.dma_semaphore, #tpu.memory_space<semaphore_mem>>)
    %dma_start3A_11 = arith.constant 80 : i32
    %dma_start3A_12 = tpu.memref_slice %arg8[%dma_start3A_11] : memref<4800xi32, #tpu.memory_space<vmem>> -> memref<80xi32, #tpu.memory_space<vmem>>
    %dma_start3A_13 = arith.constant 0 : i32
    %dma_start3A_14 = arith.constant 0 : i32
    %dma_start3A_15 = tpu.memref_slice %arg2[%dma_start3A_13, %dma_start3A_14] : memref<10240x128xf32, #tpu.memory_space<hbm>> -> memref<10240x128xf32, #tpu.memory_space<hbm>>
    tpu.enqueue_indirect_dma source(%dma_start3A_15 : memref<10240x128xf32, #tpu.memory_space<hbm>>) target(%arg11 : memref<80x128xf32, #tpu.memory_space<vmem>>) offsets(%dma_start3A_12 : memref<80xi32, #tpu.memory_space<vmem>>) semaphore(%arg14 : memref<!tpu.dma_semaphore, #tpu.memory_space<semaphore_mem>>)
    %dma_start3A_16 = arith.constant 160 : i32
    %dma_start3A_17 = tpu.memref_slice %arg8[%dma_start3A_16] : memref<4800xi32, #tpu.memory_space<vmem>> -> memref<80xi32, #tpu.memory_space<vmem>>
    %dma_start3A_18 = arith.constant 0 : i32
    %dma_start3A_19 = arith.constant 0 : i32
    %dma_start3A_20 = tpu.memref_slice %arg2[%dma_start3A_18, %dma_start3A_19] : memref<10240x128xf32, #tpu.memory_space<hbm>> -> memref<10240x128xf32, #tpu.memory_space<hbm>>
    tpu.enqueue_indirect_dma source(%dma_start3A_20 : memref<10240x128xf32, #tpu.memory_space<hbm>>) target(%arg12 : memref<80x128xf32, #tpu.memory_space<vmem>>) offsets(%dma_start3A_17 : memref<80xi32, #tpu.memory_space<vmem>>) semaphore(%arg15 : memref<!tpu.dma_semaphore, #tpu.memory_space<semaphore_mem>>)
    %scan3A = arith.constant 0 : i32
    %scan3A_21 = arith.constant 0 : i32
    %scan3A_22 = arith.constant 20 : i32
    %scan3A_23 = arith.addi %scan3A_21, %scan3A_22 : i32
    %scan3A_24 = arith.constant 1 : i32
    scf.for %scan3A_133 = %scan3A_21 to %scan3A_23 step %scan3A_24  : i32 {
      %mul3A_134 = arith.constant 3 : i32
      %mul3A_135 = arith.muli %mul3A_134, %scan3A_133 : i32
      %add3A_136 = arith.constant 0 : i32
      %add3A_137 = arith.addi %mul3A_135, %add3A_136 : i32
      %dma_wait3A_138 = arith.constant 0 : i32
      %dma_wait3A_139 = arith.constant 0 : i32
      %dma_wait3A_140 = tpu.memref_slice %arg2[%dma_wait3A_138, %dma_wait3A_139] : memref<10240x128xf32, #tpu.memory_space<hbm>> -> memref<80x128xf32, #tpu.memory_space<hbm>>
      %dma_wait3A_141 = arith.constant 0 : i32
      %dma_wait3A_142 = arith.constant 0 : i32
      %dma_wait3A_143 = tpu.memref_slice %arg2[%dma_wait3A_141, %dma_wait3A_142] : memref<10240x128xf32, #tpu.memory_space<hbm>> -> memref<80x128xf32, #tpu.memory_space<hbm>>
      tpu.wait_dma2 semaphore(%arg13 : memref<!tpu.dma_semaphore, #tpu.memory_space<semaphore_mem>>) src(%dma_wait3A_143 : memref<80x128xf32, #tpu.memory_space<hbm>>) dst(%arg10 : memref<80x128xf32, #tpu.memory_space<vmem>>)
      %add3A_144 = arith.constant 3 : i32
      %add3A_145 = arith.addi %add3A_137, %add3A_144 : i32
      %lt3A_146 = arith.constant 60 : i32
      %lt3A_147 = arith.cmpi slt, %add3A_145, %lt3A_146 : i32
      %convert_element_type3A_148 = arith.extui %lt3A_147 : i1 to i32
      %cond3A_149 = arith.constant 0 : i32
      %cond3A_150 = arith.cmpi ne, %convert_element_type3A_148, %cond3A_149 : i32
      scf.if %cond3A_150 {
        %add3A_185 = arith.constant 3 : i32
        %add3A_186 = arith.addi %add3A_137, %add3A_185 : i32
        %mul3A_187 = arith.constant 80 : i32
        %mul3A_188 = arith.muli %add3A_186, %mul3A_187 : i32
        %dma_start3A_189 = tpu.memref_slice %arg8[%mul3A_188] : memref<4800xi32, #tpu.memory_space<vmem>> -> memref<80xi32, #tpu.memory_space<vmem>>
        %dma_start3A_190 = arith.constant 0 : i32
        %dma_start3A_191 = arith.constant 0 : i32
        %dma_start3A_192 = tpu.memref_slice %arg2[%dma_start3A_190, %dma_start3A_191] : memref<10240x128xf32, #tpu.memory_space<hbm>> -> memref<10240x128xf32, #tpu.memory_space<hbm>>
        tpu.enqueue_indirect_dma source(%dma_start3A_192 : memref<10240x128xf32, #tpu.memory_space<hbm>>) target(%arg10 : memref<80x128xf32, #tpu.memory_space<vmem>>) offsets(%dma_start3A_189 : memref<80xi32, #tpu.memory_space<vmem>>) semaphore(%arg13 : memref<!tpu.dma_semaphore, #tpu.memory_space<semaphore_mem>>)
      } else {
      }
      %mul3A_151 = arith.constant 3 : i32
      %mul3A_152 = arith.muli %mul3A_151, %scan3A_133 : i32
      %add3A_153 = arith.constant 1 : i32
      %add3A_154 = arith.addi %mul3A_152, %add3A_153 : i32
      %dma_wait3A_155 = arith.constant 0 : i32
      %dma_wait3A_156 = arith.constant 0 : i32
      %dma_wait3A_157 = tpu.memref_slice %arg2[%dma_wait3A_155, %dma_wait3A_156] : memref<10240x128xf32, #tpu.memory_space<hbm>> -> memref<80x128xf32, #tpu.memory_space<hbm>>
      %dma_wait3A_158 = arith.constant 0 : i32
      %dma_wait3A_159 = arith.constant 0 : i32
      %dma_wait3A_160 = tpu.memref_slice %arg2[%dma_wait3A_158, %dma_wait3A_159] : memref<10240x128xf32, #tpu.memory_space<hbm>> -> memref<80x128xf32, #tpu.memory_space<hbm>>
      tpu.wait_dma2 semaphore(%arg14 : memref<!tpu.dma_semaphore, #tpu.memory_space<semaphore_mem>>) src(%dma_wait3A_160 : memref<80x128xf32, #tpu.memory_space<hbm>>) dst(%arg11 : memref<80x128xf32, #tpu.memory_space<vmem>>)
      %add3A_161 = arith.constant 3 : i32
      %add3A_162 = arith.addi %add3A_154, %add3A_161 : i32
      %lt3A_163 = arith.constant 60 : i32
      %lt3A_164 = arith.cmpi slt, %add3A_162, %lt3A_163 : i32
      %convert_element_type3A_165 = arith.extui %lt3A_164 : i1 to i32
      %cond3A_166 = arith.constant 0 : i32
      %cond3A_167 = arith.cmpi ne, %convert_element_type3A_165, %cond3A_166 : i32
      scf.if %cond3A_167 {
        %add3A_185 = arith.constant 3 : i32
        %add3A_186 = arith.addi %add3A_154, %add3A_185 : i32
        %mul3A_187 = arith.constant 80 : i32
        %mul3A_188 = arith.muli %add3A_186, %mul3A_187 : i32
        %dma_start3A_189 = tpu.memref_slice %arg8[%mul3A_188] : memref<4800xi32, #tpu.memory_space<vmem>> -> memref<80xi32, #tpu.memory_space<vmem>>
        %dma_start3A_190 = arith.constant 0 : i32
        %dma_start3A_191 = arith.constant 0 : i32
        %dma_start3A_192 = tpu.memref_slice %arg2[%dma_start3A_190, %dma_start3A_191] : memref<10240x128xf32, #tpu.memory_space<hbm>> -> memref<10240x128xf32, #tpu.memory_space<hbm>>
        tpu.enqueue_indirect_dma source(%dma_start3A_192 : memref<10240x128xf32, #tpu.memory_space<hbm>>) target(%arg11 : memref<80x128xf32, #tpu.memory_space<vmem>>) offsets(%dma_start3A_189 : memref<80xi32, #tpu.memory_space<vmem>>) semaphore(%arg14 : memref<!tpu.dma_semaphore, #tpu.memory_space<semaphore_mem>>)
      } else {
      }
      %mul3A_168 = arith.constant 3 : i32
      %mul3A_169 = arith.muli %mul3A_168, %scan3A_133 : i32
      %add3A_170 = arith.constant 2 : i32
      %add3A_171 = arith.addi %mul3A_169, %add3A_170 : i32
      %dma_wait3A_172 = arith.constant 0 : i32
      %dma_wait3A_173 = arith.constant 0 : i32
      %dma_wait3A_174 = tpu.memref_slice %arg2[%dma_wait3A_172, %dma_wait3A_173] : memref<10240x128xf32, #tpu.memory_space<hbm>> -> memref<80x128xf32, #tpu.memory_space<hbm>>
      %dma_wait3A_175 = arith.constant 0 : i32
      %dma_wait3A_176 = arith.constant 0 : i32
      %dma_wait3A_177 = tpu.memref_slice %arg2[%dma_wait3A_175, %dma_wait3A_176] : memref<10240x128xf32, #tpu.memory_space<hbm>> -> memref<80x128xf32, #tpu.memory_space<hbm>>
      tpu.wait_dma2 semaphore(%arg15 : memref<!tpu.dma_semaphore, #tpu.memory_space<semaphore_mem>>) src(%dma_wait3A_177 : memref<80x128xf32, #tpu.memory_space<hbm>>) dst(%arg12 : memref<80x128xf32, #tpu.memory_space<vmem>>)
      %add3A_178 = arith.constant 3 : i32
      %add3A_179 = arith.addi %add3A_171, %add3A_178 : i32
      %lt3A_180 = arith.constant 60 : i32
      %lt3A_181 = arith.cmpi slt, %add3A_179, %lt3A_180 : i32
      %convert_element_type3A_182 = arith.extui %lt3A_181 : i1 to i32
      %cond3A_183 = arith.constant 0 : i32
      %cond3A_184 = arith.cmpi ne, %convert_element_type3A_182, %cond3A_183 : i32
      scf.if %cond3A_184 {
        %add3A_185 = arith.constant 3 : i32
        %add3A_186 = arith.addi %add3A_171, %add3A_185 : i32
        %mul3A_187 = arith.constant 80 : i32
        %mul3A_188 = arith.muli %add3A_186, %mul3A_187 : i32
        %dma_start3A_189 = tpu.memref_slice %arg8[%mul3A_188] : memref<4800xi32, #tpu.memory_space<vmem>> -> memref<80xi32, #tpu.memory_space<vmem>>
        %dma_start3A_190 = arith.constant 0 : i32
        %dma_start3A_191 = arith.constant 0 : i32
        %dma_start3A_192 = tpu.memref_slice %arg2[%dma_start3A_190, %dma_start3A_191] : memref<10240x128xf32, #tpu.memory_space<hbm>> -> memref<10240x128xf32, #tpu.memory_space<hbm>>
        tpu.enqueue_indirect_dma source(%dma_start3A_192 : memref<10240x128xf32, #tpu.memory_space<hbm>>) target(%arg12 : memref<80x128xf32, #tpu.memory_space<vmem>>) offsets(%dma_start3A_189 : memref<80xi32, #tpu.memory_space<vmem>>) semaphore(%arg15 : memref<!tpu.dma_semaphore, #tpu.memory_space<semaphore_mem>>)
      } else {
      }
    }
    %scan3A_25 = arith.constant 20 : i32
    %add3A_26 = arith.constant 4800 : i32
    %add3A_27 = arith.addi %mul3A_2, %add3A_26 : i32
    "tpu.region"() ({
      %run_scoped3A = tpu.sem_alloc : memref<!tpu.dma_semaphore, #tpu.memory_space<semaphore_mem>>
      %dma_start3A_133 = arith.constant 0 : i32
      %dma_start3A_134 = tpu.memref_slice %arg8[%dma_start3A_133] : memref<4800xi32, #tpu.memory_space<vmem>> -> memref<4800xi32, #tpu.memory_space<vmem>>
      %dma_start3A_135 = tpu.memref_slice %arg3[%add3A_27] : memref<320000xi32, #tpu.memory_space<hbm>> -> memref<4800xi32, #tpu.memory_space<hbm>>
      %dma_start3A_136 = arith.constant 0 : i32
      %dma_start3A_137 = tpu.memref_slice %arg8[%dma_start3A_136] : memref<4800xi32, #tpu.memory_space<vmem>> -> memref<4800xi32, #tpu.memory_space<vmem>>
      %dma_start3A_138 = tpu.memref_slice %arg3[%add3A_27] : memref<320000xi32, #tpu.memory_space<hbm>> -> memref<4800xi32, #tpu.memory_space<hbm>>
      tpu.enqueue_dma source(%dma_start3A_138 : memref<4800xi32, #tpu.memory_space<hbm>>) target(%dma_start3A_137 : memref<4800xi32, #tpu.memory_space<vmem>>) target_semaphore(%run_scoped3A : memref<!tpu.dma_semaphore, #tpu.memory_space<semaphore_mem>>)
      %dma_wait3A_139 = arith.constant 0 : i32
      %dma_wait3A_140 = tpu.memref_slice %arg8[%dma_wait3A_139] : memref<4800xi32, #tpu.memory_space<vmem>> -> memref<4800xi32, #tpu.memory_space<vmem>>
      %dma_wait3A_141 = tpu.memref_slice %arg3[%add3A_27] : memref<320000xi32, #tpu.memory_space<hbm>> -> memref<4800xi32, #tpu.memory_space<hbm>>
      %dma_wait3A_142 = arith.constant 0 : i32
      %dma_wait3A_143 = tpu.memref_slice %arg8[%dma_wait3A_142] : memref<4800xi32, #tpu.memory_space<vmem>> -> memref<4800xi32, #tpu.memory_space<vmem>>
      %dma_wait3A_144 = tpu.memref_slice %arg3[%add3A_27] : memref<320000xi32, #tpu.memory_space<hbm>> -> memref<4800xi32, #tpu.memory_space<hbm>>
      tpu.wait_dma2 semaphore(%run_scoped3A : memref<!tpu.dma_semaphore, #tpu.memory_space<semaphore_mem>>) src(%dma_wait3A_144 : memref<4800xi32, #tpu.memory_space<hbm>>) dst(%dma_wait3A_143 : memref<4800xi32, #tpu.memory_space<vmem>>)
      tpu.yield
    }) : () -> ()
    "tpu.region"() ({
      %run_scoped3A = tpu.sem_alloc : memref<!tpu.dma_semaphore, #tpu.memory_space<semaphore_mem>>
      %dma_start3A_133 = arith.constant 0 : i32
      %dma_start3A_134 = tpu.memref_slice %arg9[%dma_start3A_133] : memref<4800xi32, #tpu.memory_space<vmem>> -> memref<4800xi32, #tpu.memory_space<vmem>>
      %dma_start3A_135 = tpu.memref_slice %arg4[%add3A_27] : memref<320000xi32, #tpu.memory_space<hbm>> -> memref<4800xi32, #tpu.memory_space<hbm>>
      %dma_start3A_136 = arith.constant 0 : i32
      %dma_start3A_137 = tpu.memref_slice %arg9[%dma_start3A_136] : memref<4800xi32, #tpu.memory_space<vmem>> -> memref<4800xi32, #tpu.memory_space<vmem>>
      %dma_start3A_138 = tpu.memref_slice %arg4[%add3A_27] : memref<320000xi32, #tpu.memory_space<hbm>> -> memref<4800xi32, #tpu.memory_space<hbm>>
      tpu.enqueue_dma source(%dma_start3A_138 : memref<4800xi32, #tpu.memory_space<hbm>>) target(%dma_start3A_137 : memref<4800xi32, #tpu.memory_space<vmem>>) target_semaphore(%run_scoped3A : memref<!tpu.dma_semaphore, #tpu.memory_space<semaphore_mem>>)
      %dma_wait3A_139 = arith.constant 0 : i32
      %dma_wait3A_140 = tpu.memref_slice %arg9[%dma_wait3A_139] : memref<4800xi32, #tpu.memory_space<vmem>> -> memref<4800xi32, #tpu.memory_space<vmem>>
      %dma_wait3A_141 = tpu.memref_slice %arg4[%add3A_27] : memref<320000xi32, #tpu.memory_space<hbm>> -> memref<4800xi32, #tpu.memory_space<hbm>>
      %dma_wait3A_142 = arith.constant 0 : i32
      %dma_wait3A_143 = tpu.memref_slice %arg9[%dma_wait3A_142] : memref<4800xi32, #tpu.memory_space<vmem>> -> memref<4800xi32, #tpu.memory_space<vmem>>
      %dma_wait3A_144 = tpu.memref_slice %arg4[%add3A_27] : memref<320000xi32, #tpu.memory_space<hbm>> -> memref<4800xi32, #tpu.memory_space<hbm>>
      tpu.wait_dma2 semaphore(%run_scoped3A : memref<!tpu.dma_semaphore, #tpu.memory_space<semaphore_mem>>) src(%dma_wait3A_144 : memref<4800xi32, #tpu.memory_space<hbm>>) dst(%dma_wait3A_143 : memref<4800xi32, #tpu.memory_space<vmem>>)
      tpu.yield
    }) : () -> ()
    %dma_start3A_28 = arith.constant 0 : i32
    %dma_start3A_29 = tpu.memref_slice %arg8[%dma_start3A_28] : memref<4800xi32, #tpu.memory_space<vmem>> -> memref<80xi32, #tpu.memory_space<vmem>>
    %dma_start3A_30 = arith.constant 0 : i32
    %dma_start3A_31 = arith.constant 0 : i32
    %dma_start3A_32 = tpu.memref_slice %arg2[%dma_start3A_30, %dma_start3A_31] : memref<10240x128xf32, #tpu.memory_space<hbm>> -> memref<10240x128xf32, #tpu.memory_space<hbm>>
    tpu.enqueue_indirect_dma source(%dma_start3A_32 : memref<10240x128xf32, #tpu.memory_space<hbm>>) target(%arg10 : memref<80x128xf32, #tpu.memory_space<vmem>>) offsets(%dma_start3A_29 : memref<80xi32, #tpu.memory_space<vmem>>) semaphore(%arg13 : memref<!tpu.dma_semaphore, #tpu.memory_space<semaphore_mem>>)
    %dma_start3A_33 = arith.constant 80 : i32
    %dma_start3A_34 = tpu.memref_slice %arg8[%dma_start3A_33] : memref<4800xi32, #tpu.memory_space<vmem>> -> memref<80xi32, #tpu.memory_space<vmem>>
    %dma_start3A_35 = arith.constant 0 : i32
    %dma_start3A_36 = arith.constant 0 : i32
    %dma_start3A_37 = tpu.memref_slice %arg2[%dma_start3A_35, %dma_start3A_36] : memref<10240x128xf32, #tpu.memory_space<hbm>> -> memref<10240x128xf32, #tpu.memory_space<hbm>>
    tpu.enqueue_indirect_dma source(%dma_start3A_37 : memref<10240x128xf32, #tpu.memory_space<hbm>>) target(%arg11 : memref<80x128xf32, #tpu.memory_space<vmem>>) offsets(%dma_start3A_34 : memref<80xi32, #tpu.memory_space<vmem>>) semaphore(%arg14 : memref<!tpu.dma_semaphore, #tpu.memory_space<semaphore_mem>>)
    %dma_start3A_38 = arith.constant 160 : i32
    %dma_start3A_39 = tpu.memref_slice %arg8[%dma_start3A_38] : memref<4800xi32, #tpu.memory_space<vmem>> -> memref<80xi32, #tpu.memory_space<vmem>>
    %dma_start3A_40 = arith.constant 0 : i32
    %dma_start3A_41 = arith.constant 0 : i32
    %dma_start3A_42 = tpu.memref_slice %arg2[%dma_start3A_40, %dma_start3A_41] : memref<10240x128xf32, #tpu.memory_space<hbm>> -> memref<10240x128xf32, #tpu.memory_space<hbm>>
    tpu.enqueue_indirect_dma source(%dma_start3A_42 : memref<10240x128xf32, #tpu.memory_space<hbm>>) target(%arg12 : memref<80x128xf32, #tpu.memory_space<vmem>>) offsets(%dma_start3A_39 : memref<80xi32, #tpu.memory_space<vmem>>) semaphore(%arg15 : memref<!tpu.dma_semaphore, #tpu.memory_space<semaphore_mem>>)
    %scan3A_43 = arith.constant 0 : i32
    %scan3A_44 = arith.constant 0 : i32
    %scan3A_45 = arith.constant 20 : i32
    %scan3A_46 = arith.addi %scan3A_44, %scan3A_45 : i32
    %scan3A_47 = arith.constant 1 : i32
    scf.for %scan3A_133 = %scan3A_44 to %scan3A_46 step %scan3A_47  : i32 {
      %mul3A_134 = arith.constant 3 : i32
      %mul3A_135 = arith.muli %mul3A_134, %scan3A_133 : i32
      %add3A_136 = arith.constant 0 : i32
      %add3A_137 = arith.addi %mul3A_135, %add3A_136 : i32
      %dma_wait3A_138 = arith.constant 0 : i32
      %dma_wait3A_139 = arith.constant 0 : i32
      %dma_wait3A_140 = tpu.memref_slice %arg2[%dma_wait3A_138, %dma_wait3A_139] : memref<10240x128xf32, #tpu.memory_space<hbm>> -> memref<80x128xf32, #tpu.memory_space<hbm>>
      %dma_wait3A_141 = arith.constant 0 : i32
      %dma_wait3A_142 = arith.constant 0 : i32
      %dma_wait3A_143 = tpu.memref_slice %arg2[%dma_wait3A_141, %dma_wait3A_142] : memref<10240x128xf32, #tpu.memory_space<hbm>> -> memref<80x128xf32, #tpu.memory_space<hbm>>
      tpu.wait_dma2 semaphore(%arg13 : memref<!tpu.dma_semaphore, #tpu.memory_space<semaphore_mem>>) src(%dma_wait3A_143 : memref<80x128xf32, #tpu.memory_space<hbm>>) dst(%arg10 : memref<80x128xf32, #tpu.memory_space<vmem>>)
      %add3A_144 = arith.constant 3 : i32
      %add3A_145 = arith.addi %add3A_137, %add3A_144 : i32
      %lt3A_146 = arith.constant 60 : i32
      %lt3A_147 = arith.cmpi slt, %add3A_145, %lt3A_146 : i32
      %convert_element_type3A_148 = arith.extui %lt3A_147 : i1 to i32
      %cond3A_149 = arith.constant 0 : i32
      %cond3A_150 = arith.cmpi ne, %convert_element_type3A_148, %cond3A_149 : i32
      scf.if %cond3A_150 {
        %add3A_185 = arith.constant 3 : i32
        %add3A_186 = arith.addi %add3A_137, %add3A_185 : i32
        %mul3A_187 = arith.constant 80 : i32
        %mul3A_188 = arith.muli %add3A_186, %mul3A_187 : i32
        %dma_start3A_189 = tpu.memref_slice %arg8[%mul3A_188] : memref<4800xi32, #tpu.memory_space<vmem>> -> memref<80xi32, #tpu.memory_space<vmem>>
        %dma_start3A_190 = arith.constant 0 : i32
        %dma_start3A_191 = arith.constant 0 : i32
        %dma_start3A_192 = tpu.memref_slice %arg2[%dma_start3A_190, %dma_start3A_191] : memref<10240x128xf32, #tpu.memory_space<hbm>> -> memref<10240x128xf32, #tpu.memory_space<hbm>>
        tpu.enqueue_indirect_dma source(%dma_start3A_192 : memref<10240x128xf32, #tpu.memory_space<hbm>>) target(%arg10 : memref<80x128xf32, #tpu.memory_space<vmem>>) offsets(%dma_start3A_189 : memref<80xi32, #tpu.memory_space<vmem>>) semaphore(%arg13 : memref<!tpu.dma_semaphore, #tpu.memory_space<semaphore_mem>>)
      } else {
      }
      %mul3A_151 = arith.constant 3 : i32
      %mul3A_152 = arith.muli %mul3A_151, %scan3A_133 : i32
      %add3A_153 = arith.constant 1 : i32
      %add3A_154 = arith.addi %mul3A_152, %add3A_153 : i32
      %dma_wait3A_155 = arith.constant 0 : i32
      %dma_wait3A_156 = arith.constant 0 : i32
      %dma_wait3A_157 = tpu.memref_slice %arg2[%dma_wait3A_155, %dma_wait3A_156] : memref<10240x128xf32, #tpu.memory_space<hbm>> -> memref<80x128xf32, #tpu.memory_space<hbm>>
      %dma_wait3A_158 = arith.constant 0 : i32
      %dma_wait3A_159 = arith.constant 0 : i32
      %dma_wait3A_160 = tpu.memref_slice %arg2[%dma_wait3A_158, %dma_wait3A_159] : memref<10240x128xf32, #tpu.memory_space<hbm>> -> memref<80x128xf32, #tpu.memory_space<hbm>>
      tpu.wait_dma2 semaphore(%arg14 : memref<!tpu.dma_semaphore, #tpu.memory_space<semaphore_mem>>) src(%dma_wait3A_160 : memref<80x128xf32, #tpu.memory_space<hbm>>) dst(%arg11 : memref<80x128xf32, #tpu.memory_space<vmem>>)
      %add3A_161 = arith.constant 3 : i32
      %add3A_162 = arith.addi %add3A_154, %add3A_161 : i32
      %lt3A_163 = arith.constant 60 : i32
      %lt3A_164 = arith.cmpi slt, %add3A_162, %lt3A_163 : i32
      %convert_element_type3A_165 = arith.extui %lt3A_164 : i1 to i32
      %cond3A_166 = arith.constant 0 : i32
      %cond3A_167 = arith.cmpi ne, %convert_element_type3A_165, %cond3A_166 : i32
      scf.if %cond3A_167 {
        %add3A_185 = arith.constant 3 : i32
        %add3A_186 = arith.addi %add3A_154, %add3A_185 : i32
        %mul3A_187 = arith.constant 80 : i32
        %mul3A_188 = arith.muli %add3A_186, %mul3A_187 : i32
        %dma_start3A_189 = tpu.memref_slice %arg8[%mul3A_188] : memref<4800xi32, #tpu.memory_space<vmem>> -> memref<80xi32, #tpu.memory_space<vmem>>
        %dma_start3A_190 = arith.constant 0 : i32
        %dma_start3A_191 = arith.constant 0 : i32
        %dma_start3A_192 = tpu.memref_slice %arg2[%dma_start3A_190, %dma_start3A_191] : memref<10240x128xf32, #tpu.memory_space<hbm>> -> memref<10240x128xf32, #tpu.memory_space<hbm>>
        tpu.enqueue_indirect_dma source(%dma_start3A_192 : memref<10240x128xf32, #tpu.memory_space<hbm>>) target(%arg11 : memref<80x128xf32, #tpu.memory_space<vmem>>) offsets(%dma_start3A_189 : memref<80xi32, #tpu.memory_space<vmem>>) semaphore(%arg14 : memref<!tpu.dma_semaphore, #tpu.memory_space<semaphore_mem>>)
      } else {
      }
      %mul3A_168 = arith.constant 3 : i32
      %mul3A_169 = arith.muli %mul3A_168, %scan3A_133 : i32
      %add3A_170 = arith.constant 2 : i32
      %add3A_171 = arith.addi %mul3A_169, %add3A_170 : i32
      %dma_wait3A_172 = arith.constant 0 : i32
      %dma_wait3A_173 = arith.constant 0 : i32
      %dma_wait3A_174 = tpu.memref_slice %arg2[%dma_wait3A_172, %dma_wait3A_173] : memref<10240x128xf32, #tpu.memory_space<hbm>> -> memref<80x128xf32, #tpu.memory_space<hbm>>
      %dma_wait3A_175 = arith.constant 0 : i32
      %dma_wait3A_176 = arith.constant 0 : i32
      %dma_wait3A_177 = tpu.memref_slice %arg2[%dma_wait3A_175, %dma_wait3A_176] : memref<10240x128xf32, #tpu.memory_space<hbm>> -> memref<80x128xf32, #tpu.memory_space<hbm>>
      tpu.wait_dma2 semaphore(%arg15 : memref<!tpu.dma_semaphore, #tpu.memory_space<semaphore_mem>>) src(%dma_wait3A_177 : memref<80x128xf32, #tpu.memory_space<hbm>>) dst(%arg12 : memref<80x128xf32, #tpu.memory_space<vmem>>)
      %add3A_178 = arith.constant 3 : i32
      %add3A_179 = arith.addi %add3A_171, %add3A_178 : i32
      %lt3A_180 = arith.constant 60 : i32
      %lt3A_181 = arith.cmpi slt, %add3A_179, %lt3A_180 : i32
      %convert_element_type3A_182 = arith.extui %lt3A_181 : i1 to i32
      %cond3A_183 = arith.constant 0 : i32
      %cond3A_184 = arith.cmpi ne, %convert_element_type3A_182, %cond3A_183 : i32
      scf.if %cond3A_184 {
        %add3A_185 = arith.constant 3 : i32
        %add3A_186 = arith.addi %add3A_171, %add3A_185 : i32
        %mul3A_187 = arith.constant 80 : i32
        %mul3A_188 = arith.muli %add3A_186, %mul3A_187 : i32
        %dma_start3A_189 = tpu.memref_slice %arg8[%mul3A_188] : memref<4800xi32, #tpu.memory_space<vmem>> -> memref<80xi32, #tpu.memory_space<vmem>>
        %dma_start3A_190 = arith.constant 0 : i32
        %dma_start3A_191 = arith.constant 0 : i32
        %dma_start3A_192 = tpu.memref_slice %arg2[%dma_start3A_190, %dma_start3A_191] : memref<10240x128xf32, #tpu.memory_space<hbm>> -> memref<10240x128xf32, #tpu.memory_space<hbm>>
        tpu.enqueue_indirect_dma source(%dma_start3A_192 : memref<10240x128xf32, #tpu.memory_space<hbm>>) target(%arg12 : memref<80x128xf32, #tpu.memory_space<vmem>>) offsets(%dma_start3A_189 : memref<80xi32, #tpu.memory_space<vmem>>) semaphore(%arg15 : memref<!tpu.dma_semaphore, #tpu.memory_space<semaphore_mem>>)
      } else {
      }
    }
    %scan3A_48 = arith.constant 20 : i32
    %add3A_49 = arith.constant 9600 : i32
    %add3A_50 = arith.addi %mul3A_2, %add3A_49 : i32
    "tpu.region"() ({
      %run_scoped3A = tpu.sem_alloc : memref<!tpu.dma_semaphore, #tpu.memory_space<semaphore_mem>>
      %dma_start3A_133 = arith.constant 0 : i32
      %dma_start3A_134 = tpu.memref_slice %arg8[%dma_start3A_133] : memref<4800xi32, #tpu.memory_space<vmem>> -> memref<400xi32, #tpu.memory_space<vmem>>
      %dma_start3A_135 = tpu.memref_slice %arg3[%add3A_50] : memref<320000xi32, #tpu.memory_space<hbm>> -> memref<400xi32, #tpu.memory_space<hbm>>
      %dma_start3A_136 = arith.constant 0 : i32
      %dma_start3A_137 = tpu.memref_slice %arg8[%dma_start3A_136] : memref<4800xi32, #tpu.memory_space<vmem>> -> memref<400xi32, #tpu.memory_space<vmem>>
      %dma_start3A_138 = tpu.memref_slice %arg3[%add3A_50] : memref<320000xi32, #tpu.memory_space<hbm>> -> memref<400xi32, #tpu.memory_space<hbm>>
      tpu.enqueue_dma source(%dma_start3A_138 : memref<400xi32, #tpu.memory_space<hbm>>) target(%dma_start3A_137 : memref<400xi32, #tpu.memory_space<vmem>>) target_semaphore(%run_scoped3A : memref<!tpu.dma_semaphore, #tpu.memory_space<semaphore_mem>>)
      %dma_wait3A_139 = arith.constant 0 : i32
      %dma_wait3A_140 = tpu.memref_slice %arg8[%dma_wait3A_139] : memref<4800xi32, #tpu.memory_space<vmem>> -> memref<400xi32, #tpu.memory_space<vmem>>
      %dma_wait3A_141 = tpu.memref_slice %arg3[%add3A_50] : memref<320000xi32, #tpu.memory_space<hbm>> -> memref<400xi32, #tpu.memory_space<hbm>>
      %dma_wait3A_142 = arith.constant 0 : i32
      %dma_wait3A_143 = tpu.memref_slice %arg8[%dma_wait3A_142] : memref<4800xi32, #tpu.memory_space<vmem>> -> memref<400xi32, #tpu.memory_space<vmem>>
      %dma_wait3A_144 = tpu.memref_slice %arg3[%add3A_50] : memref<320000xi32, #tpu.memory_space<hbm>> -> memref<400xi32, #tpu.memory_space<hbm>>
      tpu.wait_dma2 semaphore(%run_scoped3A : memref<!tpu.dma_semaphore, #tpu.memory_space<semaphore_mem>>) src(%dma_wait3A_144 : memref<400xi32, #tpu.memory_space<hbm>>) dst(%dma_wait3A_143 : memref<400xi32, #tpu.memory_space<vmem>>)
      tpu.yield
    }) : () -> ()
    "tpu.region"() ({
      %run_scoped3A = tpu.sem_alloc : memref<!tpu.dma_semaphore, #tpu.memory_space<semaphore_mem>>
      %dma_start3A_133 = arith.constant 0 : i32
      %dma_start3A_134 = tpu.memref_slice %arg9[%dma_start3A_133] : memref<4800xi32, #tpu.memory_space<vmem>> -> memref<400xi32, #tpu.memory_space<vmem>>
      %dma_start3A_135 = tpu.memref_slice %arg4[%add3A_50] : memref<320000xi32, #tpu.memory_space<hbm>> -> memref<400xi32, #tpu.memory_space<hbm>>
      %dma_start3A_136 = arith.constant 0 : i32
      %dma_start3A_137 = tpu.memref_slice %arg9[%dma_start3A_136] : memref<4800xi32, #tpu.memory_space<vmem>> -> memref<400xi32, #tpu.memory_space<vmem>>
      %dma_start3A_138 = tpu.memref_slice %arg4[%add3A_50] : memref<320000xi32, #tpu.memory_space<hbm>> -> memref<400xi32, #tpu.memory_space<hbm>>
      tpu.enqueue_dma source(%dma_start3A_138 : memref<400xi32, #tpu.memory_space<hbm>>) target(%dma_start3A_137 : memref<400xi32, #tpu.memory_space<vmem>>) target_semaphore(%run_scoped3A : memref<!tpu.dma_semaphore, #tpu.memory_space<semaphore_mem>>)
      %dma_wait3A_139 = arith.constant 0 : i32
      %dma_wait3A_140 = tpu.memref_slice %arg9[%dma_wait3A_139] : memref<4800xi32, #tpu.memory_space<vmem>> -> memref<400xi32, #tpu.memory_space<vmem>>
      %dma_wait3A_141 = tpu.memref_slice %arg4[%add3A_50] : memref<320000xi32, #tpu.memory_space<hbm>> -> memref<400xi32, #tpu.memory_space<hbm>>
      %dma_wait3A_142 = arith.constant 0 : i32
      %dma_wait3A_143 = tpu.memref_slice %arg9[%dma_wait3A_142] : memref<4800xi32, #tpu.memory_space<vmem>> -> memref<400xi32, #tpu.memory_space<vmem>>
      %dma_wait3A_144 = tpu.memref_slice %arg4[%add3A_50] : memref<320000xi32, #tpu.memory_space<hbm>> -> memref<400xi32, #tpu.memory_space<hbm>>
      tpu.wait_dma2 semaphore(%run_scoped3A : memref<!tpu.dma_semaphore, #tpu.memory_space<semaphore_mem>>) src(%dma_wait3A_144 : memref<400xi32, #tpu.memory_space<hbm>>) dst(%dma_wait3A_143 : memref<400xi32, #tpu.memory_space<vmem>>)
      tpu.yield
    }) : () -> ()
    %dma_start3A_51 = arith.constant 0 : i32
    %dma_start3A_52 = tpu.memref_slice %arg8[%dma_start3A_51] : memref<4800xi32, #tpu.memory_space<vmem>> -> memref<80xi32, #tpu.memory_space<vmem>>
    %dma_start3A_53 = arith.constant 0 : i32
    %dma_start3A_54 = arith.constant 0 : i32
    %dma_start3A_55 = tpu.memref_slice %arg2[%dma_start3A_53, %dma_start3A_54] : memref<10240x128xf32, #tpu.memory_space<hbm>> -> memref<10240x128xf32, #tpu.memory_space<hbm>>
    tpu.enqueue_indirect_dma source(%dma_start3A_55 : memref<10240x128xf32, #tpu.memory_space<hbm>>) target(%arg10 : memref<80x128xf32, #tpu.memory_space<vmem>>) offsets(%dma_start3A_52 : memref<80xi32, #tpu.memory_space<vmem>>) semaphore(%arg13 : memref<!tpu.dma_semaphore, #tpu.memory_space<semaphore_mem>>)
    %dma_start3A_56 = arith.constant 80 : i32
    %dma_start3A_57 = tpu.memref_slice %arg8[%dma_start3A_56] : memref<4800xi32, #tpu.memory_space<vmem>> -> memref<80xi32, #tpu.memory_space<vmem>>
    %dma_start3A_58 = arith.constant 0 : i32
    %dma_start3A_59 = arith.constant 0 : i32
    %dma_start3A_60 = tpu.memref_slice %arg2[%dma_start3A_58, %dma_start3A_59] : memref<10240x128xf32, #tpu.memory_space<hbm>> -> memref<10240x128xf32, #tpu.memory_space<hbm>>
    tpu.enqueue_indirect_dma source(%dma_start3A_60 : memref<10240x128xf32, #tpu.memory_space<hbm>>) target(%arg11 : memref<80x128xf32, #tpu.memory_space<vmem>>) offsets(%dma_start3A_57 : memref<80xi32, #tpu.memory_space<vmem>>) semaphore(%arg14 : memref<!tpu.dma_semaphore, #tpu.memory_space<semaphore_mem>>)
    %dma_start3A_61 = arith.constant 160 : i32
    %dma_start3A_62 = tpu.memref_slice %arg8[%dma_start3A_61] : memref<4800xi32, #tpu.memory_space<vmem>> -> memref<80xi32, #tpu.memory_space<vmem>>
    %dma_start3A_63 = arith.constant 0 : i32
    %dma_start3A_64 = arith.constant 0 : i32
    %dma_start3A_65 = tpu.memref_slice %arg2[%dma_start3A_63, %dma_start3A_64] : memref<10240x128xf32, #tpu.memory_space<hbm>> -> memref<10240x128xf32, #tpu.memory_space<hbm>>
    tpu.enqueue_indirect_dma source(%dma_start3A_65 : memref<10240x128xf32, #tpu.memory_space<hbm>>) target(%arg12 : memref<80x128xf32, #tpu.memory_space<vmem>>) offsets(%dma_start3A_62 : memref<80xi32, #tpu.memory_space<vmem>>) semaphore(%arg15 : memref<!tpu.dma_semaphore, #tpu.memory_space<semaphore_mem>>)
    %scan3A_66 = arith.constant 0 : i32
    %scan3A_67 = arith.constant 0 : i32
    %mul3A_68 = arith.constant 3 : i32
    %mul3A_69 = arith.muli %mul3A_68, %scan3A_67 : i32
    %add3A_70 = arith.constant 0 : i32
    %add3A_71 = arith.addi %mul3A_69, %add3A_70 : i32
    %dma_wait3A = arith.constant 0 : i32
    %dma_wait3A_72 = arith.constant 0 : i32
    %dma_wait3A_73 = tpu.memref_slice %arg2[%dma_wait3A, %dma_wait3A_72] : memref<10240x128xf32, #tpu.memory_space<hbm>> -> memref<80x128xf32, #tpu.memory_space<hbm>>
    %dma_wait3A_74 = arith.constant 0 : i32
    %dma_wait3A_75 = arith.constant 0 : i32
    %dma_wait3A_76 = tpu.memref_slice %arg2[%dma_wait3A_74, %dma_wait3A_75] : memref<10240x128xf32, #tpu.memory_space<hbm>> -> memref<80x128xf32, #tpu.memory_space<hbm>>
    tpu.wait_dma2 semaphore(%arg13 : memref<!tpu.dma_semaphore, #tpu.memory_space<semaphore_mem>>) src(%dma_wait3A_76 : memref<80x128xf32, #tpu.memory_space<hbm>>) dst(%arg10 : memref<80x128xf32, #tpu.memory_space<vmem>>)
    %add3A_77 = arith.constant 3 : i32
    %add3A_78 = arith.addi %add3A_71, %add3A_77 : i32
    %lt3A = arith.constant 5 : i32
    %lt3A_79 = arith.cmpi slt, %add3A_78, %lt3A : i32
    %convert_element_type3A = arith.extui %lt3A_79 : i1 to i32
    %cond3A = arith.constant 0 : i32
    %cond3A_80 = arith.cmpi ne, %convert_element_type3A, %cond3A : i32
    scf.if %cond3A_80 {
      %add3A_133 = arith.constant 3 : i32
      %add3A_134 = arith.addi %add3A_71, %add3A_133 : i32
      %mul3A_135 = arith.constant 80 : i32
      %mul3A_136 = arith.muli %add3A_134, %mul3A_135 : i32
      %dma_start3A_137 = tpu.memref_slice %arg8[%mul3A_136] : memref<4800xi32, #tpu.memory_space<vmem>> -> memref<80xi32, #tpu.memory_space<vmem>>
      %dma_start3A_138 = arith.constant 0 : i32
      %dma_start3A_139 = arith.constant 0 : i32
      %dma_start3A_140 = tpu.memref_slice %arg2[%dma_start3A_138, %dma_start3A_139] : memref<10240x128xf32, #tpu.memory_space<hbm>> -> memref<10240x128xf32, #tpu.memory_space<hbm>>
      tpu.enqueue_indirect_dma source(%dma_start3A_140 : memref<10240x128xf32, #tpu.memory_space<hbm>>) target(%arg10 : memref<80x128xf32, #tpu.memory_space<vmem>>) offsets(%dma_start3A_137 : memref<80xi32, #tpu.memory_space<vmem>>) semaphore(%arg13 : memref<!tpu.dma_semaphore, #tpu.memory_space<semaphore_mem>>)
    } else {
    }
    %mul3A_81 = arith.constant 3 : i32
    %mul3A_82 = arith.muli %mul3A_81, %scan3A_67 : i32
    %add3A_83 = arith.constant 1 : i32
    %add3A_84 = arith.addi %mul3A_82, %add3A_83 : i32
    %dma_wait3A_85 = arith.constant 0 : i32
    %dma_wait3A_86 = arith.constant 0 : i32
    %dma_wait3A_87 = tpu.memref_slice %arg2[%dma_wait3A_85, %dma_wait3A_86] : memref<10240x128xf32, #tpu.memory_space<hbm>> -> memref<80x128xf32, #tpu.memory_space<hbm>>
    %dma_wait3A_88 = arith.constant 0 : i32
    %dma_wait3A_89 = arith.constant 0 : i32
    %dma_wait3A_90 = tpu.memref_slice %arg2[%dma_wait3A_88, %dma_wait3A_89] : memref<10240x128xf32, #tpu.memory_space<hbm>> -> memref<80x128xf32, #tpu.memory_space<hbm>>
    tpu.wait_dma2 semaphore(%arg14 : memref<!tpu.dma_semaphore, #tpu.memory_space<semaphore_mem>>) src(%dma_wait3A_90 : memref<80x128xf32, #tpu.memory_space<hbm>>) dst(%arg11 : memref<80x128xf32, #tpu.memory_space<vmem>>)
    %add3A_91 = arith.constant 3 : i32
    %add3A_92 = arith.addi %add3A_84, %add3A_91 : i32
    %lt3A_93 = arith.constant 5 : i32
    %lt3A_94 = arith.cmpi slt, %add3A_92, %lt3A_93 : i32
    %convert_element_type3A_95 = arith.extui %lt3A_94 : i1 to i32
    %cond3A_96 = arith.constant 0 : i32
    %cond3A_97 = arith.cmpi ne, %convert_element_type3A_95, %cond3A_96 : i32
    scf.if %cond3A_97 {
      %add3A_133 = arith.constant 3 : i32
      %add3A_134 = arith.addi %add3A_84, %add3A_133 : i32
      %mul3A_135 = arith.constant 80 : i32
      %mul3A_136 = arith.muli %add3A_134, %mul3A_135 : i32
      %dma_start3A_137 = tpu.memref_slice %arg8[%mul3A_136] : memref<4800xi32, #tpu.memory_space<vmem>> -> memref<80xi32, #tpu.memory_space<vmem>>
      %dma_start3A_138 = arith.constant 0 : i32
      %dma_start3A_139 = arith.constant 0 : i32
      %dma_start3A_140 = tpu.memref_slice %arg2[%dma_start3A_138, %dma_start3A_139] : memref<10240x128xf32, #tpu.memory_space<hbm>> -> memref<10240x128xf32, #tpu.memory_space<hbm>>
      tpu.enqueue_indirect_dma source(%dma_start3A_140 : memref<10240x128xf32, #tpu.memory_space<hbm>>) target(%arg11 : memref<80x128xf32, #tpu.memory_space<vmem>>) offsets(%dma_start3A_137 : memref<80xi32, #tpu.memory_space<vmem>>) semaphore(%arg14 : memref<!tpu.dma_semaphore, #tpu.memory_space<semaphore_mem>>)
    } else {
    }
    %mul3A_98 = arith.constant 3 : i32
    %mul3A_99 = arith.muli %mul3A_98, %scan3A_67 : i32
    %add3A_100 = arith.constant 2 : i32
    %add3A_101 = arith.addi %mul3A_99, %add3A_100 : i32
    %dma_wait3A_102 = arith.constant 0 : i32
    %dma_wait3A_103 = arith.constant 0 : i32
    %dma_wait3A_104 = tpu.memref_slice %arg2[%dma_wait3A_102, %dma_wait3A_103] : memref<10240x128xf32, #tpu.memory_space<hbm>> -> memref<80x128xf32, #tpu.memory_space<hbm>>
    %dma_wait3A_105 = arith.constant 0 : i32
    %dma_wait3A_106 = arith.constant 0 : i32
    %dma_wait3A_107 = tpu.memref_slice %arg2[%dma_wait3A_105, %dma_wait3A_106] : memref<10240x128xf32, #tpu.memory_space<hbm>> -> memref<80x128xf32, #tpu.memory_space<hbm>>
    tpu.wait_dma2 semaphore(%arg15 : memref<!tpu.dma_semaphore, #tpu.memory_space<semaphore_mem>>) src(%dma_wait3A_107 : memref<80x128xf32, #tpu.memory_space<hbm>>) dst(%arg12 : memref<80x128xf32, #tpu.memory_space<vmem>>)
    %add3A_108 = arith.constant 3 : i32
    %add3A_109 = arith.addi %add3A_101, %add3A_108 : i32
    %lt3A_110 = arith.constant 5 : i32
    %lt3A_111 = arith.cmpi slt, %add3A_109, %lt3A_110 : i32
    %convert_element_type3A_112 = arith.extui %lt3A_111 : i1 to i32
    %cond3A_113 = arith.constant 0 : i32
    %cond3A_114 = arith.cmpi ne, %convert_element_type3A_112, %cond3A_113 : i32
    scf.if %cond3A_114 {
      %add3A_133 = arith.constant 3 : i32
      %add3A_134 = arith.addi %add3A_101, %add3A_133 : i32
      %mul3A_135 = arith.constant 80 : i32
      %mul3A_136 = arith.muli %add3A_134, %mul3A_135 : i32
      %dma_start3A_137 = tpu.memref_slice %arg8[%mul3A_136] : memref<4800xi32, #tpu.memory_space<vmem>> -> memref<80xi32, #tpu.memory_space<vmem>>
      %dma_start3A_138 = arith.constant 0 : i32
      %dma_start3A_139 = arith.constant 0 : i32
      %dma_start3A_140 = tpu.memref_slice %arg2[%dma_start3A_138, %dma_start3A_139] : memref<10240x128xf32, #tpu.memory_space<hbm>> -> memref<10240x128xf32, #tpu.memory_space<hbm>>
      tpu.enqueue_indirect_dma source(%dma_start3A_140 : memref<10240x128xf32, #tpu.memory_space<hbm>>) target(%arg12 : memref<80x128xf32, #tpu.memory_space<vmem>>) offsets(%dma_start3A_137 : memref<80xi32, #tpu.memory_space<vmem>>) semaphore(%arg15 : memref<!tpu.dma_semaphore, #tpu.memory_space<semaphore_mem>>)
    } else {
    }
    %scan3A_115 = arith.constant 1 : i32
    %dma_wait3A_116 = arith.constant 0 : i32
    %dma_wait3A_117 = arith.constant 0 : i32
    %dma_wait3A_118 = tpu.memref_slice %arg2[%dma_wait3A_116, %dma_wait3A_117] : memref<10240x128xf32, #tpu.memory_space<hbm>> -> memref<80x128xf32, #tpu.memory_space<hbm>>
    %dma_wait3A_119 = arith.constant 0 : i32
    %dma_wait3A_120 = arith.constant 0 : i32
    %dma_wait3A_121 = tpu.memref_slice %arg2[%dma_wait3A_119, %dma_wait3A_120] : memref<10240x128xf32, #tpu.memory_space<hbm>> -> memref<80x128xf32, #tpu.memory_space<hbm>>
    tpu.wait_dma2 semaphore(%arg13 : memref<!tpu.dma_semaphore, #tpu.memory_space<semaphore_mem>>) src(%dma_wait3A_121 : memref<80x128xf32, #tpu.memory_space<hbm>>) dst(%arg10 : memref<80x128xf32, #tpu.memory_space<vmem>>)
    %dma_wait3A_122 = arith.constant 0 : i32
    %dma_wait3A_123 = arith.constant 0 : i32
    %dma_wait3A_124 = tpu.memref_slice %arg2[%dma_wait3A_122, %dma_wait3A_123] : memref<10240x128xf32, #tpu.memory_space<hbm>> -> memref<80x128xf32, #tpu.memory_space<hbm>>
    %dma_wait3A_125 = arith.constant 0 : i32
    %dma_wait3A_126 = arith.constant 0 : i32
    %dma_wait3A_127 = tpu.memref_slice %arg2[%dma_wait3A_125, %dma_wait3A_126] : memref<10240x128xf32, #tpu.memory_space<hbm>> -> memref<80x128xf32, #tpu.memory_space<hbm>>
    tpu.wait_dma2 semaphore(%arg14 : memref<!tpu.dma_semaphore, #tpu.memory_space<semaphore_mem>>) src(%dma_wait3A_127 : memref<80x128xf32, #tpu.memory_space<hbm>>) dst(%arg11 : memref<80x128xf32, #tpu.memory_space<vmem>>)
    %barrier3A_128 = arith.constant 0 : index
    tpu.barrier barrier_id(%barrier3A_128)
    %mul3A_129 = arith.constant 640 : i32
    %mul3A_130 = arith.muli %arg1, %mul3A_129 : i32
    %mul3A_131 = arith.constant 640 : i32
    %mul3A_132 = arith.muli %arg1, %mul3A_131 : i32
    "tpu.region"() ({
      %run_scoped3A = tpu.sem_alloc : memref<!tpu.dma_semaphore, #tpu.memory_space<semaphore_mem>>
      %dma_start3A_133 = arith.constant 0 : i32
      %dma_start3A_134 = tpu.memref_slice %arg6[%arg0, %mul3A_132, %dma_start3A_133] : memref<2x10240x128xf32, #tpu.memory_space<hbm>> -> memref<1x640x128xf32, #tpu.memory_space<hbm>>
      %dma_start3A_135 = tpu.memref_squeeze %dma_start3A_134 : memref<1x640x128xf32, #tpu.memory_space<hbm>> -> memref<640x128xf32, #tpu.memory_space<hbm>>
      %dma_start3A_136 = arith.constant 0 : i32
      %dma_start3A_137 = tpu.memref_slice %arg7[%mul3A_130, %dma_start3A_136] : memref<10240x128xf32, #tpu.memory_space<vmem_shared>> -> memref<640x128xf32, #tpu.memory_space<vmem_shared>>
      tpu.enqueue_dma source(%dma_start3A_137 : memref<640x128xf32, #tpu.memory_space<vmem_shared>>) target(%dma_start3A_135 : memref<640x128xf32, #tpu.memory_space<hbm>>) target_semaphore(%run_scoped3A : memref<!tpu.dma_semaphore, #tpu.memory_space<semaphore_mem>>)
      %dma_wait3A_138 = arith.constant 0 : i32
      %dma_wait3A_139 = tpu.memref_slice %arg6[%arg0, %mul3A_132, %dma_wait3A_138] : memref<2x10240x128xf32, #tpu.memory_space<hbm>> -> memref<1x640x128xf32, #tpu.memory_space<hbm>>
      %dma_wait3A_140 = tpu.memref_squeeze %dma_wait3A_139 : memref<1x640x128xf32, #tpu.memory_space<hbm>> -> memref<640x128xf32, #tpu.memory_space<hbm>>
      %dma_wait3A_141 = arith.constant 0 : i32
      %dma_wait3A_142 = tpu.memref_slice %arg7[%mul3A_130, %dma_wait3A_141] : memref<10240x128xf32, #tpu.memory_space<vmem_shared>> -> memref<640x128xf32, #tpu.memory_space<vmem_shared>>
      tpu.wait_dma2 semaphore(%run_scoped3A : memref<!tpu.dma_semaphore, #tpu.memory_space<semaphore_mem>>) src(%dma_wait3A_142 : memref<640x128xf32, #tpu.memory_space<vmem_shared>>) dst(%dma_wait3A_140 : memref<640x128xf32, #tpu.memory_space<hbm>>)
      tpu.yield
    }) : () -> ()
    return
  }
}

#map = affine_map<(d0, d1) -> (0, 0)>
#map1 = affine_map<(d0, d1) -> (0)>
#map2 = affine_map<(d0, d1) -> (0, 0, 0)>
module attributes {stable_mosaic.version = 14 : i64} {
  func.func @_sc_scatter_body(%arg0: i32, %arg1: i32, %arg2: memref<10240x128xf32, #tpu.memory_space<hbm>>, %arg3: memref<320000xi32, #tpu.memory_space<hbm>>, %arg4: memref<320000xi32, #tpu.memory_space<hbm>>, %arg5: memref<640x128xf32, #tpu.memory_space<hbm>>, %arg6: memref<2x10240x128xf32, #tpu.memory_space<hbm>>, %arg7: memref<10240x128xf32, #tpu.memory_space<vmem_shared>>, %arg8: memref<4800xi32, #tpu.memory_space<vmem>>, %arg9: memref<4800xi32, #tpu.memory_space<vmem>>, %arg10: memref<80x128xf32, #tpu.memory_space<vmem>>, %arg11: memref<80x128xf32, #tpu.memory_space<vmem>>, %arg12: memref<80x128xf32, #tpu.memory_space<vmem>>, %arg13: memref<!tpu.dma_semaphore, #tpu.memory_space<semaphore_mem>>, %arg14: memref<!tpu.dma_semaphore, #tpu.memory_space<semaphore_mem>>, %arg15: memref<!tpu.dma_semaphore, #tpu.memory_space<semaphore_mem>>, %arg16: memref<!tpu.dma_semaphore, #tpu.memory_space<semaphore_mem>>, %arg17: memref<!tpu.dma_semaphore, #tpu.memory_space<semaphore_mem>>, %arg18: memref<!tpu.dma_semaphore, #tpu.memory_space<semaphore_mem>>) attributes {dimension_semantics = [#tpu.dimension_semantics<core_parallel>, #tpu.dimension_semantics<subcore_parallel>], iteration_bounds = array<i64: 2, 16>, scalar_prefetch = 0 : i64, scratch_operands = 12 : i64, tpu.core_type = #tpu.core_type<sc_vector_subcore>, window_params = [{transform_indices = #map}, {transform_indices = #map1}, {transform_indices = #map1}, {transform_indices = #map}, {transform_indices = #map2}]} {
    %mul3A = arith.constant 16 : i32
    %mul3A_0 = arith.muli %arg0, %mul3A : i32
    %add3A = arith.addi %mul3A_0, %arg1 : i32
    %mul3A_1 = arith.constant 10000 : i32
    %mul3A_2 = arith.muli %add3A, %mul3A_1 : i32
    %mul3A_3 = arith.constant 640 : i32
    %mul3A_4 = arith.muli %arg1, %mul3A_3 : i32
    "tpu.region"() ({
      %run_scoped3A = tpu.sem_alloc : memref<!tpu.dma_semaphore, #tpu.memory_space<semaphore_mem>>
      %dma_start3A_133 = arith.constant 0 : i32
      %dma_start3A_134 = tpu.memref_slice %arg7[%mul3A_4, %dma_start3A_133] : memref<10240x128xf32, #tpu.memory_space<vmem_shared>> -> memref<640x128xf32, #tpu.memory_space<vmem_shared>>
      tpu.enqueue_dma source(%arg5 : memref<640x128xf32, #tpu.memory_space<hbm>>) target(%dma_start3A_134 : memref<640x128xf32, #tpu.memory_space<vmem_shared>>) target_semaphore(%run_scoped3A : memref<!tpu.dma_semaphore, #tpu.memory_space<semaphore_mem>>)
      %dma_wait3A_135 = arith.constant 0 : i32
      %dma_wait3A_136 = tpu.memref_slice %arg7[%mul3A_4, %dma_wait3A_135] : memref<10240x128xf32, #tpu.memory_space<vmem_shared>> -> memref<640x128xf32, #tpu.memory_space<vmem_shared>>
      tpu.wait_dma2 semaphore(%run_scoped3A : memref<!tpu.dma_semaphore, #tpu.memory_space<semaphore_mem>>) src(%arg5 : memref<640x128xf32, #tpu.memory_space<hbm>>) dst(%dma_wait3A_136 : memref<640x128xf32, #tpu.memory_space<vmem_shared>>)
      tpu.yield
    }) : () -> ()
    %barrier3A = arith.constant 0 : index
    tpu.barrier barrier_id(%barrier3A)
    %add3A_5 = arith.constant 0 : i32
    %add3A_6 = arith.addi %mul3A_2, %add3A_5 : i32
    "tpu.region"() ({
      %run_scoped3A = tpu.sem_alloc : memref<!tpu.dma_semaphore, #tpu.memory_space<semaphore_mem>>
      %dma_start3A_133 = arith.constant 0 : i32
      %dma_start3A_134 = tpu.memref_slice %arg8[%dma_start3A_133] : memref<4800xi32, #tpu.memory_space<vmem>> -> memref<4800xi32, #tpu.memory_space<vmem>>
      %dma_start3A_135 = tpu.memref_slice %arg3[%add3A_6] : memref<320000xi32, #tpu.memory_space<hbm>> -> memref<4800xi32, #tpu.memory_space<hbm>>
      %dma_start3A_136 = arith.constant 0 : i32
      %dma_start3A_137 = tpu.memref_slice %arg8[%dma_start3A_136] : memref<4800xi32, #tpu.memory_space<vmem>> -> memref<4800xi32, #tpu.memory_space<vmem>>
      %dma_start3A_138 = tpu.memref_slice %arg3[%add3A_6] : memref<320000xi32, #tpu.memory_space<hbm>> -> memref<4800xi32, #tpu.memory_space<hbm>>
      tpu.enqueue_dma source(%dma_start3A_138 : memref<4800xi32, #tpu.memory_space<hbm>>) target(%dma_start3A_137 : memref<4800xi32, #tpu.memory_space<vmem>>) target_semaphore(%run_scoped3A : memref<!tpu.dma_semaphore, #tpu.memory_space<semaphore_mem>>)
      %dma_wait3A_139 = arith.constant 0 : i32
      %dma_wait3A_140 = tpu.memref_slice %arg8[%dma_wait3A_139] : memref<4800xi32, #tpu.memory_space<vmem>> -> memref<4800xi32, #tpu.memory_space<vmem>>
      %dma_wait3A_141 = tpu.memref_slice %arg3[%add3A_6] : memref<320000xi32, #tpu.memory_space<hbm>> -> memref<4800xi32, #tpu.memory_space<hbm>>
      %dma_wait3A_142 = arith.constant 0 : i32
      %dma_wait3A_143 = tpu.memref_slice %arg8[%dma_wait3A_142] : memref<4800xi32, #tpu.memory_space<vmem>> -> memref<4800xi32, #tpu.memory_space<vmem>>
      %dma_wait3A_144 = tpu.memref_slice %arg3[%add3A_6] : memref<320000xi32, #tpu.memory_space<hbm>> -> memref<4800xi32, #tpu.memory_space<hbm>>
      tpu.wait_dma2 semaphore(%run_scoped3A : memref<!tpu.dma_semaphore, #tpu.memory_space<semaphore_mem>>) src(%dma_wait3A_144 : memref<4800xi32, #tpu.memory_space<hbm>>) dst(%dma_wait3A_143 : memref<4800xi32, #tpu.memory_space<vmem>>)
      tpu.yield
    }) : () -> ()
    "tpu.region"() ({
      %run_scoped3A = tpu.sem_alloc : memref<!tpu.dma_semaphore, #tpu.memory_space<semaphore_mem>>
      %dma_start3A_133 = arith.constant 0 : i32
      %dma_start3A_134 = tpu.memref_slice %arg9[%dma_start3A_133] : memref<4800xi32, #tpu.memory_space<vmem>> -> memref<4800xi32, #tpu.memory_space<vmem>>
      %dma_start3A_135 = tpu.memref_slice %arg4[%add3A_6] : memref<320000xi32, #tpu.memory_space<hbm>> -> memref<4800xi32, #tpu.memory_space<hbm>>
      %dma_start3A_136 = arith.constant 0 : i32
      %dma_start3A_137 = tpu.memref_slice %arg9[%dma_start3A_136] : memref<4800xi32, #tpu.memory_space<vmem>> -> memref<4800xi32, #tpu.memory_space<vmem>>
      %dma_start3A_138 = tpu.memref_slice %arg4[%add3A_6] : memref<320000xi32, #tpu.memory_space<hbm>> -> memref<4800xi32, #tpu.memory_space<hbm>>
      tpu.enqueue_dma source(%dma_start3A_138 : memref<4800xi32, #tpu.memory_space<hbm>>) target(%dma_start3A_137 : memref<4800xi32, #tpu.memory_space<vmem>>) target_semaphore(%run_scoped3A : memref<!tpu.dma_semaphore, #tpu.memory_space<semaphore_mem>>)
      %dma_wait3A_139 = arith.constant 0 : i32
      %dma_wait3A_140 = tpu.memref_slice %arg9[%dma_wait3A_139] : memref<4800xi32, #tpu.memory_space<vmem>> -> memref<4800xi32, #tpu.memory_space<vmem>>
      %dma_wait3A_141 = tpu.memref_slice %arg4[%add3A_6] : memref<320000xi32, #tpu.memory_space<hbm>> -> memref<4800xi32, #tpu.memory_space<hbm>>
      %dma_wait3A_142 = arith.constant 0 : i32
      %dma_wait3A_143 = tpu.memref_slice %arg9[%dma_wait3A_142] : memref<4800xi32, #tpu.memory_space<vmem>> -> memref<4800xi32, #tpu.memory_space<vmem>>
      %dma_wait3A_144 = tpu.memref_slice %arg4[%add3A_6] : memref<320000xi32, #tpu.memory_space<hbm>> -> memref<4800xi32, #tpu.memory_space<hbm>>
      tpu.wait_dma2 semaphore(%run_scoped3A : memref<!tpu.dma_semaphore, #tpu.memory_space<semaphore_mem>>) src(%dma_wait3A_144 : memref<4800xi32, #tpu.memory_space<hbm>>) dst(%dma_wait3A_143 : memref<4800xi32, #tpu.memory_space<vmem>>)
      tpu.yield
    }) : () -> ()
    %dma_start3A = arith.constant 0 : i32
    %dma_start3A_7 = tpu.memref_slice %arg8[%dma_start3A] : memref<4800xi32, #tpu.memory_space<vmem>> -> memref<80xi32, #tpu.memory_space<vmem>>
    %dma_start3A_8 = arith.constant 0 : i32
    %dma_start3A_9 = arith.constant 0 : i32
    %dma_start3A_10 = tpu.memref_slice %arg2[%dma_start3A_8, %dma_start3A_9] : memref<10240x128xf32, #tpu.memory_space<hbm>> -> memref<10240x128xf32, #tpu.memory_space<hbm>>
    tpu.enqueue_indirect_dma source(%dma_start3A_10 : memref<10240x128xf32, #tpu.memory_space<hbm>>) target(%arg10 : memref<80x128xf32, #tpu.memory_space<vmem>>) offsets(%dma_start3A_7 : memref<80xi32, #tpu.memory_space<vmem>>) semaphore(%arg13 : memref<!tpu.dma_semaphore, #tpu.memory_space<semaphore_mem>>)
    %dma_start3A_11 = arith.constant 80 : i32
    %dma_start3A_12 = tpu.memref_slice %arg8[%dma_start3A_11] : memref<4800xi32, #tpu.memory_space<vmem>> -> memref<80xi32, #tpu.memory_space<vmem>>
    %dma_start3A_13 = arith.constant 0 : i32
    %dma_start3A_14 = arith.constant 0 : i32
    %dma_start3A_15 = tpu.memref_slice %arg2[%dma_start3A_13, %dma_start3A_14] : memref<10240x128xf32, #tpu.memory_space<hbm>> -> memref<10240x128xf32, #tpu.memory_space<hbm>>
    tpu.enqueue_indirect_dma source(%dma_start3A_15 : memref<10240x128xf32, #tpu.memory_space<hbm>>) target(%arg11 : memref<80x128xf32, #tpu.memory_space<vmem>>) offsets(%dma_start3A_12 : memref<80xi32, #tpu.memory_space<vmem>>) semaphore(%arg14 : memref<!tpu.dma_semaphore, #tpu.memory_space<semaphore_mem>>)
    %dma_start3A_16 = arith.constant 160 : i32
    %dma_start3A_17 = tpu.memref_slice %arg8[%dma_start3A_16] : memref<4800xi32, #tpu.memory_space<vmem>> -> memref<80xi32, #tpu.memory_space<vmem>>
    %dma_start3A_18 = arith.constant 0 : i32
    %dma_start3A_19 = arith.constant 0 : i32
    %dma_start3A_20 = tpu.memref_slice %arg2[%dma_start3A_18, %dma_start3A_19] : memref<10240x128xf32, #tpu.memory_space<hbm>> -> memref<10240x128xf32, #tpu.memory_space<hbm>>
    tpu.enqueue_indirect_dma source(%dma_start3A_20 : memref<10240x128xf32, #tpu.memory_space<hbm>>) target(%arg12 : memref<80x128xf32, #tpu.memory_space<vmem>>) offsets(%dma_start3A_17 : memref<80xi32, #tpu.memory_space<vmem>>) semaphore(%arg15 : memref<!tpu.dma_semaphore, #tpu.memory_space<semaphore_mem>>)
    %scan3A = arith.constant 0 : i32
    %scan3A_21 = arith.constant 0 : i32
    %scan3A_22 = arith.constant 20 : i32
    %scan3A_23 = arith.addi %scan3A_21, %scan3A_22 : i32
    %scan3A_24 = arith.constant 1 : i32
    scf.for %scan3A_133 = %scan3A_21 to %scan3A_23 step %scan3A_24  : i32 {
      %mul3A_134 = arith.constant 3 : i32
      %mul3A_135 = arith.muli %mul3A_134, %scan3A_133 : i32
      %add3A_136 = arith.constant 0 : i32
      %add3A_137 = arith.addi %mul3A_135, %add3A_136 : i32
      %dma_wait3A_138 = arith.constant 0 : i32
      %dma_wait3A_139 = arith.constant 0 : i32
      %dma_wait3A_140 = tpu.memref_slice %arg2[%dma_wait3A_138, %dma_wait3A_139] : memref<10240x128xf32, #tpu.memory_space<hbm>> -> memref<80x128xf32, #tpu.memory_space<hbm>>
      %dma_wait3A_141 = arith.constant 0 : i32
      %dma_wait3A_142 = arith.constant 0 : i32
      %dma_wait3A_143 = tpu.memref_slice %arg2[%dma_wait3A_141, %dma_wait3A_142] : memref<10240x128xf32, #tpu.memory_space<hbm>> -> memref<80x128xf32, #tpu.memory_space<hbm>>
      tpu.wait_dma2 semaphore(%arg13 : memref<!tpu.dma_semaphore, #tpu.memory_space<semaphore_mem>>) src(%dma_wait3A_143 : memref<80x128xf32, #tpu.memory_space<hbm>>) dst(%arg10 : memref<80x128xf32, #tpu.memory_space<vmem>>)
      %add3A_144 = arith.constant 3 : i32
      %add3A_145 = arith.addi %add3A_137, %add3A_144 : i32
      %lt3A_146 = arith.constant 60 : i32
      %lt3A_147 = arith.cmpi slt, %add3A_145, %lt3A_146 : i32
      %convert_element_type3A_148 = arith.extui %lt3A_147 : i1 to i32
      %cond3A_149 = arith.constant 0 : i32
      %cond3A_150 = arith.cmpi ne, %convert_element_type3A_148, %cond3A_149 : i32
      scf.if %cond3A_150 {
        %add3A_185 = arith.constant 3 : i32
        %add3A_186 = arith.addi %add3A_137, %add3A_185 : i32
        %mul3A_187 = arith.constant 80 : i32
        %mul3A_188 = arith.muli %add3A_186, %mul3A_187 : i32
        %dma_start3A_189 = tpu.memref_slice %arg8[%mul3A_188] : memref<4800xi32, #tpu.memory_space<vmem>> -> memref<80xi32, #tpu.memory_space<vmem>>
        %dma_start3A_190 = arith.constant 0 : i32
        %dma_start3A_191 = arith.constant 0 : i32
        %dma_start3A_192 = tpu.memref_slice %arg2[%dma_start3A_190, %dma_start3A_191] : memref<10240x128xf32, #tpu.memory_space<hbm>> -> memref<10240x128xf32, #tpu.memory_space<hbm>>
        tpu.enqueue_indirect_dma source(%dma_start3A_192 : memref<10240x128xf32, #tpu.memory_space<hbm>>) target(%arg10 : memref<80x128xf32, #tpu.memory_space<vmem>>) offsets(%dma_start3A_189 : memref<80xi32, #tpu.memory_space<vmem>>) semaphore(%arg13 : memref<!tpu.dma_semaphore, #tpu.memory_space<semaphore_mem>>)
      } else {
      }
      %mul3A_151 = arith.constant 3 : i32
      %mul3A_152 = arith.muli %mul3A_151, %scan3A_133 : i32
      %add3A_153 = arith.constant 1 : i32
      %add3A_154 = arith.addi %mul3A_152, %add3A_153 : i32
      %dma_wait3A_155 = arith.constant 0 : i32
      %dma_wait3A_156 = arith.constant 0 : i32
      %dma_wait3A_157 = tpu.memref_slice %arg2[%dma_wait3A_155, %dma_wait3A_156] : memref<10240x128xf32, #tpu.memory_space<hbm>> -> memref<80x128xf32, #tpu.memory_space<hbm>>
      %dma_wait3A_158 = arith.constant 0 : i32
      %dma_wait3A_159 = arith.constant 0 : i32
      %dma_wait3A_160 = tpu.memref_slice %arg2[%dma_wait3A_158, %dma_wait3A_159] : memref<10240x128xf32, #tpu.memory_space<hbm>> -> memref<80x128xf32, #tpu.memory_space<hbm>>
      tpu.wait_dma2 semaphore(%arg14 : memref<!tpu.dma_semaphore, #tpu.memory_space<semaphore_mem>>) src(%dma_wait3A_160 : memref<80x128xf32, #tpu.memory_space<hbm>>) dst(%arg11 : memref<80x128xf32, #tpu.memory_space<vmem>>)
      %add3A_161 = arith.constant 3 : i32
      %add3A_162 = arith.addi %add3A_154, %add3A_161 : i32
      %lt3A_163 = arith.constant 60 : i32
      %lt3A_164 = arith.cmpi slt, %add3A_162, %lt3A_163 : i32
      %convert_element_type3A_165 = arith.extui %lt3A_164 : i1 to i32
      %cond3A_166 = arith.constant 0 : i32
      %cond3A_167 = arith.cmpi ne, %convert_element_type3A_165, %cond3A_166 : i32
      scf.if %cond3A_167 {
        %add3A_185 = arith.constant 3 : i32
        %add3A_186 = arith.addi %add3A_154, %add3A_185 : i32
        %mul3A_187 = arith.constant 80 : i32
        %mul3A_188 = arith.muli %add3A_186, %mul3A_187 : i32
        %dma_start3A_189 = tpu.memref_slice %arg8[%mul3A_188] : memref<4800xi32, #tpu.memory_space<vmem>> -> memref<80xi32, #tpu.memory_space<vmem>>
        %dma_start3A_190 = arith.constant 0 : i32
        %dma_start3A_191 = arith.constant 0 : i32
        %dma_start3A_192 = tpu.memref_slice %arg2[%dma_start3A_190, %dma_start3A_191] : memref<10240x128xf32, #tpu.memory_space<hbm>> -> memref<10240x128xf32, #tpu.memory_space<hbm>>
        tpu.enqueue_indirect_dma source(%dma_start3A_192 : memref<10240x128xf32, #tpu.memory_space<hbm>>) target(%arg11 : memref<80x128xf32, #tpu.memory_space<vmem>>) offsets(%dma_start3A_189 : memref<80xi32, #tpu.memory_space<vmem>>) semaphore(%arg14 : memref<!tpu.dma_semaphore, #tpu.memory_space<semaphore_mem>>)
      } else {
      }
      %mul3A_168 = arith.constant 3 : i32
      %mul3A_169 = arith.muli %mul3A_168, %scan3A_133 : i32
      %add3A_170 = arith.constant 2 : i32
      %add3A_171 = arith.addi %mul3A_169, %add3A_170 : i32
      %dma_wait3A_172 = arith.constant 0 : i32
      %dma_wait3A_173 = arith.constant 0 : i32
      %dma_wait3A_174 = tpu.memref_slice %arg2[%dma_wait3A_172, %dma_wait3A_173] : memref<10240x128xf32, #tpu.memory_space<hbm>> -> memref<80x128xf32, #tpu.memory_space<hbm>>
      %dma_wait3A_175 = arith.constant 0 : i32
      %dma_wait3A_176 = arith.constant 0 : i32
      %dma_wait3A_177 = tpu.memref_slice %arg2[%dma_wait3A_175, %dma_wait3A_176] : memref<10240x128xf32, #tpu.memory_space<hbm>> -> memref<80x128xf32, #tpu.memory_space<hbm>>
      tpu.wait_dma2 semaphore(%arg15 : memref<!tpu.dma_semaphore, #tpu.memory_space<semaphore_mem>>) src(%dma_wait3A_177 : memref<80x128xf32, #tpu.memory_space<hbm>>) dst(%arg12 : memref<80x128xf32, #tpu.memory_space<vmem>>)
      %add3A_178 = arith.constant 3 : i32
      %add3A_179 = arith.addi %add3A_171, %add3A_178 : i32
      %lt3A_180 = arith.constant 60 : i32
      %lt3A_181 = arith.cmpi slt, %add3A_179, %lt3A_180 : i32
      %convert_element_type3A_182 = arith.extui %lt3A_181 : i1 to i32
      %cond3A_183 = arith.constant 0 : i32
      %cond3A_184 = arith.cmpi ne, %convert_element_type3A_182, %cond3A_183 : i32
      scf.if %cond3A_184 {
        %add3A_185 = arith.constant 3 : i32
        %add3A_186 = arith.addi %add3A_171, %add3A_185 : i32
        %mul3A_187 = arith.constant 80 : i32
        %mul3A_188 = arith.muli %add3A_186, %mul3A_187 : i32
        %dma_start3A_189 = tpu.memref_slice %arg8[%mul3A_188] : memref<4800xi32, #tpu.memory_space<vmem>> -> memref<80xi32, #tpu.memory_space<vmem>>
        %dma_start3A_190 = arith.constant 0 : i32
        %dma_start3A_191 = arith.constant 0 : i32
        %dma_start3A_192 = tpu.memref_slice %arg2[%dma_start3A_190, %dma_start3A_191] : memref<10240x128xf32, #tpu.memory_space<hbm>> -> memref<10240x128xf32, #tpu.memory_space<hbm>>
        tpu.enqueue_indirect_dma source(%dma_start3A_192 : memref<10240x128xf32, #tpu.memory_space<hbm>>) target(%arg12 : memref<80x128xf32, #tpu.memory_space<vmem>>) offsets(%dma_start3A_189 : memref<80xi32, #tpu.memory_space<vmem>>) semaphore(%arg15 : memref<!tpu.dma_semaphore, #tpu.memory_space<semaphore_mem>>)
      } else {
      }
    }
    %scan3A_25 = arith.constant 20 : i32
    %add3A_26 = arith.constant 4800 : i32
    %add3A_27 = arith.addi %mul3A_2, %add3A_26 : i32
    "tpu.region"() ({
      %run_scoped3A = tpu.sem_alloc : memref<!tpu.dma_semaphore, #tpu.memory_space<semaphore_mem>>
      %dma_start3A_133 = arith.constant 0 : i32
      %dma_start3A_134 = tpu.memref_slice %arg8[%dma_start3A_133] : memref<4800xi32, #tpu.memory_space<vmem>> -> memref<4800xi32, #tpu.memory_space<vmem>>
      %dma_start3A_135 = tpu.memref_slice %arg3[%add3A_27] : memref<320000xi32, #tpu.memory_space<hbm>> -> memref<4800xi32, #tpu.memory_space<hbm>>
      %dma_start3A_136 = arith.constant 0 : i32
      %dma_start3A_137 = tpu.memref_slice %arg8[%dma_start3A_136] : memref<4800xi32, #tpu.memory_space<vmem>> -> memref<4800xi32, #tpu.memory_space<vmem>>
      %dma_start3A_138 = tpu.memref_slice %arg3[%add3A_27] : memref<320000xi32, #tpu.memory_space<hbm>> -> memref<4800xi32, #tpu.memory_space<hbm>>
      tpu.enqueue_dma source(%dma_start3A_138 : memref<4800xi32, #tpu.memory_space<hbm>>) target(%dma_start3A_137 : memref<4800xi32, #tpu.memory_space<vmem>>) target_semaphore(%run_scoped3A : memref<!tpu.dma_semaphore, #tpu.memory_space<semaphore_mem>>)
      %dma_wait3A_139 = arith.constant 0 : i32
      %dma_wait3A_140 = tpu.memref_slice %arg8[%dma_wait3A_139] : memref<4800xi32, #tpu.memory_space<vmem>> -> memref<4800xi32, #tpu.memory_space<vmem>>
      %dma_wait3A_141 = tpu.memref_slice %arg3[%add3A_27] : memref<320000xi32, #tpu.memory_space<hbm>> -> memref<4800xi32, #tpu.memory_space<hbm>>
      %dma_wait3A_142 = arith.constant 0 : i32
      %dma_wait3A_143 = tpu.memref_slice %arg8[%dma_wait3A_142] : memref<4800xi32, #tpu.memory_space<vmem>> -> memref<4800xi32, #tpu.memory_space<vmem>>
      %dma_wait3A_144 = tpu.memref_slice %arg3[%add3A_27] : memref<320000xi32, #tpu.memory_space<hbm>> -> memref<4800xi32, #tpu.memory_space<hbm>>
      tpu.wait_dma2 semaphore(%run_scoped3A : memref<!tpu.dma_semaphore, #tpu.memory_space<semaphore_mem>>) src(%dma_wait3A_144 : memref<4800xi32, #tpu.memory_space<hbm>>) dst(%dma_wait3A_143 : memref<4800xi32, #tpu.memory_space<vmem>>)
      tpu.yield
    }) : () -> ()
    "tpu.region"() ({
      %run_scoped3A = tpu.sem_alloc : memref<!tpu.dma_semaphore, #tpu.memory_space<semaphore_mem>>
      %dma_start3A_133 = arith.constant 0 : i32
      %dma_start3A_134 = tpu.memref_slice %arg9[%dma_start3A_133] : memref<4800xi32, #tpu.memory_space<vmem>> -> memref<4800xi32, #tpu.memory_space<vmem>>
      %dma_start3A_135 = tpu.memref_slice %arg4[%add3A_27] : memref<320000xi32, #tpu.memory_space<hbm>> -> memref<4800xi32, #tpu.memory_space<hbm>>
      %dma_start3A_136 = arith.constant 0 : i32
      %dma_start3A_137 = tpu.memref_slice %arg9[%dma_start3A_136] : memref<4800xi32, #tpu.memory_space<vmem>> -> memref<4800xi32, #tpu.memory_space<vmem>>
      %dma_start3A_138 = tpu.memref_slice %arg4[%add3A_27] : memref<320000xi32, #tpu.memory_space<hbm>> -> memref<4800xi32, #tpu.memory_space<hbm>>
      tpu.enqueue_dma source(%dma_start3A_138 : memref<4800xi32, #tpu.memory_space<hbm>>) target(%dma_start3A_137 : memref<4800xi32, #tpu.memory_space<vmem>>) target_semaphore(%run_scoped3A : memref<!tpu.dma_semaphore, #tpu.memory_space<semaphore_mem>>)
      %dma_wait3A_139 = arith.constant 0 : i32
      %dma_wait3A_140 = tpu.memref_slice %arg9[%dma_wait3A_139] : memref<4800xi32, #tpu.memory_space<vmem>> -> memref<4800xi32, #tpu.memory_space<vmem>>
      %dma_wait3A_141 = tpu.memref_slice %arg4[%add3A_27] : memref<320000xi32, #tpu.memory_space<hbm>> -> memref<4800xi32, #tpu.memory_space<hbm>>
      %dma_wait3A_142 = arith.constant 0 : i32
      %dma_wait3A_143 = tpu.memref_slice %arg9[%dma_wait3A_142] : memref<4800xi32, #tpu.memory_space<vmem>> -> memref<4800xi32, #tpu.memory_space<vmem>>
      %dma_wait3A_144 = tpu.memref_slice %arg4[%add3A_27] : memref<320000xi32, #tpu.memory_space<hbm>> -> memref<4800xi32, #tpu.memory_space<hbm>>
      tpu.wait_dma2 semaphore(%run_scoped3A : memref<!tpu.dma_semaphore, #tpu.memory_space<semaphore_mem>>) src(%dma_wait3A_144 : memref<4800xi32, #tpu.memory_space<hbm>>) dst(%dma_wait3A_143 : memref<4800xi32, #tpu.memory_space<vmem>>)
      tpu.yield
    }) : () -> ()
    %dma_start3A_28 = arith.constant 0 : i32
    %dma_start3A_29 = tpu.memref_slice %arg8[%dma_start3A_28] : memref<4800xi32, #tpu.memory_space<vmem>> -> memref<80xi32, #tpu.memory_space<vmem>>
    %dma_start3A_30 = arith.constant 0 : i32
    %dma_start3A_31 = arith.constant 0 : i32
    %dma_start3A_32 = tpu.memref_slice %arg2[%dma_start3A_30, %dma_start3A_31] : memref<10240x128xf32, #tpu.memory_space<hbm>> -> memref<10240x128xf32, #tpu.memory_space<hbm>>
    tpu.enqueue_indirect_dma source(%dma_start3A_32 : memref<10240x128xf32, #tpu.memory_space<hbm>>) target(%arg10 : memref<80x128xf32, #tpu.memory_space<vmem>>) offsets(%dma_start3A_29 : memref<80xi32, #tpu.memory_space<vmem>>) semaphore(%arg13 : memref<!tpu.dma_semaphore, #tpu.memory_space<semaphore_mem>>)
    %dma_start3A_33 = arith.constant 80 : i32
    %dma_start3A_34 = tpu.memref_slice %arg8[%dma_start3A_33] : memref<4800xi32, #tpu.memory_space<vmem>> -> memref<80xi32, #tpu.memory_space<vmem>>
    %dma_start3A_35 = arith.constant 0 : i32
    %dma_start3A_36 = arith.constant 0 : i32
    %dma_start3A_37 = tpu.memref_slice %arg2[%dma_start3A_35, %dma_start3A_36] : memref<10240x128xf32, #tpu.memory_space<hbm>> -> memref<10240x128xf32, #tpu.memory_space<hbm>>
    tpu.enqueue_indirect_dma source(%dma_start3A_37 : memref<10240x128xf32, #tpu.memory_space<hbm>>) target(%arg11 : memref<80x128xf32, #tpu.memory_space<vmem>>) offsets(%dma_start3A_34 : memref<80xi32, #tpu.memory_space<vmem>>) semaphore(%arg14 : memref<!tpu.dma_semaphore, #tpu.memory_space<semaphore_mem>>)
    %dma_start3A_38 = arith.constant 160 : i32
    %dma_start3A_39 = tpu.memref_slice %arg8[%dma_start3A_38] : memref<4800xi32, #tpu.memory_space<vmem>> -> memref<80xi32, #tpu.memory_space<vmem>>
    %dma_start3A_40 = arith.constant 0 : i32
    %dma_start3A_41 = arith.constant 0 : i32
    %dma_start3A_42 = tpu.memref_slice %arg2[%dma_start3A_40, %dma_start3A_41] : memref<10240x128xf32, #tpu.memory_space<hbm>> -> memref<10240x128xf32, #tpu.memory_space<hbm>>
    tpu.enqueue_indirect_dma source(%dma_start3A_42 : memref<10240x128xf32, #tpu.memory_space<hbm>>) target(%arg12 : memref<80x128xf32, #tpu.memory_space<vmem>>) offsets(%dma_start3A_39 : memref<80xi32, #tpu.memory_space<vmem>>) semaphore(%arg15 : memref<!tpu.dma_semaphore, #tpu.memory_space<semaphore_mem>>)
    %scan3A_43 = arith.constant 0 : i32
    %scan3A_44 = arith.constant 0 : i32
    %scan3A_45 = arith.constant 20 : i32
    %scan3A_46 = arith.addi %scan3A_44, %scan3A_45 : i32
    %scan3A_47 = arith.constant 1 : i32
    scf.for %scan3A_133 = %scan3A_44 to %scan3A_46 step %scan3A_47  : i32 {
      %mul3A_134 = arith.constant 3 : i32
      %mul3A_135 = arith.muli %mul3A_134, %scan3A_133 : i32
      %add3A_136 = arith.constant 0 : i32
      %add3A_137 = arith.addi %mul3A_135, %add3A_136 : i32
      %dma_wait3A_138 = arith.constant 0 : i32
      %dma_wait3A_139 = arith.constant 0 : i32
      %dma_wait3A_140 = tpu.memref_slice %arg2[%dma_wait3A_138, %dma_wait3A_139] : memref<10240x128xf32, #tpu.memory_space<hbm>> -> memref<80x128xf32, #tpu.memory_space<hbm>>
      %dma_wait3A_141 = arith.constant 0 : i32
      %dma_wait3A_142 = arith.constant 0 : i32
      %dma_wait3A_143 = tpu.memref_slice %arg2[%dma_wait3A_141, %dma_wait3A_142] : memref<10240x128xf32, #tpu.memory_space<hbm>> -> memref<80x128xf32, #tpu.memory_space<hbm>>
      tpu.wait_dma2 semaphore(%arg13 : memref<!tpu.dma_semaphore, #tpu.memory_space<semaphore_mem>>) src(%dma_wait3A_143 : memref<80x128xf32, #tpu.memory_space<hbm>>) dst(%arg10 : memref<80x128xf32, #tpu.memory_space<vmem>>)
      %add3A_144 = arith.constant 3 : i32
      %add3A_145 = arith.addi %add3A_137, %add3A_144 : i32
      %lt3A_146 = arith.constant 60 : i32
      %lt3A_147 = arith.cmpi slt, %add3A_145, %lt3A_146 : i32
      %convert_element_type3A_148 = arith.extui %lt3A_147 : i1 to i32
      %cond3A_149 = arith.constant 0 : i32
      %cond3A_150 = arith.cmpi ne, %convert_element_type3A_148, %cond3A_149 : i32
      scf.if %cond3A_150 {
        %add3A_185 = arith.constant 3 : i32
        %add3A_186 = arith.addi %add3A_137, %add3A_185 : i32
        %mul3A_187 = arith.constant 80 : i32
        %mul3A_188 = arith.muli %add3A_186, %mul3A_187 : i32
        %dma_start3A_189 = tpu.memref_slice %arg8[%mul3A_188] : memref<4800xi32, #tpu.memory_space<vmem>> -> memref<80xi32, #tpu.memory_space<vmem>>
        %dma_start3A_190 = arith.constant 0 : i32
        %dma_start3A_191 = arith.constant 0 : i32
        %dma_start3A_192 = tpu.memref_slice %arg2[%dma_start3A_190, %dma_start3A_191] : memref<10240x128xf32, #tpu.memory_space<hbm>> -> memref<10240x128xf32, #tpu.memory_space<hbm>>
        tpu.enqueue_indirect_dma source(%dma_start3A_192 : memref<10240x128xf32, #tpu.memory_space<hbm>>) target(%arg10 : memref<80x128xf32, #tpu.memory_space<vmem>>) offsets(%dma_start3A_189 : memref<80xi32, #tpu.memory_space<vmem>>) semaphore(%arg13 : memref<!tpu.dma_semaphore, #tpu.memory_space<semaphore_mem>>)
      } else {
      }
      %mul3A_151 = arith.constant 3 : i32
      %mul3A_152 = arith.muli %mul3A_151, %scan3A_133 : i32
      %add3A_153 = arith.constant 1 : i32
      %add3A_154 = arith.addi %mul3A_152, %add3A_153 : i32
      %dma_wait3A_155 = arith.constant 0 : i32
      %dma_wait3A_156 = arith.constant 0 : i32
      %dma_wait3A_157 = tpu.memref_slice %arg2[%dma_wait3A_155, %dma_wait3A_156] : memref<10240x128xf32, #tpu.memory_space<hbm>> -> memref<80x128xf32, #tpu.memory_space<hbm>>
      %dma_wait3A_158 = arith.constant 0 : i32
      %dma_wait3A_159 = arith.constant 0 : i32
      %dma_wait3A_160 = tpu.memref_slice %arg2[%dma_wait3A_158, %dma_wait3A_159] : memref<10240x128xf32, #tpu.memory_space<hbm>> -> memref<80x128xf32, #tpu.memory_space<hbm>>
      tpu.wait_dma2 semaphore(%arg14 : memref<!tpu.dma_semaphore, #tpu.memory_space<semaphore_mem>>) src(%dma_wait3A_160 : memref<80x128xf32, #tpu.memory_space<hbm>>) dst(%arg11 : memref<80x128xf32, #tpu.memory_space<vmem>>)
      %add3A_161 = arith.constant 3 : i32
      %add3A_162 = arith.addi %add3A_154, %add3A_161 : i32
      %lt3A_163 = arith.constant 60 : i32
      %lt3A_164 = arith.cmpi slt, %add3A_162, %lt3A_163 : i32
      %convert_element_type3A_165 = arith.extui %lt3A_164 : i1 to i32
      %cond3A_166 = arith.constant 0 : i32
      %cond3A_167 = arith.cmpi ne, %convert_element_type3A_165, %cond3A_166 : i32
      scf.if %cond3A_167 {
        %add3A_185 = arith.constant 3 : i32
        %add3A_186 = arith.addi %add3A_154, %add3A_185 : i32
        %mul3A_187 = arith.constant 80 : i32
        %mul3A_188 = arith.muli %add3A_186, %mul3A_187 : i32
        %dma_start3A_189 = tpu.memref_slice %arg8[%mul3A_188] : memref<4800xi32, #tpu.memory_space<vmem>> -> memref<80xi32, #tpu.memory_space<vmem>>
        %dma_start3A_190 = arith.constant 0 : i32
        %dma_start3A_191 = arith.constant 0 : i32
        %dma_start3A_192 = tpu.memref_slice %arg2[%dma_start3A_190, %dma_start3A_191] : memref<10240x128xf32, #tpu.memory_space<hbm>> -> memref<10240x128xf32, #tpu.memory_space<hbm>>
        tpu.enqueue_indirect_dma source(%dma_start3A_192 : memref<10240x128xf32, #tpu.memory_space<hbm>>) target(%arg11 : memref<80x128xf32, #tpu.memory_space<vmem>>) offsets(%dma_start3A_189 : memref<80xi32, #tpu.memory_space<vmem>>) semaphore(%arg14 : memref<!tpu.dma_semaphore, #tpu.memory_space<semaphore_mem>>)
      } else {
      }
      %mul3A_168 = arith.constant 3 : i32
      %mul3A_169 = arith.muli %mul3A_168, %scan3A_133 : i32
      %add3A_170 = arith.constant 2 : i32
      %add3A_171 = arith.addi %mul3A_169, %add3A_170 : i32
      %dma_wait3A_172 = arith.constant 0 : i32
      %dma_wait3A_173 = arith.constant 0 : i32
      %dma_wait3A_174 = tpu.memref_slice %arg2[%dma_wait3A_172, %dma_wait3A_173] : memref<10240x128xf32, #tpu.memory_space<hbm>> -> memref<80x128xf32, #tpu.memory_space<hbm>>
      %dma_wait3A_175 = arith.constant 0 : i32
      %dma_wait3A_176 = arith.constant 0 : i32
      %dma_wait3A_177 = tpu.memref_slice %arg2[%dma_wait3A_175, %dma_wait3A_176] : memref<10240x128xf32, #tpu.memory_space<hbm>> -> memref<80x128xf32, #tpu.memory_space<hbm>>
      tpu.wait_dma2 semaphore(%arg15 : memref<!tpu.dma_semaphore, #tpu.memory_space<semaphore_mem>>) src(%dma_wait3A_177 : memref<80x128xf32, #tpu.memory_space<hbm>>) dst(%arg12 : memref<80x128xf32, #tpu.memory_space<vmem>>)
      %add3A_178 = arith.constant 3 : i32
      %add3A_179 = arith.addi %add3A_171, %add3A_178 : i32
      %lt3A_180 = arith.constant 60 : i32
      %lt3A_181 = arith.cmpi slt, %add3A_179, %lt3A_180 : i32
      %convert_element_type3A_182 = arith.extui %lt3A_181 : i1 to i32
      %cond3A_183 = arith.constant 0 : i32
      %cond3A_184 = arith.cmpi ne, %convert_element_type3A_182, %cond3A_183 : i32
      scf.if %cond3A_184 {
        %add3A_185 = arith.constant 3 : i32
        %add3A_186 = arith.addi %add3A_171, %add3A_185 : i32
        %mul3A_187 = arith.constant 80 : i32
        %mul3A_188 = arith.muli %add3A_186, %mul3A_187 : i32
        %dma_start3A_189 = tpu.memref_slice %arg8[%mul3A_188] : memref<4800xi32, #tpu.memory_space<vmem>> -> memref<80xi32, #tpu.memory_space<vmem>>
        %dma_start3A_190 = arith.constant 0 : i32
        %dma_start3A_191 = arith.constant 0 : i32
        %dma_start3A_192 = tpu.memref_slice %arg2[%dma_start3A_190, %dma_start3A_191] : memref<10240x128xf32, #tpu.memory_space<hbm>> -> memref<10240x128xf32, #tpu.memory_space<hbm>>
        tpu.enqueue_indirect_dma source(%dma_start3A_192 : memref<10240x128xf32, #tpu.memory_space<hbm>>) target(%arg12 : memref<80x128xf32, #tpu.memory_space<vmem>>) offsets(%dma_start3A_189 : memref<80xi32, #tpu.memory_space<vmem>>) semaphore(%arg15 : memref<!tpu.dma_semaphore, #tpu.memory_space<semaphore_mem>>)
      } else {
      }
    }
    %scan3A_48 = arith.constant 20 : i32
    %add3A_49 = arith.constant 9600 : i32
    %add3A_50 = arith.addi %mul3A_2, %add3A_49 : i32
    "tpu.region"() ({
      %run_scoped3A = tpu.sem_alloc : memref<!tpu.dma_semaphore, #tpu.memory_space<semaphore_mem>>
      %dma_start3A_133 = arith.constant 0 : i32
      %dma_start3A_134 = tpu.memref_slice %arg8[%dma_start3A_133] : memref<4800xi32, #tpu.memory_space<vmem>> -> memref<400xi32, #tpu.memory_space<vmem>>
      %dma_start3A_135 = tpu.memref_slice %arg3[%add3A_50] : memref<320000xi32, #tpu.memory_space<hbm>> -> memref<400xi32, #tpu.memory_space<hbm>>
      %dma_start3A_136 = arith.constant 0 : i32
      %dma_start3A_137 = tpu.memref_slice %arg8[%dma_start3A_136] : memref<4800xi32, #tpu.memory_space<vmem>> -> memref<400xi32, #tpu.memory_space<vmem>>
      %dma_start3A_138 = tpu.memref_slice %arg3[%add3A_50] : memref<320000xi32, #tpu.memory_space<hbm>> -> memref<400xi32, #tpu.memory_space<hbm>>
      tpu.enqueue_dma source(%dma_start3A_138 : memref<400xi32, #tpu.memory_space<hbm>>) target(%dma_start3A_137 : memref<400xi32, #tpu.memory_space<vmem>>) target_semaphore(%run_scoped3A : memref<!tpu.dma_semaphore, #tpu.memory_space<semaphore_mem>>)
      %dma_wait3A_139 = arith.constant 0 : i32
      %dma_wait3A_140 = tpu.memref_slice %arg8[%dma_wait3A_139] : memref<4800xi32, #tpu.memory_space<vmem>> -> memref<400xi32, #tpu.memory_space<vmem>>
      %dma_wait3A_141 = tpu.memref_slice %arg3[%add3A_50] : memref<320000xi32, #tpu.memory_space<hbm>> -> memref<400xi32, #tpu.memory_space<hbm>>
      %dma_wait3A_142 = arith.constant 0 : i32
      %dma_wait3A_143 = tpu.memref_slice %arg8[%dma_wait3A_142] : memref<4800xi32, #tpu.memory_space<vmem>> -> memref<400xi32, #tpu.memory_space<vmem>>
      %dma_wait3A_144 = tpu.memref_slice %arg3[%add3A_50] : memref<320000xi32, #tpu.memory_space<hbm>> -> memref<400xi32, #tpu.memory_space<hbm>>
      tpu.wait_dma2 semaphore(%run_scoped3A : memref<!tpu.dma_semaphore, #tpu.memory_space<semaphore_mem>>) src(%dma_wait3A_144 : memref<400xi32, #tpu.memory_space<hbm>>) dst(%dma_wait3A_143 : memref<400xi32, #tpu.memory_space<vmem>>)
      tpu.yield
    }) : () -> ()
    "tpu.region"() ({
      %run_scoped3A = tpu.sem_alloc : memref<!tpu.dma_semaphore, #tpu.memory_space<semaphore_mem>>
      %dma_start3A_133 = arith.constant 0 : i32
      %dma_start3A_134 = tpu.memref_slice %arg9[%dma_start3A_133] : memref<4800xi32, #tpu.memory_space<vmem>> -> memref<400xi32, #tpu.memory_space<vmem>>
      %dma_start3A_135 = tpu.memref_slice %arg4[%add3A_50] : memref<320000xi32, #tpu.memory_space<hbm>> -> memref<400xi32, #tpu.memory_space<hbm>>
      %dma_start3A_136 = arith.constant 0 : i32
      %dma_start3A_137 = tpu.memref_slice %arg9[%dma_start3A_136] : memref<4800xi32, #tpu.memory_space<vmem>> -> memref<400xi32, #tpu.memory_space<vmem>>
      %dma_start3A_138 = tpu.memref_slice %arg4[%add3A_50] : memref<320000xi32, #tpu.memory_space<hbm>> -> memref<400xi32, #tpu.memory_space<hbm>>
      tpu.enqueue_dma source(%dma_start3A_138 : memref<400xi32, #tpu.memory_space<hbm>>) target(%dma_start3A_137 : memref<400xi32, #tpu.memory_space<vmem>>) target_semaphore(%run_scoped3A : memref<!tpu.dma_semaphore, #tpu.memory_space<semaphore_mem>>)
      %dma_wait3A_139 = arith.constant 0 : i32
      %dma_wait3A_140 = tpu.memref_slice %arg9[%dma_wait3A_139] : memref<4800xi32, #tpu.memory_space<vmem>> -> memref<400xi32, #tpu.memory_space<vmem>>
      %dma_wait3A_141 = tpu.memref_slice %arg4[%add3A_50] : memref<320000xi32, #tpu.memory_space<hbm>> -> memref<400xi32, #tpu.memory_space<hbm>>
      %dma_wait3A_142 = arith.constant 0 : i32
      %dma_wait3A_143 = tpu.memref_slice %arg9[%dma_wait3A_142] : memref<4800xi32, #tpu.memory_space<vmem>> -> memref<400xi32, #tpu.memory_space<vmem>>
      %dma_wait3A_144 = tpu.memref_slice %arg4[%add3A_50] : memref<320000xi32, #tpu.memory_space<hbm>> -> memref<400xi32, #tpu.memory_space<hbm>>
      tpu.wait_dma2 semaphore(%run_scoped3A : memref<!tpu.dma_semaphore, #tpu.memory_space<semaphore_mem>>) src(%dma_wait3A_144 : memref<400xi32, #tpu.memory_space<hbm>>) dst(%dma_wait3A_143 : memref<400xi32, #tpu.memory_space<vmem>>)
      tpu.yield
    }) : () -> ()
    %dma_start3A_51 = arith.constant 0 : i32
    %dma_start3A_52 = tpu.memref_slice %arg8[%dma_start3A_51] : memref<4800xi32, #tpu.memory_space<vmem>> -> memref<80xi32, #tpu.memory_space<vmem>>
    %dma_start3A_53 = arith.constant 0 : i32
    %dma_start3A_54 = arith.constant 0 : i32
    %dma_start3A_55 = tpu.memref_slice %arg2[%dma_start3A_53, %dma_start3A_54] : memref<10240x128xf32, #tpu.memory_space<hbm>> -> memref<10240x128xf32, #tpu.memory_space<hbm>>
    tpu.enqueue_indirect_dma source(%dma_start3A_55 : memref<10240x128xf32, #tpu.memory_space<hbm>>) target(%arg10 : memref<80x128xf32, #tpu.memory_space<vmem>>) offsets(%dma_start3A_52 : memref<80xi32, #tpu.memory_space<vmem>>) semaphore(%arg13 : memref<!tpu.dma_semaphore, #tpu.memory_space<semaphore_mem>>)
    %dma_start3A_56 = arith.constant 80 : i32
    %dma_start3A_57 = tpu.memref_slice %arg8[%dma_start3A_56] : memref<4800xi32, #tpu.memory_space<vmem>> -> memref<80xi32, #tpu.memory_space<vmem>>
    %dma_start3A_58 = arith.constant 0 : i32
    %dma_start3A_59 = arith.constant 0 : i32
    %dma_start3A_60 = tpu.memref_slice %arg2[%dma_start3A_58, %dma_start3A_59] : memref<10240x128xf32, #tpu.memory_space<hbm>> -> memref<10240x128xf32, #tpu.memory_space<hbm>>
    tpu.enqueue_indirect_dma source(%dma_start3A_60 : memref<10240x128xf32, #tpu.memory_space<hbm>>) target(%arg11 : memref<80x128xf32, #tpu.memory_space<vmem>>) offsets(%dma_start3A_57 : memref<80xi32, #tpu.memory_space<vmem>>) semaphore(%arg14 : memref<!tpu.dma_semaphore, #tpu.memory_space<semaphore_mem>>)
    %dma_start3A_61 = arith.constant 160 : i32
    %dma_start3A_62 = tpu.memref_slice %arg8[%dma_start3A_61] : memref<4800xi32, #tpu.memory_space<vmem>> -> memref<80xi32, #tpu.memory_space<vmem>>
    %dma_start3A_63 = arith.constant 0 : i32
    %dma_start3A_64 = arith.constant 0 : i32
    %dma_start3A_65 = tpu.memref_slice %arg2[%dma_start3A_63, %dma_start3A_64] : memref<10240x128xf32, #tpu.memory_space<hbm>> -> memref<10240x128xf32, #tpu.memory_space<hbm>>
    tpu.enqueue_indirect_dma source(%dma_start3A_65 : memref<10240x128xf32, #tpu.memory_space<hbm>>) target(%arg12 : memref<80x128xf32, #tpu.memory_space<vmem>>) offsets(%dma_start3A_62 : memref<80xi32, #tpu.memory_space<vmem>>) semaphore(%arg15 : memref<!tpu.dma_semaphore, #tpu.memory_space<semaphore_mem>>)
    %scan3A_66 = arith.constant 0 : i32
    %scan3A_67 = arith.constant 0 : i32
    %mul3A_68 = arith.constant 3 : i32
    %mul3A_69 = arith.muli %mul3A_68, %scan3A_67 : i32
    %add3A_70 = arith.constant 0 : i32
    %add3A_71 = arith.addi %mul3A_69, %add3A_70 : i32
    %dma_wait3A = arith.constant 0 : i32
    %dma_wait3A_72 = arith.constant 0 : i32
    %dma_wait3A_73 = tpu.memref_slice %arg2[%dma_wait3A, %dma_wait3A_72] : memref<10240x128xf32, #tpu.memory_space<hbm>> -> memref<80x128xf32, #tpu.memory_space<hbm>>
    %dma_wait3A_74 = arith.constant 0 : i32
    %dma_wait3A_75 = arith.constant 0 : i32
    %dma_wait3A_76 = tpu.memref_slice %arg2[%dma_wait3A_74, %dma_wait3A_75] : memref<10240x128xf32, #tpu.memory_space<hbm>> -> memref<80x128xf32, #tpu.memory_space<hbm>>
    tpu.wait_dma2 semaphore(%arg13 : memref<!tpu.dma_semaphore, #tpu.memory_space<semaphore_mem>>) src(%dma_wait3A_76 : memref<80x128xf32, #tpu.memory_space<hbm>>) dst(%arg10 : memref<80x128xf32, #tpu.memory_space<vmem>>)
    %add3A_77 = arith.constant 3 : i32
    %add3A_78 = arith.addi %add3A_71, %add3A_77 : i32
    %lt3A = arith.constant 5 : i32
    %lt3A_79 = arith.cmpi slt, %add3A_78, %lt3A : i32
    %convert_element_type3A = arith.extui %lt3A_79 : i1 to i32
    %cond3A = arith.constant 0 : i32
    %cond3A_80 = arith.cmpi ne, %convert_element_type3A, %cond3A : i32
    scf.if %cond3A_80 {
      %add3A_133 = arith.constant 3 : i32
      %add3A_134 = arith.addi %add3A_71, %add3A_133 : i32
      %mul3A_135 = arith.constant 80 : i32
      %mul3A_136 = arith.muli %add3A_134, %mul3A_135 : i32
      %dma_start3A_137 = tpu.memref_slice %arg8[%mul3A_136] : memref<4800xi32, #tpu.memory_space<vmem>> -> memref<80xi32, #tpu.memory_space<vmem>>
      %dma_start3A_138 = arith.constant 0 : i32
      %dma_start3A_139 = arith.constant 0 : i32
      %dma_start3A_140 = tpu.memref_slice %arg2[%dma_start3A_138, %dma_start3A_139] : memref<10240x128xf32, #tpu.memory_space<hbm>> -> memref<10240x128xf32, #tpu.memory_space<hbm>>
      tpu.enqueue_indirect_dma source(%dma_start3A_140 : memref<10240x128xf32, #tpu.memory_space<hbm>>) target(%arg10 : memref<80x128xf32, #tpu.memory_space<vmem>>) offsets(%dma_start3A_137 : memref<80xi32, #tpu.memory_space<vmem>>) semaphore(%arg13 : memref<!tpu.dma_semaphore, #tpu.memory_space<semaphore_mem>>)
    } else {
    }
    %mul3A_81 = arith.constant 3 : i32
    %mul3A_82 = arith.muli %mul3A_81, %scan3A_67 : i32
    %add3A_83 = arith.constant 1 : i32
    %add3A_84 = arith.addi %mul3A_82, %add3A_83 : i32
    %dma_wait3A_85 = arith.constant 0 : i32
    %dma_wait3A_86 = arith.constant 0 : i32
    %dma_wait3A_87 = tpu.memref_slice %arg2[%dma_wait3A_85, %dma_wait3A_86] : memref<10240x128xf32, #tpu.memory_space<hbm>> -> memref<80x128xf32, #tpu.memory_space<hbm>>
    %dma_wait3A_88 = arith.constant 0 : i32
    %dma_wait3A_89 = arith.constant 0 : i32
    %dma_wait3A_90 = tpu.memref_slice %arg2[%dma_wait3A_88, %dma_wait3A_89] : memref<10240x128xf32, #tpu.memory_space<hbm>> -> memref<80x128xf32, #tpu.memory_space<hbm>>
    tpu.wait_dma2 semaphore(%arg14 : memref<!tpu.dma_semaphore, #tpu.memory_space<semaphore_mem>>) src(%dma_wait3A_90 : memref<80x128xf32, #tpu.memory_space<hbm>>) dst(%arg11 : memref<80x128xf32, #tpu.memory_space<vmem>>)
    %add3A_91 = arith.constant 3 : i32
    %add3A_92 = arith.addi %add3A_84, %add3A_91 : i32
    %lt3A_93 = arith.constant 5 : i32
    %lt3A_94 = arith.cmpi slt, %add3A_92, %lt3A_93 : i32
    %convert_element_type3A_95 = arith.extui %lt3A_94 : i1 to i32
    %cond3A_96 = arith.constant 0 : i32
    %cond3A_97 = arith.cmpi ne, %convert_element_type3A_95, %cond3A_96 : i32
    scf.if %cond3A_97 {
      %add3A_133 = arith.constant 3 : i32
      %add3A_134 = arith.addi %add3A_84, %add3A_133 : i32
      %mul3A_135 = arith.constant 80 : i32
      %mul3A_136 = arith.muli %add3A_134, %mul3A_135 : i32
      %dma_start3A_137 = tpu.memref_slice %arg8[%mul3A_136] : memref<4800xi32, #tpu.memory_space<vmem>> -> memref<80xi32, #tpu.memory_space<vmem>>
      %dma_start3A_138 = arith.constant 0 : i32
      %dma_start3A_139 = arith.constant 0 : i32
      %dma_start3A_140 = tpu.memref_slice %arg2[%dma_start3A_138, %dma_start3A_139] : memref<10240x128xf32, #tpu.memory_space<hbm>> -> memref<10240x128xf32, #tpu.memory_space<hbm>>
      tpu.enqueue_indirect_dma source(%dma_start3A_140 : memref<10240x128xf32, #tpu.memory_space<hbm>>) target(%arg11 : memref<80x128xf32, #tpu.memory_space<vmem>>) offsets(%dma_start3A_137 : memref<80xi32, #tpu.memory_space<vmem>>) semaphore(%arg14 : memref<!tpu.dma_semaphore, #tpu.memory_space<semaphore_mem>>)
    } else {
    }
    %mul3A_98 = arith.constant 3 : i32
    %mul3A_99 = arith.muli %mul3A_98, %scan3A_67 : i32
    %add3A_100 = arith.constant 2 : i32
    %add3A_101 = arith.addi %mul3A_99, %add3A_100 : i32
    %dma_wait3A_102 = arith.constant 0 : i32
    %dma_wait3A_103 = arith.constant 0 : i32
    %dma_wait3A_104 = tpu.memref_slice %arg2[%dma_wait3A_102, %dma_wait3A_103] : memref<10240x128xf32, #tpu.memory_space<hbm>> -> memref<80x128xf32, #tpu.memory_space<hbm>>
    %dma_wait3A_105 = arith.constant 0 : i32
    %dma_wait3A_106 = arith.constant 0 : i32
    %dma_wait3A_107 = tpu.memref_slice %arg2[%dma_wait3A_105, %dma_wait3A_106] : memref<10240x128xf32, #tpu.memory_space<hbm>> -> memref<80x128xf32, #tpu.memory_space<hbm>>
    tpu.wait_dma2 semaphore(%arg15 : memref<!tpu.dma_semaphore, #tpu.memory_space<semaphore_mem>>) src(%dma_wait3A_107 : memref<80x128xf32, #tpu.memory_space<hbm>>) dst(%arg12 : memref<80x128xf32, #tpu.memory_space<vmem>>)
    %add3A_108 = arith.constant 3 : i32
    %add3A_109 = arith.addi %add3A_101, %add3A_108 : i32
    %lt3A_110 = arith.constant 5 : i32
    %lt3A_111 = arith.cmpi slt, %add3A_109, %lt3A_110 : i32
    %convert_element_type3A_112 = arith.extui %lt3A_111 : i1 to i32
    %cond3A_113 = arith.constant 0 : i32
    %cond3A_114 = arith.cmpi ne, %convert_element_type3A_112, %cond3A_113 : i32
    scf.if %cond3A_114 {
      %add3A_133 = arith.constant 3 : i32
      %add3A_134 = arith.addi %add3A_101, %add3A_133 : i32
      %mul3A_135 = arith.constant 80 : i32
      %mul3A_136 = arith.muli %add3A_134, %mul3A_135 : i32
      %dma_start3A_137 = tpu.memref_slice %arg8[%mul3A_136] : memref<4800xi32, #tpu.memory_space<vmem>> -> memref<80xi32, #tpu.memory_space<vmem>>
      %dma_start3A_138 = arith.constant 0 : i32
      %dma_start3A_139 = arith.constant 0 : i32
      %dma_start3A_140 = tpu.memref_slice %arg2[%dma_start3A_138, %dma_start3A_139] : memref<10240x128xf32, #tpu.memory_space<hbm>> -> memref<10240x128xf32, #tpu.memory_space<hbm>>
      tpu.enqueue_indirect_dma source(%dma_start3A_140 : memref<10240x128xf32, #tpu.memory_space<hbm>>) target(%arg12 : memref<80x128xf32, #tpu.memory_space<vmem>>) offsets(%dma_start3A_137 : memref<80xi32, #tpu.memory_space<vmem>>) semaphore(%arg15 : memref<!tpu.dma_semaphore, #tpu.memory_space<semaphore_mem>>)
    } else {
    }
    %scan3A_115 = arith.constant 1 : i32
    %dma_wait3A_116 = arith.constant 0 : i32
    %dma_wait3A_117 = arith.constant 0 : i32
    %dma_wait3A_118 = tpu.memref_slice %arg2[%dma_wait3A_116, %dma_wait3A_117] : memref<10240x128xf32, #tpu.memory_space<hbm>> -> memref<80x128xf32, #tpu.memory_space<hbm>>
    %dma_wait3A_119 = arith.constant 0 : i32
    %dma_wait3A_120 = arith.constant 0 : i32
    %dma_wait3A_121 = tpu.memref_slice %arg2[%dma_wait3A_119, %dma_wait3A_120] : memref<10240x128xf32, #tpu.memory_space<hbm>> -> memref<80x128xf32, #tpu.memory_space<hbm>>
    tpu.wait_dma2 semaphore(%arg13 : memref<!tpu.dma_semaphore, #tpu.memory_space<semaphore_mem>>) src(%dma_wait3A_121 : memref<80x128xf32, #tpu.memory_space<hbm>>) dst(%arg10 : memref<80x128xf32, #tpu.memory_space<vmem>>)
    %dma_wait3A_122 = arith.constant 0 : i32
    %dma_wait3A_123 = arith.constant 0 : i32
    %dma_wait3A_124 = tpu.memref_slice %arg2[%dma_wait3A_122, %dma_wait3A_123] : memref<10240x128xf32, #tpu.memory_space<hbm>> -> memref<80x128xf32, #tpu.memory_space<hbm>>
    %dma_wait3A_125 = arith.constant 0 : i32
    %dma_wait3A_126 = arith.constant 0 : i32
    %dma_wait3A_127 = tpu.memref_slice %arg2[%dma_wait3A_125, %dma_wait3A_126] : memref<10240x128xf32, #tpu.memory_space<hbm>> -> memref<80x128xf32, #tpu.memory_space<hbm>>
    tpu.wait_dma2 semaphore(%arg14 : memref<!tpu.dma_semaphore, #tpu.memory_space<semaphore_mem>>) src(%dma_wait3A_127 : memref<80x128xf32, #tpu.memory_space<hbm>>) dst(%arg11 : memref<80x128xf32, #tpu.memory_space<vmem>>)
    %barrier3A_128 = arith.constant 0 : index
    tpu.barrier barrier_id(%barrier3A_128)
    %mul3A_129 = arith.constant 640 : i32
    %mul3A_130 = arith.muli %arg1, %mul3A_129 : i32
    %mul3A_131 = arith.constant 640 : i32
    %mul3A_132 = arith.muli %arg1, %mul3A_131 : i32
    "tpu.region"() ({
      %run_scoped3A = tpu.sem_alloc : memref<!tpu.dma_semaphore, #tpu.memory_space<semaphore_mem>>
      %dma_start3A_133 = arith.constant 0 : i32
      %dma_start3A_134 = tpu.memref_slice %arg6[%arg0, %mul3A_132, %dma_start3A_133] : memref<2x10240x128xf32, #tpu.memory_space<hbm>> -> memref<1x640x128xf32, #tpu.memory_space<hbm>>
      %dma_start3A_135 = tpu.memref_squeeze %dma_start3A_134 : memref<1x640x128xf32, #tpu.memory_space<hbm>> -> memref<640x128xf32, #tpu.memory_space<hbm>>
      %dma_start3A_136 = arith.constant 0 : i32
      %dma_start3A_137 = tpu.memref_slice %arg7[%mul3A_130, %dma_start3A_136] : memref<10240x128xf32, #tpu.memory_space<vmem_shared>> -> memref<640x128xf32, #tpu.memory_space<vmem_shared>>
      tpu.enqueue_dma source(%dma_start3A_137 : memref<640x128xf32, #tpu.memory_space<vmem_shared>>) target(%dma_start3A_135 : memref<640x128xf32, #tpu.memory_space<hbm>>) target_semaphore(%run_scoped3A : memref<!tpu.dma_semaphore, #tpu.memory_space<semaphore_mem>>)
      %dma_wait3A_138 = arith.constant 0 : i32
      %dma_wait3A_139 = tpu.memref_slice %arg6[%arg0, %mul3A_132, %dma_wait3A_138] : memref<2x10240x128xf32, #tpu.memory_space<hbm>> -> memref<1x640x128xf32, #tpu.memory_space<hbm>>
      %dma_wait3A_140 = tpu.memref_squeeze %dma_wait3A_139 : memref<1x640x128xf32, #tpu.memory_space<hbm>> -> memref<640x128xf32, #tpu.memory_space<hbm>>
      %dma_wait3A_141 = arith.constant 0 : i32
      %dma_wait3A_142 = tpu.memref_slice %arg7[%mul3A_130, %dma_wait3A_141] : memref<10240x128xf32, #tpu.memory_space<vmem_shared>> -> memref<640x128xf32, #tpu.memory_space<vmem_shared>>
      tpu.wait_dma2 semaphore(%run_scoped3A : memref<!tpu.dma_semaphore, #tpu.memory_space<semaphore_mem>>) src(%dma_wait3A_142 : memref<640x128xf32, #tpu.memory_space<vmem_shared>>) dst(%dma_wait3A_140 : memref<640x128xf32, #tpu.memory_space<hbm>>)
      tpu.yield
    }) : () -> ()
    return
  }
}

module attributes {stable_mosaic.version = 14 : i64} {
  func.func @_prep_body(%arg0: i32, %arg1: memref<2048x2x2xf32, #tpu.memory_space<vmem>>, %arg2: memref<2048x128xf32, #tpu.memory_space<vmem>>, %arg3: memref<2048x2xf32, #tpu.memory_space<vmem>>, %arg4: memref<2048x128xf32, #tpu.memory_space<vmem>>) attributes {dimension_semantics = [#tpu.dimension_semantics<arbitrary>], iteration_bounds = array<i64: 5>, scalar_prefetch = 0 : i64, scratch_operands = 0 : i64, tpu.core_type = #tpu.core_type<tc>, window_params = [{transform_indices = @transform_0, window_bounds = array<i64: 2048, 2, 2>}, {transform_indices = @transform_1, window_bounds = array<i64: 2048, 128>}, {transform_indices = @transform_2, window_bounds = array<i64: 2048, 2>}, {transform_indices = @transform_3, window_bounds = array<i64: 2048, 128>}]} {
    %get3A = arith.constant 0 : index
    %get3A_0 = arith.constant 0 : index
    %get3A_1 = arith.constant 0 : index
    %get3A_2 = vector.load %arg1[%get3A, %get3A_0, %get3A_1] : memref<2048x2x2xf32, #tpu.memory_space<vmem>>, vector<2048x2x2xf32>
    %reduce_sum3A = arith.constant dense<0.000000e+00> : vector<2048x2xf32>
    %reduce_sum3A_3 = vector.multi_reduction <add>, %get3A_2, %reduce_sum3A [2] : vector<2048x2x2xf32> to vector<2048x2xf32>
    %gt3A = arith.constant 0.000000e+00 : f32
    %gt3A_4 = vector.broadcast %gt3A : f32 to vector<2048x2xf32>
    %gt3A_5 = arith.cmpf ogt, %reduce_sum3A_3, %gt3A_4 : vector<2048x2xf32>
    %max3A = arith.constant 1.000000e+00 : f32
    %max3A_6 = vector.broadcast %max3A : f32 to vector<2048x2xf32>
    %max3A_7 = arith.maximumf %reduce_sum3A_3, %max3A_6 : vector<2048x2xf32>
    %rsqrt3A = math.rsqrt %max3A_7 : vector<2048x2xf32>
    %jit3A = arith.constant 0.000000e+00 : f32
    %broadcast_in_dim3A = vector.broadcast %jit3A : f32 to vector<2048x2xf32>
    %select_n3A = arith.select %gt3A_5, %rsqrt3A, %broadcast_in_dim3A : vector<2048x2xi1>, vector<2048x2xf32>
    %swap3A = arith.constant 0 : index
    %swap3A_8 = arith.constant 0 : index
    %swap3A_9 = vector.load %arg3[%swap3A, %swap3A_8] : memref<2048x2xf32, #tpu.memory_space<vmem>>, vector<2048x2xf32>
    tpu.vector_store %arg3[%swap3A, %swap3A_8], %select_n3A {strides = array<i32>} : memref<2048x2xf32, #tpu.memory_space<vmem>>, vector<2048x2xf32>,
    %get3A_10 = arith.constant 0 : index
    %get3A_11 = arith.constant 0 : index
    %get3A_12 = vector.load %arg2[%get3A_10, %get3A_11] : memref<2048x128xf32, #tpu.memory_space<vmem>>, vector<2048x128xf32>
    %slice3A = vector.extract_strided_slice %select_n3A {offsets = [0, 0], sizes = [2048, 1], strides = [1, 1]} : vector<2048x2xf32> to vector<2048x1xf32>
    %mul3A = vector.broadcast %slice3A : vector<2048x1xf32> to vector<2048x128xf32>
    %mul3A_13 = arith.mulf %get3A_12, %mul3A : vector<2048x128xf32>
    %swap3A_14 = arith.constant 0 : index
    %swap3A_15 = arith.constant 0 : index
    %swap3A_16 = vector.load %arg4[%swap3A_14, %swap3A_15] : memref<2048x128xf32, #tpu.memory_space<vmem>>, vector<2048x128xf32>
    tpu.vector_store %arg4[%swap3A_14, %swap3A_15], %mul3A_13 {strides = array<i32>} : memref<2048x128xf32, #tpu.memory_space<vmem>>, vector<2048x128xf32>,
    return
  }
  func.func @transform_0(%arg0: i32) -> (i32, i32, i32) {
    %c0_i32 = arith.constant 0 : i32
    %c0_i32_0 = arith.constant 0 : i32
    %c0_i32_1 = arith.constant 0 : i32
    return %arg0, %c0_i32, %c0_i32_0 : i32, i32, i32
  }
  func.func @transform_1(%arg0: i32) -> (i32, i32) {
    %c0_i32 = arith.constant 0 : i32
    %c0_i32_0 = arith.constant 0 : i32
    return %arg0, %c0_i32 : i32, i32
  }
  func.func @transform_2(%arg0: i32) -> (i32, i32) {
    %c0_i32 = arith.constant 0 : i32
    %c0_i32_0 = arith.constant 0 : i32
    return %arg0, %c0_i32 : i32, i32
  }
  func.func @transform_3(%arg0: i32) -> (i32, i32) {
    %c0_i32 = arith.constant 0 : i32
    %c0_i32_0 = arith.constant 0 : i32
    return %arg0, %c0_i32 : i32, i32
  }
}

module attributes {stable_mosaic.version = 14 : i64} {
  func.func @_layer_body(%arg0: i32, %arg1: memref<1024x128xf32, #tpu.memory_space<vmem>>, %arg2: memref<1024x128xf32, #tpu.memory_space<vmem>>, %arg3: memref<1024x2xf32, #tpu.memory_space<vmem>>, %arg4: memref<1024x128xf32, #tpu.memory_space<vmem>>, %arg5: memref<128x128xf32, #tpu.memory_space<vmem>>, %arg6: memref<1x128xf32, #tpu.memory_space<vmem>>, %arg7: memref<1x128xf32, #tpu.memory_space<vmem>>, %arg8: memref<1x128xf32, #tpu.memory_space<vmem>>, %arg9: memref<1024x128xf32, #tpu.memory_space<vmem>>, %arg10: memref<1024x128xf32, #tpu.memory_space<vmem>>) attributes {dimension_semantics = [#tpu.dimension_semantics<arbitrary>], iteration_bounds = array<i64: 10>, scalar_prefetch = 0 : i64, scratch_operands = 0 : i64, tpu.core_type = #tpu.core_type<tc>, window_params = [{transform_indices = @transform_0, window_bounds = array<i64: 1024, 128>}, {transform_indices = @transform_1, window_bounds = array<i64: 1024, 128>}, {transform_indices = @transform_2, window_bounds = array<i64: 1024, 2>}, {transform_indices = @transform_3, window_bounds = array<i64: 1024, 128>}, {pipeline_mode = #tpu.pipeline_mode<synchronous>, transform_indices = @transform_4, window_bounds = array<i64: 128, 128>}, {pipeline_mode = #tpu.pipeline_mode<synchronous>, transform_indices = @transform_5, window_bounds = array<i64: 1, 128>}, {pipeline_mode = #tpu.pipeline_mode<synchronous>, transform_indices = @transform_6, window_bounds = array<i64: 1, 128>}, {pipeline_mode = #tpu.pipeline_mode<synchronous>, transform_indices = @transform_7, window_bounds = array<i64: 1, 128>}, {transform_indices = @transform_8, window_bounds = array<i64: 1024, 128>}, {transform_indices = @transform_9, window_bounds = array<i64: 1024, 128>}]} {
    %get3A = arith.constant 0 : index
    %get3A_0 = arith.constant 0 : index
    %get3A_1 = vector.load %arg1[%get3A, %get3A_0] : memref<1024x128xf32, #tpu.memory_space<vmem>>, vector<1024x128xf32>
    %get3A_2 = arith.constant 0 : index
    %get3A_3 = arith.constant 0 : index
    %get3A_4 = vector.load %arg2[%get3A_2, %get3A_3] : memref<1024x128xf32, #tpu.memory_space<vmem>>, vector<1024x128xf32>
    %add3A = arith.addf %get3A_1, %get3A_4 : vector<1024x128xf32>
    %get3A_5 = arith.constant 0 : index
    %get3A_6 = arith.constant 1 : index
    %get3A_7 = vector.load %arg3[%get3A_5, %get3A_6] : memref<1024x2xf32, #tpu.memory_space<vmem>>, vector<1024x1xf32>
    %mul3A = vector.broadcast %get3A_7 : vector<1024x1xf32> to vector<1024x128xf32>
    %mul3A_8 = arith.mulf %add3A, %mul3A : vector<1024x128xf32>
    %get3A_9 = arith.constant 0 : index
    %get3A_10 = arith.constant 0 : index
    %get3A_11 = vector.load %arg5[%get3A_9, %get3A_10] : memref<128x128xf32, #tpu.memory_space<vmem>>, vector<128x128xf32>
    %dot_general3A = arith.constant dense<0.000000e+00> : vector<1024x128xf32>
    %dot_general3A_12 = tpu.matmul %mul3A_8, %get3A_11, %dot_general3A {dimension_numbers = #tpu.dot_dimension_numbers<[1], [0], [0], [1], [0, 0, 1, 1], [], []>, transpose_lhs_hint = false} : vector<1024x128xf32>, vector<128x128xf32>, vector<1024x128xf32> -> vector<1024x128xf32>
    %get3A_13 = arith.constant 0 : index
    %get3A_14 = arith.constant 0 : index
    %get3A_15 = vector.load %arg6[%get3A_13, %get3A_14] : memref<1x128xf32, #tpu.memory_space<vmem>>, vector<1x128xf32>
    %add3A_16 = vector.broadcast %get3A_15 : vector<1x128xf32> to vector<1024x128xf32>
    %add3A_17 = arith.addf %dot_general3A_12, %add3A_16 : vector<1024x128xf32>
    %get3A_18 = arith.constant 0 : index
    %get3A_19 = arith.constant 0 : index
    %get3A_20 = vector.load %arg4[%get3A_18, %get3A_19] : memref<1024x128xf32, #tpu.memory_space<vmem>>, vector<1024x128xf32>
    %get3A_21 = arith.constant 0 : index
    %get3A_22 = arith.constant 0 : index
    %get3A_23 = vector.load %arg7[%get3A_21, %get3A_22] : memref<1x128xf32, #tpu.memory_space<vmem>>, vector<1x128xf32>
    %mul3A_24 = vector.broadcast %get3A_23 : vector<1x128xf32> to vector<1024x128xf32>
    %mul3A_25 = arith.mulf %mul3A_24, %add3A_17 : vector<1024x128xf32>
    %get3A_26 = arith.constant 0 : index
    %get3A_27 = arith.constant 0 : index
    %get3A_28 = vector.load %arg8[%get3A_26, %get3A_27] : memref<1x128xf32, #tpu.memory_space<vmem>>, vector<1x128xf32>
    %add3A_29 = vector.broadcast %get3A_28 : vector<1x128xf32> to vector<1024x128xf32>
    %add3A_30 = arith.addf %mul3A_25, %add3A_29 : vector<1024x128xf32>
    %max3A = arith.constant 0.000000e+00 : f32
    %max3A_31 = vector.broadcast %max3A : f32 to vector<1024x128xf32>
    %max3A_32 = arith.maximumf %add3A_30, %max3A_31 : vector<1024x128xf32>
    %add3A_33 = arith.addf %get3A_20, %max3A_32 : vector<1024x128xf32>
    %swap3A = arith.constant 0 : index
    %swap3A_34 = arith.constant 0 : index
    %swap3A_35 = vector.load %arg9[%swap3A, %swap3A_34] : memref<1024x128xf32, #tpu.memory_space<vmem>>, vector<1024x128xf32>
    tpu.vector_store %arg9[%swap3A, %swap3A_34], %add3A_33 {strides = array<i32>} : memref<1024x128xf32, #tpu.memory_space<vmem>>, vector<1024x128xf32>,
    %get3A_36 = arith.constant 0 : index
    %get3A_37 = arith.constant 0 : index
    %get3A_38 = vector.load %arg3[%get3A_36, %get3A_37] : memref<1024x2xf32, #tpu.memory_space<vmem>>, vector<1024x1xf32>
    %mul3A_39 = vector.broadcast %get3A_38 : vector<1024x1xf32> to vector<1024x128xf32>
    %mul3A_40 = arith.mulf %add3A_33, %mul3A_39 : vector<1024x128xf32>
    %swap3A_41 = arith.constant 0 : index
    %swap3A_42 = arith.constant 0 : index
    %swap3A_43 = vector.load %arg10[%swap3A_41, %swap3A_42] : memref<1024x128xf32, #tpu.memory_space<vmem>>, vector<1024x128xf32>
    tpu.vector_store %arg10[%swap3A_41, %swap3A_42], %mul3A_40 {strides = array<i32>} : memref<1024x128xf32, #tpu.memory_space<vmem>>, vector<1024x128xf32>,
    return
  }
  func.func @transform_0(%arg0: i32) -> (i32, i32) {
    %c0_i32 = arith.constant 0 : i32
    %c0_i32_0 = arith.constant 0 : i32
    return %arg0, %c0_i32 : i32, i32
  }
  func.func @transform_1(%arg0: i32) -> (i32, i32) {
    %c0_i32 = arith.constant 0 : i32
    %c0_i32_0 = arith.constant 0 : i32
    return %arg0, %c0_i32 : i32, i32
  }
  func.func @transform_2(%arg0: i32) -> (i32, i32) {
    %c0_i32 = arith.constant 0 : i32
    %c0_i32_0 = arith.constant 0 : i32
    return %arg0, %c0_i32 : i32, i32
  }
  func.func @transform_3(%arg0: i32) -> (i32, i32) {
    %c0_i32 = arith.constant 0 : i32
    %c0_i32_0 = arith.constant 0 : i32
    return %arg0, %c0_i32 : i32, i32
  }
  func.func @transform_4(%arg0: i32) -> (i32, i32) {
    %c0_i32 = arith.constant 0 : i32
    %c0_i32_0 = arith.constant 0 : i32
    %c0_i32_1 = arith.constant 0 : i32
    return %c0_i32, %c0_i32_0 : i32, i32
  }
  func.func @transform_5(%arg0: i32) -> (i32, i32) {
    %c0_i32 = arith.constant 0 : i32
    %c0_i32_0 = arith.constant 0 : i32
    %c0_i32_1 = arith.constant 0 : i32
    return %c0_i32, %c0_i32_0 : i32, i32
  }
  func.func @transform_6(%arg0: i32) -> (i32, i32) {
    %c0_i32 = arith.constant 0 : i32
    %c0_i32_0 = arith.constant 0 : i32
    %c0_i32_1 = arith.constant 0 : i32
    return %c0_i32, %c0_i32_0 : i32, i32
  }
  func.func @transform_7(%arg0: i32) -> (i32, i32) {
    %c0_i32 = arith.constant 0 : i32
    %c0_i32_0 = arith.constant 0 : i32
    %c0_i32_1 = arith.constant 0 : i32
    return %c0_i32, %c0_i32_0 : i32, i32
  }
  func.func @transform_8(%arg0: i32) -> (i32, i32) {
    %c0_i32 = arith.constant 0 : i32
    %c0_i32_0 = arith.constant 0 : i32
    return %arg0, %c0_i32 : i32, i32
  }
  func.func @transform_9(%arg0: i32) -> (i32, i32) {
    %c0_i32 = arith.constant 0 : i32
    %c0_i32_0 = arith.constant 0 : i32
    return %arg0, %c0_i32 : i32, i32
  }
}

module attributes {stable_mosaic.version = 14 : i64} {
  func.func @_layer_last_body(%arg0: i32, %arg1: memref<1024x128xf32, #tpu.memory_space<vmem>>, %arg2: memref<1024x128xf32, #tpu.memory_space<vmem>>, %arg3: memref<1024x2xf32, #tpu.memory_space<vmem>>, %arg4: memref<1024x128xf32, #tpu.memory_space<vmem>>, %arg5: memref<128x128xf32, #tpu.memory_space<vmem>>, %arg6: memref<1x128xf32, #tpu.memory_space<vmem>>, %arg7: memref<1x128xf32, #tpu.memory_space<vmem>>, %arg8: memref<1x128xf32, #tpu.memory_space<vmem>>, %arg9: memref<128x64xf32, #tpu.memory_space<vmem>>, %arg10: memref<1x64xf32, #tpu.memory_space<vmem>>, %arg11: memref<64x32xf32, #tpu.memory_space<vmem>>, %arg12: memref<1x32xf32, #tpu.memory_space<vmem>>, %arg13: memref<32x1xf32, #tpu.memory_space<vmem>>, %arg14: memref<1x1xf32, #tpu.memory_space<vmem>>, %arg15: memref<1x1xf32, #tpu.memory_space<vmem>>, %arg16: memref<1x128xf32, #tpu.memory_space<vmem>>) attributes {dimension_semantics = [#tpu.dimension_semantics<arbitrary>], iteration_bounds = array<i64: 10>, scalar_prefetch = 0 : i64, scratch_operands = 1 : i64, tpu.core_type = #tpu.core_type<tc>, window_params = [{transform_indices = @transform_0, window_bounds = array<i64: 1024, 128>}, {transform_indices = @transform_1, window_bounds = array<i64: 1024, 128>}, {transform_indices = @transform_2, window_bounds = array<i64: 1024, 2>}, {transform_indices = @transform_3, window_bounds = array<i64: 1024, 128>}, {pipeline_mode = #tpu.pipeline_mode<synchronous>, transform_indices = @transform_4, window_bounds = array<i64: 128, 128>}, {pipeline_mode = #tpu.pipeline_mode<synchronous>, transform_indices = @transform_5, window_bounds = array<i64: 1, 128>}, {pipeline_mode = #tpu.pipeline_mode<synchronous>, transform_indices = @transform_6, window_bounds = array<i64: 1, 128>}, {pipeline_mode = #tpu.pipeline_mode<synchronous>, transform_indices = @transform_7, window_bounds = array<i64: 1, 128>}, {pipeline_mode = #tpu.pipeline_mode<synchronous>, transform_indices = @transform_8, window_bounds = array<i64: 128, 64>}, {pipeline_mode = #tpu.pipeline_mode<synchronous>, transform_indices = @transform_9, window_bounds = array<i64: 1, 64>}, {pipeline_mode = #tpu.pipeline_mode<synchronous>, transform_indices = @transform_10, window_bounds = array<i64: 64, 32>}, {pipeline_mode = #tpu.pipeline_mode<synchronous>, transform_indices = @transform_11, window_bounds = array<i64: 1, 32>}, {pipeline_mode = #tpu.pipeline_mode<synchronous>, transform_indices = @transform_12, window_bounds = array<i64: 32, 1>}, {pipeline_mode = #tpu.pipeline_mode<synchronous>, transform_indices = @transform_13, window_bounds = array<i64: 1, 1>}, {pipeline_mode = #tpu.pipeline_mode<synchronous>, transform_indices = @transform_14, window_bounds = array<i64: 1, 1>}]} {
    %eq3A = arith.constant 0 : i32
    %eq3A_0 = arith.cmpi eq, %arg0, %eq3A : i32
    %convert_element_type3A = arith.extui %eq3A_0 : i1 to i32
    %cond3A = arith.constant 0 : i32
    %cond3A_1 = arith.cmpi ne, %convert_element_type3A, %cond3A : i32
    scf.if %cond3A_1 {
      %broadcast_in_dim3A_57 = arith.constant 0.000000e+00 : f32
      %broadcast_in_dim3A_58 = vector.broadcast %broadcast_in_dim3A_57 : f32 to vector<1x128xf32>
      %swap3A_59 = arith.constant 0 : index
      %swap3A_60 = arith.constant 0 : index
      %swap3A_61 = vector.load %arg16[%swap3A_59, %swap3A_60] : memref<1x128xf32, #tpu.memory_space<vmem>>, vector<1x128xf32>
      tpu.vector_store %arg16[%swap3A_59, %swap3A_60], %broadcast_in_dim3A_58 {strides = array<i32>} : memref<1x128xf32, #tpu.memory_space<vmem>>, vector<1x128xf32>,
    } else {
    }
    %get3A = arith.constant 0 : index
    %get3A_2 = arith.constant 0 : index
    %get3A_3 = vector.load %arg1[%get3A, %get3A_2] : memref<1024x128xf32, #tpu.memory_space<vmem>>, vector<1024x128xf32>
    %get3A_4 = arith.constant 0 : index
    %get3A_5 = arith.constant 0 : index
    %get3A_6 = vector.load %arg2[%get3A_4, %get3A_5] : memref<1024x128xf32, #tpu.memory_space<vmem>>, vector<1024x128xf32>
    %add3A = arith.addf %get3A_3, %get3A_6 : vector<1024x128xf32>
    %get3A_7 = arith.constant 0 : index
    %get3A_8 = arith.constant 1 : index
    %get3A_9 = vector.load %arg3[%get3A_7, %get3A_8] : memref<1024x2xf32, #tpu.memory_space<vmem>>, vector<1024x1xf32>
    %mul3A = vector.broadcast %get3A_9 : vector<1024x1xf32> to vector<1024x128xf32>
    %mul3A_10 = arith.mulf %add3A, %mul3A : vector<1024x128xf32>
    %get3A_11 = arith.constant 0 : index
    %get3A_12 = arith.constant 0 : index
    %get3A_13 = vector.load %arg5[%get3A_11, %get3A_12] : memref<128x128xf32, #tpu.memory_space<vmem>>, vector<128x128xf32>
    %dot_general3A = arith.constant dense<0.000000e+00> : vector<1024x128xf32>
    %dot_general3A_14 = tpu.matmul %mul3A_10, %get3A_13, %dot_general3A {dimension_numbers = #tpu.dot_dimension_numbers<[1], [0], [0], [1], [0, 0, 1, 1], [], []>, transpose_lhs_hint = false} : vector<1024x128xf32>, vector<128x128xf32>, vector<1024x128xf32> -> vector<1024x128xf32>
    %get3A_15 = arith.constant 0 : index
    %get3A_16 = arith.constant 0 : index
    %get3A_17 = vector.load %arg6[%get3A_15, %get3A_16] : memref<1x128xf32, #tpu.memory_space<vmem>>, vector<1x128xf32>
    %add3A_18 = vector.broadcast %get3A_17 : vector<1x128xf32> to vector<1024x128xf32>
    %add3A_19 = arith.addf %dot_general3A_14, %add3A_18 : vector<1024x128xf32>
    %get3A_20 = arith.constant 0 : index
    %get3A_21 = arith.constant 0 : index
    %get3A_22 = vector.load %arg4[%get3A_20, %get3A_21] : memref<1024x128xf32, #tpu.memory_space<vmem>>, vector<1024x128xf32>
    %get3A_23 = arith.constant 0 : index
    %get3A_24 = arith.constant 0 : index
    %get3A_25 = vector.load %arg7[%get3A_23, %get3A_24] : memref<1x128xf32, #tpu.memory_space<vmem>>, vector<1x128xf32>
    %mul3A_26 = vector.broadcast %get3A_25 : vector<1x128xf32> to vector<1024x128xf32>
    %mul3A_27 = arith.mulf %mul3A_26, %add3A_19 : vector<1024x128xf32>
    %get3A_28 = arith.constant 0 : index
    %get3A_29 = arith.constant 0 : index
    %get3A_30 = vector.load %arg8[%get3A_28, %get3A_29] : memref<1x128xf32, #tpu.memory_space<vmem>>, vector<1x128xf32>
    %add3A_31 = vector.broadcast %get3A_30 : vector<1x128xf32> to vector<1024x128xf32>
    %add3A_32 = arith.addf %mul3A_27, %add3A_31 : vector<1024x128xf32>
    %max3A = arith.constant 0.000000e+00 : f32
    %max3A_33 = vector.broadcast %max3A : f32 to vector<1024x128xf32>
    %max3A_34 = arith.maximumf %add3A_32, %max3A_33 : vector<1024x128xf32>
    %add3A_35 = arith.addf %get3A_22, %max3A_34 : vector<1024x128xf32>
    %mul3A_36 = arith.constant 1024 : i32
    %mul3A_37 = arith.muli %arg0, %mul3A_36 : i32
    %iota3A = tpu.iota {dimensions = array<i32: 0>} : vector<1024x1xi32>
    %add3A_38 = vector.broadcast %mul3A_37 : i32 to vector<1024x1xi32>
    %add3A_39 = arith.addi %add3A_38, %iota3A : vector<1024x1xi32>
    %lt3A = arith.constant 10000 : i32
    %lt3A_40 = vector.broadcast %lt3A : i32 to vector<1024x1xi32>
    %lt3A_41 = arith.cmpi slt, %add3A_39, %lt3A_40 : vector<1024x1xi32>
    %jit3A = arith.constant 0.000000e+00 : f32
    %broadcast_in_dim3A = vector.shape_cast %lt3A_41 : vector<1024x1xi1> to vector<1024x1xi1>
    %broadcast_in_dim3A_42 = vector.broadcast %broadcast_in_dim3A : vector<1024x1xi1> to vector<1024x128xi1>
    %broadcast_in_dim3A_43 = vector.broadcast %jit3A : f32 to vector<1024x128xf32>
    %select_n3A = arith.select %broadcast_in_dim3A_42, %add3A_35, %broadcast_in_dim3A_43 : vector<1024x128xi1>, vector<1024x128xf32>
    %get3A_44 = arith.constant 0 : index
    %get3A_45 = arith.constant 0 : index
    %get3A_46 = vector.load %arg16[%get3A_44, %get3A_45] : memref<1x128xf32, #tpu.memory_space<vmem>>, vector<1x128xf32>
    %reduce_sum3A = arith.constant dense<0.000000e+00> : vector<128xf32>
    %reduce_sum3A_47 = vector.multi_reduction <add>, %select_n3A, %reduce_sum3A [0] : vector<1024x128xf32> to vector<128xf32>
    %broadcast_in_dim3A_48 = vector.shape_cast %reduce_sum3A_47 : vector<128xf32> to vector<1x128xf32>
    %add3A_49 = arith.addf %get3A_46, %broadcast_in_dim3A_48 : vector<1x128xf32>
    %swap3A = arith.constant 0 : index
    %swap3A_50 = arith.constant 0 : index
    %swap3A_51 = vector.load %arg16[%swap3A, %swap3A_50] : memref<1x128xf32, #tpu.memory_space<vmem>>, vector<1x128xf32>
    tpu.vector_store %arg16[%swap3A, %swap3A_50], %add3A_49 {strides = array<i32>} : memref<1x128xf32, #tpu.memory_space<vmem>>, vector<1x128xf32>,
    %eq3A_52 = arith.constant 9 : i32
    %eq3A_53 = arith.cmpi eq, %arg0, %eq3A_52 : i32
    %convert_element_type3A_54 = arith.extui %eq3A_53 : i1 to i32
    %cond3A_55 = arith.constant 0 : i32
    %cond3A_56 = arith.cmpi ne, %convert_element_type3A_54, %cond3A_55 : i32
    scf.if %cond3A_56 {
      %get3A_57 = arith.constant 0 : index
      %get3A_58 = arith.constant 0 : index
      %get3A_59 = vector.load %arg16[%get3A_57, %get3A_58] : memref<1x128xf32, #tpu.memory_space<vmem>>, vector<1x128xf32>
      %mul3A_60 = arith.constant 9.99999974E-5 : f32
      %mul3A_61 = vector.broadcast %mul3A_60 : f32 to vector<1x128xf32>
      %mul3A_62 = arith.mulf %get3A_59, %mul3A_61 : vector<1x128xf32>
      %get3A_63 = arith.constant 0 : index
      %get3A_64 = arith.constant 0 : index
      %get3A_65 = vector.load %arg9[%get3A_63, %get3A_64] : memref<128x64xf32, #tpu.memory_space<vmem>>, vector<128x64xf32>
      %dot_general3A_66 = arith.constant dense<0.000000e+00> : vector<1x64xf32>
      %dot_general3A_67 = tpu.matmul %mul3A_62, %get3A_65, %dot_general3A_66 {dimension_numbers = #tpu.dot_dimension_numbers<[1], [0], [0], [1], [0, 0, 1, 1], [], []>, transpose_lhs_hint = false} : vector<1x128xf32>, vector<128x64xf32>, vector<1x64xf32> -> vector<1x64xf32>
      %get3A_68 = arith.constant 0 : index
      %get3A_69 = arith.constant 0 : index
      %get3A_70 = vector.load %arg10[%get3A_68, %get3A_69] : memref<1x64xf32, #tpu.memory_space<vmem>>, vector<1x64xf32>
      %add3A_71 = arith.addf %dot_general3A_67, %get3A_70 : vector<1x64xf32>
      %max3A_72 = arith.constant 0.000000e+00 : f32
      %max3A_73 = vector.broadcast %max3A_72 : f32 to vector<1x64xf32>
      %max3A_74 = arith.maximumf %add3A_71, %max3A_73 : vector<1x64xf32>
      %get3A_75 = arith.constant 0 : index
      %get3A_76 = arith.constant 0 : index
      %get3A_77 = vector.load %arg11[%get3A_75, %get3A_76] : memref<64x32xf32, #tpu.memory_space<vmem>>, vector<64x32xf32>
      %dot_general3A_78 = arith.constant dense<0.000000e+00> : vector<1x32xf32>
      %dot_general3A_79 = tpu.matmul %max3A_74, %get3A_77, %dot_general3A_78 {dimension_numbers = #tpu.dot_dimension_numbers<[1], [0], [0], [1], [0, 0, 1, 1], [], []>, transpose_lhs_hint = false} : vector<1x64xf32>, vector<64x32xf32>, vector<1x32xf32> -> vector<1x32xf32>
      %get3A_80 = arith.constant 0 : index
      %get3A_81 = arith.constant 0 : index
      %get3A_82 = vector.load %arg12[%get3A_80, %get3A_81] : memref<1x32xf32, #tpu.memory_space<vmem>>, vector<1x32xf32>
      %add3A_83 = arith.addf %dot_general3A_79, %get3A_82 : vector<1x32xf32>
      %max3A_84 = arith.constant 0.000000e+00 : f32
      %max3A_85 = vector.broadcast %max3A_84 : f32 to vector<1x32xf32>
      %max3A_86 = arith.maximumf %add3A_83, %max3A_85 : vector<1x32xf32>
      %get3A_87 = arith.constant 0 : index
      %get3A_88 = arith.constant 0 : index
      %get3A_89 = vector.load %arg13[%get3A_87, %get3A_88] : memref<32x1xf32, #tpu.memory_space<vmem>>, vector<32x1xf32>
      %dot_general3A_90 = arith.constant dense<0.000000e+00> : vector<1x1xf32>
      %dot_general3A_91 = tpu.matmul %max3A_86, %get3A_89, %dot_general3A_90 {dimension_numbers = #tpu.dot_dimension_numbers<[1], [0], [0], [1], [0, 0, 1, 1], [], []>, transpose_lhs_hint = false} : vector<1x32xf32>, vector<32x1xf32>, vector<1x1xf32> -> vector<1x1xf32>
      %get3A_92 = arith.constant 0 : index
      %get3A_93 = arith.constant 0 : index
      %get3A_94 = vector.load %arg14[%get3A_92, %get3A_93] : memref<1x1xf32, #tpu.memory_space<vmem>>, vector<1x1xf32>
      %add3A_95 = arith.addf %dot_general3A_91, %get3A_94 : vector<1x1xf32>
      %swap3A_96 = arith.constant 0 : index
      %swap3A_97 = arith.constant 0 : index
      %swap3A_98 = vector.load %arg15[%swap3A_96, %swap3A_97] : memref<1x1xf32, #tpu.memory_space<vmem>>, vector<1x1xf32>
      tpu.vector_store %arg15[%swap3A_96, %swap3A_97], %add3A_95 {strides = array<i32>} : memref<1x1xf32, #tpu.memory_space<vmem>>, vector<1x1xf32>,
    } else {
    }
    return
  }
  func.func @transform_0(%arg0: i32) -> (i32, i32) {
    %c0_i32 = arith.constant 0 : i32
    %c0_i32_0 = arith.constant 0 : i32
    return %arg0, %c0_i32 : i32, i32
  }
  func.func @transform_1(%arg0: i32) -> (i32, i32) {
    %c0_i32 = arith.constant 0 : i32
    %c0_i32_0 = arith.constant 0 : i32
    return %arg0, %c0_i32 : i32, i32
  }
  func.func @transform_2(%arg0: i32) -> (i32, i32) {
    %c0_i32 = arith.constant 0 : i32
    %c0_i32_0 = arith.constant 0 : i32
    return %arg0, %c0_i32 : i32, i32
  }
  func.func @transform_3(%arg0: i32) -> (i32, i32) {
    %c0_i32 = arith.constant 0 : i32
    %c0_i32_0 = arith.constant 0 : i32
    return %arg0, %c0_i32 : i32, i32
  }
  func.func @transform_4(%arg0: i32) -> (i32, i32) {
    %c0_i32 = arith.constant 0 : i32
    %c0_i32_0 = arith.constant 0 : i32
    %c0_i32_1 = arith.constant 0 : i32
    return %c0_i32, %c0_i32_0 : i32, i32
  }
  func.func @transform_5(%arg0: i32) -> (i32, i32) {
    %c0_i32 = arith.constant 0 : i32
    %c0_i32_0 = arith.constant 0 : i32
    %c0_i32_1 = arith.constant 0 : i32
    return %c0_i32, %c0_i32_0 : i32, i32
  }
  func.func @transform_6(%arg0: i32) -> (i32, i32) {
    %c0_i32 = arith.constant 0 : i32
    %c0_i32_0 = arith.constant 0 : i32
    %c0_i32_1 = arith.constant 0 : i32
    return %c0_i32, %c0_i32_0 : i32, i32
  }
  func.func @transform_7(%arg0: i32) -> (i32, i32) {
    %c0_i32 = arith.constant 0 : i32
    %c0_i32_0 = arith.constant 0 : i32
    %c0_i32_1 = arith.constant 0 : i32
    return %c0_i32, %c0_i32_0 : i32, i32
  }
  func.func @transform_8(%arg0: i32) -> (i32, i32) {
    %c0_i32 = arith.constant 0 : i32
    %c0_i32_0 = arith.constant 0 : i32
    %c0_i32_1 = arith.constant 0 : i32
    return %c0_i32, %c0_i32_0 : i32, i32
  }
  func.func @transform_9(%arg0: i32) -> (i32, i32) {
    %c0_i32 = arith.constant 0 : i32
    %c0_i32_0 = arith.constant 0 : i32
    %c0_i32_1 = arith.constant 0 : i32
    return %c0_i32, %c0_i32_0 : i32, i32
  }
  func.func @transform_10(%arg0: i32) -> (i32, i32) {
    %c0_i32 = arith.constant 0 : i32
    %c0_i32_0 = arith.constant 0 : i32
    %c0_i32_1 = arith.constant 0 : i32
    return %c0_i32, %c0_i32_0 : i32, i32
  }
  func.func @transform_11(%arg0: i32) -> (i32, i32) {
    %c0_i32 = arith.constant 0 : i32
    %c0_i32_0 = arith.constant 0 : i32
    %c0_i32_1 = arith.constant 0 : i32
    return %c0_i32, %c0_i32_0 : i32, i32
  }
  func.func @transform_12(%arg0: i32) -> (i32, i32) {
    %c0_i32 = arith.constant 0 : i32
    %c0_i32_0 = arith.constant 0 : i32
    %c0_i32_1 = arith.constant 0 : i32
    return %c0_i32, %c0_i32_0 : i32, i32
  }
  func.func @transform_13(%arg0: i32) -> (i32, i32) {
    %c0_i32 = arith.constant 0 : i32
    %c0_i32_0 = arith.constant 0 : i32
    %c0_i32_1 = arith.constant 0 : i32
    return %c0_i32, %c0_i32_0 : i32, i32
  }
  func.func @transform_14(%arg0: i32) -> (i32, i32) {
    %c0_i32 = arith.constant 0 : i32
    %c0_i32_0 = arith.constant 0 : i32
    %c0_i32_1 = arith.constant 0 : i32
    return %c0_i32, %c0_i32_0 : i32, i32
  }
}

</mosaic_0001>

<sc_bundles>
// kernel: kernel.12.cloned.1.call-start
scs
__scs_entry_jumppad:
0x0: {  	(pc) =	sbr.rel $0x88, $3  }
0x1: {  	(tag) =	ssettag $0x0;
	lr =	simm.s32 $0x1  }
0x2: {  	[smem:$0x3F94] =	sst lr;
	_ =	strace $0xD0000000  }
0x3: {  	_ = 	snop  }
0x4: {  	_ = 	snop  }
0x5: {  	_ = 	snop  }
0x6: {  	_ = 	snop  }
0x7: {  	_ = 	snop  }
__scs_overlays_trampoline_lowered:
0x8: {  	[smem:$0x3FA3] =	sst s0  }
0x9: {  	[smem:$0x3FA4] =	sst s1  }
0xa: {  	[smem:$0x3FA5] =	sst s2  }
0xb: {  	[smem:$0x3FA6] =	sst s3  }
0xc: {  	[smem:$0x3FA7] =	sst s4  }
0xd: {  	[smem:$0x3FA8] =	sst s5  }
0xe: {  	[smem:$0x3FA9] =	sst s6  }
0xf: {  	[smem:$0x3FAA] =	sst s7  }
0x10: {  	[smem:$0x3FAB] =	sst s8  }
0x11: {  	[smem:$0x3FAC] =	sst s9;
	s0 =	simm.s32 @!p0 $0x0  }
0x12: {  	s1 =	sld [smem:$0x3F92];
	s0 =	simm.s32 @p0 $0x1  }
0x13: {  	[smem:$0x3FAD] =	sst s0;
	s0 =	simm.s32 @!p1 $0x0  }
0x14: {  	s2 =	sld [smem:$0x3F91];
	s0 =	simm.s32 @p1 $0x1  }
0x15: {  	[smem:$0x3FAE] =	sst s0;
	s0 =	simm.s32 @!p2 $0x0  }
0x16: {  	s3 =	sld [smem:$0x3FDB];
	s0 =	simm.s32 @p2 $0x1  }
0x17: {  	s4 =	simm.s32 $0x1BF5;
	[smem:$0x3FB0] =	sst s0  }
0x18: {  	s0 =	sld [smem:$0x3F93];
	_ =	swait.ge [sflag:s4], $0x0  }
0x19: {  	s7 =	sld [smem:$0x3F94]  }
0x1a: {  	s8 =	sadd.s32 $0xFFFFE003, lr  }
0x1b: {  	s9 =	sadd.s32 $0xFFFFFEF7, lr;
	s5 =	simm.s32 $0xFFFFFFFF;
	p2 =	slt.u32 s8, $0xFFFFF086  }
0x1c: {  	p1 =	slt.u32 s9, $0xF7A;
	s5 =	simm.s32 @!p2 $0x0  }
0x1d: {  	s5 =	simm.s32 @p1 $0x1;
	p0 =	seq.s32 s7, s2  }
0x1e: {  	s7 =	smul.u32 @!p0 $0xF7A, s2;
	p2 =	seq.s32 @!p0 s5, $0x0  }
0x1f: {  	s9 =	smul.u32 $0xF7A, s1;
	s8 =	simm.s32 @!p0 $0x1BF5;
	p2 =	por !p2, p0  }
0x20: {  	[sflag:s8] =	ssyncset.s32 @!p0 $0xFFFFF086;
	s6 =	sadd.s32 @!p0 s3, s7;
	s7 =	simm.s32 @!p0 $0x108  }
0x21: {  	s3 =	sadd.s32 s3, s9;
	s6 =	sadd.s32 @!p0 $0x88, s6;
	s7 =	simm.s32 @p2 $0x1082  }
0x22: {  	[simem:s7], [sflag:s8] =	dma.local @!p0 [hbm:s6], $0xF7A  }
0x23: {  	s9 =	sor.u32 $0xD0000000, s2;
	s6 =	simm.s32 $0x108;
	_ =	swait.ge @!p0 [sflag:s8], $0x0  }
0x24: {  	s3 =	sadd.s32 $0x88, s3;
	s6 =	simm.s32 @!p1 $0x1082;
	[sflag:s4] =	ssyncset.s32 $0xFFFFF086  }
0x25: {  	[simem:s6], [sflag:s4] =	dma.local [hbm:s3], $0xF7A  }
0x26: {  	[smem:$0x3F94] =	sst s1;
	(tag) =	ssettag s2;
	_ =	strace s9  }
0x27: {  	s1 =	sld [smem:$0x3FA4]  }
0x28: {  	s2 =	sld [smem:$0x3FA5]  }
0x29: {  	s4 =	sld [smem:$0x3FA7]  }
0x2a: {  	p0 =	seq.s32 s5, $0x0;
	s5 =	sld [smem:$0x3FA8]  }
0x2b: {  	s6 =	sld [smem:$0x3FA9]  }
0x2c: {  	s7 =	sld [smem:$0x3FAA]  }
0x2d: {  	s3 =	simm.s32 $0x108;
	s8 =	sld [smem:$0x3FAB]  }
0x2e: {  	s3 =	simm.s32 @!p0 $0x1082;
	s9 =	sld [smem:$0x3FAC]  }
0x2f: {  	lr =	sadd.s32 s0, s3;
	s0 =	sld [smem:$0x3FA3]  }
0x30: {  	s3 =	sld [smem:$0x3FA6]  }
0x31: {  	[smem:$0x3FAF] =	sst s10  }
0x32: {  	s10 =	sld [smem:$0x3FAD];
	_ =	sdelay $0x3  }
0x33: {  	p0 =	seq.s32 s10, $0x1;
	s10 =	sld [smem:$0x3FAF];
	_ =	sdelay $0x3  }
0x34: {  	[smem:$0x3FAF] =	sst s10  }
0x35: {  	s10 =	sld [smem:$0x3FAE];
	_ =	sdelay $0x3  }
0x36: {  	p1 =	seq.s32 s10, $0x1;
	s10 =	sld [smem:$0x3FAF];
	_ =	sdelay $0x3  }
0x37: {  	[smem:$0x3FAF] =	sst s10  }
0x38: {  	s10 =	sld [smem:$0x3FB0]  }
0x39: {  	_ = 	snop;
	(pc) =	sbr.ind lr, $3  }
0x3a: {  	_ = 	snop  }
0x3b: {  	_ = 	snop  }
0x3c: {  	p2 =	seq.s32 s10, $0x1;
	s10 =	sld [smem:$0x3FAF]  }
0x3d: {  	_ =	shalt  }
0x3e: {  	_ =	shalt  }
0x3f: {  	_ =	shalt  }
0x40: {  	_ =	shalt  }
0x41: {  	_ =	shalt  }
0x42: {  	_ =	shalt  }
0x43: {  	_ =	shalt  }
0x44: {  	_ =	shalt  }
0x45: {  	_ =	shalt  }
0x46: {  	_ =	shalt  }
0x47: {  	_ =	shalt  }
0x48: {  	_ =	shalt  }
0x49: {  	_ =	shalt  }
0x4a: {  	_ =	shalt  }
0x4b: {  	_ =	shalt  }
0x4c: {  	_ =	shalt  }
0x4d: {  	_ =	shalt  }
0x4e: {  	_ =	shalt  }
0x4f: {  	_ =	shalt  }
0x50: {  	_ =	shalt  }
0x51: {  	_ =	shalt  }
0x52: {  	_ =	shalt  }
0x53: {  	_ =	shalt  }
0x54: {  	_ =	shalt  }
0x55: {  	_ =	shalt  }
0x56: {  	_ =	shalt  }
0x57: {  	_ =	shalt  }
0x58: {  	_ =	shalt  }
0x59: {  	_ =	shalt  }
0x5a: {  	_ =	shalt  }
0x5b: {  	_ =	shalt  }
0x5c: {  	_ =	shalt  }
0x5d: {  	_ =	shalt  }
0x5e: {  	_ =	shalt  }
0x5f: {  	_ =	shalt  }
0x60: {  	_ =	shalt  }
0x61: {  	_ =	shalt  }
0x62: {  	_ =	shalt  }
0x63: {  	_ =	shalt  }
0x64: {  	_ =	shalt  }
0x65: {  	_ =	shalt  }
0x66: {  	_ =	shalt  }
0x67: {  	_ =	shalt  }
0x68: {  	_ =	shalt  }
0x69: {  	_ =	shalt  }
0x6a: {  	_ =	shalt  }
0x6b: {  	_ =	shalt  }
0x6c: {  	_ =	shalt  }
0x6d: {  	_ =	shalt  }
0x6e: {  	_ =	shalt  }
0x6f: {  	_ =	shalt  }
0x70: {  	_ =	shalt  }
0x71: {  	_ =	shalt  }
0x72: {  	_ =	shalt  }
0x73: {  	_ =	shalt  }
0x74: {  	_ =	shalt  }
0x75: {  	_ =	shalt  }
0x76: {  	_ =	shalt  }
0x77: {  	_ =	shalt  }
0x78: {  	_ =	shalt  }
0x79: {  	_ =	shalt  }
0x7a: {  	_ =	shalt  }
0x7b: {  	_ =	shalt  }
0x7c: {  	_ =	shalt  }
0x7d: {  	_ =	shalt  }
0x7e: {  	_ =	shalt  }
0x7f: {  	_ =	shalt  }
0x80: {  	_ =	shalt  }
0x81: {  	_ =	shalt  }
0x82: {  	_ =	shalt  }
0x83: {  	_ =	shalt  }
0x84: {  	_ =	shalt  }
0x85: {  	_ =	shalt  }
0x86: {  	_ =	shalt  }
0x87: {  	_ =	shalt  }
.Lfunc_end0:
.L_simem_size_0:
called_computation_lowered:
.L_overlay_start_0:
0x88: {  	s2 =	sld [smem:$0x3FD9]  }
0x89: {  	s3 =	sld [smem:$0x3FFE];
	_ =	sdelay $0x1  }
0x8a: {  	s1 =	srdreg.scid  }
0x8b: {  	s0 =	sand.u32 $0x1, s1  }
0x8c: {  	s17 =	sshll.u32 s0, $0xA;
	s2 =	sadd.s32 s3, s2  }
0x8d: {  	s2 =	sadd.s32 s2, s17  }
0x8e: {  	[smem:$0x3FBB] =	sst s2  }
0x8f: {  	_ = 	snop  }
0x90: {  	s2 =	sld [smem:$0x3FC7];
	(tm) =	ssettm $0x1  }
0x91: {  	s18 =	sld [smem:$0x3FFB];
	_ =	sdelay $0x3  }
0x92: {  	_ =	strace s18  }
0x93: {  	s3 =	sld [smem:$0x3FFC];
	_ =	sdelay $0x3  }
0x94: {  	_ =	strace s3  }
0x95: {  	s3 =	sld [smem:$0x3FFD];
	_ =	sdelay $0x3  }
0x96: {  	_ =	strace s3  }
0x97: {  	_ =	strace $0x8FFFFFFF  }
0x98: {  	s19 =	sld [smem:$0x3FDB];
	_ =	sdelay $0x1  }
0x99: {  	s4 =	simm.s32 $_scs_section_size  }
0x9a: {  	s5 =	simm.s32 $_size__tile_overlayer_lowered;
	s6 =	simm.s32 $_tile_overlayer_lowered  }
0x9b: {  	s22 =	simm.s32 $0x1BFF;
	s21 =	sshll.u32 s6, $0x1;
	s3 =	sadd.s32 s4, s19  }
0x9c: {  	s7 =	simm.s32 $0x0;
	s20 =	sshll.u32 s5, $0x1;
	s5 =	sadd.s32 s21, s3  }
0x9d: {  	[timem:s7], [sflag:s22] =	dma.local [hbm:s5], s20  }
0x9e: {  	_ =	swait.ge [sflag:s22], s20  }
0x9f: {  	s4 =	ssub.s32 $0x0, s20;
	[sflag:s22] =	ssyncset.done $0x0  }
0xa0: {  	[sflag:s22] =	ssyncadd.s32 s4;
	_ =	sdelay $0x1  }
0xa1: {  	s23 =	simm.s32 $0x1B8B  }
0xa2: {  	_ =	swait.ge [sflag:s23], $0x1  }
0xa3: {  	[sflag:s23] =	ssyncset.done $0x0  }
0xa4: {  	s25 =	simm.s32 $0x1B8E;
	s24 =	sld [smem:$0x3FFE];
	[sflag:s23] =	ssyncadd.s32 $0xFFFFFFFF  }
0xa5: {  	s26 =	simm.s32 $execute0_lowered;
	[smem:$0x3FD2] =	sst s25  }
0xa6: {  	s5 =	sshll.u32 s26, $0x1;
	_ =	strace $0x80000046;
	[dreg:$0x1] =	wrdreg $0xFFFFFFFF  }
0xa7: {  	s28 =	simm.s32 $_size_execute0_lowered;
	s3 =	sadd.s32 s3, s5;
	[dreg:$0x0] =	wrdreg $0x0  }
0xa8: {  	s5 =	sshll.u32 s28, $0x1;
	[dreg:$0x2] =	wrdreg s3  }
0xa9: {  	[dreg:$0x3] =	wrdreg s5  }
0xaa: {  	[dreg:$0x4] =	wrdreg $0xC0  }
0xab: {  	_ =	task [dreg:s7], $0x5FFFF  }
0xac: {  	[dreg:$0x1] =	wrdreg $0xFFFFFFFF  }
0xad: {  	[dreg:$0x0] =	wrdreg $0x60  }
0xae: {  	[dreg:$0x2] =	wrdreg s24  }
0xaf: {  	[dreg:$0x3] =	wrdreg s2  }
0xb0: {  	[dreg:$0x4] =	wrdreg $0x0  }
0xb1: {  	[dreg:$0x5] =	wrdreg $0x2800  }
0xb2: {  	[dreg:$0x6] =	wrdreg $0x9  }
0xb3: {  	_ =	task.clear_ibuf [dreg:s7], $0x7FFFF;
	_ =	strace $0x90000046  }
0xb4: {  	s29 =	simm.s32 $0x9;
	_ =	strace $0x80000048  }
0xb5: {  	_ =	swait.ge [sflag:s29], $0x1  }
0xb6: {  	[sflag:s29] =	ssyncadd.s32 $0xFFFFFFFF  }
0xb7: {  	_ =	strace $0x90000048  }
0xb8: {  	_ =	sfence  }
0xb9: {  	s30 =	sld [smem:$0x0];
	_ =	sdelay $0x2  }
0xba: {  	s31 =	sshll.u32 s1, $0xD;
	s1 =	sshrl.u32 s1, $0x2  }
0xbb: {  	s3 =	sand.u32 $0x4000, s31;
	s1 =	sadd.s32 s1, s30  }
0xbc: {  	s0 =	sor.u32 s3, s0;
	s1 =	sshll.u32 s1, $0x11  }
0xbd: {  	s0 =	sor.u32 s1, s0  }
0xbe: {  	s0 =	sadd.s32 $0x8F2B, s0  }
0xbf: {  	[sflag:s0] =	ssyncadd.remote.s32 $0x1  }
0xc0: {  	_ =	sfence.sel $0xFFFF  }
0xc1: {  	[dreg:$0x0] =	wrdreg $0xFFFFFFFF;
	(pc) =	sbr.abs _section_cstart, $3  }
0xc2: {  	[dreg:$0x1] =	wrdreg $0xFFFFFFFF  }
0xc3: {  	_ =	task.clear_ibuf [dreg:s7], $0x2FFFF;
	_ =	strace $0x9FFFFFFF  }
0xc4: {  	(tm) =	ssettm $0x7FFFFFFF  }
0xc5: {  	_ =	shalt  }
tec
execute0_lowered:
.L_overlay_start_1:
0x0: {  	(tag) =	ssettag $0x1  }
0x1: {  	s0 =	rddreg [dreg:$0x0]  }
0x2: {  	s1 =	rddreg [dreg:$0x1]  }
0x3: {  	s3 =	srdreg.scid;
	s2 =	rddreg [dreg:$0x2]  }
0x4: {  	s13 =	stileid.u32;
	s4 =	rddreg [dreg:$0x3]  }
0x5: {  	s20 =	simm.s32 $0x4;
	s28 =	simm.s32 $0x7E00;
	s29 =	simm.s32 $0x2  }
0x6: {  	s31 =	simm.s32 $0x3;
	s21 =	simm.s32 $0x1;
	s7 =	smul.u32 $0x500, s13  }
0x7: {  	s30 =	simm.s32 $0x20;
	s3 =	sand.u32 $0x1, s3;
	s12 =	smul.u32 $0x280, s13  }
0x8: {  	s22 =	simm.s32 $0x0;
	s5 =	sshll.u32 s3, $0x4;
	s6 =	smul.u32 $0x5000, s3  }
0x9: {  	s3 =	ssub.s32 $0x2, s3;
	s8 =	sor.u32 s13, s5;
	s5 =	simm.s32 $0x0  }
0xa: {  	s23 =	sshrl.u32 s3, $0x1;
	s13 =	sshll.u32 s13, $0x6;
	s9 =	smul.u32 $0x4E2, s8  }
0xb: {  	s19 =	sadd.s32 s12, s2;
	s12 =	sadd.s32 s12, s4;
	s10 =	smul.u32 $0x28, s8  }
0xc: {  	[smem:$0x7FF] =	sst s5;
	s6 =	sadd.s32 s7, s6;
	s14 =	smul.u32 $0xA000, s8  }
0xd: {  	s3 =	ssub.s32 s3, s23;
	s8 =	smul.u32 $0x1400, s8;
	s19 =	sshrl.u32 s19, $0x3  }
0xe: {  	s23 =	simm.s32 $0x5480;
	_ =	strace $0x80000047;
	s7 =	sshrl.u32 s6, $0x3  }
0xf: {  	s6 =	sadd.s32 $0x19200, s0;
	[dreg:$0x5] =	wrdreg s12;
	s18 =	smax.u32 s3, $0x1  }
0x10: {  	s3 =	simm.s32 $0x10;
	s9 =	sadd.s32 s9, s0;
	s10 =	sadd.s32 s10, s0  }
0x11: {  	s11 =	sadd.s32 s7, s0;
	s0 =	sadd.s32 $0x1A800, s0;
	s7 =	sor.u32 $0x1C04, s13  }
0x12: {  	s24 =	sshrl.u32 s14, $0x3;
	s25 =	sadd.s32 $0xEE00, s9;
	s9 =	sadd.s32 $0x5000, s9  }
0x13: {  	s26 =	sadd.s32 s0, s24;
	s10 =	sadd.s32 $0x18C00, s10;
	[dreg:$0x6] =	wrdreg s25  }
0x14: {  	s0 =	sadd.s32 s0, s8;
	s16 =	sadd.s32 $0x19400, s11;
	[dreg:$0x7] =	wrdreg s9  }
0x15: {  	s17 =	sadd.s32 $0x19410, s11;
	s24 =	simm.s32 $0x50;
	[dreg:$0x8] =	wrdreg s10  }
0x16: {  	[dreg:$0x9] =	wrdreg s0;
	s13 =	sadd.s32 $0x500, s26;
	s14 =	sadd.s32 $0xA00, s26  }
0x17: {  	v0 =	vimm.f32 $1.000000000e+00;
	s15 =	sadd.s32 $0xF00, s26;
	s25 =	simm.s32 $0x5600;
	s0 =	simm.s32 $0x500  }
.LBB2_1:
0x18: {  	[spmem:s19], [sflag:s7] =	dma.local [hbm:s6], $0x50  }
0x19: {  	_ =	swait.ge [sflag:s20], $0x50  }
0x1a: {  	[sflag:s20] =	ssyncset.done $0x0;
	s8 =	rddreg [dreg:$0x5]  }
0x1b: {  	[sflag:s20] =	ssyncadd.s32 $0xFFFFFFB0;
	s26 =	sshrl.u32 s8, $0x3  }
0x1c: {  	[spmem:s26], [sflag:s7] =	dma.local [hbm:s6], $0x50  }
0x1d: {  	_ =	swait.ge [sflag:s20], $0x50  }
0x1e: {  	[sflag:s20] =	ssyncset.done $0x0  }
0x1f: {  	[sflag:s20] =	ssyncadd.s32 $0xFFFFFFB0  }
0x20: {  	[tilespmem:$0x500] =	vst v0  }
0x21: {  	[tilespmem:$0x510] =	vst v0  }
0x22: {  	[tilespmem:$0x520] =	vst v0  }
0x23: {  	[tilespmem:$0x530] =	vst v0  }
0x24: {  	s9 =	simm.s32 $0x580;
	s12 =	rddreg [dreg:$0x6];
	[tilespmem:$0x540] =	vst v0  }
0x25: {  	[tilespmem:s9], [sflag:$0x4] =	stream.linear.gather [hbm4b:s12+s5], $0x2710, $0x38;
	[tilespmem:$0xA600] =	vst v63  }
0x26: {  	_ =	swait.ge [sflag:s20], $0x2710  }
0x27: {  	[sflag:s20] =	ssyncset.done $0x0  }
0x28: {  	s11 =	simm.s32 $0x2D00;
	s10 =	rddreg [dreg:$0x7];
	[sflag:s20] =	ssyncadd.s32 $0xFFFFD8F0  }
0x29: {  	[tilespmem:s11], [sflag:$0x4] =	stream.linear.gather [hbm4b:s10+s5], $0x2710, $0x38;
	[tilespmem:$0xA600] =	vst v63  }
0x2a: {  	_ =	swait.ge [sflag:s20], $0x2710  }
0x2b: {  	[sflag:s20] =	ssyncset.done $0x0  }
0x2c: {  	s12 =	rddreg [dreg:$0x8];
	[sflag:s20] =	ssyncadd.s32 $0xFFFFD8F0  }
0x2d: {  	[tilespmem:s23], [sflag:$0x4] =	stream.linear.gather [hbm4b:s12+s5], $0x140, $0x38;
	[tilespmem:$0xA600] =	vst v63  }
0x2e: {  	_ =	swait.ge [sflag:s20], $0x140  }
0x2f: {  	[sflag:s20] =	ssyncset.done $0x0  }
0x30: {  	[sflag:s20] =	ssyncadd.s32 $0xFFFFFEC0  }
0x31: {  	[bflag:$0x0] =	sbarrier.arrive $0xFFFF  }
0x32: {  	[tilespmem:s25], [sflag:$0x2] =	stream.indirect.gather [hbm4b:s1+s24], $0x80, s23, s24, $0xb8;
	[tilespmem:$0xA600] =	vst v63  }
0x33: {  	s9 =	simm.s32 $0x54D0  }
0x34: {  	[tilespmem:s28], [sflag:$0x3] =	stream.indirect.gather [hbm4b:s1+s24], $0x80, s9, s24, $0xb8;
	[tilespmem:$0xA600] =	vst v63  }
0x35: {  	_ =	swait.ge [sflag:s29], $0x2800  }
0x36: {  	[sflag:s29] =	ssyncset.done $0x0  }
0x37: {  	s10 =	rddreg [dreg:$0x9];
	[sflag:s29] =	ssyncadd.s32 $0xFFFFD800  }
0x38: {  	[hbm4b:s10+s5] =	stream.linear.scatter [tilespmem:s25], [sflag:$0x4], $0x2800, $0x38;
	[tilespmem:$0xA600] =	vst v63  }
0x39: {  	_ =	swait.ge [sflag:s20], $0x2800  }
0x3a: {  	[sflag:s20] =	ssyncset.done $0x0  }
0x3b: {  	s11 =	simm.s32 $0x5520;
	[sflag:s20] =	ssyncadd.s32 $0xFFFFD800  }
0x3c: {  	[tilespmem:s25], [sflag:$0x2] =	stream.indirect.gather [hbm4b:s1+s24], $0x80, s11, s24, $0xb8;
	[tilespmem:$0xA600] =	vst v63  }
0x3d: {  	_ =	swait.ge [sflag:s31], $0x2800  }
0x3e: {  	[sflag:s31] =	ssyncset.done $0x0  }
0x3f: {  	[sflag:s31] =	ssyncadd.s32 $0xFFFFD800  }
0x40: {  	[hbm4b:s13+s5] =	stream.linear.scatter [tilespmem:s28], [sflag:$0x4], $0x2800, $0x38;
	[tilespmem:$0xA600] =	vst v63  }
0x41: {  	_ =	swait.ge [sflag:s20], $0x2800  }
0x42: {  	[sflag:s20] =	ssyncset.done $0x0  }
0x43: {  	s12 =	simm.s32 $0x5570;
	[sflag:s20] =	ssyncadd.s32 $0xFFFFD800  }
0x44: {  	[tilespmem:s28], [sflag:$0x3] =	stream.indirect.gather [hbm4b:s1+s24], $0x80, s12, s24, $0xb8;
	[tilespmem:$0xA600] =	vst v63  }
0x45: {  	_ =	swait.ge [sflag:s29], $0x2800  }
0x46: {  	[sflag:s29] =	ssyncset.done $0x0  }
0x47: {  	[sflag:s29] =	ssyncadd.s32 $0xFFFFD800  }
0x48: {  	[hbm4b:s14+s5] =	stream.linear.scatter [tilespmem:s25], [sflag:$0x4], $0x2800, $0x38;
	[tilespmem:$0xA600] =	vst v63  }
0x49: {  	_ =	swait.ge [sflag:s20], $0x2800  }
0x4a: {  	[sflag:s20] =	ssyncset.done $0x0  }
0x4b: {  	[sflag:s20] =	ssyncadd.s32 $0xFFFFD800  }
0x4c: {  	_ =	swait.ge [sflag:s31], $0x2800  }
0x4d: {  	[sflag:s31] =	ssyncset.done $0x0  }
0x4e: {  	[sflag:s31] =	ssyncadd.s32 $0xFFFFD800  }
0x4f: {  	[hbm4b:s15+s5] =	stream.linear.scatter [tilespmem:s28], [sflag:$0x4], $0x2800, $0x38;
	[tilespmem:$0xA600] =	vst v63  }
0x50: {  	_ =	swait.ge [sflag:s20], $0x2800  }
0x51: {  	[sflag:s20] =	ssyncset.done $0x0  }
0x52: {  	s9 =	simm.s32 $0x580;
	[sflag:s20] =	ssyncadd.s32 $0xFFFFD800  }
0x53: {  	[spmem:s2] =	stream.indirect.scatter.add.f32 [tilespmem:s0], [sflag:$0x1], $0x1, s9, s24, $0xb8;
	[tilespmem:$0xA600] =	vst v63  }
0x54: {  	s10 =	simm.s32 $0x2D00  }
0x55: {  	[spmem:s4] =	stream.indirect.scatter.add.f32 [tilespmem:s0], [sflag:$0x1], $0x1, s10, s24, $0xb8;
	[tilespmem:$0xA600] =	vst v63  }
0x56: {  	s11 =	simm.s32 $0x5D0  }
0x57: {  	[spmem:s2] =	stream.indirect.scatter.add.f32 [tilespmem:s0], [sflag:$0x1], $0x1, s11, s24, $0xb8;
	[tilespmem:$0xA600] =	vst v63  }
0x58: {  	s12 =	simm.s32 $0x2D50  }
0x59: {  	[spmem:s4] =	stream.indirect.scatter.add.f32 [tilespmem:s0], [sflag:$0x1], $0x1, s12, s24, $0xb8;
	[tilespmem:$0xA600] =	vst v63  }
0x5a: {  	s9 =	simm.s32 $0x620  }
0x5b: {  	[spmem:s2] =	stream.indirect.scatter.add.f32 [tilespmem:s0], [sflag:$0x1], $0x1, s9, s24, $0xb8;
	[tilespmem:$0xA600] =	vst v63  }
0x5c: {  	s10 =	simm.s32 $0x2DA0  }
0x5d: {  	[spmem:s4] =	stream.indirect.scatter.add.f32 [tilespmem:s0], [sflag:$0x1], $0x1, s10, s24, $0xb8;
	[tilespmem:$0xA600] =	vst v63  }
0x5e: {  	s11 =	simm.s32 $0x670  }
0x5f: {  	[spmem:s2] =	stream.indirect.scatter.add.f32 [tilespmem:s0], [sflag:$0x1], $0x1, s11, s24, $0xb8;
	[tilespmem:$0xA600] =	vst v63  }
0x60: {  	s12 =	simm.s32 $0x2DF0  }
0x61: {  	[spmem:s4] =	stream.indirect.scatter.add.f32 [tilespmem:s0], [sflag:$0x1], $0x1, s12, s24, $0xb8;
	[tilespmem:$0xA600] =	vst v63  }
0x62: {  	s9 =	simm.s32 $0x6C0  }
0x63: {  	[spmem:s2] =	stream.indirect.scatter.add.f32 [tilespmem:s0], [sflag:$0x1], $0x1, s9, s24, $0xb8;
	[tilespmem:$0xA600] =	vst v63  }
0x64: {  	s10 =	simm.s32 $0x2E40  }
0x65: {  	[spmem:s4] =	stream.indirect.scatter.add.f32 [tilespmem:s0], [sflag:$0x1], $0x1, s10, s24, $0xb8;
	[tilespmem:$0xA600] =	vst v63  }
0x66: {  	s11 =	simm.s32 $0x710  }
0x67: {  	[spmem:s2] =	stream.indirect.scatter.add.f32 [tilespmem:s0], [sflag:$0x1], $0x1, s11, s24, $0xb8;
	[tilespmem:$0xA600] =	vst v63  }
0x68: {  	s12 =	simm.s32 $0x2E90  }
0x69: {  	[spmem:s4] =	stream.indirect.scatter.add.f32 [tilespmem:s0], [sflag:$0x1], $0x1, s12, s24, $0xb8;
	[tilespmem:$0xA600] =	vst v63  }
0x6a: {  	s9 =	simm.s32 $0x760  }
0x6b: {  	[spmem:s2] =	stream.indirect.scatter.add.f32 [tilespmem:s0], [sflag:$0x1], $0x1, s9, s24, $0xb8;
	[tilespmem:$0xA600] =	vst v63  }
0x6c: {  	s10 =	simm.s32 $0x2EE0  }
0x6d: {  	[spmem:s4] =	stream.indirect.scatter.add.f32 [tilespmem:s0], [sflag:$0x1], $0x1, s10, s24, $0xb8;
	[tilespmem:$0xA600] =	vst v63  }
0x6e: {  	s11 =	simm.s32 $0x7B0  }
0x6f: {  	[spmem:s2] =	stream.indirect.scatter.add.f32 [tilespmem:s0], [sflag:$0x1], $0x1, s11, s24, $0xb8;
	[tilespmem:$0xA600] =	vst v63  }
0x70: {  	s12 =	simm.s32 $0x2F30  }
0x71: {  	[spmem:s4] =	stream.indirect.scatter.add.f32 [tilespmem:s0], [sflag:$0x1], $0x1, s12, s24, $0xb8;
	[tilespmem:$0xA600] =	vst v63  }
0x72: {  	_ =	swait.ge [sflag:s21], $0x50  }
0x73: {  	[sflag:s21] =	ssyncset.done $0x0  }
0x74: {  	[sflag:s21] =	ssyncadd.s32 $0xFFFFFFB0  }
0x75: {  	_ =	swait.ge [sflag:s21], $0x50  }
0x76: {  	[sflag:s21] =	ssyncset.done $0x0  }
0x77: {  	[sflag:s21] =	ssyncadd.s32 $0xFFFFFFB0  }
0x78: {  	_ =	swait.ge [sflag:s21], $0x50  }
0x79: {  	[sflag:s21] =	ssyncset.done $0x0  }
0x7a: {  	[sflag:s21] =	ssyncadd.s32 $0xFFFFFFB0  }
0x7b: {  	_ =	swait.ge [sflag:s21], $0x50  }
0x7c: {  	[sflag:s21] =	ssyncset.done $0x0  }
0x7d: {  	[sflag:s21] =	ssyncadd.s32 $0xFFFFFFB0  }
0x7e: {  	_ =	swait.ge [sflag:s21], $0x50  }
0x7f: {  	[sflag:s21] =	ssyncset.done $0x0  }
0x80: {  	[sflag:s21] =	ssyncadd.s32 $0xFFFFFFB0  }
0x81: {  	_ =	swait.ge [sflag:s21], $0x50  }
0x82: {  	[sflag:s21] =	ssyncset.done $0x0  }
0x83: {  	[sflag:s21] =	ssyncadd.s32 $0xFFFFFFB0  }
0x84: {  	_ =	swait.ge [sflag:s21], $0x50  }
0x85: {  	[sflag:s21] =	ssyncset.done $0x0  }
0x86: {  	[sflag:s21] =	ssyncadd.s32 $0xFFFFFFB0  }
0x87: {  	_ =	swait.ge [sflag:s21], $0x50  }
0x88: {  	[sflag:s21] =	ssyncset.done $0x0  }
0x89: {  	[sflag:s21] =	ssyncadd.s32 $0xFFFFFFB0  }
0x8a: {  	_ =	swait.ge [sflag:s21], $0x50  }
0x8b: {  	[sflag:s21] =	ssyncset.done $0x0  }
0x8c: {  	[sflag:s21] =	ssyncadd.s32 $0xFFFFFFB0  }
0x8d: {  	_ =	swait.ge [sflag:s21], $0x50  }
0x8e: {  	[sflag:s21] =	ssyncset.done $0x0  }
0x8f: {  	[sflag:s21] =	ssyncadd.s32 $0xFFFFFFB0  }
0x90: {  	_ =	swait.ge [sflag:s21], $0x50  }
0x91: {  	[sflag:s21] =	ssyncset.done $0x0  }
0x92: {  	[sflag:s21] =	ssyncadd.s32 $0xFFFFFFB0  }
0x93: {  	_ =	swait.ge [sflag:s21], $0x50  }
0x94: {  	[sflag:s21] =	ssyncset.done $0x0  }
0x95: {  	[sflag:s21] =	ssyncadd.s32 $0xFFFFFFB0  }
0x96: {  	_ =	swait.ge [sflag:s21], $0x50  }
0x97: {  	[sflag:s21] =	ssyncset.done $0x0  }
0x98: {  	[sflag:s21] =	ssyncadd.s32 $0xFFFFFFB0  }
0x99: {  	_ =	swait.ge [sflag:s21], $0x50  }
0x9a: {  	[sflag:s21] =	ssyncset.done $0x0  }
0x9b: {  	[sflag:s21] =	ssyncadd.s32 $0xFFFFFFB0  }
0x9c: {  	_ =	swait.ge [sflag:s21], $0x50  }
0x9d: {  	[sflag:s21] =	ssyncset.done $0x0  }
0x9e: {  	[sflag:s21] =	ssyncadd.s32 $0xFFFFFFB0  }
0x9f: {  	_ =	swait.ge [sflag:s21], $0x50  }
0xa0: {  	s8 =	simm.s32 $0x1400;
	s10 =	simm.s32 $0x280;
	[sflag:s21] =	ssyncset.done $0x0  }
.LBB2_2:
0xa1: {  	s12 =	sadd.s32 $0x580, s10  }
0xa2: {  	[sflag:s21] =	ssyncadd.s32 $0xFFFFFFB0;
	s9 =	smov.u32 s8;
	s11 =	sadd.s32 $0xA00, s8  }
0xa3: {  	[spmem:s2] =	stream.indirect.scatter.add.f32 [tilespmem:s0], [sflag:$0x1], $0x1, s12, s24, $0xb8;
	[tilespmem:$0xA600] =	vst v63  }
0xa4: {  	p0 =	sne.s32 s8, $0x8C00;
	s8 =	sadd.s32 $0x2D00, s10  }
0xa5: {  	[spmem:s4] =	stream.indirect.scatter.add.f32 [tilespmem:s0], [sflag:$0x1], $0x1, s8, s24, $0xb8;
	[tilespmem:$0xA600] =	vst v63  }
0xa6: {  	s8 =	sadd.s32 $0x5D0, s10  }
0xa7: {  	[spmem:s2] =	stream.indirect.scatter.add.f32 [tilespmem:s0], [sflag:$0x1], $0x1, s8, s24, $0xb8;
	[tilespmem:$0xA600] =	vst v63  }
0xa8: {  	s8 =	sadd.s32 $0x2D50, s10  }
0xa9: {  	[spmem:s4] =	stream.indirect.scatter.add.f32 [tilespmem:s0], [sflag:$0x1], $0x1, s8, s24, $0xb8;
	[tilespmem:$0xA600] =	vst v63  }
0xaa: {  	s8 =	sadd.s32 $0x620, s10  }
0xab: {  	[spmem:s2] =	stream.indirect.scatter.add.f32 [tilespmem:s0], [sflag:$0x1], $0x1, s8, s24, $0xb8;
	[tilespmem:$0xA600] =	vst v63  }
0xac: {  	s8 =	sadd.s32 $0x2DA0, s10  }
0xad: {  	[spmem:s4] =	stream.indirect.scatter.add.f32 [tilespmem:s0], [sflag:$0x1], $0x1, s8, s24, $0xb8;
	[tilespmem:$0xA600] =	vst v63  }
0xae: {  	s8 =	sadd.s32 $0x670, s10  }
0xaf: {  	[spmem:s2] =	stream.indirect.scatter.add.f32 [tilespmem:s0], [sflag:$0x1], $0x1, s8, s24, $0xb8;
	[tilespmem:$0xA600] =	vst v63  }
0xb0: {  	s8 =	sadd.s32 $0x2DF0, s10  }
0xb1: {  	[spmem:s4] =	stream.indirect.scatter.add.f32 [tilespmem:s0], [sflag:$0x1], $0x1, s8, s24, $0xb8;
	[tilespmem:$0xA600] =	vst v63  }
0xb2: {  	s8 =	sadd.s32 $0x6C0, s10  }
0xb3: {  	[spmem:s2] =	stream.indirect.scatter.add.f32 [tilespmem:s0], [sflag:$0x1], $0x1, s8, s24, $0xb8;
	[tilespmem:$0xA600] =	vst v63  }
0xb4: {  	s8 =	sadd.s32 $0x2E40, s10  }
0xb5: {  	[spmem:s4] =	stream.indirect.scatter.add.f32 [tilespmem:s0], [sflag:$0x1], $0x1, s8, s24, $0xb8;
	[tilespmem:$0xA600] =	vst v63  }
0xb6: {  	s8 =	sadd.s32 $0x710, s10  }
0xb7: {  	[spmem:s2] =	stream.indirect.scatter.add.f32 [tilespmem:s0], [sflag:$0x1], $0x1, s8, s24, $0xb8;
	[tilespmem:$0xA600] =	vst v63  }
0xb8: {  	s8 =	sadd.s32 $0x2E90, s10  }
0xb9: {  	[spmem:s4] =	stream.indirect.scatter.add.f32 [tilespmem:s0], [sflag:$0x1], $0x1, s8, s24, $0xb8;
	[tilespmem:$0xA600] =	vst v63  }
0xba: {  	s8 =	sadd.s32 $0x760, s10  }
0xbb: {  	[spmem:s2] =	stream.indirect.scatter.add.f32 [tilespmem:s0], [sflag:$0x1], $0x1, s8, s24, $0xb8;
	[tilespmem:$0xA600] =	vst v63  }
0xbc: {  	s8 =	sadd.s32 $0x2EE0, s10  }
0xbd: {  	[spmem:s4] =	stream.indirect.scatter.add.f32 [tilespmem:s0], [sflag:$0x1], $0x1, s8, s24, $0xb8;
	[tilespmem:$0xA600] =	vst v63  }
0xbe: {  	s8 =	sadd.s32 $0x7B0, s10  }
0xbf: {  	[spmem:s2] =	stream.indirect.scatter.add.f32 [tilespmem:s0], [sflag:$0x1], $0x1, s8, s24, $0xb8;
	[tilespmem:$0xA600] =	vst v63  }
0xc0: {  	s8 =	sadd.s32 $0x2F30, s10  }
0xc1: {  	[spmem:s4] =	stream.indirect.scatter.add.f32 [tilespmem:s0], [sflag:$0x1], $0x1, s8, s24, $0xb8;
	[tilespmem:$0xA600] =	vst v63  }
0xc2: {  	_ =	swait.ge [sflag:s21], $0x50  }
0xc3: {  	[sflag:s21] =	ssyncset.done $0x0  }
0xc4: {  	[sflag:s21] =	ssyncadd.s32 $0xFFFFFFB0  }
0xc5: {  	_ =	swait.ge [sflag:s21], $0x50  }
0xc6: {  	[sflag:s21] =	ssyncset.done $0x0  }
0xc7: {  	[sflag:s21] =	ssyncadd.s32 $0xFFFFFFB0  }
0xc8: {  	_ =	swait.ge [sflag:s21], $0x50  }
0xc9: {  	[sflag:s21] =	ssyncset.done $0x0  }
0xca: {  	[sflag:s21] =	ssyncadd.s32 $0xFFFFFFB0  }
0xcb: {  	_ =	swait.ge [sflag:s21], $0x50  }
0xcc: {  	[sflag:s21] =	ssyncset.done $0x0  }
0xcd: {  	[sflag:s21] =	ssyncadd.s32 $0xFFFFFFB0  }
0xce: {  	_ =	swait.ge [sflag:s21], $0x50  }
0xcf: {  	[sflag:s21] =	ssyncset.done $0x0  }
0xd0: {  	[sflag:s21] =	ssyncadd.s32 $0xFFFFFFB0  }
0xd1: {  	_ =	swait.ge [sflag:s21], $0x50  }
0xd2: {  	[sflag:s21] =	ssyncset.done $0x0  }
0xd3: {  	[sflag:s21] =	ssyncadd.s32 $0xFFFFFFB0  }
0xd4: {  	_ =	swait.ge [sflag:s21], $0x50  }
0xd5: {  	[sflag:s21] =	ssyncset.done $0x0  }
0xd6: {  	[sflag:s21] =	ssyncadd.s32 $0xFFFFFFB0  }
0xd7: {  	_ =	swait.ge [sflag:s21], $0x50  }
0xd8: {  	[sflag:s21] =	ssyncset.done $0x0  }
0xd9: {  	[sflag:s21] =	ssyncadd.s32 $0xFFFFFFB0  }
0xda: {  	_ =	swait.ge [sflag:s21], $0x50  }
0xdb: {  	[sflag:s21] =	ssyncset.done $0x0  }
0xdc: {  	[sflag:s21] =	ssyncadd.s32 $0xFFFFFFB0  }
0xdd: {  	_ =	swait.ge [sflag:s21], $0x50  }
0xde: {  	[sflag:s21] =	ssyncset.done $0x0  }
0xdf: {  	[sflag:s21] =	ssyncadd.s32 $0xFFFFFFB0  }
0xe0: {  	_ =	swait.ge [sflag:s21], $0x50  }
0xe1: {  	[sflag:s21] =	ssyncset.done $0x0  }
0xe2: {  	[sflag:s21] =	ssyncadd.s32 $0xFFFFFFB0  }
0xe3: {  	_ =	swait.ge [sflag:s21], $0x50  }
0xe4: {  	[sflag:s21] =	ssyncset.done $0x0  }
0xe5: {  	[sflag:s21] =	ssyncadd.s32 $0xFFFFFFB0  }
0xe6: {  	_ =	swait.ge [sflag:s21], $0x50  }
0xe7: {  	[sflag:s21] =	ssyncset.done $0x0  }
0xe8: {  	[sflag:s21] =	ssyncadd.s32 $0xFFFFFFB0  }
0xe9: {  	_ =	swait.ge [sflag:s21], $0x50  }
0xea: {  	[sflag:s21] =	ssyncset.done $0x0  }
0xeb: {  	[sflag:s21] =	ssyncadd.s32 $0xFFFFFFB0  }
.Ltmp0:
0xec: {  	_ =	swait.ge [sflag:s21], $0x50;
	(pc) =	sbr.rel @p0 .LBB2_2-.Ltmp0, $4  }
0xed: {  	[sflag:s21] =	ssyncset.done $0x0  }
0xee: {  	[sflag:s21] =	ssyncadd.s32 $0xFFFFFFB0  }
0xef: {  	_ =	swait.ge [sflag:s21], $0x50  }
0xf0: {  	s10 =	sshra.s32 s9, $0x2;
	s8 =	smov.u32 s11;
	[sflag:s21] =	ssyncset.done $0x0  }
0xf1: {  	s8 =	sadd.s32 $0x580, s10;
	[sflag:s21] =	ssyncadd.s32 $0xFFFFFFB0  }
0xf2: {  	[spmem:s2] =	stream.indirect.scatter.add.f32 [tilespmem:s0], [sflag:$0x1], $0x1, s8, s24, $0xb8;
	[tilespmem:$0xA600] =	vst v63  }
0xf3: {  	s12 =	sadd.s32 $0x2D00, s10  }
0xf4: {  	[spmem:s4] =	stream.indirect.scatter.add.f32 [tilespmem:s0], [sflag:$0x1], $0x1, s12, s24, $0xb8;
	[tilespmem:$0xA600] =	vst v63  }
0xf5: {  	s9 =	sadd.s32 $0x5D0, s10  }
0xf6: {  	[spmem:s2] =	stream.indirect.scatter.add.f32 [tilespmem:s0], [sflag:$0x1], $0x1, s9, s24, $0xb8;
	[tilespmem:$0xA600] =	vst v63  }
0xf7: {  	s11 =	sadd.s32 $0x2D50, s10  }
0xf8: {  	[spmem:s4] =	stream.indirect.scatter.add.f32 [tilespmem:s0], [sflag:$0x1], $0x1, s11, s24, $0xb8;
	[tilespmem:$0xA600] =	vst v63  }
0xf9: {  	s12 =	sadd.s32 $0x620, s10  }
0xfa: {  	[spmem:s2] =	stream.indirect.scatter.add.f32 [tilespmem:s0], [sflag:$0x1], $0x1, s12, s24, $0xb8;
	[tilespmem:$0xA600] =	vst v63  }
0xfb: {  	s9 =	sadd.s32 $0x2DA0, s10  }
0xfc: {  	[spmem:s4] =	stream.indirect.scatter.add.f32 [tilespmem:s0], [sflag:$0x1], $0x1, s9, s24, $0xb8;
	[tilespmem:$0xA600] =	vst v63  }
0xfd: {  	s11 =	sadd.s32 $0x670, s10  }
0xfe: {  	[spmem:s2] =	stream.indirect.scatter.add.f32 [tilespmem:s0], [sflag:$0x1], $0x1, s11, s24, $0xb8;
	[tilespmem:$0xA600] =	vst v63  }
0xff: {  	s12 =	sadd.s32 $0x2DF0, s10  }
0x100: {  	[spmem:s4] =	stream.indirect.scatter.add.f32 [tilespmem:s0], [sflag:$0x1], $0x1, s12, s24, $0xb8;
	[tilespmem:$0xA600] =	vst v63  }
0x101: {  	s9 =	sadd.s32 $0x6C0, s10  }
0x102: {  	[spmem:s2] =	stream.indirect.scatter.add.f32 [tilespmem:s0], [sflag:$0x1], $0x1, s9, s24, $0xb8;
	[tilespmem:$0xA600] =	vst v63  }
0x103: {  	s11 =	sadd.s32 $0x2E40, s10  }
0x104: {  	[spmem:s4] =	stream.indirect.scatter.add.f32 [tilespmem:s0], [sflag:$0x1], $0x1, s11, s24, $0xb8;
	[tilespmem:$0xA600] =	vst v63  }
0x105: {  	s12 =	sadd.s32 $0x710, s10  }
0x106: {  	[spmem:s2] =	stream.indirect.scatter.add.f32 [tilespmem:s0], [sflag:$0x1], $0x1, s12, s24, $0xb8;
	[tilespmem:$0xA600] =	vst v63  }
0x107: {  	s9 =	sadd.s32 $0x2E90, s10  }
0x108: {  	[spmem:s4] =	stream.indirect.scatter.add.f32 [tilespmem:s0], [sflag:$0x1], $0x1, s9, s24, $0xb8;
	[tilespmem:$0xA600] =	vst v63  }
0x109: {  	s11 =	sadd.s32 $0x760, s10  }
0x10a: {  	[spmem:s2] =	stream.indirect.scatter.add.f32 [tilespmem:s0], [sflag:$0x1], $0x1, s11, s24, $0xb8;
	[tilespmem:$0xA600] =	vst v63  }
0x10b: {  	s12 =	sadd.s32 $0x2EE0, s10  }
0x10c: {  	[spmem:s4] =	stream.indirect.scatter.add.f32 [tilespmem:s0], [sflag:$0x1], $0x1, s12, s24, $0xb8;
	[tilespmem:$0xA600] =	vst v63  }
0x10d: {  	s9 =	sadd.s32 $0x7B0, s10  }
0x10e: {  	[spmem:s2] =	stream.indirect.scatter.add.f32 [tilespmem:s0], [sflag:$0x1], $0x1, s9, s24, $0xb8;
	[tilespmem:$0xA600] =	vst v63  }
0x10f: {  	s10 =	sadd.s32 $0x2F30, s10  }
0x110: {  	[spmem:s4] =	stream.indirect.scatter.add.f32 [tilespmem:s0], [sflag:$0x1], $0x1, s10, s24, $0xb8;
	[tilespmem:$0xA600] =	vst v63  }
0x111: {  	_ =	swait.ge [sflag:s21], $0x50  }
0x112: {  	[sflag:s21] =	ssyncset.done $0x0  }
0x113: {  	[sflag:s21] =	ssyncadd.s32 $0xFFFFFFB0  }
0x114: {  	_ =	swait.ge [sflag:s21], $0x50  }
0x115: {  	[sflag:s21] =	ssyncset.done $0x0  }
0x116: {  	[sflag:s21] =	ssyncadd.s32 $0xFFFFFFB0  }
0x117: {  	_ =	swait.ge [sflag:s21], $0x50  }
0x118: {  	[sflag:s21] =	ssyncset.done $0x0  }
0x119: {  	[sflag:s21] =	ssyncadd.s32 $0xFFFFFFB0  }
0x11a: {  	_ =	swait.ge [sflag:s21], $0x50  }
0x11b: {  	[sflag:s21] =	ssyncset.done $0x0  }
0x11c: {  	[sflag:s21] =	ssyncadd.s32 $0xFFFFFFB0  }
0x11d: {  	_ =	swait.ge [sflag:s21], $0x50  }
0x11e: {  	[sflag:s21] =	ssyncset.done $0x0  }
0x11f: {  	[sflag:s21] =	ssyncadd.s32 $0xFFFFFFB0  }
0x120: {  	_ =	swait.ge [sflag:s21], $0x50  }
0x121: {  	[sflag:s21] =	ssyncset.done $0x0  }
0x122: {  	[sflag:s21] =	ssyncadd.s32 $0xFFFFFFB0  }
0x123: {  	_ =	swait.ge [sflag:s21], $0x50  }
0x124: {  	[sflag:s21] =	ssyncset.done $0x0  }
0x125: {  	[sflag:s21] =	ssyncadd.s32 $0xFFFFFFB0  }
0x126: {  	_ =	swait.ge [sflag:s21], $0x50  }
0x127: {  	[sflag:s21] =	ssyncset.done $0x0  }
0x128: {  	[sflag:s21] =	ssyncadd.s32 $0xFFFFFFB0  }
0x129: {  	_ =	swait.ge [sflag:s21], $0x50  }
0x12a: {  	[sflag:s21] =	ssyncset.done $0x0  }
0x12b: {  	[sflag:s21] =	ssyncadd.s32 $0xFFFFFFB0  }
0x12c: {  	_ =	swait.ge [sflag:s21], $0x50  }
0x12d: {  	[sflag:s21] =	ssyncset.done $0x0  }
0x12e: {  	[sflag:s21] =	ssyncadd.s32 $0xFFFFFFB0  }
0x12f: {  	_ =	swait.ge [sflag:s21], $0x50  }
0x130: {  	[sflag:s21] =	ssyncset.done $0x0  }
0x131: {  	[sflag:s21] =	ssyncadd.s32 $0xFFFFFFB0  }
0x132: {  	_ =	swait.ge [sflag:s21], $0x50  }
0x133: {  	[sflag:s21] =	ssyncset.done $0x0  }
0x134: {  	[sflag:s21] =	ssyncadd.s32 $0xFFFFFFB0  }
0x135: {  	_ =	swait.ge [sflag:s21], $0x50  }
0x136: {  	[sflag:s21] =	ssyncset.done $0x0  }
0x137: {  	[sflag:s21] =	ssyncadd.s32 $0xFFFFFFB0  }
0x138: {  	_ =	swait.ge [sflag:s21], $0x50  }
0x139: {  	[sflag:s21] =	ssyncset.done $0x0  }
0x13a: {  	[sflag:s21] =	ssyncadd.s32 $0xFFFFFFB0  }
0x13b: {  	_ =	swait.ge [sflag:s21], $0x50  }
0x13c: {  	[sflag:s21] =	ssyncset.done $0x0  }
0x13d: {  	[sflag:s21] =	ssyncadd.s32 $0xFFFFFFB0  }
0x13e: {  	_ =	swait.ge [sflag:s21], $0x50  }
0x13f: {  	[sflag:s21] =	ssyncset.done $0x0  }
0x140: {  	s11 =	simm.s32 $0x2B00;
	[sflag:s21] =	ssyncadd.s32 $0xFFFFFFB0  }
0x141: {  	[spmem:s2] =	stream.indirect.scatter.add.f32 [tilespmem:s0], [sflag:$0x1], $0x1, s11, s24, $0xb8;
	[tilespmem:$0xA600] =	vst v63  }
0x142: {  	s12 =	simm.s32 $0x5280  }
0x143: {  	[spmem:s4] =	stream.indirect.scatter.add.f32 [tilespmem:s0], [sflag:$0x1], $0x1, s12, s24, $0xb8;
	[tilespmem:$0xA600] =	vst v63  }
0x144: {  	s9 =	simm.s32 $0x2B50  }
0x145: {  	[spmem:s2] =	stream.indirect.scatter.add.f32 [tilespmem:s0], [sflag:$0x1], $0x1, s9, s24, $0xb8;
	[tilespmem:$0xA600] =	vst v63  }
0x146: {  	s10 =	simm.s32 $0x52D0  }
0x147: {  	[spmem:s4] =	stream.indirect.scatter.add.f32 [tilespmem:s0], [sflag:$0x1], $0x1, s10, s24, $0xb8;
	[tilespmem:$0xA600] =	vst v63  }
0x148: {  	s11 =	simm.s32 $0x2BA0  }
0x149: {  	[spmem:s2] =	stream.indirect.scatter.add.f32 [tilespmem:s0], [sflag:$0x1], $0x1, s11, s24, $0xb8;
	[tilespmem:$0xA600] =	vst v63  }
0x14a: {  	s12 =	simm.s32 $0x5320  }
0x14b: {  	[spmem:s4] =	stream.indirect.scatter.add.f32 [tilespmem:s0], [sflag:$0x1], $0x1, s12, s24, $0xb8;
	[tilespmem:$0xA600] =	vst v63  }
0x14c: {  	s9 =	simm.s32 $0x2BF0  }
0x14d: {  	[spmem:s2] =	stream.indirect.scatter.add.f32 [tilespmem:s0], [sflag:$0x1], $0x1, s9, s24, $0xb8;
	[tilespmem:$0xA600] =	vst v63  }
0x14e: {  	s10 =	simm.s32 $0x5370  }
0x14f: {  	[spmem:s4] =	stream.indirect.scatter.add.f32 [tilespmem:s0], [sflag:$0x1], $0x1, s10, s24, $0xb8;
	[tilespmem:$0xA600] =	vst v63  }
0x150: {  	s11 =	simm.s32 $0x2C40  }
0x151: {  	[spmem:s2] =	stream.indirect.scatter.add.f32 [tilespmem:s0], [sflag:$0x1], $0x1, s11, s24, $0xb8;
	[tilespmem:$0xA600] =	vst v63  }
0x152: {  	s12 =	simm.s32 $0x53C0  }
0x153: {  	[spmem:s4] =	stream.indirect.scatter.add.f32 [tilespmem:s0], [sflag:$0x1], $0x1, s12, s24, $0xb8;
	[tilespmem:$0xA600] =	vst v63  }
0x154: {  	_ =	swait.ge [sflag:s21], $0x50  }
0x155: {  	[sflag:s21] =	ssyncset.done $0x0  }
0x156: {  	[sflag:s21] =	ssyncadd.s32 $0xFFFFFFB0  }
0x157: {  	_ =	swait.ge [sflag:s21], $0x50  }
0x158: {  	[sflag:s21] =	ssyncset.done $0x0  }
0x159: {  	[sflag:s21] =	ssyncadd.s32 $0xFFFFFFB0  }
0x15a: {  	_ =	swait.ge [sflag:s21], $0x50  }
0x15b: {  	[sflag:s21] =	ssyncset.done $0x0  }
0x15c: {  	[sflag:s21] =	ssyncadd.s32 $0xFFFFFFB0  }
0x15d: {  	_ =	swait.ge [sflag:s21], $0x50  }
0x15e: {  	[sflag:s21] =	ssyncset.done $0x0  }
0x15f: {  	[sflag:s21] =	ssyncadd.s32 $0xFFFFFFB0  }
0x160: {  	_ =	swait.ge [sflag:s21], $0x50  }
0x161: {  	[sflag:s21] =	ssyncset.done $0x0  }
0x162: {  	[sflag:s21] =	ssyncadd.s32 $0xFFFFFFB0  }
0x163: {  	_ =	swait.ge [sflag:s21], $0x50  }
0x164: {  	[sflag:s21] =	ssyncset.done $0x0  }
0x165: {  	[sflag:s21] =	ssyncadd.s32 $0xFFFFFFB0  }
0x166: {  	_ =	swait.ge [sflag:s21], $0x50  }
0x167: {  	[sflag:s21] =	ssyncset.done $0x0  }
0x168: {  	[sflag:s21] =	ssyncadd.s32 $0xFFFFFFB0  }
0x169: {  	_ =	swait.ge [sflag:s21], $0x50  }
0x16a: {  	[sflag:s21] =	ssyncset.done $0x0  }
0x16b: {  	[sflag:s21] =	ssyncadd.s32 $0xFFFFFFB0  }
0x16c: {  	_ =	swait.ge [sflag:s21], $0x50  }
0x16d: {  	[sflag:s21] =	ssyncset.done $0x0  }
0x16e: {  	[sflag:s21] =	ssyncadd.s32 $0xFFFFFFB0  }
0x16f: {  	_ =	swait.ge [sflag:s21], $0x50  }
0x170: {  	[sflag:s21] =	ssyncset.done $0x0  }
0x171: {  	[sflag:s21] =	ssyncadd.s32 $0xFFFFFFB0  }
0x172: {  	[bflag:$0x0] =	sbarrier.arrive $0xFFFF  }
0x173: {  	[hbm:s16@s30], [sflag:s7] =	dma.strided [spmem:s19@s3], $0x50, s21, $0x10   }
0x174: {  	s22 =	sadd.s32 $0x1, s22;
	_ =	swait.ge [sflag:s20], $0x50  }
0x175: {  	p0 =	sne.s32 s22, s18;
	[sflag:s20] =	ssyncset.done $0x0  }
.Ltmp1:
0x176: {  	[sflag:s20] =	ssyncadd.s32 $0xFFFFFFB0;
	(pc) =	sbr.rel @p0 .LBB2_1-.Ltmp1, $4  }
0x177: {  	[hbm:s17@s30], [sflag:s7] =	dma.strided [spmem:s26@s3], $0x50, s21, $0x10   }
0x178: {  	_ =	swait.ge [sflag:s20], $0x50  }
0x179: {  	[sflag:s20] =	ssyncset.done $0x0  }
0x17a: {  	[sflag:s20] =	ssyncadd.s32 $0xFFFFFFB0  }
0x17b: {  	_ =	sfence.sel $0x180000  }
0x17c: {  	[bflag:$0x0] =	sbarrier.arrive $0xFFFF  }
0x17d: {  	_ =	strace $0x90000047  }
0x17e: {  	s0 =	stileid.u32;
	[bflag:$0x2] =	sbarrier.arrive $0xFFFF  }
0x17f: {  	p0 =	sne.s32 s0, $0x0;
	s0 =	rddreg [dreg:$0x4]  }
0x180: {  	s0 =	sadd.s32 @!p0 $0x100000, s0  }
0x181: {  	[sflag:s0] =	ssyncadd.tile.s32 @!p0 $0x1;
	_ =	shalt  }
.Lfunc_end2:
_tile_overlayer_lowered:
.L_overlay_start_2:
0x182: {  	(tag) =	ssettag $0x2  }
0x183: {  	s0 =	rddreg [dreg:$0x0];
	s2 =	stileid.u32  }
0x184: {  	s1 =	rddreg [dreg:$0x1];
	p0 =	sne.s32 s2, $0x0  }
0x185: {  	s3 =	rddreg [dreg:$0x2];
	[bflag:$0x3] =	sbarrier.arrive $0xFFFF;
	s2 =	simm.s32 @!p0 $0x1C04  }
0x186: {  	[timem:s3], [sflag:s2] =	dma.local @!p0 [hbm:s0], s1  }
0x187: {  	s0 =	simm.s32 @!p0 $0x4  }
0x188: {  	_ =	swait.ge @!p0 [sflag:s0], s1  }
0x189: {  	s1 =	ssub.s32 @!p0 $0x0, s1;
	[sflag:s0] =	ssyncset.done @!p0 $0x0  }
0x18a: {  	[sflag:s0] =	ssyncadd.s32 @!p0 s1  }
0x18b: {  	[bflag:$0x3] =	sbarrier.arrive $0xFFFF  }
0x18c: {  	_ =	shalt  }

// kernel: kernel.15.cloned.1.call-start
scs
__scs_entry_jumppad:
0x0: {  	(pc) =	sbr.rel $0x88, $3  }
0x1: {  	(tag) =	ssettag $0x0;
	lr =	simm.s32 $0x1  }
0x2: {  	[smem:$0x3F94] =	sst lr;
	_ =	strace $0xD0000000  }
0x3: {  	_ = 	snop  }
0x4: {  	_ = 	snop  }
0x5: {  	_ = 	snop  }
0x6: {  	_ = 	snop  }
0x7: {  	_ = 	snop  }
__scs_overlays_trampoline_lowered:
0x8: {  	[smem:$0x3FA3] =	sst s0  }
0x9: {  	[smem:$0x3FA4] =	sst s1  }
0xa: {  	[smem:$0x3FA5] =	sst s2  }
0xb: {  	[smem:$0x3FA6] =	sst s3  }
0xc: {  	[smem:$0x3FA7] =	sst s4  }
0xd: {  	[smem:$0x3FA8] =	sst s5  }
0xe: {  	[smem:$0x3FA9] =	sst s6  }
0xf: {  	[smem:$0x3FAA] =	sst s7  }
0x10: {  	[smem:$0x3FAB] =	sst s8  }
0x11: {  	[smem:$0x3FAC] =	sst s9;
	s0 =	simm.s32 @!p0 $0x0  }
0x12: {  	s1 =	sld [smem:$0x3F92];
	s0 =	simm.s32 @p0 $0x1  }
0x13: {  	[smem:$0x3FAD] =	sst s0;
	s0 =	simm.s32 @!p1 $0x0  }
0x14: {  	s2 =	sld [smem:$0x3F91];
	s0 =	simm.s32 @p1 $0x1  }
0x15: {  	[smem:$0x3FAE] =	sst s0;
	s0 =	simm.s32 @!p2 $0x0  }
0x16: {  	s3 =	sld [smem:$0x3FDB];
	s0 =	simm.s32 @p2 $0x1  }
0x17: {  	s4 =	simm.s32 $0x1BF5;
	[smem:$0x3FB0] =	sst s0  }
0x18: {  	s0 =	sld [smem:$0x3F93];
	_ =	swait.ge [sflag:s4], $0x0  }
0x19: {  	s7 =	sld [smem:$0x3F94]  }
0x1a: {  	s8 =	sadd.s32 $0xFFFFE003, lr  }
0x1b: {  	s9 =	sadd.s32 $0xFFFFFEF7, lr;
	s5 =	simm.s32 $0xFFFFFFFF;
	p2 =	slt.u32 s8, $0xFFFFF086  }
0x1c: {  	p1 =	slt.u32 s9, $0xF7A;
	s5 =	simm.s32 @!p2 $0x0  }
0x1d: {  	s5 =	simm.s32 @p1 $0x1;
	p0 =	seq.s32 s7, s2  }
0x1e: {  	s7 =	smul.u32 @!p0 $0xF7A, s2;
	p2 =	seq.s32 @!p0 s5, $0x0  }
0x1f: {  	s9 =	smul.u32 $0xF7A, s1;
	s8 =	simm.s32 @!p0 $0x1BF5;
	p2 =	por !p2, p0  }
0x20: {  	[sflag:s8] =	ssyncset.s32 @!p0 $0xFFFFF086;
	s6 =	sadd.s32 @!p0 s3, s7;
	s7 =	simm.s32 @!p0 $0x108  }
0x21: {  	s3 =	sadd.s32 s3, s9;
	s6 =	sadd.s32 @!p0 $0x88, s6;
	s7 =	simm.s32 @p2 $0x1082  }
0x22: {  	[simem:s7], [sflag:s8] =	dma.local @!p0 [hbm:s6], $0xF7A  }
0x23: {  	s9 =	sor.u32 $0xD0000000, s2;
	s6 =	simm.s32 $0x108;
	_ =	swait.ge @!p0 [sflag:s8], $0x0  }
0x24: {  	s3 =	sadd.s32 $0x88, s3;
	s6 =	simm.s32 @!p1 $0x1082;
	[sflag:s4] =	ssyncset.s32 $0xFFFFF086  }
0x25: {  	[simem:s6], [sflag:s4] =	dma.local [hbm:s3], $0xF7A  }
0x26: {  	[smem:$0x3F94] =	sst s1;
	(tag) =	ssettag s2;
	_ =	strace s9  }
0x27: {  	s1 =	sld [smem:$0x3FA4]  }
0x28: {  	s2 =	sld [smem:$0x3FA5]  }
0x29: {  	s4 =	sld [smem:$0x3FA7]  }
0x2a: {  	p0 =	seq.s32 s5, $0x0;
	s5 =	sld [smem:$0x3FA8]  }
0x2b: {  	s6 =	sld [smem:$0x3FA9]  }
0x2c: {  	s7 =	sld [smem:$0x3FAA]  }
0x2d: {  	s3 =	simm.s32 $0x108;
	s8 =	sld [smem:$0x3FAB]  }
0x2e: {  	s3 =	simm.s32 @!p0 $0x1082;
	s9 =	sld [smem:$0x3FAC]  }
0x2f: {  	lr =	sadd.s32 s0, s3;
	s0 =	sld [smem:$0x3FA3]  }
0x30: {  	s3 =	sld [smem:$0x3FA6]  }
0x31: {  	[smem:$0x3FAF] =	sst s10  }
0x32: {  	s10 =	sld [smem:$0x3FAD];
	_ =	sdelay $0x3  }
0x33: {  	p0 =	seq.s32 s10, $0x1;
	s10 =	sld [smem:$0x3FAF];
	_ =	sdelay $0x3  }
0x34: {  	[smem:$0x3FAF] =	sst s10  }
0x35: {  	s10 =	sld [smem:$0x3FAE];
	_ =	sdelay $0x3  }
0x36: {  	p1 =	seq.s32 s10, $0x1;
	s10 =	sld [smem:$0x3FAF];
	_ =	sdelay $0x3  }
0x37: {  	[smem:$0x3FAF] =	sst s10  }
0x38: {  	s10 =	sld [smem:$0x3FB0]  }
0x39: {  	_ = 	snop;
	(pc) =	sbr.ind lr, $3  }
0x3a: {  	_ = 	snop  }
0x3b: {  	_ = 	snop  }
0x3c: {  	p2 =	seq.s32 s10, $0x1;
	s10 =	sld [smem:$0x3FAF]  }
0x3d: {  	_ =	shalt  }
0x3e: {  	_ =	shalt  }
0x3f: {  	_ =	shalt  }
0x40: {  	_ =	shalt  }
0x41: {  	_ =	shalt  }
0x42: {  	_ =	shalt  }
0x43: {  	_ =	shalt  }
0x44: {  	_ =	shalt  }
0x45: {  	_ =	shalt  }
0x46: {  	_ =	shalt  }
0x47: {  	_ =	shalt  }
0x48: {  	_ =	shalt  }
0x49: {  	_ =	shalt  }
0x4a: {  	_ =	shalt  }
0x4b: {  	_ =	shalt  }
0x4c: {  	_ =	shalt  }
0x4d: {  	_ =	shalt  }
0x4e: {  	_ =	shalt  }
0x4f: {  	_ =	shalt  }
0x50: {  	_ =	shalt  }
0x51: {  	_ =	shalt  }
0x52: {  	_ =	shalt  }
0x53: {  	_ =	shalt  }
0x54: {  	_ =	shalt  }
0x55: {  	_ =	shalt  }
0x56: {  	_ =	shalt  }
0x57: {  	_ =	shalt  }
0x58: {  	_ =	shalt  }
0x59: {  	_ =	shalt  }
0x5a: {  	_ =	shalt  }
0x5b: {  	_ =	shalt  }
0x5c: {  	_ =	shalt  }
0x5d: {  	_ =	shalt  }
0x5e: {  	_ =	shalt  }
0x5f: {  	_ =	shalt  }
0x60: {  	_ =	shalt  }
0x61: {  	_ =	shalt  }
0x62: {  	_ =	shalt  }
0x63: {  	_ =	shalt  }
0x64: {  	_ =	shalt  }
0x65: {  	_ =	shalt  }
0x66: {  	_ =	shalt  }
0x67: {  	_ =	shalt  }
0x68: {  	_ =	shalt  }
0x69: {  	_ =	shalt  }
0x6a: {  	_ =	shalt  }
0x6b: {  	_ =	shalt  }
0x6c: {  	_ =	shalt  }
0x6d: {  	_ =	shalt  }
0x6e: {  	_ =	shalt  }
0x6f: {  	_ =	shalt  }
0x70: {  	_ =	shalt  }
0x71: {  	_ =	shalt  }
0x72: {  	_ =	shalt  }
0x73: {  	_ =	shalt  }
0x74: {  	_ =	shalt  }
0x75: {  	_ =	shalt  }
0x76: {  	_ =	shalt  }
0x77: {  	_ =	shalt  }
0x78: {  	_ =	shalt  }
0x79: {  	_ =	shalt  }
0x7a: {  	_ =	shalt  }
0x7b: {  	_ =	shalt  }
0x7c: {  	_ =	shalt  }
0x7d: {  	_ =	shalt  }
0x7e: {  	_ =	shalt  }
0x7f: {  	_ =	shalt  }
0x80: {  	_ =	shalt  }
0x81: {  	_ =	shalt  }
0x82: {  	_ =	shalt  }
0x83: {  	_ =	shalt  }
0x84: {  	_ =	shalt  }
0x85: {  	_ =	shalt  }
0x86: {  	_ =	shalt  }
0x87: {  	_ =	shalt  }
.Lfunc_end0:
.L_simem_size_0:
called_computation.1_lowered:
.L_overlay_start_0:
0x88: {  	s2 =	sld [smem:$0x3FD9]  }
0x89: {  	s3 =	sld [smem:$0x3FFE];
	_ =	sdelay $0x1  }
0x8a: {  	s1 =	srdreg.scid  }
0x8b: {  	s0 =	sand.u32 $0x1, s1  }
0x8c: {  	s16 =	sshll.u32 s0, $0xA;
	s2 =	sadd.s32 s3, s2  }
0x8d: {  	s2 =	sadd.s32 s2, s16  }
0x8e: {  	[smem:$0x3FBB] =	sst s2  }
0x8f: {  	_ = 	snop  }
0x90: {  	(tm) =	ssettm $0x1  }
0x91: {  	s17 =	sld [smem:$0x3FFB];
	_ =	sdelay $0x3  }
0x92: {  	_ =	strace s17  }
0x93: {  	s2 =	sld [smem:$0x3FFC];
	_ =	sdelay $0x3  }
0x94: {  	_ =	strace s2  }
0x95: {  	s2 =	sld [smem:$0x3FFD];
	_ =	sdelay $0x3  }
0x96: {  	_ =	strace s2  }
0x97: {  	_ =	strace $0x8FFFFFFF  }
0x98: {  	s18 =	sld [smem:$0x3FDB];
	_ =	sdelay $0x1  }
0x99: {  	s19 =	simm.s32 $_scs_section_size  }
0x9a: {  	s4 =	simm.s32 $_size__tile_overlayer_lowered;
	s5 =	simm.s32 $_tile_overlayer_lowered  }
0x9b: {  	s22 =	simm.s32 $0x1BFF;
	s21 =	sshll.u32 s5, $0x1;
	s2 =	sadd.s32 s19, s18  }
0x9c: {  	s6 =	simm.s32 $0x0;
	s20 =	sshll.u32 s4, $0x1;
	s4 =	sadd.s32 s21, s2  }
0x9d: {  	[timem:s6], [sflag:s22] =	dma.local [hbm:s4], s20  }
0x9e: {  	_ =	swait.ge [sflag:s22], s20  }
0x9f: {  	s3 =	ssub.s32 $0x0, s20;
	[sflag:s22] =	ssyncset.done $0x0  }
0xa0: {  	[sflag:s22] =	ssyncadd.s32 s3;
	_ =	sdelay $0x1  }
0xa1: {  	s23 =	simm.s32 $0x1B8B  }
0xa2: {  	_ =	swait.ge [sflag:s23], $0x1  }
0xa3: {  	[sflag:s23] =	ssyncset.done $0x0  }
0xa4: {  	s25 =	simm.s32 $0x1B8E;
	s24 =	sld [smem:$0x3FFE];
	[sflag:s23] =	ssyncadd.s32 $0xFFFFFFFF  }
0xa5: {  	s26 =	simm.s32 $execute0_lowered;
	[smem:$0x3FD2] =	sst s25  }
0xa6: {  	s4 =	sshll.u32 s26, $0x1;
	_ =	strace $0x80000049;
	[dreg:$0x1] =	wrdreg $0xFFFFFFFF  }
0xa7: {  	s28 =	simm.s32 $_size_execute0_lowered;
	s2 =	sadd.s32 s2, s4;
	[dreg:$0x0] =	wrdreg $0x0  }
0xa8: {  	s4 =	sshll.u32 s28, $0x1;
	[dreg:$0x2] =	wrdreg s2  }
0xa9: {  	[dreg:$0x3] =	wrdreg s4  }
0xaa: {  	[dreg:$0x4] =	wrdreg $0xC0  }
0xab: {  	_ =	task [dreg:s6], $0x5FFFF  }
0xac: {  	[dreg:$0x1] =	wrdreg $0xFFFFFFFF  }
0xad: {  	[dreg:$0x0] =	wrdreg $0x60  }
0xae: {  	[dreg:$0x2] =	wrdreg s24  }
0xaf: {  	[dreg:$0x3] =	wrdreg $0x0  }
0xb0: {  	[dreg:$0x4] =	wrdreg $0x9  }
0xb1: {  	_ =	task.clear_ibuf [dreg:s6], $0x5FFFF;
	_ =	strace $0x90000049  }
0xb2: {  	s29 =	simm.s32 $0x9;
	_ =	strace $0x8000004B  }
0xb3: {  	_ =	swait.ge [sflag:s29], $0x1  }
0xb4: {  	[sflag:s29] =	ssyncadd.s32 $0xFFFFFFFF  }
0xb5: {  	_ =	strace $0x9000004B  }
0xb6: {  	_ =	sfence  }
0xb7: {  	s30 =	sld [smem:$0x0];
	_ =	sdelay $0x2  }
0xb8: {  	s31 =	sshll.u32 s1, $0xD;
	s1 =	sshrl.u32 s1, $0x2  }
0xb9: {  	s3 =	sand.u32 $0x4000, s31;
	s1 =	sadd.s32 s1, s30  }
0xba: {  	s0 =	sor.u32 s3, s0;
	s1 =	sshll.u32 s1, $0x11  }
0xbb: {  	s0 =	sor.u32 s1, s0  }
0xbc: {  	s0 =	sadd.s32 $0x8F2B, s0  }
0xbd: {  	[sflag:s0] =	ssyncadd.remote.s32 $0x1  }
0xbe: {  	_ =	sfence.sel $0xFFFF  }
0xbf: {  	[dreg:$0x0] =	wrdreg $0xFFFFFFFF;
	(pc) =	sbr.abs _section_cstart, $3  }
0xc0: {  	[dreg:$0x1] =	wrdreg $0xFFFFFFFF  }
0xc1: {  	_ =	task.clear_ibuf [dreg:s6], $0x2FFFF;
	_ =	strace $0x9FFFFFFF  }
0xc2: {  	(tm) =	ssettm $0x7FFFFFFF  }
0xc3: {  	_ =	shalt  }
tec
execute0_lowered:
.L_overlay_start_1:
0x0: {  	(tag) =	ssettag $0x1  }
0x1: {  	s0 =	rddreg [dreg:$0x0]  }
0x2: {  	s5 =	rddreg [dreg:$0x1];
	s2 =	simm.s32 $0x0;
	s1 =	srdreg.scid  }
0x3: {  	s22 =	stileid.u32;
	s16 =	simm.s32 $0x14000;
	s17 =	simm.s32 $0x15300  }
0x4: {  	s18 =	simm.s32 $0x50;
	s19 =	simm.s32 $0x16600;
	s20 =	simm.s32 $0x14050  }
0x5: {  	s21 =	simm.s32 $0x18E00;
	s28 =	simm.s32 $0x140F0;
	s29 =	simm.s32 $0x14140  }
0x6: {  	s30 =	simm.s32 $0x0;
	[smem:$0x7FF] =	sst s2;
	s6 =	sand.u32 $0x1, s1  }
0x7: {  	s8 =	smul.u32 $0x14000, s22;
	s3 =	sadd.s32 $0x42800, s0;
	s10 =	sadd.s32 $0xEE00, s0  }
0x8: {  	s11 =	sadd.s32 $0x5000, s0;
	s4 =	sadd.s32 $0x92800, s0;
	s9 =	smul.u32 $0x50000, s22  }
0x9: {  	s7 =	smul.u32 $0x140000, s6;
	s23 =	sshll.u32 s6, $0x4;
	s6 =	ssub.s32 $0x2, s6  }
0xa: {  	s25 =	sshll.u32 s22, $0x6;
	_ =	strace $0x8000004A;
	s12 =	sshrl.u32 s6, $0x1  }
0xb: {  	s24 =	sshrl.u32 s9, $0x2;
	s7 =	sadd.s32 s8, s7;
	s8 =	sor.u32 s22, s23  }
0xc: {  	s13 =	ssub.s32 s6, s12;
	s14 =	sadd.s32 s24, s5;
	s5 =	sor.u32 $0x1C04, s25  }
0xd: {  	s22 =	simm.s32 $0x140A0;
	s23 =	simm.s32 $0x1B600;
	s8 =	smul.u32 $0x2710, s8  }
0xe: {  	s24 =	simm.s32 $0x1;
	s25 =	simm.s32 $0x2;
	s7 =	sshrl.u32 s7, $0x3  }
0xf: {  	s13 =	smax.u32 s13, $0x1;
	s0 =	sadd.s32 s7, s0;
	s26 =	sshrl.u32 s8, $0x3  }
0x10: {  	s14 =	sshrl.u32 s14, $0x3;
	s12 =	sadd.s32 $0x95000, s0;
	s6 =	sadd.s32 s10, s26  }
0x11: {  	s31 =	sadd.s32 $0x258, s26;
	s7 =	sadd.s32 s11, s26;
	s15 =	sadd.s32 $0x4B0, s26  }
0x12: {  	s26 =	simm.s32 $0x3;
	s8 =	sadd.s32 s10, s31;
	s9 =	sadd.s32 s11, s31  }
0x13: {  	s10 =	sadd.s32 s10, s15;
	s11 =	sadd.s32 s11, s15;
	s15 =	simm.s32 $0x4  }
.LBB2_1:
0x14: {  	[spmem:s14], [sflag:s5] =	dma.local [hbm:s4], $0x2800  }
0x15: {  	_ =	swait.ge [sflag:s15], $0x2800  }
0x16: {  	[sflag:s15] =	ssyncset.done $0x0  }
0x17: {  	[sflag:s15] =	ssyncadd.s32 $0xFFFFD800  }
0x18: {  	[bflag:$0x0] =	sbarrier.arrive $0xFFFF  }
0x19: {  	[tilespmem:s16], [sflag:$0x4] =	stream.linear.gather [hbm4b:s6+s2], $0x12C0, $0x38;
	[tilespmem:$0x1DE00] =	vst v63  }
0x1a: {  	_ =	swait.ge [sflag:s15], $0x12C0  }
0x1b: {  	[sflag:s15] =	ssyncset.done $0x0  }
0x1c: {  	[sflag:s15] =	ssyncadd.s32 $0xFFFFED40  }
0x1d: {  	[tilespmem:s17], [sflag:$0x4] =	stream.linear.gather [hbm4b:s7+s2], $0x12C0, $0x38;
	[tilespmem:$0x1DE00] =	vst v63  }
0x1e: {  	_ =	swait.ge [sflag:s15], $0x12C0  }
0x1f: {  	[sflag:s15] =	ssyncset.done $0x0  }
0x20: {  	[sflag:s15] =	ssyncadd.s32 $0xFFFFED40  }
0x21: {  	[tilespmem:s19], [sflag:$0x1] =	stream.indirect.gather [hbm4b:s3+s18], $0x80, s16, s18, $0xb8;
	[tilespmem:$0x1DE00] =	vst v63  }
0x22: {  	_ = 	snop  }
0x23: {  	[tilespmem:s21], [sflag:$0x2] =	stream.indirect.gather [hbm4b:s3+s18], $0x80, s20, s18, $0xb8;
	[tilespmem:$0x1DE00] =	vst v63  }
0x24: {  	_ = 	snop  }
0x25: {  	[tilespmem:s23], [sflag:$0x3] =	stream.indirect.gather [hbm4b:s3+s18], $0x80, s22, s18, $0xb8;
	[tilespmem:$0x1DE00] =	vst v63  }
0x26: {  	_ =	swait.ge [sflag:s24], $0x2800  }
0x27: {  	[sflag:s24] =	ssyncset.done $0x0  }
0x28: {  	s0 =	simm.s32 $0x140F0;
	[sflag:s24] =	ssyncadd.s32 $0xFFFFD800  }
0x29: {  	[tilespmem:s19], [sflag:$0x1] =	stream.indirect.gather [hbm4b:s3+s18], $0x80, s0, s18, $0xb8;
	[tilespmem:$0x1DE00] =	vst v63  }
0x2a: {  	_ =	swait.ge [sflag:s25], $0x2800  }
0x2b: {  	[sflag:s25] =	ssyncset.done $0x0  }
0x2c: {  	s1 =	simm.s32 $0x14140;
	[sflag:s25] =	ssyncadd.s32 $0xFFFFD800  }
0x2d: {  	[tilespmem:s21], [sflag:$0x2] =	stream.indirect.gather [hbm4b:s3+s18], $0x80, s1, s18, $0xb8;
	[tilespmem:$0x1DE00] =	vst v63  }
0x2e: {  	_ =	swait.ge [sflag:s26], $0x2800  }
0x2f: {  	[sflag:s26] =	ssyncset.done $0x0  }
0x30: {  	s31 =	simm.s32 $0xFFFFBC80;
	s0 =	simm.s32 $0x14190;
	[sflag:s26] =	ssyncadd.s32 $0xFFFFD800  }
.LBB2_2:
0x31: {  	[tilespmem:s23], [sflag:$0x3] =	stream.indirect.gather [hbm4b:s3+s18], $0x80, s0, s18, $0xb8;
	[tilespmem:$0x1DE00] =	vst v63  }
0x32: {  	s0 =	smov.u32 s31  }
0x33: {  	p0 =	sne.s32 s31, $0xFFFFFC40;
	s31 =	sadd.s32 $0x3C0, s31;
	_ =	swait.ge [sflag:s24], $0x2800  }
0x34: {  	s0 =	sshra.s32 s0, $0x2;
	[sflag:s24] =	ssyncset.done $0x0  }
0x35: {  	s1 =	sadd.s32 $0x152C0, s0;
	[sflag:s24] =	ssyncadd.s32 $0xFFFFD800  }
0x36: {  	[tilespmem:s19], [sflag:$0x1] =	stream.indirect.gather [hbm4b:s3+s18], $0x80, s1, s18, $0xb8;
	[tilespmem:$0x1DE00] =	vst v63  }
0x37: {  	_ =	swait.ge [sflag:s25], $0x2800  }
0x38: {  	[sflag:s25] =	ssyncset.done $0x0  }
.Ltmp0:
0x39: {  	s1 =	sadd.s32 $0x15310, s0;
	[sflag:s25] =	ssyncadd.s32 $0xFFFFD800;
	(pc) =	sbr.rel @p0 .LBB2_2-.Ltmp0, $4  }
0x3a: {  	[tilespmem:s21], [sflag:$0x2] =	stream.indirect.gather [hbm4b:s3+s18], $0x80, s1, s18, $0xb8;
	[tilespmem:$0x1DE00] =	vst v63  }
0x3b: {  	_ =	swait.ge [sflag:s26], $0x2800  }
0x3c: {  	[sflag:s26] =	ssyncset.done $0x0  }
0x3d: {  	s0 =	sadd.s32 $0x15360, s0;
	[sflag:s26] =	ssyncadd.s32 $0xFFFFD800  }
0x3e: {  	[tilespmem:s23], [sflag:$0x3] =	stream.indirect.gather [hbm4b:s3+s18], $0x80, s0, s18, $0xb8;
	[tilespmem:$0x1DE00] =	vst v63  }
0x3f: {  	_ =	swait.ge [sflag:s24], $0x2800  }
0x40: {  	[sflag:s24] =	ssyncset.done $0x0  }
0x41: {  	[sflag:s24] =	ssyncadd.s32 $0xFFFFD800  }
0x42: {  	_ =	swait.ge [sflag:s25], $0x2800  }
0x43: {  	[sflag:s25] =	ssyncset.done $0x0  }
0x44: {  	[sflag:s25] =	ssyncadd.s32 $0xFFFFD800  }
0x45: {  	_ =	swait.ge [sflag:s26], $0x2800  }
0x46: {  	[sflag:s26] =	ssyncset.done $0x0  }
0x47: {  	[sflag:s26] =	ssyncadd.s32 $0xFFFFD800  }
0x48: {  	[tilespmem:s16], [sflag:$0x4] =	stream.linear.gather [hbm4b:s8+s2], $0x12C0, $0x38;
	[tilespmem:$0x1DE00] =	vst v63  }
0x49: {  	_ =	swait.ge [sflag:s15], $0x12C0  }
0x4a: {  	[sflag:s15] =	ssyncset.done $0x0  }
0x4b: {  	[sflag:s15] =	ssyncadd.s32 $0xFFFFED40  }
0x4c: {  	[tilespmem:s17], [sflag:$0x4] =	stream.linear.gather [hbm4b:s9+s2], $0x12C0, $0x38;
	[tilespmem:$0x1DE00] =	vst v63  }
0x4d: {  	_ =	swait.ge [sflag:s15], $0x12C0  }
0x4e: {  	[sflag:s15] =	ssyncset.done $0x0  }
0x4f: {  	[sflag:s15] =	ssyncadd.s32 $0xFFFFED40  }
0x50: {  	[tilespmem:s19], [sflag:$0x1] =	stream.indirect.gather [hbm4b:s3+s18], $0x80, s16, s18, $0xb8;
	[tilespmem:$0x1DE00] =	vst v63  }
0x51: {  	_ = 	snop  }
0x52: {  	[tilespmem:s21], [sflag:$0x2] =	stream.indirect.gather [hbm4b:s3+s18], $0x80, s20, s18, $0xb8;
	[tilespmem:$0x1DE00] =	vst v63  }
0x53: {  	_ = 	snop  }
0x54: {  	[tilespmem:s23], [sflag:$0x3] =	stream.indirect.gather [hbm4b:s3+s18], $0x80, s22, s18, $0xb8;
	[tilespmem:$0x1DE00] =	vst v63  }
0x55: {  	_ =	swait.ge [sflag:s24], $0x2800  }
0x56: {  	[sflag:s24] =	ssyncset.done $0x0  }
0x57: {  	s1 =	simm.s32 $0x140F0;
	[sflag:s24] =	ssyncadd.s32 $0xFFFFD800  }
0x58: {  	[tilespmem:s19], [sflag:$0x1] =	stream.indirect.gather [hbm4b:s3+s18], $0x80, s1, s18, $0xb8;
	[tilespmem:$0x1DE00] =	vst v63  }
0x59: {  	_ =	swait.ge [sflag:s25], $0x2800  }
0x5a: {  	[sflag:s25] =	ssyncset.done $0x0  }
0x5b: {  	s1 =	simm.s32 $0x14140;
	[sflag:s25] =	ssyncadd.s32 $0xFFFFD800  }
0x5c: {  	[tilespmem:s21], [sflag:$0x2] =	stream.indirect.gather [hbm4b:s3+s18], $0x80, s1, s18, $0xb8;
	[tilespmem:$0x1DE00] =	vst v63  }
0x5d: {  	_ =	swait.ge [sflag:s26], $0x2800  }
0x5e: {  	[sflag:s26] =	ssyncset.done $0x0  }
0x5f: {  	s31 =	simm.s32 $0xFFFFBC80;
	s0 =	simm.s32 $0x14190;
	[sflag:s26] =	ssyncadd.s32 $0xFFFFD800  }
.LBB2_4:
0x60: {  	[tilespmem:s23], [sflag:$0x3] =	stream.indirect.gather [hbm4b:s3+s18], $0x80, s0, s18, $0xb8;
	[tilespmem:$0x1DE00] =	vst v63  }
0x61: {  	s0 =	smov.u32 s31  }
0x62: {  	p0 =	sne.s32 s31, $0xFFFFFC40;
	s31 =	sadd.s32 $0x3C0, s31;
	_ =	swait.ge [sflag:s24], $0x2800  }
0x63: {  	s0 =	sshra.s32 s0, $0x2;
	[sflag:s24] =	ssyncset.done $0x0  }
0x64: {  	s1 =	sadd.s32 $0x152C0, s0;
	[sflag:s24] =	ssyncadd.s32 $0xFFFFD800  }
0x65: {  	[tilespmem:s19], [sflag:$0x1] =	stream.indirect.gather [hbm4b:s3+s18], $0x80, s1, s18, $0xb8;
	[tilespmem:$0x1DE00] =	vst v63  }
0x66: {  	_ =	swait.ge [sflag:s25], $0x2800  }
0x67: {  	[sflag:s25] =	ssyncset.done $0x0  }
.Ltmp1:
0x68: {  	s1 =	sadd.s32 $0x15310, s0;
	[sflag:s25] =	ssyncadd.s32 $0xFFFFD800;
	(pc) =	sbr.rel @p0 .LBB2_4-.Ltmp1, $4  }
0x69: {  	[tilespmem:s21], [sflag:$0x2] =	stream.indirect.gather [hbm4b:s3+s18], $0x80, s1, s18, $0xb8;
	[tilespmem:$0x1DE00] =	vst v63  }
0x6a: {  	_ =	swait.ge [sflag:s26], $0x2800  }
0x6b: {  	[sflag:s26] =	ssyncset.done $0x0  }
0x6c: {  	s0 =	sadd.s32 $0x15360, s0;
	[sflag:s26] =	ssyncadd.s32 $0xFFFFD800  }
0x6d: {  	[tilespmem:s23], [sflag:$0x3] =	stream.indirect.gather [hbm4b:s3+s18], $0x80, s0, s18, $0xb8;
	[tilespmem:$0x1DE00] =	vst v63  }
0x6e: {  	_ =	swait.ge [sflag:s24], $0x2800  }
0x6f: {  	[sflag:s24] =	ssyncset.done $0x0  }
0x70: {  	[sflag:s24] =	ssyncadd.s32 $0xFFFFD800  }
0x71: {  	_ =	swait.ge [sflag:s25], $0x2800  }
0x72: {  	[sflag:s25] =	ssyncset.done $0x0  }
0x73: {  	[sflag:s25] =	ssyncadd.s32 $0xFFFFD800  }
0x74: {  	_ =	swait.ge [sflag:s26], $0x2800  }
0x75: {  	[sflag:s26] =	ssyncset.done $0x0  }
0x76: {  	[sflag:s26] =	ssyncadd.s32 $0xFFFFD800  }
0x77: {  	[tilespmem:s16], [sflag:$0x4] =	stream.linear.gather [hbm4b:s10+s2], $0x190, $0x38;
	[tilespmem:$0x1DE00] =	vst v63  }
0x78: {  	_ =	swait.ge [sflag:s15], $0x190  }
0x79: {  	[sflag:s15] =	ssyncset.done $0x0  }
0x7a: {  	[sflag:s15] =	ssyncadd.s32 $0xFFFFFE70  }
0x7b: {  	[tilespmem:s17], [sflag:$0x4] =	stream.linear.gather [hbm4b:s11+s2], $0x190, $0x38;
	[tilespmem:$0x1DE00] =	vst v63  }
0x7c: {  	_ =	swait.ge [sflag:s15], $0x190  }
0x7d: {  	[sflag:s15] =	ssyncset.done $0x0  }
0x7e: {  	[sflag:s15] =	ssyncadd.s32 $0xFFFFFE70  }
0x7f: {  	[tilespmem:s19], [sflag:$0x1] =	stream.indirect.gather [hbm4b:s3+s18], $0x80, s16, s18, $0xb8;
	[tilespmem:$0x1DE00] =	vst v63  }
0x80: {  	_ = 	snop  }
0x81: {  	[tilespmem:s21], [sflag:$0x2] =	stream.indirect.gather [hbm4b:s3+s18], $0x80, s20, s18, $0xb8;
	[tilespmem:$0x1DE00] =	vst v63  }
0x82: {  	_ = 	snop  }
0x83: {  	[tilespmem:s23], [sflag:$0x3] =	stream.indirect.gather [hbm4b:s3+s18], $0x80, s22, s18, $0xb8;
	[tilespmem:$0x1DE00] =	vst v63  }
0x84: {  	_ =	swait.ge [sflag:s24], $0x2800  }
0x85: {  	[sflag:s24] =	ssyncset.done $0x0  }
0x86: {  	[sflag:s24] =	ssyncadd.s32 $0xFFFFD800  }
0x87: {  	[tilespmem:s19], [sflag:$0x1] =	stream.indirect.gather [hbm4b:s3+s18], $0x80, s28, s18, $0xb8;
	[tilespmem:$0x1DE00] =	vst v63  }
0x88: {  	_ =	swait.ge [sflag:s25], $0x2800  }
0x89: {  	[sflag:s25] =	ssyncset.done $0x0  }
0x8a: {  	[sflag:s25] =	ssyncadd.s32 $0xFFFFD800  }
0x8b: {  	[tilespmem:s21], [sflag:$0x2] =	stream.indirect.gather [hbm4b:s3+s18], $0x80, s29, s18, $0xb8;
	[tilespmem:$0x1DE00] =	vst v63  }
0x8c: {  	_ =	swait.ge [sflag:s26], $0x2800  }
0x8d: {  	[sflag:s26] =	ssyncset.done $0x0  }
0x8e: {  	[sflag:s26] =	ssyncadd.s32 $0xFFFFD800  }
0x8f: {  	_ =	swait.ge [sflag:s24], $0x2800  }
0x90: {  	[sflag:s24] =	ssyncset.done $0x0  }
0x91: {  	[sflag:s24] =	ssyncadd.s32 $0xFFFFD800  }
0x92: {  	_ =	swait.ge [sflag:s25], $0x2800  }
0x93: {  	s30 =	sadd.s32 $0x1, s30;
	[sflag:s25] =	ssyncset.done $0x0  }
0x94: {  	p0 =	sne.s32 s30, s13;
	[sflag:s25] =	ssyncadd.s32 $0xFFFFD800  }
.Ltmp2:
0x95: {  	[bflag:$0x0] =	sbarrier.arrive $0xFFFF;
	(pc) =	sbr.rel @p0 .LBB2_1-.Ltmp2, $4  }
0x96: {  	[hbm:s12], [sflag:s5] =	dma.local [spmem:s14], $0x2800  }
0x97: {  	_ =	swait.ge [sflag:s15], $0x2800  }
0x98: {  	[sflag:s15] =	ssyncset.done $0x0  }
0x99: {  	[sflag:s15] =	ssyncadd.s32 $0xFFFFD800  }
0x9a: {  	_ =	sfence.sel $0x180000  }
0x9b: {  	[bflag:$0x0] =	sbarrier.arrive $0xFFFF  }
0x9c: {  	_ =	strace $0x9000004A  }
0x9d: {  	s0 =	stileid.u32;
	[bflag:$0x2] =	sbarrier.arrive $0xFFFF  }
0x9e: {  	p0 =	sne.s32 s0, $0x0;
	s0 =	rddreg [dreg:$0x2]  }
0x9f: {  	s0 =	sadd.s32 @!p0 $0x100000, s0  }
0xa0: {  	[sflag:s0] =	ssyncadd.tile.s32 @!p0 $0x1;
	_ =	shalt  }
.Lfunc_end2:
_tile_overlayer_lowered:
.L_overlay_start_2:
0xa1: {  	(tag) =	ssettag $0x2  }
0xa2: {  	s0 =	rddreg [dreg:$0x0];
	s2 =	stileid.u32  }
0xa3: {  	s1 =	rddreg [dreg:$0x1];
	p0 =	sne.s32 s2, $0x0  }
0xa4: {  	s3 =	rddreg [dreg:$0x2];
	[bflag:$0x3] =	sbarrier.arrive $0xFFFF;
	s2 =	simm.s32 @!p0 $0x1C04  }
0xa5: {  	[timem:s3], [sflag:s2] =	dma.local @!p0 [hbm:s0], s1  }
0xa6: {  	s0 =	simm.s32 @!p0 $0x4  }
0xa7: {  	_ =	swait.ge @!p0 [sflag:s0], s1  }
0xa8: {  	s1 =	ssub.s32 @!p0 $0x0, s1;
	[sflag:s0] =	ssyncset.done @!p0 $0x0  }
0xa9: {  	[sflag:s0] =	ssyncadd.s32 @!p0 s1  }
0xaa: {  	[bflag:$0x3] =	sbarrier.arrive $0xFFFF  }
0xab: {  	_ =	shalt  }

// kernel: kernel.18.cloned.1.call-start
scs
__scs_entry_jumppad:
0x0: {  	(pc) =	sbr.rel $0x88, $3  }
0x1: {  	(tag) =	ssettag $0x0;
	lr =	simm.s32 $0x1  }
0x2: {  	[smem:$0x3F94] =	sst lr;
	_ =	strace $0xD0000000  }
0x3: {  	_ = 	snop  }
0x4: {  	_ = 	snop  }
0x5: {  	_ = 	snop  }
0x6: {  	_ = 	snop  }
0x7: {  	_ = 	snop  }
__scs_overlays_trampoline_lowered:
0x8: {  	[smem:$0x3FA3] =	sst s0  }
0x9: {  	[smem:$0x3FA4] =	sst s1  }
0xa: {  	[smem:$0x3FA5] =	sst s2  }
0xb: {  	[smem:$0x3FA6] =	sst s3  }
0xc: {  	[smem:$0x3FA7] =	sst s4  }
0xd: {  	[smem:$0x3FA8] =	sst s5  }
0xe: {  	[smem:$0x3FA9] =	sst s6  }
0xf: {  	[smem:$0x3FAA] =	sst s7  }
0x10: {  	[smem:$0x3FAB] =	sst s8  }
0x11: {  	[smem:$0x3FAC] =	sst s9;
	s0 =	simm.s32 @!p0 $0x0  }
0x12: {  	s1 =	sld [smem:$0x3F92];
	s0 =	simm.s32 @p0 $0x1  }
0x13: {  	[smem:$0x3FAD] =	sst s0;
	s0 =	simm.s32 @!p1 $0x0  }
0x14: {  	s2 =	sld [smem:$0x3F91];
	s0 =	simm.s32 @p1 $0x1  }
0x15: {  	[smem:$0x3FAE] =	sst s0;
	s0 =	simm.s32 @!p2 $0x0  }
0x16: {  	s3 =	sld [smem:$0x3FDB];
	s0 =	simm.s32 @p2 $0x1  }
0x17: {  	s4 =	simm.s32 $0x1BF5;
	[smem:$0x3FB0] =	sst s0  }
0x18: {  	s0 =	sld [smem:$0x3F93];
	_ =	swait.ge [sflag:s4], $0x0  }
0x19: {  	s7 =	sld [smem:$0x3F94]  }
0x1a: {  	s8 =	sadd.s32 $0xFFFFE003, lr  }
0x1b: {  	s9 =	sadd.s32 $0xFFFFFEF7, lr;
	s5 =	simm.s32 $0xFFFFFFFF;
	p2 =	slt.u32 s8, $0xFFFFF086  }
0x1c: {  	p1 =	slt.u32 s9, $0xF7A;
	s5 =	simm.s32 @!p2 $0x0  }
0x1d: {  	s5 =	simm.s32 @p1 $0x1;
	p0 =	seq.s32 s7, s2  }
0x1e: {  	s7 =	smul.u32 @!p0 $0xF7A, s2;
	p2 =	seq.s32 @!p0 s5, $0x0  }
0x1f: {  	s9 =	smul.u32 $0xF7A, s1;
	s8 =	simm.s32 @!p0 $0x1BF5;
	p2 =	por !p2, p0  }
0x20: {  	[sflag:s8] =	ssyncset.s32 @!p0 $0xFFFFF086;
	s6 =	sadd.s32 @!p0 s3, s7;
	s7 =	simm.s32 @!p0 $0x108  }
0x21: {  	s3 =	sadd.s32 s3, s9;
	s6 =	sadd.s32 @!p0 $0x88, s6;
	s7 =	simm.s32 @p2 $0x1082  }
0x22: {  	[simem:s7], [sflag:s8] =	dma.local @!p0 [hbm:s6], $0xF7A  }
0x23: {  	s9 =	sor.u32 $0xD0000000, s2;
	s6 =	simm.s32 $0x108;
	_ =	swait.ge @!p0 [sflag:s8], $0x0  }
0x24: {  	s3 =	sadd.s32 $0x88, s3;
	s6 =	simm.s32 @!p1 $0x1082;
	[sflag:s4] =	ssyncset.s32 $0xFFFFF086  }
0x25: {  	[simem:s6], [sflag:s4] =	dma.local [hbm:s3], $0xF7A  }
0x26: {  	[smem:$0x3F94] =	sst s1;
	(tag) =	ssettag s2;
	_ =	strace s9  }
0x27: {  	s1 =	sld [smem:$0x3FA4]  }
0x28: {  	s2 =	sld [smem:$0x3FA5]  }
0x29: {  	s4 =	sld [smem:$0x3FA7]  }
0x2a: {  	p0 =	seq.s32 s5, $0x0;
	s5 =	sld [smem:$0x3FA8]  }
0x2b: {  	s6 =	sld [smem:$0x3FA9]  }
0x2c: {  	s7 =	sld [smem:$0x3FAA]  }
0x2d: {  	s3 =	simm.s32 $0x108;
	s8 =	sld [smem:$0x3FAB]  }
0x2e: {  	s3 =	simm.s32 @!p0 $0x1082;
	s9 =	sld [smem:$0x3FAC]  }
0x2f: {  	lr =	sadd.s32 s0, s3;
	s0 =	sld [smem:$0x3FA3]  }
0x30: {  	s3 =	sld [smem:$0x3FA6]  }
0x31: {  	[smem:$0x3FAF] =	sst s10  }
0x32: {  	s10 =	sld [smem:$0x3FAD];
	_ =	sdelay $0x3  }
0x33: {  	p0 =	seq.s32 s10, $0x1;
	s10 =	sld [smem:$0x3FAF];
	_ =	sdelay $0x3  }
0x34: {  	[smem:$0x3FAF] =	sst s10  }
0x35: {  	s10 =	sld [smem:$0x3FAE];
	_ =	sdelay $0x3  }
0x36: {  	p1 =	seq.s32 s10, $0x1;
	s10 =	sld [smem:$0x3FAF];
	_ =	sdelay $0x3  }
0x37: {  	[smem:$0x3FAF] =	sst s10  }
0x38: {  	s10 =	sld [smem:$0x3FB0]  }
0x39: {  	_ = 	snop;
	(pc) =	sbr.ind lr, $3  }
0x3a: {  	_ = 	snop  }
0x3b: {  	_ = 	snop  }
0x3c: {  	p2 =	seq.s32 s10, $0x1;
	s10 =	sld [smem:$0x3FAF]  }
0x3d: {  	_ =	shalt  }
0x3e: {  	_ =	shalt  }
0x3f: {  	_ =	shalt  }
0x40: {  	_ =	shalt  }
0x41: {  	_ =	shalt  }
0x42: {  	_ =	shalt  }
0x43: {  	_ =	shalt  }
0x44: {  	_ =	shalt  }
0x45: {  	_ =	shalt  }
0x46: {  	_ =	shalt  }
0x47: {  	_ =	shalt  }
0x48: {  	_ =	shalt  }
0x49: {  	_ =	shalt  }
0x4a: {  	_ =	shalt  }
0x4b: {  	_ =	shalt  }
0x4c: {  	_ =	shalt  }
0x4d: {  	_ =	shalt  }
0x4e: {  	_ =	shalt  }
0x4f: {  	_ =	shalt  }
0x50: {  	_ =	shalt  }
0x51: {  	_ =	shalt  }
0x52: {  	_ =	shalt  }
0x53: {  	_ =	shalt  }
0x54: {  	_ =	shalt  }
0x55: {  	_ =	shalt  }
0x56: {  	_ =	shalt  }
0x57: {  	_ =	shalt  }
0x58: {  	_ =	shalt  }
0x59: {  	_ =	shalt  }
0x5a: {  	_ =	shalt  }
0x5b: {  	_ =	shalt  }
0x5c: {  	_ =	shalt  }
0x5d: {  	_ =	shalt  }
0x5e: {  	_ =	shalt  }
0x5f: {  	_ =	shalt  }
0x60: {  	_ =	shalt  }
0x61: {  	_ =	shalt  }
0x62: {  	_ =	shalt  }
0x63: {  	_ =	shalt  }
0x64: {  	_ =	shalt  }
0x65: {  	_ =	shalt  }
0x66: {  	_ =	shalt  }
0x67: {  	_ =	shalt  }
0x68: {  	_ =	shalt  }
0x69: {  	_ =	shalt  }
0x6a: {  	_ =	shalt  }
0x6b: {  	_ =	shalt  }
0x6c: {  	_ =	shalt  }
0x6d: {  	_ =	shalt  }
0x6e: {  	_ =	shalt  }
0x6f: {  	_ =	shalt  }
0x70: {  	_ =	shalt  }
0x71: {  	_ =	shalt  }
0x72: {  	_ =	shalt  }
0x73: {  	_ =	shalt  }
0x74: {  	_ =	shalt  }
0x75: {  	_ =	shalt  }
0x76: {  	_ =	shalt  }
0x77: {  	_ =	shalt  }
0x78: {  	_ =	shalt  }
0x79: {  	_ =	shalt  }
0x7a: {  	_ =	shalt  }
0x7b: {  	_ =	shalt  }
0x7c: {  	_ =	shalt  }
0x7d: {  	_ =	shalt  }
0x7e: {  	_ =	shalt  }
0x7f: {  	_ =	shalt  }
0x80: {  	_ =	shalt  }
0x81: {  	_ =	shalt  }
0x82: {  	_ =	shalt  }
0x83: {  	_ =	shalt  }
0x84: {  	_ =	shalt  }
0x85: {  	_ =	shalt  }
0x86: {  	_ =	shalt  }
0x87: {  	_ =	shalt  }
.Lfunc_end0:
.L_simem_size_0:
called_computation.2_lowered:
.L_overlay_start_0:
0x88: {  	s2 =	sld [smem:$0x3FD9]  }
0x89: {  	s3 =	sld [smem:$0x3FFE];
	_ =	sdelay $0x1  }
0x8a: {  	s1 =	srdreg.scid  }
0x8b: {  	s0 =	sand.u32 $0x1, s1  }
0x8c: {  	s16 =	sshll.u32 s0, $0xA;
	s2 =	sadd.s32 s3, s2  }
0x8d: {  	s2 =	sadd.s32 s2, s16  }
0x8e: {  	[smem:$0x3FBB] =	sst s2  }
0x8f: {  	_ = 	snop  }
0x90: {  	(tm) =	ssettm $0x1  }
0x91: {  	s17 =	sld [smem:$0x3FFB];
	_ =	sdelay $0x3  }
0x92: {  	_ =	strace s17  }
0x93: {  	s2 =	sld [smem:$0x3FFC];
	_ =	sdelay $0x3  }
0x94: {  	_ =	strace s2  }
0x95: {  	s2 =	sld [smem:$0x3FFD];
	_ =	sdelay $0x3  }
0x96: {  	_ =	strace s2  }
0x97: {  	_ =	strace $0x8FFFFFFF  }
0x98: {  	s18 =	sld [smem:$0x3FDB];
	_ =	sdelay $0x1  }
0x99: {  	s19 =	simm.s32 $_scs_section_size  }
0x9a: {  	s4 =	simm.s32 $_size__tile_overlayer_lowered;
	s5 =	simm.s32 $_tile_overlayer_lowered  }
0x9b: {  	s22 =	simm.s32 $0x1BFF;
	s21 =	sshll.u32 s5, $0x1;
	s2 =	sadd.s32 s19, s18  }
0x9c: {  	s6 =	simm.s32 $0x0;
	s20 =	sshll.u32 s4, $0x1;
	s4 =	sadd.s32 s21, s2  }
0x9d: {  	[timem:s6], [sflag:s22] =	dma.local [hbm:s4], s20  }
0x9e: {  	_ =	swait.ge [sflag:s22], s20  }
0x9f: {  	s3 =	ssub.s32 $0x0, s20;
	[sflag:s22] =	ssyncset.done $0x0  }
0xa0: {  	[sflag:s22] =	ssyncadd.s32 s3;
	_ =	sdelay $0x1  }
0xa1: {  	s23 =	simm.s32 $0x1B8B  }
0xa2: {  	_ =	swait.ge [sflag:s23], $0x1  }
0xa3: {  	[sflag:s23] =	ssyncset.done $0x0  }
0xa4: {  	s25 =	simm.s32 $0x1B8E;
	s24 =	sld [smem:$0x3FFE];
	[sflag:s23] =	ssyncadd.s32 $0xFFFFFFFF  }
0xa5: {  	s26 =	simm.s32 $execute0_lowered;
	[smem:$0x3FD2] =	sst s25  }
0xa6: {  	s4 =	sshll.u32 s26, $0x1;
	_ =	strace $0x8000004C;
	[dreg:$0x1] =	wrdreg $0xFFFFFFFF  }
0xa7: {  	s28 =	simm.s32 $_size_execute0_lowered;
	s2 =	sadd.s32 s2, s4;
	[dreg:$0x0] =	wrdreg $0x0  }
0xa8: {  	s4 =	sshll.u32 s28, $0x1;
	[dreg:$0x2] =	wrdreg s2  }
0xa9: {  	[dreg:$0x3] =	wrdreg s4  }
0xaa: {  	[dreg:$0x4] =	wrdreg $0xC0  }
0xab: {  	_ =	task [dreg:s6], $0x5FFFF  }
0xac: {  	[dreg:$0x1] =	wrdreg $0xFFFFFFFF  }
0xad: {  	[dreg:$0x0] =	wrdreg $0x60  }
0xae: {  	[dreg:$0x2] =	wrdreg s24  }
0xaf: {  	[dreg:$0x3] =	wrdreg $0x0  }
0xb0: {  	[dreg:$0x4] =	wrdreg $0x9  }
0xb1: {  	_ =	task.clear_ibuf [dreg:s6], $0x5FFFF;
	_ =	strace $0x9000004C  }
0xb2: {  	s29 =	simm.s32 $0x9;
	_ =	strace $0x8000004E  }
0xb3: {  	_ =	swait.ge [sflag:s29], $0x1  }
0xb4: {  	[sflag:s29] =	ssyncadd.s32 $0xFFFFFFFF  }
0xb5: {  	_ =	strace $0x9000004E  }
0xb6: {  	_ =	sfence  }
0xb7: {  	s30 =	sld [smem:$0x0];
	_ =	sdelay $0x2  }
0xb8: {  	s31 =	sshll.u32 s1, $0xD;
	s1 =	sshrl.u32 s1, $0x2  }
0xb9: {  	s3 =	sand.u32 $0x4000, s31;
	s1 =	sadd.s32 s1, s30  }
0xba: {  	s0 =	sor.u32 s3, s0;
	s1 =	sshll.u32 s1, $0x11  }
0xbb: {  	s0 =	sor.u32 s1, s0  }
0xbc: {  	s0 =	sadd.s32 $0x8F2B, s0  }
0xbd: {  	[sflag:s0] =	ssyncadd.remote.s32 $0x1  }
0xbe: {  	_ =	sfence.sel $0xFFFF  }
0xbf: {  	[dreg:$0x0] =	wrdreg $0xFFFFFFFF;
	(pc) =	sbr.abs _section_cstart, $3  }
0xc0: {  	[dreg:$0x1] =	wrdreg $0xFFFFFFFF  }
0xc1: {  	_ =	task.clear_ibuf [dreg:s6], $0x2FFFF;
	_ =	strace $0x9FFFFFFF  }
0xc2: {  	(tm) =	ssettm $0x7FFFFFFF  }
0xc3: {  	_ =	shalt  }
tec
execute0_lowered:
.L_overlay_start_1:
0x0: {  	(tag) =	ssettag $0x1  }
0x1: {  	s0 =	rddreg [dreg:$0x0]  }
0x2: {  	s5 =	rddreg [dreg:$0x1];
	s2 =	simm.s32 $0x0;
	s1 =	srdreg.scid  }
0x3: {  	s22 =	stileid.u32;
	s16 =	simm.s32 $0x14000;
	s17 =	simm.s32 $0x15300  }
0x4: {  	s18 =	simm.s32 $0x50;
	s19 =	simm.s32 $0x16600;
	s20 =	simm.s32 $0x14050  }
0x5: {  	s21 =	simm.s32 $0x18E00;
	s28 =	simm.s32 $0x140F0;
	s29 =	simm.s32 $0x14140  }
0x6: {  	s30 =	simm.s32 $0x0;
	[smem:$0x7FF] =	sst s2;
	s6 =	sand.u32 $0x1, s1  }
0x7: {  	s8 =	smul.u32 $0x14000, s22;
	s3 =	sadd.s32 $0x18C00, s0;
	s10 =	sadd.s32 $0xEE00, s0  }
0x8: {  	s11 =	sadd.s32 $0x5000, s0;
	s4 =	sadd.s32 $0x92800, s0;
	s9 =	smul.u32 $0x50000, s22  }
0x9: {  	s7 =	smul.u32 $0x140000, s6;
	s23 =	sshll.u32 s6, $0x4;
	s6 =	ssub.s32 $0x2, s6  }
0xa: {  	s25 =	sshll.u32 s22, $0x6;
	_ =	strace $0x8000004D;
	s12 =	sshrl.u32 s6, $0x1  }
0xb: {  	s24 =	sshrl.u32 s9, $0x2;
	s7 =	sadd.s32 s8, s7;
	s8 =	sor.u32 s22, s23  }
0xc: {  	s13 =	ssub.s32 s6, s12;
	s14 =	sadd.s32 s24, s5;
	s5 =	sor.u32 $0x1C04, s25  }
0xd: {  	s22 =	simm.s32 $0x140A0;
	s23 =	simm.s32 $0x1B600;
	s8 =	smul.u32 $0x2710, s8  }
0xe: {  	s24 =	simm.s32 $0x1;
	s25 =	simm.s32 $0x2;
	s7 =	sshrl.u32 s7, $0x3  }
0xf: {  	s13 =	smax.u32 s13, $0x1;
	s0 =	sadd.s32 s7, s0;
	s26 =	sshrl.u32 s8, $0x3  }
0x10: {  	s14 =	sshrl.u32 s14, $0x3;
	s12 =	sadd.s32 $0x95000, s0;
	s6 =	sadd.s32 s10, s26  }
0x11: {  	s31 =	sadd.s32 $0x258, s26;
	s7 =	sadd.s32 s11, s26;
	s15 =	sadd.s32 $0x4B0, s26  }
0x12: {  	s26 =	simm.s32 $0x3;
	s8 =	sadd.s32 s10, s31;
	s9 =	sadd.s32 s11, s31  }
0x13: {  	s10 =	sadd.s32 s10, s15;
	s11 =	sadd.s32 s11, s15;
	s15 =	simm.s32 $0x4  }
.LBB2_1:
0x14: {  	[spmem:s14], [sflag:s5] =	dma.local [hbm:s4], $0x2800  }
0x15: {  	_ =	swait.ge [sflag:s15], $0x2800  }
0x16: {  	[sflag:s15] =	ssyncset.done $0x0  }
0x17: {  	[sflag:s15] =	ssyncadd.s32 $0xFFFFD800  }
0x18: {  	[bflag:$0x0] =	sbarrier.arrive $0xFFFF  }
0x19: {  	[tilespmem:s16], [sflag:$0x4] =	stream.linear.gather [hbm4b:s6+s2], $0x12C0, $0x38;
	[tilespmem:$0x1DE00] =	vst v63  }
0x1a: {  	_ =	swait.ge [sflag:s15], $0x12C0  }
0x1b: {  	[sflag:s15] =	ssyncset.done $0x0  }
0x1c: {  	[sflag:s15] =	ssyncadd.s32 $0xFFFFED40  }
0x1d: {  	[tilespmem:s17], [sflag:$0x4] =	stream.linear.gather [hbm4b:s7+s2], $0x12C0, $0x38;
	[tilespmem:$0x1DE00] =	vst v63  }
0x1e: {  	_ =	swait.ge [sflag:s15], $0x12C0  }
0x1f: {  	[sflag:s15] =	ssyncset.done $0x0  }
0x20: {  	[sflag:s15] =	ssyncadd.s32 $0xFFFFED40  }
0x21: {  	[tilespmem:s19], [sflag:$0x1] =	stream.indirect.gather [hbm4b:s3+s18], $0x80, s16, s18, $0xb8;
	[tilespmem:$0x1DE00] =	vst v63  }
0x22: {  	_ = 	snop  }
0x23: {  	[tilespmem:s21], [sflag:$0x2] =	stream.indirect.gather [hbm4b:s3+s18], $0x80, s20, s18, $0xb8;
	[tilespmem:$0x1DE00] =	vst v63  }
0x24: {  	_ = 	snop  }
0x25: {  	[tilespmem:s23], [sflag:$0x3] =	stream.indirect.gather [hbm4b:s3+s18], $0x80, s22, s18, $0xb8;
	[tilespmem:$0x1DE00] =	vst v63  }
0x26: {  	_ =	swait.ge [sflag:s24], $0x2800  }
0x27: {  	[sflag:s24] =	ssyncset.done $0x0  }
0x28: {  	s0 =	simm.s32 $0x140F0;
	[sflag:s24] =	ssyncadd.s32 $0xFFFFD800  }
0x29: {  	[tilespmem:s19], [sflag:$0x1] =	stream.indirect.gather [hbm4b:s3+s18], $0x80, s0, s18, $0xb8;
	[tilespmem:$0x1DE00] =	vst v63  }
0x2a: {  	_ =	swait.ge [sflag:s25], $0x2800  }
0x2b: {  	[sflag:s25] =	ssyncset.done $0x0  }
0x2c: {  	s1 =	simm.s32 $0x14140;
	[sflag:s25] =	ssyncadd.s32 $0xFFFFD800  }
0x2d: {  	[tilespmem:s21], [sflag:$0x2] =	stream.indirect.gather [hbm4b:s3+s18], $0x80, s1, s18, $0xb8;
	[tilespmem:$0x1DE00] =	vst v63  }
0x2e: {  	_ =	swait.ge [sflag:s26], $0x2800  }
0x2f: {  	[sflag:s26] =	ssyncset.done $0x0  }
0x30: {  	s31 =	simm.s32 $0xFFFFBC80;
	s0 =	simm.s32 $0x14190;
	[sflag:s26] =	ssyncadd.s32 $0xFFFFD800  }
.LBB2_2:
0x31: {  	[tilespmem:s23], [sflag:$0x3] =	stream.indirect.gather [hbm4b:s3+s18], $0x80, s0, s18, $0xb8;
	[tilespmem:$0x1DE00] =	vst v63  }
0x32: {  	s0 =	smov.u32 s31  }
0x33: {  	p0 =	sne.s32 s31, $0xFFFFFC40;
	s31 =	sadd.s32 $0x3C0, s31;
	_ =	swait.ge [sflag:s24], $0x2800  }
0x34: {  	s0 =	sshra.s32 s0, $0x2;
	[sflag:s24] =	ssyncset.done $0x0  }
0x35: {  	s1 =	sadd.s32 $0x152C0, s0;
	[sflag:s24] =	ssyncadd.s32 $0xFFFFD800  }
0x36: {  	[tilespmem:s19], [sflag:$0x1] =	stream.indirect.gather [hbm4b:s3+s18], $0x80, s1, s18, $0xb8;
	[tilespmem:$0x1DE00] =	vst v63  }
0x37: {  	_ =	swait.ge [sflag:s25], $0x2800  }
0x38: {  	[sflag:s25] =	ssyncset.done $0x0  }
.Ltmp0:
0x39: {  	s1 =	sadd.s32 $0x15310, s0;
	[sflag:s25] =	ssyncadd.s32 $0xFFFFD800;
	(pc) =	sbr.rel @p0 .LBB2_2-.Ltmp0, $4  }
0x3a: {  	[tilespmem:s21], [sflag:$0x2] =	stream.indirect.gather [hbm4b:s3+s18], $0x80, s1, s18, $0xb8;
	[tilespmem:$0x1DE00] =	vst v63  }
0x3b: {  	_ =	swait.ge [sflag:s26], $0x2800  }
0x3c: {  	[sflag:s26] =	ssyncset.done $0x0  }
0x3d: {  	s0 =	sadd.s32 $0x15360, s0;
	[sflag:s26] =	ssyncadd.s32 $0xFFFFD800  }
0x3e: {  	[tilespmem:s23], [sflag:$0x3] =	stream.indirect.gather [hbm4b:s3+s18], $0x80, s0, s18, $0xb8;
	[tilespmem:$0x1DE00] =	vst v63  }
0x3f: {  	_ =	swait.ge [sflag:s24], $0x2800  }
0x40: {  	[sflag:s24] =	ssyncset.done $0x0  }
0x41: {  	[sflag:s24] =	ssyncadd.s32 $0xFFFFD800  }
0x42: {  	_ =	swait.ge [sflag:s25], $0x2800  }
0x43: {  	[sflag:s25] =	ssyncset.done $0x0  }
0x44: {  	[sflag:s25] =	ssyncadd.s32 $0xFFFFD800  }
0x45: {  	_ =	swait.ge [sflag:s26], $0x2800  }
0x46: {  	[sflag:s26] =	ssyncset.done $0x0  }
0x47: {  	[sflag:s26] =	ssyncadd.s32 $0xFFFFD800  }
0x48: {  	[tilespmem:s16], [sflag:$0x4] =	stream.linear.gather [hbm4b:s8+s2], $0x12C0, $0x38;
	[tilespmem:$0x1DE00] =	vst v63  }
0x49: {  	_ =	swait.ge [sflag:s15], $0x12C0  }
0x4a: {  	[sflag:s15] =	ssyncset.done $0x0  }
0x4b: {  	[sflag:s15] =	ssyncadd.s32 $0xFFFFED40  }
0x4c: {  	[tilespmem:s17], [sflag:$0x4] =	stream.linear.gather [hbm4b:s9+s2], $0x12C0, $0x38;
	[tilespmem:$0x1DE00] =	vst v63  }
0x4d: {  	_ =	swait.ge [sflag:s15], $0x12C0  }
0x4e: {  	[sflag:s15] =	ssyncset.done $0x0  }
0x4f: {  	[sflag:s15] =	ssyncadd.s32 $0xFFFFED40  }
0x50: {  	[tilespmem:s19], [sflag:$0x1] =	stream.indirect.gather [hbm4b:s3+s18], $0x80, s16, s18, $0xb8;
	[tilespmem:$0x1DE00] =	vst v63  }
0x51: {  	_ = 	snop  }
0x52: {  	[tilespmem:s21], [sflag:$0x2] =	stream.indirect.gather [hbm4b:s3+s18], $0x80, s20, s18, $0xb8;
	[tilespmem:$0x1DE00] =	vst v63  }
0x53: {  	_ = 	snop  }
0x54: {  	[tilespmem:s23], [sflag:$0x3] =	stream.indirect.gather [hbm4b:s3+s18], $0x80, s22, s18, $0xb8;
	[tilespmem:$0x1DE00] =	vst v63  }
0x55: {  	_ =	swait.ge [sflag:s24], $0x2800  }
0x56: {  	[sflag:s24] =	ssyncset.done $0x0  }
0x57: {  	s1 =	simm.s32 $0x140F0;
	[sflag:s24] =	ssyncadd.s32 $0xFFFFD800  }
0x58: {  	[tilespmem:s19], [sflag:$0x1] =	stream.indirect.gather [hbm4b:s3+s18], $0x80, s1, s18, $0xb8;
	[tilespmem:$0x1DE00] =	vst v63  }
0x59: {  	_ =	swait.ge [sflag:s25], $0x2800  }
0x5a: {  	[sflag:s25] =	ssyncset.done $0x0  }
0x5b: {  	s1 =	simm.s32 $0x14140;
	[sflag:s25] =	ssyncadd.s32 $0xFFFFD800  }
0x5c: {  	[tilespmem:s21], [sflag:$0x2] =	stream.indirect.gather [hbm4b:s3+s18], $0x80, s1, s18, $0xb8;
	[tilespmem:$0x1DE00] =	vst v63  }
0x5d: {  	_ =	swait.ge [sflag:s26], $0x2800  }
0x5e: {  	[sflag:s26] =	ssyncset.done $0x0  }
0x5f: {  	s31 =	simm.s32 $0xFFFFBC80;
	s0 =	simm.s32 $0x14190;
	[sflag:s26] =	ssyncadd.s32 $0xFFFFD800  }
.LBB2_4:
0x60: {  	[tilespmem:s23], [sflag:$0x3] =	stream.indirect.gather [hbm4b:s3+s18], $0x80, s0, s18, $0xb8;
	[tilespmem:$0x1DE00] =	vst v63  }
0x61: {  	s0 =	smov.u32 s31  }
0x62: {  	p0 =	sne.s32 s31, $0xFFFFFC40;
	s31 =	sadd.s32 $0x3C0, s31;
	_ =	swait.ge [sflag:s24], $0x2800  }
0x63: {  	s0 =	sshra.s32 s0, $0x2;
	[sflag:s24] =	ssyncset.done $0x0  }
0x64: {  	s1 =	sadd.s32 $0x152C0, s0;
	[sflag:s24] =	ssyncadd.s32 $0xFFFFD800  }
0x65: {  	[tilespmem:s19], [sflag:$0x1] =	stream.indirect.gather [hbm4b:s3+s18], $0x80, s1, s18, $0xb8;
	[tilespmem:$0x1DE00] =	vst v63  }
0x66: {  	_ =	swait.ge [sflag:s25], $0x2800  }
0x67: {  	[sflag:s25] =	ssyncset.done $0x0  }
.Ltmp1:
0x68: {  	s1 =	sadd.s32 $0x15310, s0;
	[sflag:s25] =	ssyncadd.s32 $0xFFFFD800;
	(pc) =	sbr.rel @p0 .LBB2_4-.Ltmp1, $4  }
0x69: {  	[tilespmem:s21], [sflag:$0x2] =	stream.indirect.gather [hbm4b:s3+s18], $0x80, s1, s18, $0xb8;
	[tilespmem:$0x1DE00] =	vst v63  }
0x6a: {  	_ =	swait.ge [sflag:s26], $0x2800  }
0x6b: {  	[sflag:s26] =	ssyncset.done $0x0  }
0x6c: {  	s0 =	sadd.s32 $0x15360, s0;
	[sflag:s26] =	ssyncadd.s32 $0xFFFFD800  }
0x6d: {  	[tilespmem:s23], [sflag:$0x3] =	stream.indirect.gather [hbm4b:s3+s18], $0x80, s0, s18, $0xb8;
	[tilespmem:$0x1DE00] =	vst v63  }
0x6e: {  	_ =	swait.ge [sflag:s24], $0x2800  }
0x6f: {  	[sflag:s24] =	ssyncset.done $0x0  }
0x70: {  	[sflag:s24] =	ssyncadd.s32 $0xFFFFD800  }
0x71: {  	_ =	swait.ge [sflag:s25], $0x2800  }
0x72: {  	[sflag:s25] =	ssyncset.done $0x0  }
0x73: {  	[sflag:s25] =	ssyncadd.s32 $0xFFFFD800  }
0x74: {  	_ =	swait.ge [sflag:s26], $0x2800  }
0x75: {  	[sflag:s26] =	ssyncset.done $0x0  }
0x76: {  	[sflag:s26] =	ssyncadd.s32 $0xFFFFD800  }
0x77: {  	[tilespmem:s16], [sflag:$0x4] =	stream.linear.gather [hbm4b:s10+s2], $0x190, $0x38;
	[tilespmem:$0x1DE00] =	vst v63  }
0x78: {  	_ =	swait.ge [sflag:s15], $0x190  }
0x79: {  	[sflag:s15] =	ssyncset.done $0x0  }
0x7a: {  	[sflag:s15] =	ssyncadd.s32 $0xFFFFFE70  }
0x7b: {  	[tilespmem:s17], [sflag:$0x4] =	stream.linear.gather [hbm4b:s11+s2], $0x190, $0x38;
	[tilespmem:$0x1DE00] =	vst v63  }
0x7c: {  	_ =	swait.ge [sflag:s15], $0x190  }
0x7d: {  	[sflag:s15] =	ssyncset.done $0x0  }
0x7e: {  	[sflag:s15] =	ssyncadd.s32 $0xFFFFFE70  }
0x7f: {  	[tilespmem:s19], [sflag:$0x1] =	stream.indirect.gather [hbm4b:s3+s18], $0x80, s16, s18, $0xb8;
	[tilespmem:$0x1DE00] =	vst v63  }
0x80: {  	_ = 	snop  }
0x81: {  	[tilespmem:s21], [sflag:$0x2] =	stream.indirect.gather [hbm4b:s3+s18], $0x80, s20, s18, $0xb8;
	[tilespmem:$0x1DE00] =	vst v63  }
0x82: {  	_ = 	snop  }
0x83: {  	[tilespmem:s23], [sflag:$0x3] =	stream.indirect.gather [hbm4b:s3+s18], $0x80, s22, s18, $0xb8;
	[tilespmem:$0x1DE00] =	vst v63  }
0x84: {  	_ =	swait.ge [sflag:s24], $0x2800  }
0x85: {  	[sflag:s24] =	ssyncset.done $0x0  }
0x86: {  	[sflag:s24] =	ssyncadd.s32 $0xFFFFD800  }
0x87: {  	[tilespmem:s19], [sflag:$0x1] =	stream.indirect.gather [hbm4b:s3+s18], $0x80, s28, s18, $0xb8;
	[tilespmem:$0x1DE00] =	vst v63  }
0x88: {  	_ =	swait.ge [sflag:s25], $0x2800  }
0x89: {  	[sflag:s25] =	ssyncset.done $0x0  }
0x8a: {  	[sflag:s25] =	ssyncadd.s32 $0xFFFFD800  }
0x8b: {  	[tilespmem:s21], [sflag:$0x2] =	stream.indirect.gather [hbm4b:s3+s18], $0x80, s29, s18, $0xb8;
	[tilespmem:$0x1DE00] =	vst v63  }
0x8c: {  	_ =	swait.ge [sflag:s26], $0x2800  }
0x8d: {  	[sflag:s26] =	ssyncset.done $0x0  }
0x8e: {  	[sflag:s26] =	ssyncadd.s32 $0xFFFFD800  }
0x8f: {  	_ =	swait.ge [sflag:s24], $0x2800  }
0x90: {  	[sflag:s24] =	ssyncset.done $0x0  }
0x91: {  	[sflag:s24] =	ssyncadd.s32 $0xFFFFD800  }
0x92: {  	_ =	swait.ge [sflag:s25], $0x2800  }
0x93: {  	s30 =	sadd.s32 $0x1, s30;
	[sflag:s25] =	ssyncset.done $0x0  }
0x94: {  	p0 =	sne.s32 s30, s13;
	[sflag:s25] =	ssyncadd.s32 $0xFFFFD800  }
.Ltmp2:
0x95: {  	[bflag:$0x0] =	sbarrier.arrive $0xFFFF;
	(pc) =	sbr.rel @p0 .LBB2_1-.Ltmp2, $4  }
0x96: {  	[hbm:s12], [sflag:s5] =	dma.local [spmem:s14], $0x2800  }
0x97: {  	_ =	swait.ge [sflag:s15], $0x2800  }
0x98: {  	[sflag:s15] =	ssyncset.done $0x0  }
0x99: {  	[sflag:s15] =	ssyncadd.s32 $0xFFFFD800  }
0x9a: {  	_ =	sfence.sel $0x180000  }
0x9b: {  	[bflag:$0x0] =	sbarrier.arrive $0xFFFF  }
0x9c: {  	_ =	strace $0x9000004D  }
0x9d: {  	s0 =	stileid.u32;
	[bflag:$0x2] =	sbarrier.arrive $0xFFFF  }
0x9e: {  	p0 =	sne.s32 s0, $0x0;
	s0 =	rddreg [dreg:$0x2]  }
0x9f: {  	s0 =	sadd.s32 @!p0 $0x100000, s0  }
0xa0: {  	[sflag:s0] =	ssyncadd.tile.s32 @!p0 $0x1;
	_ =	shalt  }
.Lfunc_end2:
_tile_overlayer_lowered:
.L_overlay_start_2:
0xa1: {  	(tag) =	ssettag $0x2  }
0xa2: {  	s0 =	rddreg [dreg:$0x0];
	s2 =	stileid.u32  }
0xa3: {  	s1 =	rddreg [dreg:$0x1];
	p0 =	sne.s32 s2, $0x0  }
0xa4: {  	s3 =	rddreg [dreg:$0x2];
	[bflag:$0x3] =	sbarrier.arrive $0xFFFF;
	s2 =	simm.s32 @!p0 $0x1C04  }
0xa5: {  	[timem:s3], [sflag:s2] =	dma.local @!p0 [hbm:s0], s1  }
0xa6: {  	s0 =	simm.s32 @!p0 $0x4  }
0xa7: {  	_ =	swait.ge @!p0 [sflag:s0], s1  }
0xa8: {  	s1 =	ssub.s32 @!p0 $0x0, s1;
	[sflag:s0] =	ssyncset.done @!p0 $0x0  }
0xa9: {  	[sflag:s0] =	ssyncadd.s32 @!p0 s1  }
0xaa: {  	[bflag:$0x3] =	sbarrier.arrive $0xFFFF  }
0xab: {  	_ =	shalt  }

// kernel: kernel.21.cloned.1.call-start
scs
__scs_entry_jumppad:
0x0: {  	(pc) =	sbr.rel $0x88, $3  }
0x1: {  	(tag) =	ssettag $0x0;
	lr =	simm.s32 $0x1  }
0x2: {  	[smem:$0x3F94] =	sst lr;
	_ =	strace $0xD0000000  }
0x3: {  	_ = 	snop  }
0x4: {  	_ = 	snop  }
0x5: {  	_ = 	snop  }
0x6: {  	_ = 	snop  }
0x7: {  	_ = 	snop  }
__scs_overlays_trampoline_lowered:
0x8: {  	[smem:$0x3FA3] =	sst s0  }
0x9: {  	[smem:$0x3FA4] =	sst s1  }
0xa: {  	[smem:$0x3FA5] =	sst s2  }
0xb: {  	[smem:$0x3FA6] =	sst s3  }
0xc: {  	[smem:$0x3FA7] =	sst s4  }
0xd: {  	[smem:$0x3FA8] =	sst s5  }
0xe: {  	[smem:$0x3FA9] =	sst s6  }
0xf: {  	[smem:$0x3FAA] =	sst s7  }
0x10: {  	[smem:$0x3FAB] =	sst s8  }
0x11: {  	[smem:$0x3FAC] =	sst s9;
	s0 =	simm.s32 @!p0 $0x0  }
0x12: {  	s1 =	sld [smem:$0x3F92];
	s0 =	simm.s32 @p0 $0x1  }
0x13: {  	[smem:$0x3FAD] =	sst s0;
	s0 =	simm.s32 @!p1 $0x0  }
0x14: {  	s2 =	sld [smem:$0x3F91];
	s0 =	simm.s32 @p1 $0x1  }
0x15: {  	[smem:$0x3FAE] =	sst s0;
	s0 =	simm.s32 @!p2 $0x0  }
0x16: {  	s3 =	sld [smem:$0x3FDB];
	s0 =	simm.s32 @p2 $0x1  }
0x17: {  	s4 =	simm.s32 $0x1BF5;
	[smem:$0x3FB0] =	sst s0  }
0x18: {  	s0 =	sld [smem:$0x3F93];
	_ =	swait.ge [sflag:s4], $0x0  }
0x19: {  	s7 =	sld [smem:$0x3F94]  }
0x1a: {  	s8 =	sadd.s32 $0xFFFFE003, lr  }
0x1b: {  	s9 =	sadd.s32 $0xFFFFFEF7, lr;
	s5 =	simm.s32 $0xFFFFFFFF;
	p2 =	slt.u32 s8, $0xFFFFF086  }
0x1c: {  	p1 =	slt.u32 s9, $0xF7A;
	s5 =	simm.s32 @!p2 $0x0  }
0x1d: {  	s5 =	simm.s32 @p1 $0x1;
	p0 =	seq.s32 s7, s2  }
0x1e: {  	s7 =	smul.u32 @!p0 $0xF7A, s2;
	p2 =	seq.s32 @!p0 s5, $0x0  }
0x1f: {  	s9 =	smul.u32 $0xF7A, s1;
	s8 =	simm.s32 @!p0 $0x1BF5;
	p2 =	por !p2, p0  }
0x20: {  	[sflag:s8] =	ssyncset.s32 @!p0 $0xFFFFF086;
	s6 =	sadd.s32 @!p0 s3, s7;
	s7 =	simm.s32 @!p0 $0x108  }
0x21: {  	s3 =	sadd.s32 s3, s9;
	s6 =	sadd.s32 @!p0 $0x88, s6;
	s7 =	simm.s32 @p2 $0x1082  }
0x22: {  	[simem:s7], [sflag:s8] =	dma.local @!p0 [hbm:s6], $0xF7A  }
0x23: {  	s9 =	sor.u32 $0xD0000000, s2;
	s6 =	simm.s32 $0x108;
	_ =	swait.ge @!p0 [sflag:s8], $0x0  }
0x24: {  	s3 =	sadd.s32 $0x88, s3;
	s6 =	simm.s32 @!p1 $0x1082;
	[sflag:s4] =	ssyncset.s32 $0xFFFFF086  }
0x25: {  	[simem:s6], [sflag:s4] =	dma.local [hbm:s3], $0xF7A  }
0x26: {  	[smem:$0x3F94] =	sst s1;
	(tag) =	ssettag s2;
	_ =	strace s9  }
0x27: {  	s1 =	sld [smem:$0x3FA4]  }
0x28: {  	s2 =	sld [smem:$0x3FA5]  }
0x29: {  	s4 =	sld [smem:$0x3FA7]  }
0x2a: {  	p0 =	seq.s32 s5, $0x0;
	s5 =	sld [smem:$0x3FA8]  }
0x2b: {  	s6 =	sld [smem:$0x3FA9]  }
0x2c: {  	s7 =	sld [smem:$0x3FAA]  }
0x2d: {  	s3 =	simm.s32 $0x108;
	s8 =	sld [smem:$0x3FAB]  }
0x2e: {  	s3 =	simm.s32 @!p0 $0x1082;
	s9 =	sld [smem:$0x3FAC]  }
0x2f: {  	lr =	sadd.s32 s0, s3;
	s0 =	sld [smem:$0x3FA3]  }
0x30: {  	s3 =	sld [smem:$0x3FA6]  }
0x31: {  	[smem:$0x3FAF] =	sst s10  }
0x32: {  	s10 =	sld [smem:$0x3FAD];
	_ =	sdelay $0x3  }
0x33: {  	p0 =	seq.s32 s10, $0x1;
	s10 =	sld [smem:$0x3FAF];
	_ =	sdelay $0x3  }
0x34: {  	[smem:$0x3FAF] =	sst s10  }
0x35: {  	s10 =	sld [smem:$0x3FAE];
	_ =	sdelay $0x3  }
0x36: {  	p1 =	seq.s32 s10, $0x1;
	s10 =	sld [smem:$0x3FAF];
	_ =	sdelay $0x3  }
0x37: {  	[smem:$0x3FAF] =	sst s10  }
0x38: {  	s10 =	sld [smem:$0x3FB0]  }
0x39: {  	_ = 	snop;
	(pc) =	sbr.ind lr, $3  }
0x3a: {  	_ = 	snop  }
0x3b: {  	_ = 	snop  }
0x3c: {  	p2 =	seq.s32 s10, $0x1;
	s10 =	sld [smem:$0x3FAF]  }
0x3d: {  	_ =	shalt  }
0x3e: {  	_ =	shalt  }
0x3f: {  	_ =	shalt  }
0x40: {  	_ =	shalt  }
0x41: {  	_ =	shalt  }
0x42: {  	_ =	shalt  }
0x43: {  	_ =	shalt  }
0x44: {  	_ =	shalt  }
0x45: {  	_ =	shalt  }
0x46: {  	_ =	shalt  }
0x47: {  	_ =	shalt  }
0x48: {  	_ =	shalt  }
0x49: {  	_ =	shalt  }
0x4a: {  	_ =	shalt  }
0x4b: {  	_ =	shalt  }
0x4c: {  	_ =	shalt  }
0x4d: {  	_ =	shalt  }
0x4e: {  	_ =	shalt  }
0x4f: {  	_ =	shalt  }
0x50: {  	_ =	shalt  }
0x51: {  	_ =	shalt  }
0x52: {  	_ =	shalt  }
0x53: {  	_ =	shalt  }
0x54: {  	_ =	shalt  }
0x55: {  	_ =	shalt  }
0x56: {  	_ =	shalt  }
0x57: {  	_ =	shalt  }
0x58: {  	_ =	shalt  }
0x59: {  	_ =	shalt  }
0x5a: {  	_ =	shalt  }
0x5b: {  	_ =	shalt  }
0x5c: {  	_ =	shalt  }
0x5d: {  	_ =	shalt  }
0x5e: {  	_ =	shalt  }
0x5f: {  	_ =	shalt  }
0x60: {  	_ =	shalt  }
0x61: {  	_ =	shalt  }
0x62: {  	_ =	shalt  }
0x63: {  	_ =	shalt  }
0x64: {  	_ =	shalt  }
0x65: {  	_ =	shalt  }
0x66: {  	_ =	shalt  }
0x67: {  	_ =	shalt  }
0x68: {  	_ =	shalt  }
0x69: {  	_ =	shalt  }
0x6a: {  	_ =	shalt  }
0x6b: {  	_ =	shalt  }
0x6c: {  	_ =	shalt  }
0x6d: {  	_ =	shalt  }
0x6e: {  	_ =	shalt  }
0x6f: {  	_ =	shalt  }
0x70: {  	_ =	shalt  }
0x71: {  	_ =	shalt  }
0x72: {  	_ =	shalt  }
0x73: {  	_ =	shalt  }
0x74: {  	_ =	shalt  }
0x75: {  	_ =	shalt  }
0x76: {  	_ =	shalt  }
0x77: {  	_ =	shalt  }
0x78: {  	_ =	shalt  }
0x79: {  	_ =	shalt  }
0x7a: {  	_ =	shalt  }
0x7b: {  	_ =	shalt  }
0x7c: {  	_ =	shalt  }
0x7d: {  	_ =	shalt  }
0x7e: {  	_ =	shalt  }
0x7f: {  	_ =	shalt  }
0x80: {  	_ =	shalt  }
0x81: {  	_ =	shalt  }
0x82: {  	_ =	shalt  }
0x83: {  	_ =	shalt  }
0x84: {  	_ =	shalt  }
0x85: {  	_ =	shalt  }
0x86: {  	_ =	shalt  }
0x87: {  	_ =	shalt  }
.Lfunc_end0:
.L_simem_size_0:
called_computation.3_lowered:
.L_overlay_start_0:
0x88: {  	s2 =	sld [smem:$0x3FD9]  }
0x89: {  	s3 =	sld [smem:$0x3FFE];
	_ =	sdelay $0x1  }
0x8a: {  	s1 =	srdreg.scid  }
0x8b: {  	s0 =	sand.u32 $0x1, s1  }
0x8c: {  	s16 =	sshll.u32 s0, $0xA;
	s2 =	sadd.s32 s3, s2  }
0x8d: {  	s2 =	sadd.s32 s2, s16  }
0x8e: {  	[smem:$0x3FBB] =	sst s2  }
0x8f: {  	_ = 	snop  }
0x90: {  	(tm) =	ssettm $0x1  }
0x91: {  	s17 =	sld [smem:$0x3FFB];
	_ =	sdelay $0x3  }
0x92: {  	_ =	strace s17  }
0x93: {  	s2 =	sld [smem:$0x3FFC];
	_ =	sdelay $0x3  }
0x94: {  	_ =	strace s2  }
0x95: {  	s2 =	sld [smem:$0x3FFD];
	_ =	sdelay $0x3  }
0x96: {  	_ =	strace s2  }
0x97: {  	_ =	strace $0x8FFFFFFF  }
0x98: {  	s18 =	sld [smem:$0x3FDB];
	_ =	sdelay $0x1  }
0x99: {  	s19 =	simm.s32 $_scs_section_size  }
0x9a: {  	s4 =	simm.s32 $_size__tile_overlayer_lowered;
	s5 =	simm.s32 $_tile_overlayer_lowered  }
0x9b: {  	s22 =	simm.s32 $0x1BFF;
	s21 =	sshll.u32 s5, $0x1;
	s2 =	sadd.s32 s19, s18  }
0x9c: {  	s6 =	simm.s32 $0x0;
	s20 =	sshll.u32 s4, $0x1;
	s4 =	sadd.s32 s21, s2  }
0x9d: {  	[timem:s6], [sflag:s22] =	dma.local [hbm:s4], s20  }
0x9e: {  	_ =	swait.ge [sflag:s22], s20  }
0x9f: {  	s3 =	ssub.s32 $0x0, s20;
	[sflag:s22] =	ssyncset.done $0x0  }
0xa0: {  	[sflag:s22] =	ssyncadd.s32 s3;
	_ =	sdelay $0x1  }
0xa1: {  	s23 =	simm.s32 $0x1B8B  }
0xa2: {  	_ =	swait.ge [sflag:s23], $0x1  }
0xa3: {  	[sflag:s23] =	ssyncset.done $0x0  }
0xa4: {  	s25 =	simm.s32 $0x1B8E;
	s24 =	sld [smem:$0x3FFE];
	[sflag:s23] =	ssyncadd.s32 $0xFFFFFFFF  }
0xa5: {  	s26 =	simm.s32 $execute0_lowered;
	[smem:$0x3FD2] =	sst s25  }
0xa6: {  	s4 =	sshll.u32 s26, $0x1;
	_ =	strace $0x8000004F;
	[dreg:$0x1] =	wrdreg $0xFFFFFFFF  }
0xa7: {  	s28 =	simm.s32 $_size_execute0_lowered;
	s2 =	sadd.s32 s2, s4;
	[dreg:$0x0] =	wrdreg $0x0  }
0xa8: {  	s4 =	sshll.u32 s28, $0x1;
	[dreg:$0x2] =	wrdreg s2  }
0xa9: {  	[dreg:$0x3] =	wrdreg s4  }
0xaa: {  	[dreg:$0x4] =	wrdreg $0xC0  }
0xab: {  	_ =	task [dreg:s6], $0x5FFFF  }
0xac: {  	[dreg:$0x1] =	wrdreg $0xFFFFFFFF  }
0xad: {  	[dreg:$0x0] =	wrdreg $0x60  }
0xae: {  	[dreg:$0x2] =	wrdreg s24  }
0xaf: {  	[dreg:$0x3] =	wrdreg $0x0  }
0xb0: {  	[dreg:$0x4] =	wrdreg $0x9  }
0xb1: {  	_ =	task.clear_ibuf [dreg:s6], $0x5FFFF;
	_ =	strace $0x9000004F  }
0xb2: {  	s29 =	simm.s32 $0x9;
	_ =	strace $0x80000051  }
0xb3: {  	_ =	swait.ge [sflag:s29], $0x1  }
0xb4: {  	[sflag:s29] =	ssyncadd.s32 $0xFFFFFFFF  }
0xb5: {  	_ =	strace $0x90000051  }
0xb6: {  	_ =	sfence  }
0xb7: {  	s30 =	sld [smem:$0x0];
	_ =	sdelay $0x2  }
0xb8: {  	s31 =	sshll.u32 s1, $0xD;
	s1 =	sshrl.u32 s1, $0x2  }
0xb9: {  	s3 =	sand.u32 $0x4000, s31;
	s1 =	sadd.s32 s1, s30  }
0xba: {  	s0 =	sor.u32 s3, s0;
	s1 =	sshll.u32 s1, $0x11  }
0xbb: {  	s0 =	sor.u32 s1, s0  }
0xbc: {  	s0 =	sadd.s32 $0x8F2B, s0  }
0xbd: {  	[sflag:s0] =	ssyncadd.remote.s32 $0x1  }
0xbe: {  	_ =	sfence.sel $0xFFFF  }
0xbf: {  	[dreg:$0x0] =	wrdreg $0xFFFFFFFF;
	(pc) =	sbr.abs _section_cstart, $3  }
0xc0: {  	[dreg:$0x1] =	wrdreg $0xFFFFFFFF  }
0xc1: {  	_ =	task.clear_ibuf [dreg:s6], $0x2FFFF;
	_ =	strace $0x9FFFFFFF  }
0xc2: {  	(tm) =	ssettm $0x7FFFFFFF  }
0xc3: {  	_ =	shalt  }
tec
execute0_lowered:
.L_overlay_start_1:
0x0: {  	(tag) =	ssettag $0x1  }
0x1: {  	s0 =	rddreg [dreg:$0x0]  }
0x2: {  	s5 =	rddreg [dreg:$0x1];
	s2 =	simm.s32 $0x0;
	s1 =	srdreg.scid  }
0x3: {  	s22 =	stileid.u32;
	s16 =	simm.s32 $0x14000;
	s17 =	simm.s32 $0x15300  }
0x4: {  	s18 =	simm.s32 $0x50;
	s19 =	simm.s32 $0x16600;
	s20 =	simm.s32 $0x14050  }
0x5: {  	s21 =	simm.s32 $0x18E00;
	s28 =	simm.s32 $0x140F0;
	s29 =	simm.s32 $0x14140  }
0x6: {  	s30 =	simm.s32 $0x0;
	[smem:$0x7FF] =	sst s2;
	s6 =	sand.u32 $0x1, s1  }
0x7: {  	s8 =	smul.u32 $0x14000, s22;
	s3 =	sadd.s32 $0x18C00, s0;
	s10 =	sadd.s32 $0xEE00, s0  }
0x8: {  	s11 =	sadd.s32 $0x5000, s0;
	s4 =	sadd.s32 $0x92800, s0;
	s9 =	smul.u32 $0x50000, s22  }
0x9: {  	s7 =	smul.u32 $0x140000, s6;
	s23 =	sshll.u32 s6, $0x4;
	s6 =	ssub.s32 $0x2, s6  }
0xa: {  	s25 =	sshll.u32 s22, $0x6;
	_ =	strace $0x80000050;
	s12 =	sshrl.u32 s6, $0x1  }
0xb: {  	s24 =	sshrl.u32 s9, $0x2;
	s7 =	sadd.s32 s8, s7;
	s8 =	sor.u32 s22, s23  }
0xc: {  	s13 =	ssub.s32 s6, s12;
	s14 =	sadd.s32 s24, s5;
	s5 =	sor.u32 $0x1C04, s25  }
0xd: {  	s22 =	simm.s32 $0x140A0;
	s23 =	simm.s32 $0x1B600;
	s8 =	smul.u32 $0x2710, s8  }
0xe: {  	s24 =	simm.s32 $0x1;
	s25 =	simm.s32 $0x2;
	s7 =	sshrl.u32 s7, $0x3  }
0xf: {  	s13 =	smax.u32 s13, $0x1;
	s0 =	sadd.s32 s7, s0;
	s26 =	sshrl.u32 s8, $0x3  }
0x10: {  	s14 =	sshrl.u32 s14, $0x3;
	s12 =	sadd.s32 $0x95000, s0;
	s6 =	sadd.s32 s10, s26  }
0x11: {  	s31 =	sadd.s32 $0x258, s26;
	s7 =	sadd.s32 s11, s26;
	s15 =	sadd.s32 $0x4B0, s26  }
0x12: {  	s26 =	simm.s32 $0x3;
	s8 =	sadd.s32 s10, s31;
	s9 =	sadd.s32 s11, s31  }
0x13: {  	s10 =	sadd.s32 s10, s15;
	s11 =	sadd.s32 s11, s15;
	s15 =	simm.s32 $0x4  }
.LBB2_1:
0x14: {  	[spmem:s14], [sflag:s5] =	dma.local [hbm:s4], $0x2800  }
0x15: {  	_ =	swait.ge [sflag:s15], $0x2800  }
0x16: {  	[sflag:s15] =	ssyncset.done $0x0  }
0x17: {  	[sflag:s15] =	ssyncadd.s32 $0xFFFFD800  }
0x18: {  	[bflag:$0x0] =	sbarrier.arrive $0xFFFF  }
0x19: {  	[tilespmem:s16], [sflag:$0x4] =	stream.linear.gather [hbm4b:s6+s2], $0x12C0, $0x38;
	[tilespmem:$0x1DE00] =	vst v63  }
0x1a: {  	_ =	swait.ge [sflag:s15], $0x12C0  }
0x1b: {  	[sflag:s15] =	ssyncset.done $0x0  }
0x1c: {  	[sflag:s15] =	ssyncadd.s32 $0xFFFFED40  }
0x1d: {  	[tilespmem:s17], [sflag:$0x4] =	stream.linear.gather [hbm4b:s7+s2], $0x12C0, $0x38;
	[tilespmem:$0x1DE00] =	vst v63  }
0x1e: {  	_ =	swait.ge [sflag:s15], $0x12C0  }
0x1f: {  	[sflag:s15] =	ssyncset.done $0x0  }
0x20: {  	[sflag:s15] =	ssyncadd.s32 $0xFFFFED40  }
0x21: {  	[tilespmem:s19], [sflag:$0x1] =	stream.indirect.gather [hbm4b:s3+s18], $0x80, s16, s18, $0xb8;
	[tilespmem:$0x1DE00] =	vst v63  }
0x22: {  	_ = 	snop  }
0x23: {  	[tilespmem:s21], [sflag:$0x2] =	stream.indirect.gather [hbm4b:s3+s18], $0x80, s20, s18, $0xb8;
	[tilespmem:$0x1DE00] =	vst v63  }
0x24: {  	_ = 	snop  }
0x25: {  	[tilespmem:s23], [sflag:$0x3] =	stream.indirect.gather [hbm4b:s3+s18], $0x80, s22, s18, $0xb8;
	[tilespmem:$0x1DE00] =	vst v63  }
0x26: {  	_ =	swait.ge [sflag:s24], $0x2800  }
0x27: {  	[sflag:s24] =	ssyncset.done $0x0  }
0x28: {  	s0 =	simm.s32 $0x140F0;
	[sflag:s24] =	ssyncadd.s32 $0xFFFFD800  }
0x29: {  	[tilespmem:s19], [sflag:$0x1] =	stream.indirect.gather [hbm4b:s3+s18], $0x80, s0, s18, $0xb8;
	[tilespmem:$0x1DE00] =	vst v63  }
0x2a: {  	_ =	swait.ge [sflag:s25], $0x2800  }
0x2b: {  	[sflag:s25] =	ssyncset.done $0x0  }
0x2c: {  	s1 =	simm.s32 $0x14140;
	[sflag:s25] =	ssyncadd.s32 $0xFFFFD800  }
0x2d: {  	[tilespmem:s21], [sflag:$0x2] =	stream.indirect.gather [hbm4b:s3+s18], $0x80, s1, s18, $0xb8;
	[tilespmem:$0x1DE00] =	vst v63  }
0x2e: {  	_ =	swait.ge [sflag:s26], $0x2800  }
0x2f: {  	[sflag:s26] =	ssyncset.done $0x0  }
0x30: {  	s31 =	simm.s32 $0xFFFFBC80;
	s0 =	simm.s32 $0x14190;
	[sflag:s26] =	ssyncadd.s32 $0xFFFFD800  }
.LBB2_2:
0x31: {  	[tilespmem:s23], [sflag:$0x3] =	stream.indirect.gather [hbm4b:s3+s18], $0x80, s0, s18, $0xb8;
	[tilespmem:$0x1DE00] =	vst v63  }
0x32: {  	s0 =	smov.u32 s31  }
0x33: {  	p0 =	sne.s32 s31, $0xFFFFFC40;
	s31 =	sadd.s32 $0x3C0, s31;
	_ =	swait.ge [sflag:s24], $0x2800  }
0x34: {  	s0 =	sshra.s32 s0, $0x2;
	[sflag:s24] =	ssyncset.done $0x0  }
0x35: {  	s1 =	sadd.s32 $0x152C0, s0;
	[sflag:s24] =	ssyncadd.s32 $0xFFFFD800  }
0x36: {  	[tilespmem:s19], [sflag:$0x1] =	stream.indirect.gather [hbm4b:s3+s18], $0x80, s1, s18, $0xb8;
	[tilespmem:$0x1DE00] =	vst v63  }
0x37: {  	_ =	swait.ge [sflag:s25], $0x2800  }
0x38: {  	[sflag:s25] =	ssyncset.done $0x0  }
.Ltmp0:
0x39: {  	s1 =	sadd.s32 $0x15310, s0;
	[sflag:s25] =	ssyncadd.s32 $0xFFFFD800;
	(pc) =	sbr.rel @p0 .LBB2_2-.Ltmp0, $4  }
0x3a: {  	[tilespmem:s21], [sflag:$0x2] =	stream.indirect.gather [hbm4b:s3+s18], $0x80, s1, s18, $0xb8;
	[tilespmem:$0x1DE00] =	vst v63  }
0x3b: {  	_ =	swait.ge [sflag:s26], $0x2800  }
0x3c: {  	[sflag:s26] =	ssyncset.done $0x0  }
0x3d: {  	s0 =	sadd.s32 $0x15360, s0;
	[sflag:s26] =	ssyncadd.s32 $0xFFFFD800  }
0x3e: {  	[tilespmem:s23], [sflag:$0x3] =	stream.indirect.gather [hbm4b:s3+s18], $0x80, s0, s18, $0xb8;
	[tilespmem:$0x1DE00] =	vst v63  }
0x3f: {  	_ =	swait.ge [sflag:s24], $0x2800  }
0x40: {  	[sflag:s24] =	ssyncset.done $0x0  }
0x41: {  	[sflag:s24] =	ssyncadd.s32 $0xFFFFD800  }
0x42: {  	_ =	swait.ge [sflag:s25], $0x2800  }
0x43: {  	[sflag:s25] =	ssyncset.done $0x0  }
0x44: {  	[sflag:s25] =	ssyncadd.s32 $0xFFFFD800  }
0x45: {  	_ =	swait.ge [sflag:s26], $0x2800  }
0x46: {  	[sflag:s26] =	ssyncset.done $0x0  }
0x47: {  	[sflag:s26] =	ssyncadd.s32 $0xFFFFD800  }
0x48: {  	[tilespmem:s16], [sflag:$0x4] =	stream.linear.gather [hbm4b:s8+s2], $0x12C0, $0x38;
	[tilespmem:$0x1DE00] =	vst v63  }
0x49: {  	_ =	swait.ge [sflag:s15], $0x12C0  }
0x4a: {  	[sflag:s15] =	ssyncset.done $0x0  }
0x4b: {  	[sflag:s15] =	ssyncadd.s32 $0xFFFFED40  }
0x4c: {  	[tilespmem:s17], [sflag:$0x4] =	stream.linear.gather [hbm4b:s9+s2], $0x12C0, $0x38;
	[tilespmem:$0x1DE00] =	vst v63  }
0x4d: {  	_ =	swait.ge [sflag:s15], $0x12C0  }
0x4e: {  	[sflag:s15] =	ssyncset.done $0x0  }
0x4f: {  	[sflag:s15] =	ssyncadd.s32 $0xFFFFED40  }
0x50: {  	[tilespmem:s19], [sflag:$0x1] =	stream.indirect.gather [hbm4b:s3+s18], $0x80, s16, s18, $0xb8;
	[tilespmem:$0x1DE00] =	vst v63  }
0x51: {  	_ = 	snop  }
0x52: {  	[tilespmem:s21], [sflag:$0x2] =	stream.indirect.gather [hbm4b:s3+s18], $0x80, s20, s18, $0xb8;
	[tilespmem:$0x1DE00] =	vst v63  }
0x53: {  	_ = 	snop  }
0x54: {  	[tilespmem:s23], [sflag:$0x3] =	stream.indirect.gather [hbm4b:s3+s18], $0x80, s22, s18, $0xb8;
	[tilespmem:$0x1DE00] =	vst v63  }
0x55: {  	_ =	swait.ge [sflag:s24], $0x2800  }
0x56: {  	[sflag:s24] =	ssyncset.done $0x0  }
0x57: {  	s1 =	simm.s32 $0x140F0;
	[sflag:s24] =	ssyncadd.s32 $0xFFFFD800  }
0x58: {  	[tilespmem:s19], [sflag:$0x1] =	stream.indirect.gather [hbm4b:s3+s18], $0x80, s1, s18, $0xb8;
	[tilespmem:$0x1DE00] =	vst v63  }
0x59: {  	_ =	swait.ge [sflag:s25], $0x2800  }
0x5a: {  	[sflag:s25] =	ssyncset.done $0x0  }
0x5b: {  	s1 =	simm.s32 $0x14140;
	[sflag:s25] =	ssyncadd.s32 $0xFFFFD800  }
0x5c: {  	[tilespmem:s21], [sflag:$0x2] =	stream.indirect.gather [hbm4b:s3+s18], $0x80, s1, s18, $0xb8;
	[tilespmem:$0x1DE00] =	vst v63  }
0x5d: {  	_ =	swait.ge [sflag:s26], $0x2800  }
0x5e: {  	[sflag:s26] =	ssyncset.done $0x0  }
0x5f: {  	s31 =	simm.s32 $0xFFFFBC80;
	s0 =	simm.s32 $0x14190;
	[sflag:s26] =	ssyncadd.s32 $0xFFFFD800  }
.LBB2_4:
0x60: {  	[tilespmem:s23], [sflag:$0x3] =	stream.indirect.gather [hbm4b:s3+s18], $0x80, s0, s18, $0xb8;
	[tilespmem:$0x1DE00] =	vst v63  }
0x61: {  	s0 =	smov.u32 s31  }
0x62: {  	p0 =	sne.s32 s31, $0xFFFFFC40;
	s31 =	sadd.s32 $0x3C0, s31;
	_ =	swait.ge [sflag:s24], $0x2800  }
0x63: {  	s0 =	sshra.s32 s0, $0x2;
	[sflag:s24] =	ssyncset.done $0x0  }
0x64: {  	s1 =	sadd.s32 $0x152C0, s0;
	[sflag:s24] =	ssyncadd.s32 $0xFFFFD800  }
0x65: {  	[tilespmem:s19], [sflag:$0x1] =	stream.indirect.gather [hbm4b:s3+s18], $0x80, s1, s18, $0xb8;
	[tilespmem:$0x1DE00] =	vst v63  }
0x66: {  	_ =	swait.ge [sflag:s25], $0x2800  }
0x67: {  	[sflag:s25] =	ssyncset.done $0x0  }
.Ltmp1:
0x68: {  	s1 =	sadd.s32 $0x15310, s0;
	[sflag:s25] =	ssyncadd.s32 $0xFFFFD800;
	(pc) =	sbr.rel @p0 .LBB2_4-.Ltmp1, $4  }
0x69: {  	[tilespmem:s21], [sflag:$0x2] =	stream.indirect.gather [hbm4b:s3+s18], $0x80, s1, s18, $0xb8;
	[tilespmem:$0x1DE00] =	vst v63  }
0x6a: {  	_ =	swait.ge [sflag:s26], $0x2800  }
0x6b: {  	[sflag:s26] =	ssyncset.done $0x0  }
0x6c: {  	s0 =	sadd.s32 $0x15360, s0;
	[sflag:s26] =	ssyncadd.s32 $0xFFFFD800  }
0x6d: {  	[tilespmem:s23], [sflag:$0x3] =	stream.indirect.gather [hbm4b:s3+s18], $0x80, s0, s18, $0xb8;
	[tilespmem:$0x1DE00] =	vst v63  }
0x6e: {  	_ =	swait.ge [sflag:s24], $0x2800  }
0x6f: {  	[sflag:s24] =	ssyncset.done $0x0  }
0x70: {  	[sflag:s24] =	ssyncadd.s32 $0xFFFFD800  }
0x71: {  	_ =	swait.ge [sflag:s25], $0x2800  }
0x72: {  	[sflag:s25] =	ssyncset.done $0x0  }
0x73: {  	[sflag:s25] =	ssyncadd.s32 $0xFFFFD800  }
0x74: {  	_ =	swait.ge [sflag:s26], $0x2800  }
0x75: {  	[sflag:s26] =	ssyncset.done $0x0  }
0x76: {  	[sflag:s26] =	ssyncadd.s32 $0xFFFFD800  }
0x77: {  	[tilespmem:s16], [sflag:$0x4] =	stream.linear.gather [hbm4b:s10+s2], $0x190, $0x38;
	[tilespmem:$0x1DE00] =	vst v63  }
0x78: {  	_ =	swait.ge [sflag:s15], $0x190  }
0x79: {  	[sflag:s15] =	ssyncset.done $0x0  }
0x7a: {  	[sflag:s15] =	ssyncadd.s32 $0xFFFFFE70  }
0x7b: {  	[tilespmem:s17], [sflag:$0x4] =	stream.linear.gather [hbm4b:s11+s2], $0x190, $0x38;
	[tilespmem:$0x1DE00] =	vst v63  }
0x7c: {  	_ =	swait.ge [sflag:s15], $0x190  }
0x7d: {  	[sflag:s15] =	ssyncset.done $0x0  }
0x7e: {  	[sflag:s15] =	ssyncadd.s32 $0xFFFFFE70  }
0x7f: {  	[tilespmem:s19], [sflag:$0x1] =	stream.indirect.gather [hbm4b:s3+s18], $0x80, s16, s18, $0xb8;
	[tilespmem:$0x1DE00] =	vst v63  }
0x80: {  	_ = 	snop  }
0x81: {  	[tilespmem:s21], [sflag:$0x2] =	stream.indirect.gather [hbm4b:s3+s18], $0x80, s20, s18, $0xb8;
	[tilespmem:$0x1DE00] =	vst v63  }
0x82: {  	_ = 	snop  }
0x83: {  	[tilespmem:s23], [sflag:$0x3] =	stream.indirect.gather [hbm4b:s3+s18], $0x80, s22, s18, $0xb8;
	[tilespmem:$0x1DE00] =	vst v63  }
0x84: {  	_ =	swait.ge [sflag:s24], $0x2800  }
0x85: {  	[sflag:s24] =	ssyncset.done $0x0  }
0x86: {  	[sflag:s24] =	ssyncadd.s32 $0xFFFFD800  }
0x87: {  	[tilespmem:s19], [sflag:$0x1] =	stream.indirect.gather [hbm4b:s3+s18], $0x80, s28, s18, $0xb8;
	[tilespmem:$0x1DE00] =	vst v63  }
0x88: {  	_ =	swait.ge [sflag:s25], $0x2800  }
0x89: {  	[sflag:s25] =	ssyncset.done $0x0  }
0x8a: {  	[sflag:s25] =	ssyncadd.s32 $0xFFFFD800  }
0x8b: {  	[tilespmem:s21], [sflag:$0x2] =	stream.indirect.gather [hbm4b:s3+s18], $0x80, s29, s18, $0xb8;
	[tilespmem:$0x1DE00] =	vst v63  }
0x8c: {  	_ =	swait.ge [sflag:s26], $0x2800  }
0x8d: {  	[sflag:s26] =	ssyncset.done $0x0  }
0x8e: {  	[sflag:s26] =	ssyncadd.s32 $0xFFFFD800  }
0x8f: {  	_ =	swait.ge [sflag:s24], $0x2800  }
0x90: {  	[sflag:s24] =	ssyncset.done $0x0  }
0x91: {  	[sflag:s24] =	ssyncadd.s32 $0xFFFFD800  }
0x92: {  	_ =	swait.ge [sflag:s25], $0x2800  }
0x93: {  	s30 =	sadd.s32 $0x1, s30;
	[sflag:s25] =	ssyncset.done $0x0  }
0x94: {  	p0 =	sne.s32 s30, s13;
	[sflag:s25] =	ssyncadd.s32 $0xFFFFD800  }
.Ltmp2:
0x95: {  	[bflag:$0x0] =	sbarrier.arrive $0xFFFF;
	(pc) =	sbr.rel @p0 .LBB2_1-.Ltmp2, $4  }
0x96: {  	[hbm:s12], [sflag:s5] =	dma.local [spmem:s14], $0x2800  }
0x97: {  	_ =	swait.ge [sflag:s15], $0x2800  }
0x98: {  	[sflag:s15] =	ssyncset.done $0x0  }
0x99: {  	[sflag:s15] =	ssyncadd.s32 $0xFFFFD800  }
0x9a: {  	_ =	sfence.sel $0x180000  }
0x9b: {  	[bflag:$0x0] =	sbarrier.arrive $0xFFFF  }
0x9c: {  	_ =	strace $0x90000050  }
0x9d: {  	s0 =	stileid.u32;
	[bflag:$0x2] =	sbarrier.arrive $0xFFFF  }
0x9e: {  	p0 =	sne.s32 s0, $0x0;
	s0 =	rddreg [dreg:$0x2]  }
0x9f: {  	s0 =	sadd.s32 @!p0 $0x100000, s0  }
0xa0: {  	[sflag:s0] =	ssyncadd.tile.s32 @!p0 $0x1;
	_ =	shalt  }
.Lfunc_end2:
_tile_overlayer_lowered:
.L_overlay_start_2:
0xa1: {  	(tag) =	ssettag $0x2  }
0xa2: {  	s0 =	rddreg [dreg:$0x0];
	s2 =	stileid.u32  }
0xa3: {  	s1 =	rddreg [dreg:$0x1];
	p0 =	sne.s32 s2, $0x0  }
0xa4: {  	s3 =	rddreg [dreg:$0x2];
	[bflag:$0x3] =	sbarrier.arrive $0xFFFF;
	s2 =	simm.s32 @!p0 $0x1C04  }
0xa5: {  	[timem:s3], [sflag:s2] =	dma.local @!p0 [hbm:s0], s1  }
0xa6: {  	s0 =	simm.s32 @!p0 $0x4  }
0xa7: {  	_ =	swait.ge @!p0 [sflag:s0], s1  }
0xa8: {  	s1 =	ssub.s32 @!p0 $0x0, s1;
	[sflag:s0] =	ssyncset.done @!p0 $0x0  }
0xa9: {  	[sflag:s0] =	ssyncadd.s32 @!p0 s1  }
0xaa: {  	[bflag:$0x3] =	sbarrier.arrive $0xFFFF  }
0xab: {  	_ =	shalt  }

// kernel: kernel.24.cloned.1.call-start
scs
__scs_entry_jumppad:
0x0: {  	(pc) =	sbr.rel $0x88, $3  }
0x1: {  	(tag) =	ssettag $0x0;
	lr =	simm.s32 $0x1  }
0x2: {  	[smem:$0x3F94] =	sst lr;
	_ =	strace $0xD0000000  }
0x3: {  	_ = 	snop  }
0x4: {  	_ = 	snop  }
0x5: {  	_ = 	snop  }
0x6: {  	_ = 	snop  }
0x7: {  	_ = 	snop  }
__scs_overlays_trampoline_lowered:
0x8: {  	[smem:$0x3FA3] =	sst s0  }
0x9: {  	[smem:$0x3FA4] =	sst s1  }
0xa: {  	[smem:$0x3FA5] =	sst s2  }
0xb: {  	[smem:$0x3FA6] =	sst s3  }
0xc: {  	[smem:$0x3FA7] =	sst s4  }
0xd: {  	[smem:$0x3FA8] =	sst s5  }
0xe: {  	[smem:$0x3FA9] =	sst s6  }
0xf: {  	[smem:$0x3FAA] =	sst s7  }
0x10: {  	[smem:$0x3FAB] =	sst s8  }
0x11: {  	[smem:$0x3FAC] =	sst s9;
	s0 =	simm.s32 @!p0 $0x0  }
0x12: {  	s1 =	sld [smem:$0x3F92];
	s0 =	simm.s32 @p0 $0x1  }
0x13: {  	[smem:$0x3FAD] =	sst s0;
	s0 =	simm.s32 @!p1 $0x0  }
0x14: {  	s2 =	sld [smem:$0x3F91];
	s0 =	simm.s32 @p1 $0x1  }
0x15: {  	[smem:$0x3FAE] =	sst s0;
	s0 =	simm.s32 @!p2 $0x0  }
0x16: {  	s3 =	sld [smem:$0x3FDB];
	s0 =	simm.s32 @p2 $0x1  }
0x17: {  	s4 =	simm.s32 $0x1BF5;
	[smem:$0x3FB0] =	sst s0  }
0x18: {  	s0 =	sld [smem:$0x3F93];
	_ =	swait.ge [sflag:s4], $0x0  }
0x19: {  	s7 =	sld [smem:$0x3F94]  }
0x1a: {  	s8 =	sadd.s32 $0xFFFFE003, lr  }
0x1b: {  	s9 =	sadd.s32 $0xFFFFFEF7, lr;
	s5 =	simm.s32 $0xFFFFFFFF;
	p2 =	slt.u32 s8, $0xFFFFF086  }
0x1c: {  	p1 =	slt.u32 s9, $0xF7A;
	s5 =	simm.s32 @!p2 $0x0  }
0x1d: {  	s5 =	simm.s32 @p1 $0x1;
	p0 =	seq.s32 s7, s2  }
0x1e: {  	s7 =	smul.u32 @!p0 $0xF7A, s2;
	p2 =	seq.s32 @!p0 s5, $0x0  }
0x1f: {  	s9 =	smul.u32 $0xF7A, s1;
	s8 =	simm.s32 @!p0 $0x1BF5;
	p2 =	por !p2, p0  }
0x20: {  	[sflag:s8] =	ssyncset.s32 @!p0 $0xFFFFF086;
	s6 =	sadd.s32 @!p0 s3, s7;
	s7 =	simm.s32 @!p0 $0x108  }
0x21: {  	s3 =	sadd.s32 s3, s9;
	s6 =	sadd.s32 @!p0 $0x88, s6;
	s7 =	simm.s32 @p2 $0x1082  }
0x22: {  	[simem:s7], [sflag:s8] =	dma.local @!p0 [hbm:s6], $0xF7A  }
0x23: {  	s9 =	sor.u32 $0xD0000000, s2;
	s6 =	simm.s32 $0x108;
	_ =	swait.ge @!p0 [sflag:s8], $0x0  }
0x24: {  	s3 =	sadd.s32 $0x88, s3;
	s6 =	simm.s32 @!p1 $0x1082;
	[sflag:s4] =	ssyncset.s32 $0xFFFFF086  }
0x25: {  	[simem:s6], [sflag:s4] =	dma.local [hbm:s3], $0xF7A  }
0x26: {  	[smem:$0x3F94] =	sst s1;
	(tag) =	ssettag s2;
	_ =	strace s9  }
0x27: {  	s1 =	sld [smem:$0x3FA4]  }
0x28: {  	s2 =	sld [smem:$0x3FA5]  }
0x29: {  	s4 =	sld [smem:$0x3FA7]  }
0x2a: {  	p0 =	seq.s32 s5, $0x0;
	s5 =	sld [smem:$0x3FA8]  }
0x2b: {  	s6 =	sld [smem:$0x3FA9]  }
0x2c: {  	s7 =	sld [smem:$0x3FAA]  }
0x2d: {  	s3 =	simm.s32 $0x108;
	s8 =	sld [smem:$0x3FAB]  }
0x2e: {  	s3 =	simm.s32 @!p0 $0x1082;
	s9 =	sld [smem:$0x3FAC]  }
0x2f: {  	lr =	sadd.s32 s0, s3;
	s0 =	sld [smem:$0x3FA3]  }
0x30: {  	s3 =	sld [smem:$0x3FA6]  }
0x31: {  	[smem:$0x3FAF] =	sst s10  }
0x32: {  	s10 =	sld [smem:$0x3FAD];
	_ =	sdelay $0x3  }
0x33: {  	p0 =	seq.s32 s10, $0x1;
	s10 =	sld [smem:$0x3FAF];
	_ =	sdelay $0x3  }
0x34: {  	[smem:$0x3FAF] =	sst s10  }
0x35: {  	s10 =	sld [smem:$0x3FAE];
	_ =	sdelay $0x3  }
0x36: {  	p1 =	seq.s32 s10, $0x1;
	s10 =	sld [smem:$0x3FAF];
	_ =	sdelay $0x3  }
0x37: {  	[smem:$0x3FAF] =	sst s10  }
0x38: {  	s10 =	sld [smem:$0x3FB0]  }
0x39: {  	_ = 	snop;
	(pc) =	sbr.ind lr, $3  }
0x3a: {  	_ = 	snop  }
0x3b: {  	_ = 	snop  }
0x3c: {  	p2 =	seq.s32 s10, $0x1;
	s10 =	sld [smem:$0x3FAF]  }
0x3d: {  	_ =	shalt  }
0x3e: {  	_ =	shalt  }
0x3f: {  	_ =	shalt  }
0x40: {  	_ =	shalt  }
0x41: {  	_ =	shalt  }
0x42: {  	_ =	shalt  }
0x43: {  	_ =	shalt  }
0x44: {  	_ =	shalt  }
0x45: {  	_ =	shalt  }
0x46: {  	_ =	shalt  }
0x47: {  	_ =	shalt  }
0x48: {  	_ =	shalt  }
0x49: {  	_ =	shalt  }
0x4a: {  	_ =	shalt  }
0x4b: {  	_ =	shalt  }
0x4c: {  	_ =	shalt  }
0x4d: {  	_ =	shalt  }
0x4e: {  	_ =	shalt  }
0x4f: {  	_ =	shalt  }
0x50: {  	_ =	shalt  }
0x51: {  	_ =	shalt  }
0x52: {  	_ =	shalt  }
0x53: {  	_ =	shalt  }
0x54: {  	_ =	shalt  }
0x55: {  	_ =	shalt  }
0x56: {  	_ =	shalt  }
0x57: {  	_ =	shalt  }
0x58: {  	_ =	shalt  }
0x59: {  	_ =	shalt  }
0x5a: {  	_ =	shalt  }
0x5b: {  	_ =	shalt  }
0x5c: {  	_ =	shalt  }
0x5d: {  	_ =	shalt  }
0x5e: {  	_ =	shalt  }
0x5f: {  	_ =	shalt  }
0x60: {  	_ =	shalt  }
0x61: {  	_ =	shalt  }
0x62: {  	_ =	shalt  }
0x63: {  	_ =	shalt  }
0x64: {  	_ =	shalt  }
0x65: {  	_ =	shalt  }
0x66: {  	_ =	shalt  }
0x67: {  	_ =	shalt  }
0x68: {  	_ =	shalt  }
0x69: {  	_ =	shalt  }
0x6a: {  	_ =	shalt  }
0x6b: {  	_ =	shalt  }
0x6c: {  	_ =	shalt  }
0x6d: {  	_ =	shalt  }
0x6e: {  	_ =	shalt  }
0x6f: {  	_ =	shalt  }
0x70: {  	_ =	shalt  }
0x71: {  	_ =	shalt  }
0x72: {  	_ =	shalt  }
0x73: {  	_ =	shalt  }
0x74: {  	_ =	shalt  }
0x75: {  	_ =	shalt  }
0x76: {  	_ =	shalt  }
0x77: {  	_ =	shalt  }
0x78: {  	_ =	shalt  }
0x79: {  	_ =	shalt  }
0x7a: {  	_ =	shalt  }
0x7b: {  	_ =	shalt  }
0x7c: {  	_ =	shalt  }
0x7d: {  	_ =	shalt  }
0x7e: {  	_ =	shalt  }
0x7f: {  	_ =	shalt  }
0x80: {  	_ =	shalt  }
0x81: {  	_ =	shalt  }
0x82: {  	_ =	shalt  }
0x83: {  	_ =	shalt  }
0x84: {  	_ =	shalt  }
0x85: {  	_ =	shalt  }
0x86: {  	_ =	shalt  }
0x87: {  	_ =	shalt  }
.Lfunc_end0:
.L_simem_size_0:
called_computation.4_lowered:
.L_overlay_start_0:
0x88: {  	s2 =	sld [smem:$0x3FD9]  }
0x89: {  	s3 =	sld [smem:$0x3FFE];
	_ =	sdelay $0x1  }
0x8a: {  	s1 =	srdreg.scid  }
0x8b: {  	s0 =	sand.u32 $0x1, s1  }
0x8c: {  	s16 =	sshll.u32 s0, $0xA;
	s2 =	sadd.s32 s3, s2  }
0x8d: {  	s2 =	sadd.s32 s2, s16  }
0x8e: {  	[smem:$0x3FBB] =	sst s2  }
0x8f: {  	_ = 	snop  }
0x90: {  	(tm) =	ssettm $0x1  }
0x91: {  	s17 =	sld [smem:$0x3FFB];
	_ =	sdelay $0x3  }
0x92: {  	_ =	strace s17  }
0x93: {  	s2 =	sld [smem:$0x3FFC];
	_ =	sdelay $0x3  }
0x94: {  	_ =	strace s2  }
0x95: {  	s2 =	sld [smem:$0x3FFD];
	_ =	sdelay $0x3  }
0x96: {  	_ =	strace s2  }
0x97: {  	_ =	strace $0x8FFFFFFF  }
0x98: {  	s18 =	sld [smem:$0x3FDB];
	_ =	sdelay $0x1  }
0x99: {  	s19 =	simm.s32 $_scs_section_size  }
0x9a: {  	s4 =	simm.s32 $_size__tile_overlayer_lowered;
	s5 =	simm.s32 $_tile_overlayer_lowered  }
0x9b: {  	s22 =	simm.s32 $0x1BFF;
	s21 =	sshll.u32 s5, $0x1;
	s2 =	sadd.s32 s19, s18  }
0x9c: {  	s6 =	simm.s32 $0x0;
	s20 =	sshll.u32 s4, $0x1;
	s4 =	sadd.s32 s21, s2  }
0x9d: {  	[timem:s6], [sflag:s22] =	dma.local [hbm:s4], s20  }
0x9e: {  	_ =	swait.ge [sflag:s22], s20  }
0x9f: {  	s3 =	ssub.s32 $0x0, s20;
	[sflag:s22] =	ssyncset.done $0x0  }
0xa0: {  	[sflag:s22] =	ssyncadd.s32 s3;
	_ =	sdelay $0x1  }
0xa1: {  	s23 =	simm.s32 $0x1B8B  }
0xa2: {  	_ =	swait.ge [sflag:s23], $0x1  }
0xa3: {  	[sflag:s23] =	ssyncset.done $0x0  }
0xa4: {  	s25 =	simm.s32 $0x1B8E;
	s24 =	sld [smem:$0x3FFE];
	[sflag:s23] =	ssyncadd.s32 $0xFFFFFFFF  }
0xa5: {  	s26 =	simm.s32 $execute0_lowered;
	[smem:$0x3FD2] =	sst s25  }
0xa6: {  	s4 =	sshll.u32 s26, $0x1;
	_ =	strace $0x80000052;
	[dreg:$0x1] =	wrdreg $0xFFFFFFFF  }
0xa7: {  	s28 =	simm.s32 $_size_execute0_lowered;
	s2 =	sadd.s32 s2, s4;
	[dreg:$0x0] =	wrdreg $0x0  }
0xa8: {  	s4 =	sshll.u32 s28, $0x1;
	[dreg:$0x2] =	wrdreg s2  }
0xa9: {  	[dreg:$0x3] =	wrdreg s4  }
0xaa: {  	[dreg:$0x4] =	wrdreg $0xC0  }
0xab: {  	_ =	task [dreg:s6], $0x5FFFF  }
0xac: {  	[dreg:$0x1] =	wrdreg $0xFFFFFFFF  }
0xad: {  	[dreg:$0x0] =	wrdreg $0x60  }
0xae: {  	[dreg:$0x2] =	wrdreg s24  }
0xaf: {  	[dreg:$0x3] =	wrdreg $0x0  }
0xb0: {  	[dreg:$0x4] =	wrdreg $0x9  }
0xb1: {  	_ =	task.clear_ibuf [dreg:s6], $0x5FFFF;
	_ =	strace $0x90000052  }
0xb2: {  	s29 =	simm.s32 $0x9;
	_ =	strace $0x80000054  }
0xb3: {  	_ =	swait.ge [sflag:s29], $0x1  }
0xb4: {  	[sflag:s29] =	ssyncadd.s32 $0xFFFFFFFF  }
0xb5: {  	_ =	strace $0x90000054  }
0xb6: {  	_ =	sfence  }
0xb7: {  	s30 =	sld [smem:$0x0];
	_ =	sdelay $0x2  }
0xb8: {  	s31 =	sshll.u32 s1, $0xD;
	s1 =	sshrl.u32 s1, $0x2  }
0xb9: {  	s3 =	sand.u32 $0x4000, s31;
	s1 =	sadd.s32 s1, s30  }
0xba: {  	s0 =	sor.u32 s3, s0;
	s1 =	sshll.u32 s1, $0x11  }
0xbb: {  	s0 =	sor.u32 s1, s0  }
0xbc: {  	s0 =	sadd.s32 $0x8F2B, s0  }
0xbd: {  	[sflag:s0] =	ssyncadd.remote.s32 $0x1  }
0xbe: {  	_ =	sfence.sel $0xFFFF  }
0xbf: {  	[dreg:$0x0] =	wrdreg $0xFFFFFFFF;
	(pc) =	sbr.abs _section_cstart, $3  }
0xc0: {  	[dreg:$0x1] =	wrdreg $0xFFFFFFFF  }
0xc1: {  	_ =	task.clear_ibuf [dreg:s6], $0x2FFFF;
	_ =	strace $0x9FFFFFFF  }
0xc2: {  	(tm) =	ssettm $0x7FFFFFFF  }
0xc3: {  	_ =	shalt  }
tec
execute0_lowered:
.L_overlay_start_1:
0x0: {  	(tag) =	ssettag $0x1  }
0x1: {  	s0 =	rddreg [dreg:$0x0]  }
0x2: {  	s5 =	rddreg [dreg:$0x1];
	s2 =	simm.s32 $0x0;
	s1 =	srdreg.scid  }
0x3: {  	s22 =	stileid.u32;
	s16 =	simm.s32 $0x14000;
	s17 =	simm.s32 $0x15300  }
0x4: {  	s18 =	simm.s32 $0x50;
	s19 =	simm.s32 $0x16600;
	s20 =	simm.s32 $0x14050  }
0x5: {  	s21 =	simm.s32 $0x18E00;
	s28 =	simm.s32 $0x140F0;
	s29 =	simm.s32 $0x14140  }
0x6: {  	s30 =	simm.s32 $0x0;
	[smem:$0x7FF] =	sst s2;
	s6 =	sand.u32 $0x1, s1  }
0x7: {  	s8 =	smul.u32 $0x14000, s22;
	s3 =	sadd.s32 $0x18C00, s0;
	s10 =	sadd.s32 $0xEE00, s0  }
0x8: {  	s11 =	sadd.s32 $0x5000, s0;
	s4 =	sadd.s32 $0x92800, s0;
	s9 =	smul.u32 $0x50000, s22  }
0x9: {  	s7 =	smul.u32 $0x140000, s6;
	s23 =	sshll.u32 s6, $0x4;
	s6 =	ssub.s32 $0x2, s6  }
0xa: {  	s25 =	sshll.u32 s22, $0x6;
	_ =	strace $0x80000053;
	s12 =	sshrl.u32 s6, $0x1  }
0xb: {  	s24 =	sshrl.u32 s9, $0x2;
	s7 =	sadd.s32 s8, s7;
	s8 =	sor.u32 s22, s23  }
0xc: {  	s13 =	ssub.s32 s6, s12;
	s14 =	sadd.s32 s24, s5;
	s5 =	sor.u32 $0x1C04, s25  }
0xd: {  	s22 =	simm.s32 $0x140A0;
	s23 =	simm.s32 $0x1B600;
	s8 =	smul.u32 $0x2710, s8  }
0xe: {  	s24 =	simm.s32 $0x1;
	s25 =	simm.s32 $0x2;
	s7 =	sshrl.u32 s7, $0x3  }
0xf: {  	s13 =	smax.u32 s13, $0x1;
	s0 =	sadd.s32 s7, s0;
	s26 =	sshrl.u32 s8, $0x3  }
0x10: {  	s14 =	sshrl.u32 s14, $0x3;
	s12 =	sadd.s32 $0x95000, s0;
	s6 =	sadd.s32 s10, s26  }
0x11: {  	s31 =	sadd.s32 $0x258, s26;
	s7 =	sadd.s32 s11, s26;
	s15 =	sadd.s32 $0x4B0, s26  }
0x12: {  	s26 =	simm.s32 $0x3;
	s8 =	sadd.s32 s10, s31;
	s9 =	sadd.s32 s11, s31  }
0x13: {  	s10 =	sadd.s32 s10, s15;
	s11 =	sadd.s32 s11, s15;
	s15 =	simm.s32 $0x4  }
.LBB2_1:
0x14: {  	[spmem:s14], [sflag:s5] =	dma.local [hbm:s4], $0x2800  }
0x15: {  	_ =	swait.ge [sflag:s15], $0x2800  }
0x16: {  	[sflag:s15] =	ssyncset.done $0x0  }
0x17: {  	[sflag:s15] =	ssyncadd.s32 $0xFFFFD800  }
0x18: {  	[bflag:$0x0] =	sbarrier.arrive $0xFFFF  }
0x19: {  	[tilespmem:s16], [sflag:$0x4] =	stream.linear.gather [hbm4b:s6+s2], $0x12C0, $0x38;
	[tilespmem:$0x1DE00] =	vst v63  }
0x1a: {  	_ =	swait.ge [sflag:s15], $0x12C0  }
0x1b: {  	[sflag:s15] =	ssyncset.done $0x0  }
0x1c: {  	[sflag:s15] =	ssyncadd.s32 $0xFFFFED40  }
0x1d: {  	[tilespmem:s17], [sflag:$0x4] =	stream.linear.gather [hbm4b:s7+s2], $0x12C0, $0x38;
	[tilespmem:$0x1DE00] =	vst v63  }
0x1e: {  	_ =	swait.ge [sflag:s15], $0x12C0  }
0x1f: {  	[sflag:s15] =	ssyncset.done $0x0  }
0x20: {  	[sflag:s15] =	ssyncadd.s32 $0xFFFFED40  }
0x21: {  	[tilespmem:s19], [sflag:$0x1] =	stream.indirect.gather [hbm4b:s3+s18], $0x80, s16, s18, $0xb8;
	[tilespmem:$0x1DE00] =	vst v63  }
0x22: {  	_ = 	snop  }
0x23: {  	[tilespmem:s21], [sflag:$0x2] =	stream.indirect.gather [hbm4b:s3+s18], $0x80, s20, s18, $0xb8;
	[tilespmem:$0x1DE00] =	vst v63  }
0x24: {  	_ = 	snop  }
0x25: {  	[tilespmem:s23], [sflag:$0x3] =	stream.indirect.gather [hbm4b:s3+s18], $0x80, s22, s18, $0xb8;
	[tilespmem:$0x1DE00] =	vst v63  }
0x26: {  	_ =	swait.ge [sflag:s24], $0x2800  }
0x27: {  	[sflag:s24] =	ssyncset.done $0x0  }
0x28: {  	s0 =	simm.s32 $0x140F0;
	[sflag:s24] =	ssyncadd.s32 $0xFFFFD800  }
0x29: {  	[tilespmem:s19], [sflag:$0x1] =	stream.indirect.gather [hbm4b:s3+s18], $0x80, s0, s18, $0xb8;
	[tilespmem:$0x1DE00] =	vst v63  }
0x2a: {  	_ =	swait.ge [sflag:s25], $0x2800  }
0x2b: {  	[sflag:s25] =	ssyncset.done $0x0  }
0x2c: {  	s1 =	simm.s32 $0x14140;
	[sflag:s25] =	ssyncadd.s32 $0xFFFFD800  }
0x2d: {  	[tilespmem:s21], [sflag:$0x2] =	stream.indirect.gather [hbm4b:s3+s18], $0x80, s1, s18, $0xb8;
	[tilespmem:$0x1DE00] =	vst v63  }
0x2e: {  	_ =	swait.ge [sflag:s26], $0x2800  }
0x2f: {  	[sflag:s26] =	ssyncset.done $0x0  }
0x30: {  	s31 =	simm.s32 $0xFFFFBC80;
	s0 =	simm.s32 $0x14190;
	[sflag:s26] =	ssyncadd.s32 $0xFFFFD800  }
.LBB2_2:
0x31: {  	[tilespmem:s23], [sflag:$0x3] =	stream.indirect.gather [hbm4b:s3+s18], $0x80, s0, s18, $0xb8;
	[tilespmem:$0x1DE00] =	vst v63  }
0x32: {  	s0 =	smov.u32 s31  }
0x33: {  	p0 =	sne.s32 s31, $0xFFFFFC40;
	s31 =	sadd.s32 $0x3C0, s31;
	_ =	swait.ge [sflag:s24], $0x2800  }
0x34: {  	s0 =	sshra.s32 s0, $0x2;
	[sflag:s24] =	ssyncset.done $0x0  }
0x35: {  	s1 =	sadd.s32 $0x152C0, s0;
	[sflag:s24] =	ssyncadd.s32 $0xFFFFD800  }
0x36: {  	[tilespmem:s19], [sflag:$0x1] =	stream.indirect.gather [hbm4b:s3+s18], $0x80, s1, s18, $0xb8;
	[tilespmem:$0x1DE00] =	vst v63  }
0x37: {  	_ =	swait.ge [sflag:s25], $0x2800  }
0x38: {  	[sflag:s25] =	ssyncset.done $0x0  }
.Ltmp0:
0x39: {  	s1 =	sadd.s32 $0x15310, s0;
	[sflag:s25] =	ssyncadd.s32 $0xFFFFD800;
	(pc) =	sbr.rel @p0 .LBB2_2-.Ltmp0, $4  }
0x3a: {  	[tilespmem:s21], [sflag:$0x2] =	stream.indirect.gather [hbm4b:s3+s18], $0x80, s1, s18, $0xb8;
	[tilespmem:$0x1DE00] =	vst v63  }
0x3b: {  	_ =	swait.ge [sflag:s26], $0x2800  }
0x3c: {  	[sflag:s26] =	ssyncset.done $0x0  }
0x3d: {  	s0 =	sadd.s32 $0x15360, s0;
	[sflag:s26] =	ssyncadd.s32 $0xFFFFD800  }
0x3e: {  	[tilespmem:s23], [sflag:$0x3] =	stream.indirect.gather [hbm4b:s3+s18], $0x80, s0, s18, $0xb8;
	[tilespmem:$0x1DE00] =	vst v63  }
0x3f: {  	_ =	swait.ge [sflag:s24], $0x2800  }
0x40: {  	[sflag:s24] =	ssyncset.done $0x0  }
0x41: {  	[sflag:s24] =	ssyncadd.s32 $0xFFFFD800  }
0x42: {  	_ =	swait.ge [sflag:s25], $0x2800  }
0x43: {  	[sflag:s25] =	ssyncset.done $0x0  }
0x44: {  	[sflag:s25] =	ssyncadd.s32 $0xFFFFD800  }
0x45: {  	_ =	swait.ge [sflag:s26], $0x2800  }
0x46: {  	[sflag:s26] =	ssyncset.done $0x0  }
0x47: {  	[sflag:s26] =	ssyncadd.s32 $0xFFFFD800  }
0x48: {  	[tilespmem:s16], [sflag:$0x4] =	stream.linear.gather [hbm4b:s8+s2], $0x12C0, $0x38;
	[tilespmem:$0x1DE00] =	vst v63  }
0x49: {  	_ =	swait.ge [sflag:s15], $0x12C0  }
0x4a: {  	[sflag:s15] =	ssyncset.done $0x0  }
0x4b: {  	[sflag:s15] =	ssyncadd.s32 $0xFFFFED40  }
0x4c: {  	[tilespmem:s17], [sflag:$0x4] =	stream.linear.gather [hbm4b:s9+s2], $0x12C0, $0x38;
	[tilespmem:$0x1DE00] =	vst v63  }
0x4d: {  	_ =	swait.ge [sflag:s15], $0x12C0  }
0x4e: {  	[sflag:s15] =	ssyncset.done $0x0  }
0x4f: {  	[sflag:s15] =	ssyncadd.s32 $0xFFFFED40  }
0x50: {  	[tilespmem:s19], [sflag:$0x1] =	stream.indirect.gather [hbm4b:s3+s18], $0x80, s16, s18, $0xb8;
	[tilespmem:$0x1DE00] =	vst v63  }
0x51: {  	_ = 	snop  }
0x52: {  	[tilespmem:s21], [sflag:$0x2] =	stream.indirect.gather [hbm4b:s3+s18], $0x80, s20, s18, $0xb8;
	[tilespmem:$0x1DE00] =	vst v63  }
0x53: {  	_ = 	snop  }
0x54: {  	[tilespmem:s23], [sflag:$0x3] =	stream.indirect.gather [hbm4b:s3+s18], $0x80, s22, s18, $0xb8;
	[tilespmem:$0x1DE00] =	vst v63  }
0x55: {  	_ =	swait.ge [sflag:s24], $0x2800  }
0x56: {  	[sflag:s24] =	ssyncset.done $0x0  }
0x57: {  	s1 =	simm.s32 $0x140F0;
	[sflag:s24] =	ssyncadd.s32 $0xFFFFD800  }
0x58: {  	[tilespmem:s19], [sflag:$0x1] =	stream.indirect.gather [hbm4b:s3+s18], $0x80, s1, s18, $0xb8;
	[tilespmem:$0x1DE00] =	vst v63  }
0x59: {  	_ =	swait.ge [sflag:s25], $0x2800  }
0x5a: {  	[sflag:s25] =	ssyncset.done $0x0  }
0x5b: {  	s1 =	simm.s32 $0x14140;
	[sflag:s25] =	ssyncadd.s32 $0xFFFFD800  }
0x5c: {  	[tilespmem:s21], [sflag:$0x2] =	stream.indirect.gather [hbm4b:s3+s18], $0x80, s1, s18, $0xb8;
	[tilespmem:$0x1DE00] =	vst v63  }
0x5d: {  	_ =	swait.ge [sflag:s26], $0x2800  }
0x5e: {  	[sflag:s26] =	ssyncset.done $0x0  }
0x5f: {  	s31 =	simm.s32 $0xFFFFBC80;
	s0 =	simm.s32 $0x14190;
	[sflag:s26] =	ssyncadd.s32 $0xFFFFD800  }
.LBB2_4:
0x60: {  	[tilespmem:s23], [sflag:$0x3] =	stream.indirect.gather [hbm4b:s3+s18], $0x80, s0, s18, $0xb8;
	[tilespmem:$0x1DE00] =	vst v63  }
0x61: {  	s0 =	smov.u32 s31  }
0x62: {  	p0 =	sne.s32 s31, $0xFFFFFC40;
	s31 =	sadd.s32 $0x3C0, s31;
	_ =	swait.ge [sflag:s24], $0x2800  }
0x63: {  	s0 =	sshra.s32 s0, $0x2;
	[sflag:s24] =	ssyncset.done $0x0  }
0x64: {  	s1 =	sadd.s32 $0x152C0, s0;
	[sflag:s24] =	ssyncadd.s32 $0xFFFFD800  }
0x65: {  	[tilespmem:s19], [sflag:$0x1] =	stream.indirect.gather [hbm4b:s3+s18], $0x80, s1, s18, $0xb8;
	[tilespmem:$0x1DE00] =	vst v63  }
0x66: {  	_ =	swait.ge [sflag:s25], $0x2800  }
0x67: {  	[sflag:s25] =	ssyncset.done $0x0  }
.Ltmp1:
0x68: {  	s1 =	sadd.s32 $0x15310, s0;
	[sflag:s25] =	ssyncadd.s32 $0xFFFFD800;
	(pc) =	sbr.rel @p0 .LBB2_4-.Ltmp1, $4  }
0x69: {  	[tilespmem:s21], [sflag:$0x2] =	stream.indirect.gather [hbm4b:s3+s18], $0x80, s1, s18, $0xb8;
	[tilespmem:$0x1DE00] =	vst v63  }
0x6a: {  	_ =	swait.ge [sflag:s26], $0x2800  }
0x6b: {  	[sflag:s26] =	ssyncset.done $0x0  }
0x6c: {  	s0 =	sadd.s32 $0x15360, s0;
	[sflag:s26] =	ssyncadd.s32 $0xFFFFD800  }
0x6d: {  	[tilespmem:s23], [sflag:$0x3] =	stream.indirect.gather [hbm4b:s3+s18], $0x80, s0, s18, $0xb8;
	[tilespmem:$0x1DE00] =	vst v63  }
0x6e: {  	_ =	swait.ge [sflag:s24], $0x2800  }
0x6f: {  	[sflag:s24] =	ssyncset.done $0x0  }
0x70: {  	[sflag:s24] =	ssyncadd.s32 $0xFFFFD800  }
0x71: {  	_ =	swait.ge [sflag:s25], $0x2800  }
0x72: {  	[sflag:s25] =	ssyncset.done $0x0  }
0x73: {  	[sflag:s25] =	ssyncadd.s32 $0xFFFFD800  }
0x74: {  	_ =	swait.ge [sflag:s26], $0x2800  }
0x75: {  	[sflag:s26] =	ssyncset.done $0x0  }
0x76: {  	[sflag:s26] =	ssyncadd.s32 $0xFFFFD800  }
0x77: {  	[tilespmem:s16], [sflag:$0x4] =	stream.linear.gather [hbm4b:s10+s2], $0x190, $0x38;
	[tilespmem:$0x1DE00] =	vst v63  }
0x78: {  	_ =	swait.ge [sflag:s15], $0x190  }
0x79: {  	[sflag:s15] =	ssyncset.done $0x0  }
0x7a: {  	[sflag:s15] =	ssyncadd.s32 $0xFFFFFE70  }
0x7b: {  	[tilespmem:s17], [sflag:$0x4] =	stream.linear.gather [hbm4b:s11+s2], $0x190, $0x38;
	[tilespmem:$0x1DE00] =	vst v63  }
0x7c: {  	_ =	swait.ge [sflag:s15], $0x190  }
0x7d: {  	[sflag:s15] =	ssyncset.done $0x0  }
0x7e: {  	[sflag:s15] =	ssyncadd.s32 $0xFFFFFE70  }
0x7f: {  	[tilespmem:s19], [sflag:$0x1] =	stream.indirect.gather [hbm4b:s3+s18], $0x80, s16, s18, $0xb8;
	[tilespmem:$0x1DE00] =	vst v63  }
0x80: {  	_ = 	snop  }
0x81: {  	[tilespmem:s21], [sflag:$0x2] =	stream.indirect.gather [hbm4b:s3+s18], $0x80, s20, s18, $0xb8;
	[tilespmem:$0x1DE00] =	vst v63  }
0x82: {  	_ = 	snop  }
0x83: {  	[tilespmem:s23], [sflag:$0x3] =	stream.indirect.gather [hbm4b:s3+s18], $0x80, s22, s18, $0xb8;
	[tilespmem:$0x1DE00] =	vst v63  }
0x84: {  	_ =	swait.ge [sflag:s24], $0x2800  }
0x85: {  	[sflag:s24] =	ssyncset.done $0x0  }
0x86: {  	[sflag:s24] =	ssyncadd.s32 $0xFFFFD800  }
0x87: {  	[tilespmem:s19], [sflag:$0x1] =	stream.indirect.gather [hbm4b:s3+s18], $0x80, s28, s18, $0xb8;
	[tilespmem:$0x1DE00] =	vst v63  }
0x88: {  	_ =	swait.ge [sflag:s25], $0x2800  }
0x89: {  	[sflag:s25] =	ssyncset.done $0x0  }
0x8a: {  	[sflag:s25] =	ssyncadd.s32 $0xFFFFD800  }
0x8b: {  	[tilespmem:s21], [sflag:$0x2] =	stream.indirect.gather [hbm4b:s3+s18], $0x80, s29, s18, $0xb8;
	[tilespmem:$0x1DE00] =	vst v63  }
0x8c: {  	_ =	swait.ge [sflag:s26], $0x2800  }
0x8d: {  	[sflag:s26] =	ssyncset.done $0x0  }
0x8e: {  	[sflag:s26] =	ssyncadd.s32 $0xFFFFD800  }
0x8f: {  	_ =	swait.ge [sflag:s24], $0x2800  }
0x90: {  	[sflag:s24] =	ssyncset.done $0x0  }
0x91: {  	[sflag:s24] =	ssyncadd.s32 $0xFFFFD800  }
0x92: {  	_ =	swait.ge [sflag:s25], $0x2800  }
0x93: {  	s30 =	sadd.s32 $0x1, s30;
	[sflag:s25] =	ssyncset.done $0x0  }
0x94: {  	p0 =	sne.s32 s30, s13;
	[sflag:s25] =	ssyncadd.s32 $0xFFFFD800  }
.Ltmp2:
0x95: {  	[bflag:$0x0] =	sbarrier.arrive $0xFFFF;
	(pc) =	sbr.rel @p0 .LBB2_1-.Ltmp2, $4  }
0x96: {  	[hbm:s12], [sflag:s5] =	dma.local [spmem:s14], $0x2800  }
0x97: {  	_ =	swait.ge [sflag:s15], $0x2800  }
0x98: {  	[sflag:s15] =	ssyncset.done $0x0  }
0x99: {  	[sflag:s15] =	ssyncadd.s32 $0xFFFFD800  }
0x9a: {  	_ =	sfence.sel $0x180000  }
0x9b: {  	[bflag:$0x0] =	sbarrier.arrive $0xFFFF  }
0x9c: {  	_ =	strace $0x90000053  }
0x9d: {  	s0 =	stileid.u32;
	[bflag:$0x2] =	sbarrier.arrive $0xFFFF  }
0x9e: {  	p0 =	sne.s32 s0, $0x0;
	s0 =	rddreg [dreg:$0x2]  }
0x9f: {  	s0 =	sadd.s32 @!p0 $0x100000, s0  }
0xa0: {  	[sflag:s0] =	ssyncadd.tile.s32 @!p0 $0x1;
	_ =	shalt  }
.Lfunc_end2:
_tile_overlayer_lowered:
.L_overlay_start_2:
0xa1: {  	(tag) =	ssettag $0x2  }
0xa2: {  	s0 =	rddreg [dreg:$0x0];
	s2 =	stileid.u32  }
0xa3: {  	s1 =	rddreg [dreg:$0x1];
	p0 =	sne.s32 s2, $0x0  }
0xa4: {  	s3 =	rddreg [dreg:$0x2];
	[bflag:$0x3] =	sbarrier.arrive $0xFFFF;
	s2 =	simm.s32 @!p0 $0x1C04  }
0xa5: {  	[timem:s3], [sflag:s2] =	dma.local @!p0 [hbm:s0], s1  }
0xa6: {  	s0 =	simm.s32 @!p0 $0x4  }
0xa7: {  	_ =	swait.ge @!p0 [sflag:s0], s1  }
0xa8: {  	s1 =	ssub.s32 @!p0 $0x0, s1;
	[sflag:s0] =	ssyncset.done @!p0 $0x0  }
0xa9: {  	[sflag:s0] =	ssyncadd.s32 @!p0 s1  }
0xaa: {  	[bflag:$0x3] =	sbarrier.arrive $0xFFFF  }
0xab: {  	_ =	shalt  }

</sc_bundles>
